<compile_context>
chip_gen: v7x
topology: tpu7x:2x2x1
jax: 0.10.2.dev20260603
libtpu: 0.0.44.dev20260713+nightly
codegen_flags: <defaults>
</compile_context>

<pallas_src>
import functools

import jax
import jax.numpy as jnp
from jax import lax
from jax.experimental import pallas as pl
from jax.experimental.pallas import tpu as pltpu
from jax.experimental.pallas import tpu_sc as plsc

N = 10000
E = 320000
R = 4
NB = 30
G = 128
H = 128

NC = 2
NS = 16
NW = NC * NS
L = 16

CH = 128
SLOTS = 4
ERW = E // NW
NCHUNK = 79
NCH2 = NCHUNK + 2
EPWD = NCH2 * CH

NRP = 40960
MSL = 624
TSL = N - NS * MSL

_MESH = plsc.VectorSubcoreMesh(
    core_axis_name="c", subcore_axis_name="s", num_cores=NC, num_subcores=NS)
_SC_PARAMS = pltpu.CompilerParams(needs_layout_passes=False)


def _wid():
    return lax.axis_index("s") * NC + lax.axis_index("c")


@functools.partial(
    pl.kernel,
    out_type=jax.ShapeDtypeStruct((NC * NRP,), jnp.float32),
    mesh=_MESH,
    compiler_params=_SC_PARAMS,
    scratch_types=[
        pltpu.VMEM((3, CH), jnp.int32),
        pltpu.VMEM((CH,), jnp.float32),
        pltpu.VMEM_SHARED((NRP,), jnp.float32),
        pltpu.SemaphoreType.DMA,
        pltpu.SemaphoreType.DMA,
        pltpu.SemaphoreType.DMA,
    ],
)
def _sc_counts(edata_hbm, zc_hbm, ones_hbm, out_hbm,
               segv, onesv, cnt_sh, es0, es1, es2):
    es = (es0, es1, es2)
    cid = lax.axis_index("c")
    sid = lax.axis_index("s")
    wid = _wid()
    sl = NRP // NS
    pltpu.sync_copy(zc_hbm.at[pl.ds(sid * sl, sl)], cnt_sh.at[pl.ds(sid * sl, sl)])
    pltpu.sync_copy(ones_hbm, onesv)

    def _seg(c):
        off = pl.multiple_of((wid * NCH2 + c) * (SLOTS * CH) + CH, CH)
        return edata_hbm.at[pl.ds(off, CH)]

    def e_issue(c, b):
        pltpu.async_copy(_seg(c), segv.at[b], es[b])

    def e_wait(c, b):
        pltpu.make_async_copy(_seg(c), segv.at[b], es[b]).wait()

    def step(c, b):
        e_wait(c, b)
        pltpu.sync_copy(onesv, cnt_sh.at[segv.at[b]], add=True)
        e_issue(c + 3, b)

    plsc.subcore_barrier()
    e_issue(0, 0)
    e_issue(1, 1)
    e_issue(2, 2)

    def triple(t, carry):
        for u in range(3):
            step(3 * t + u, u)
        return carry

    lax.fori_loop(0, NCHUNK // 3, triple, 0)
    e_wait(NCHUNK - 1, 0)
    pltpu.sync_copy(onesv, cnt_sh.at[segv.at[0]], add=True)
    e_wait(NCHUNK, 1)
    e_wait(NCHUNK + 1, 2)
    plsc.subcore_barrier()
    pltpu.sync_copy(cnt_sh.at[pl.ds(sid * sl, sl)],
                    out_hbm.at[pl.ds(cid * NRP + sid * sl, sl)])


@functools.partial(
    pl.kernel,
    out_type=jax.ShapeDtypeStruct((NC, N, H), jnp.float32),
    mesh=_MESH,
    compiler_params=_SC_PARAMS,
    scratch_types=[
        pltpu.VMEM((2 * SLOTS * CH,), jnp.int32),
        pltpu.VMEM((2, CH), jnp.int32),
        pltpu.VMEM((2 * CH,), jnp.float32),
        pltpu.VMEM((2, CH, H), jnp.float32),
        pltpu.VMEM_SHARED((N, H), jnp.float32),
        pltpu.VMEM_SHARED((NRP,), jnp.float32),
        pltpu.SemaphoreType.DMA,
        pltpu.SemaphoreType.DMA,
        pltpu.SemaphoreType.DMA,
        pltpu.SemaphoreType.DMA,
        pltpu.SemaphoreType.DMA,
        pltpu.SemaphoreType.DMA,
        pltpu.SemaphoreType.DMA,
        pltpu.SemaphoreType.DMA,
    ],
)
def _sc_rgcn(xw_hbm, inv_hbm, edata_hbm, zr_hbm, out_hbm,
             ebuf, dstv, sv, rows, acc, inv_sh,
             es0, es1, gs0, gs1, ss0, ss1, vs0, vs1):
    es = (es0, es1)
    gs = (gs0, gs1)
    ss = (ss0, ss1)
    vs = (vs0, vs1)
    cid = lax.axis_index("c")
    sid = lax.axis_index("s")
    wid = _wid()
    pltpu.sync_copy(zr_hbm.at[pl.ds(sid * MSL, MSL)], acc.at[pl.ds(sid * MSL, MSL)])
    isl = NRP // NS
    pltpu.sync_copy(inv_hbm.at[pl.ds(sid * isl, isl)],
                    inv_sh.at[pl.ds(sid * isl, isl)])

    @pl.when(sid == 0)
    def _():
        pltpu.sync_copy(zr_hbm.at[pl.ds(NS * MSL, TSL)], acc.at[pl.ds(NS * MSL, TSL)])

    def _ech(c):
        off = pl.multiple_of((wid * NCH2 + c) * (SLOTS * CH), CH)
        return edata_hbm.at[pl.ds(off, 3 * CH)]

    def _ebg(b):
        return ebuf.at[pl.ds(b * SLOTS * CH, CH)]

    def _ebs(b):
        return ebuf.at[pl.ds(b * SLOTS * CH + CH, CH)]

    def _eb(b):
        return ebuf.at[pl.ds(b * SLOTS * CH, 3 * CH)]

    def e_issue(c, b):
        pltpu.async_copy(_ech(c), _eb(b), es[b])

    def e_wait(c, b):
        pltpu.make_async_copy(_ech(c), _eb(b), es[b]).wait()

    def prep(b):
        base = b * SLOTS * CH + 2 * CH
        for j in range(CH // L):
            dstv[b, pl.ds(j * L, L)] = ebuf[pl.ds(base + j * L, L)]
        pltpu.async_copy(xw_hbm.at[_ebg(b)], rows.at[b], gs[b])
        pltpu.async_copy(inv_sh.at[_ebs(b)], sv.at[pl.ds(b * CH, CH)], vs[b])

    def g_wait(b):
        pltpu.make_async_copy(xw_hbm.at[_ebg(b)], rows.at[b], gs[b]).wait()
        pltpu.make_async_copy(inv_sh.at[_ebs(b)],
                              sv.at[pl.ds(b * CH, CH)], vs[b]).wait()

    def scale(b):
        def body(i, carry):
            for u in range(4):
                e = i * 4 + u
                ssp = plsc.load_gather(sv, [jnp.broadcast_to(b * CH + e, (L,))])
                for db in range(H // L):
                    rows[b, e, pl.ds(db * L, L)] = (
                        rows[b, e, pl.ds(db * L, L)] * ssp)
            return carry
        lax.fori_loop(0, CH // 4, body, 0)

    def s_issue(b):
        pltpu.async_copy(rows.at[b], acc.at[dstv.at[b]], ss[b], add=True)

    def s_wait(b):
        pltpu.make_async_copy(rows.at[b], acc.at[dstv.at[b]], ss[b]).wait()

    plsc.subcore_barrier()
    e_issue(0, 0)
    e_issue(1, 1)
    e_wait(0, 0)
    prep(0)
    g_wait(0)
    scale(0)
    s_issue(0)
    e_issue(2, 0)
    e_wait(1, 1)
    prep(1)

    def step(c, b):
        b2 = 1 - b
        g_wait(b)
        scale(b)
        s_issue(b)
        e_issue(c + 2, b)
        s_wait(b2)
        e_wait(c + 1, b2)
        prep(b2)

    def pair(p, carry):
        for off, b in ((1, 1), (2, 0)):
            step(2 * p + off, b)
        return carry

    lax.fori_loop(0, (NCHUNK - 1) // 2, pair, 0)
    s_wait(0)
    g_wait(1)
    e_wait(NCHUNK + 1, 0)
    plsc.subcore_barrier()
    pltpu.sync_copy(acc.at[pl.ds(sid * MSL, MSL)],
                    out_hbm.at[cid, pl.ds(sid * MSL, MSL)])

    @pl.when(sid == 0)
    def _():
        pltpu.sync_copy(acc.at[pl.ds(NS * MSL, TSL)],
                        out_hbm.at[cid, pl.ds(NS * MSL, TSL)])


@functools.partial(
    pl.kernel,
    out_type=jax.ShapeDtypeStruct((NC, N, H), jnp.float32),
    mesh=_MESH,
    compiler_params=_SC_PARAMS,
    scratch_types=[
        pltpu.VMEM((2 * 2 * CH,), jnp.int32),
        pltpu.VMEM((2, CH), jnp.int32),
        pltpu.VMEM((2, CH, H), jnp.float32),
        pltpu.VMEM_SHARED((N, H), jnp.float32),
        pltpu.SemaphoreType.DMA,
        pltpu.SemaphoreType.DMA,
        pltpu.SemaphoreType.DMA,
        pltpu.SemaphoreType.DMA,
        pltpu.SemaphoreType.DMA,
        pltpu.SemaphoreType.DMA,
    ],
)
def _sc_gconv(h_hbm, edata_hbm, zr_hbm, out_hbm,
              ebuf, dstv, rows, acc, es0, es1, gs0, gs1, ss0, ss1):
    es = (es0, es1)
    gs = (gs0, gs1)
    ss = (ss0, ss1)
    cid = lax.axis_index("c")
    sid = lax.axis_index("s")
    wid = _wid()
    pltpu.sync_copy(zr_hbm.at[pl.ds(sid * MSL, MSL)], acc.at[pl.ds(sid * MSL, MSL)])

    @pl.when(sid == 0)
    def _():
        pltpu.sync_copy(zr_hbm.at[pl.ds(NS * MSL, TSL)], acc.at[pl.ds(NS * MSL, TSL)])

    def _ech(c):
        off = pl.multiple_of((wid * NCH2 + c) * (SLOTS * CH) + 2 * CH, CH)
        return edata_hbm.at[pl.ds(off, 2 * CH)]

    def _ebg(b):
        return ebuf.at[pl.ds(b * 2 * CH + CH, CH)]

    def _eb(b):
        return ebuf.at[pl.ds(b * 2 * CH, 2 * CH)]

    def e_issue(c, b):
        pltpu.async_copy(_ech(c), _eb(b), es[b])

    def e_wait(c, b):
        pltpu.make_async_copy(_ech(c), _eb(b), es[b]).wait()

    def prep(b):
        base = b * 2 * CH
        for j in range(CH // L):
            dstv[b, pl.ds(j * L, L)] = ebuf[pl.ds(base + j * L, L)]
        pltpu.async_copy(h_hbm.at[_ebg(b)], rows.at[b], gs[b])

    def g_wait(b):
        pltpu.make_async_copy(h_hbm.at[_ebg(b)], rows.at[b], gs[b]).wait()

    def s_issue(b):
        pltpu.async_copy(rows.at[b], acc.at[dstv.at[b]], ss[b], add=True)

    def s_wait(b):
        pltpu.make_async_copy(rows.at[b], acc.at[dstv.at[b]], ss[b]).wait()

    plsc.subcore_barrier()
    e_issue(0, 0)
    e_issue(1, 1)
    e_wait(0, 0)
    prep(0)
    g_wait(0)
    s_issue(0)
    e_issue(2, 0)
    e_wait(1, 1)
    prep(1)

    def step(c, b):
        b2 = 1 - b
        g_wait(b)
        s_issue(b)
        e_issue(c + 2, b)
        s_wait(b2)
        e_wait(c + 1, b2)
        prep(b2)

    def pair(p, carry):
        for off, b in ((1, 1), (2, 0)):
            step(2 * p + off, b)
        return carry

    lax.fori_loop(0, (NCHUNK - 1) // 2, pair, 0)
    s_wait(0)
    g_wait(1)
    e_wait(NCHUNK + 1, 0)
    plsc.subcore_barrier()
    pltpu.sync_copy(acc.at[pl.ds(sid * MSL, MSL)],
                    out_hbm.at[cid, pl.ds(sid * MSL, MSL)])

    @pl.when(sid == 0)
    def _():
        pltpu.sync_copy(acc.at[pl.ds(NS * MSL, TSL)],
                        out_hbm.at[cid, pl.ds(NS * MSL, TSL)])


def _tc_edges_body(src_ref, dst_ref, typ_ref, gidx_ref, seg_ref,
                   dstc_ref, srcgc_ref):
    s = src_ref[...]
    d = dst_ref[...]
    t = typ_ref[...]
    is_pad = d >= N
    gidx_ref[...] = t * N + s
    seg_ref[...] = d * R + t
    dstc_ref[...] = jnp.where(is_pad, 0, d)
    srcgc_ref[...] = jnp.where(is_pad, N, s)


def _tc_edges(srcw, dstw, typw):
    sds = jax.ShapeDtypeStruct((NW, EPWD), jnp.int32)
    return pl.pallas_call(
        _tc_edges_body,
        out_shape=(sds, sds, sds, sds),
    )(srcw, dstw, typw)


def _tc_weight_body(comp_ref, basis_ref, out_ref):
    out_ref[...] = jnp.dot(comp_ref[...], basis_ref[...],
                           preferred_element_type=jnp.float32)


def _tc_weight(comp, basis2):
    return pl.pallas_call(
        _tc_weight_body,
        out_shape=jax.ShapeDtypeStruct((R, G * H), jnp.float32),
    )(comp, basis2)


def _tc_inv_body(cnt_ref, out_ref):
    c = cnt_ref[0] + cnt_ref[1]
    inv = 1.0 / jnp.maximum(c, 1.0)
    col = lax.broadcasted_iota(jnp.int32, (1, NRP), 1)
    out_ref[...] = jnp.where(col < N * R, inv[None, :], 0.0)


def _tc_inv(cnt_parts):
    return pl.pallas_call(
        _tc_inv_body,
        out_shape=jax.ShapeDtypeStruct((1, NRP), jnp.float32),
    )(cnt_parts)


BN = 400
NBLK = N // BN


def _tc_xw_body(x_ref, w_ref, out_ref):
    out_ref[...] = jnp.dot(x_ref[...], w_ref[0],
                           preferred_element_type=jnp.float32)


def _tc_xw(x, w3):
    return pl.pallas_call(
        _tc_xw_body,
        grid=(R, NBLK),
        in_specs=[
            pl.BlockSpec((BN, G), lambda r, i: (i, 0)),
            pl.BlockSpec((1, G, H), lambda r, i: (r, 0, 0)),
        ],
        out_specs=pl.BlockSpec((BN, H), lambda r, i: (r * NBLK + i, 0)),
        out_shape=jax.ShapeDtypeStruct((R * N, H), jnp.float32),
    )(x, w3)


def _tc_h_body(parts_ref, x_ref, root_ref, bias_ref, out_ref):
    p = parts_ref[...]
    out_ref[...] = (p[0] + p[1]
                    + jnp.dot(x_ref[...], root_ref[...],
                              preferred_element_type=jnp.float32)
                    + bias_ref[...])


def _tc_h(parts, x, root, bias2):
    return pl.pallas_call(
        _tc_h_body,
        grid=(NBLK,),
        in_specs=[
            pl.BlockSpec((NC, BN, H), lambda i: (0, i, 0)),
            pl.BlockSpec((BN, G), lambda i: (i, 0)),
            pl.BlockSpec((G, H), lambda i: (0, 0)),
            pl.BlockSpec((1, H), lambda i: (0, 0)),
        ],
        out_specs=pl.BlockSpec((BN, H), lambda i: (i, 0)),
        out_shape=jax.ShapeDtypeStruct((N, H), jnp.float32),
    )(parts, x, root, bias2)


def _tc_out_body(parts_ref, h_ref, wrel_ref, brel_ref, wroot_ref, out_ref):
    p = parts_ref[...]
    out_ref[...] = (jnp.dot(p[0] + p[1], wrel_ref[...],
                            preferred_element_type=jnp.float32)
                    + brel_ref[...]
                    + jnp.dot(h_ref[...], wroot_ref[...],
                              preferred_element_type=jnp.float32))


def _tc_out(parts, h, wrel, brel2, wroot):
    return pl.pallas_call(
        _tc_out_body,
        grid=(NBLK,),
        in_specs=[
            pl.BlockSpec((NC, BN, H), lambda i: (0, i, 0)),
            pl.BlockSpec((BN, H), lambda i: (i, 0)),
            pl.BlockSpec((H, H), lambda i: (0, 0)),
            pl.BlockSpec((1, H), lambda i: (0, 0)),
            pl.BlockSpec((H, H), lambda i: (0, 0)),
        ],
        out_specs=pl.BlockSpec((BN, H), lambda i: (i, 0)),
        out_shape=jax.ShapeDtypeStruct((N, H), jnp.float32),
    )(parts, h, wrel, brel2, wroot)


def kernel(node_features, edge_index, edge_norm, edge_type, basis, comp,
           rgcn_root, rgcn_bias, gc_w_rel, gc_b_rel, gc_w_root):
    del edge_norm
    src = edge_index[0]
    dst = edge_index[1]
    padw = EPWD - ERW
    srcw = jnp.pad(src.reshape(NW, ERW), ((0, 0), (0, padw)))
    dstw = jnp.pad(dst.reshape(NW, ERW), ((0, 0), (0, padw)),
                   constant_values=N)
    typw = jnp.pad(edge_type.reshape(NW, ERW), ((0, 0), (0, padw)))
    gidx, seg, dstc, srcgc = _tc_edges(srcw, dstw, typw)
    edata = jnp.stack([gidx.reshape(NW, NCH2, CH),
                       seg.reshape(NW, NCH2, CH),
                       dstc.reshape(NW, NCH2, CH),
                       srcgc.reshape(NW, NCH2, CH)], axis=2).reshape(-1)
    zeros_cnt = jnp.zeros((NRP,), jnp.float32)
    zeros_rows = jnp.zeros((N, H), jnp.float32)
    ones_tpl = jnp.ones((CH,), jnp.float32)

    cnt_parts = _sc_counts(edata, zeros_cnt, ones_tpl).reshape(NC, NRP)
    inv = _tc_inv(cnt_parts).reshape(NRP)

    w3 = _tc_weight(comp, basis.reshape(NB, G * H)).reshape(R, G, H)
    xw = _tc_xw(node_features, w3)

    h_parts = _sc_rgcn(xw, inv, edata, zeros_rows)
    h = _tc_h(h_parts, node_features, rgcn_root, rgcn_bias.reshape(1, H))
    h2 = jnp.pad(h, ((0, 8), (0, 0)))

    agg_parts = _sc_gconv(h2, edata, zeros_rows)
    out = _tc_out(agg_parts, h, gc_w_rel, gc_b_rel.reshape(1, H), gc_w_root)
    return out

# --- scband reference (transcript-rebuilt; emitter-appended) ---
"""Pipeline reference for scband-gcn-15092515078265 (READ-ONLY COPY).

The authoritative reference and input builder live on the scoring server;
editing this copy changes nothing except your own understanding.
"""

import jax, jax.numpy as jnp
import numpy as np

N = 10000
E = 320000
R = 4
NB = 30
G_DIM = 128
H1 = 128
H2 = 128


def setup_inputs(seed: int = 0):
    key = jax.random.key(seed)
    ks = jax.random.split(key, 12)
    node_features = jax.random.normal(ks[0], (N, G_DIM), dtype=jnp.float32)
    edge_index = jax.random.randint(ks[1], (2, E), 0, N, dtype=jnp.int32)
    edge_norm = jax.random.uniform(ks[2], (E,), dtype=jnp.float32)
    edge_type = jax.random.randint(ks[3], (E,), 0, R, dtype=jnp.int32)
    basis = jax.random.normal(ks[4], (NB, G_DIM, H1), dtype=jnp.float32) * 0.05
    comp = jax.random.normal(ks[5], (R, NB), dtype=jnp.float32) * 0.1
    rgcn_root = jax.random.normal(ks[6], (G_DIM, H1), dtype=jnp.float32) * 0.05
    rgcn_bias = jnp.zeros((H1,), dtype=jnp.float32)
    gc_w_rel = jax.random.normal(ks[7], (H1, H2), dtype=jnp.float32) * 0.05
    gc_b_rel = jnp.zeros((H2,), dtype=jnp.float32)
    gc_w_root = jax.random.normal(ks[8], (H1, H2), dtype=jnp.float32) * 0.05
    return {"node_features": node_features, "edge_index": edge_index, "edge_norm": edge_norm,
            "edge_type": edge_type, "basis": basis, "comp": comp, "rgcn_root": rgcn_root,
            "rgcn_bias": rgcn_bias, "gc_w_rel": gc_w_rel, "gc_b_rel": gc_b_rel, "gc_w_root": gc_w_root}


def reference(node_features, edge_index, edge_norm, edge_type, basis, comp, rgcn_root, rgcn_bias, gc_w_rel, gc_b_rel, gc_w_root):
    src = edge_index[0]
    dst = edge_index[1]
    # RGCNConv with basis decomposition, mean aggregation per relation (PyG semantics)
    weight = jnp.einsum('rb,bio->rio', comp, basis)        # [R, G_DIM, H1]
    xw = jnp.einsum('ni,rio->nro', node_features, weight)  # [N, R, H1]
    msg = xw[src, edge_type]                               # [E, H1] gather
    seg = dst * R + edge_type                              # composite (node, relation) segment
    sums = jax.ops.segment_sum(msg, seg, num_segments=N * R)
    cnts = jax.ops.segment_sum(jnp.ones((E,), dtype=msg.dtype), seg, num_segments=N * R)
    mean = sums / jnp.clip(cnts, 1.0)[:, None]
    h = mean.reshape(N, R, H1).sum(axis=1) + node_features @ rgcn_root + rgcn_bias
    # GraphConv: out = lin_rel(sum_{j in N(i)} h_j) + lin_root(h_i)
    agg = jax.ops.segment_sum(h[src], dst, num_segments=N)
    out = agg @ gc_w_rel + gc_b_rel + h @ gc_w_root
    return out

if __name__ == "__main__":
    import jax
    _d = setup_inputs()
    print(jax.jit(kernel)(*tuple(_d.values())))

</pallas_src>

<mosaic_0001>
#map = affine_map<(d0, d1) -> (0, 0)>
#map1 = affine_map<(d0, d1) -> (0)>
#map2 = affine_map<(d0, d1) -> (0, 0, 0)>
module attributes {stable_mosaic.version = 14 : i64} {
  func.func @_sc_rgcn(%arg0: i32, %arg1: i32, %arg2: memref<40000x128xf32, #tpu.memory_space<hbm>>, %arg3: memref<40960xf32, #tpu.memory_space<hbm>>, %arg4: memref<1327104xi32, #tpu.memory_space<hbm>>, %arg5: memref<10000x128xf32, #tpu.memory_space<hbm>>, %arg6: memref<2x10000x128xf32, #tpu.memory_space<hbm>>, %arg7: memref<1024xi32, #tpu.memory_space<vmem>>, %arg8: memref<2x128xi32, #tpu.memory_space<vmem>>, %arg9: memref<256xf32, #tpu.memory_space<vmem>>, %arg10: memref<2x128x128xf32, #tpu.memory_space<vmem>>, %arg11: memref<10000x128xf32, #tpu.memory_space<vmem_shared>>, %arg12: memref<40960xf32, #tpu.memory_space<vmem_shared>>, %arg13: memref<!tpu.dma_semaphore, #tpu.memory_space<semaphore_mem>>, %arg14: memref<!tpu.dma_semaphore, #tpu.memory_space<semaphore_mem>>, %arg15: memref<!tpu.dma_semaphore, #tpu.memory_space<semaphore_mem>>, %arg16: memref<!tpu.dma_semaphore, #tpu.memory_space<semaphore_mem>>, %arg17: memref<!tpu.dma_semaphore, #tpu.memory_space<semaphore_mem>>, %arg18: memref<!tpu.dma_semaphore, #tpu.memory_space<semaphore_mem>>, %arg19: memref<!tpu.dma_semaphore, #tpu.memory_space<semaphore_mem>>, %arg20: memref<!tpu.dma_semaphore, #tpu.memory_space<semaphore_mem>>) attributes {dimension_semantics = [#tpu.dimension_semantics<core_parallel>, #tpu.dimension_semantics<subcore_parallel>], iteration_bounds = array<i64: 2, 16>, scalar_prefetch = 0 : i64, scratch_operands = 14 : i64, tpu.core_type = #tpu.core_type<sc_vector_subcore>, window_params = [{transform_indices = #map}, {transform_indices = #map1}, {transform_indices = #map1}, {transform_indices = #map}, {transform_indices = #map2}]} {
    %mul3A = arith.constant 2 : i32
    %mul3A_0 = arith.muli %arg1, %mul3A : i32
    %add3A = arith.addi %mul3A_0, %arg0 : i32
    %mul3A_1 = arith.constant 624 : i32
    %mul3A_2 = arith.muli %arg1, %mul3A_1 : i32
    %mul3A_3 = arith.constant 624 : i32
    %mul3A_4 = arith.muli %arg1, %mul3A_3 : i32
    "tpu.region"() ({
      %run_scoped3A = tpu.sem_alloc : memref<!tpu.dma_semaphore, #tpu.memory_space<semaphore_mem>>
      %dma_start3A_289 = arith.constant 0 : i32
      %dma_start3A_290 = tpu.memref_slice %arg11[%mul3A_4, %dma_start3A_289] : memref<10000x128xf32, #tpu.memory_space<vmem_shared>> -> memref<624x128xf32, #tpu.memory_space<vmem_shared>>
      %dma_start3A_291 = arith.constant 0 : i32
      %dma_start3A_292 = tpu.memref_slice %arg5[%mul3A_2, %dma_start3A_291] : memref<10000x128xf32, #tpu.memory_space<hbm>> -> memref<624x128xf32, #tpu.memory_space<hbm>>
      tpu.enqueue_dma source(%dma_start3A_292 : memref<624x128xf32, #tpu.memory_space<hbm>>) target(%dma_start3A_290 : memref<624x128xf32, #tpu.memory_space<vmem_shared>>) target_semaphore(%run_scoped3A : memref<!tpu.dma_semaphore, #tpu.memory_space<semaphore_mem>>)
      %dma_wait3A_293 = arith.constant 0 : i32
      %dma_wait3A_294 = tpu.memref_slice %arg11[%mul3A_4, %dma_wait3A_293] : memref<10000x128xf32, #tpu.memory_space<vmem_shared>> -> memref<624x128xf32, #tpu.memory_space<vmem_shared>>
      %dma_wait3A_295 = arith.constant 0 : i32
      %dma_wait3A_296 = tpu.memref_slice %arg5[%mul3A_2, %dma_wait3A_295] : memref<10000x128xf32, #tpu.memory_space<hbm>> -> memref<624x128xf32, #tpu.memory_space<hbm>>
      tpu.wait_dma2 semaphore(%run_scoped3A : memref<!tpu.dma_semaphore, #tpu.memory_space<semaphore_mem>>) src(%dma_wait3A_296 : memref<624x128xf32, #tpu.memory_space<hbm>>) dst(%dma_wait3A_294 : memref<624x128xf32, #tpu.memory_space<vmem_shared>>)
      tpu.yield
    }) : () -> ()
    %mul3A_5 = arith.constant 2560 : i32
    %mul3A_6 = arith.muli %arg1, %mul3A_5 : i32
    %mul3A_7 = arith.constant 2560 : i32
    %mul3A_8 = arith.muli %arg1, %mul3A_7 : i32
    "tpu.region"() ({
      %run_scoped3A = tpu.sem_alloc : memref<!tpu.dma_semaphore, #tpu.memory_space<semaphore_mem>>
      %dma_start3A_289 = tpu.memref_slice %arg12[%mul3A_8] : memref<40960xf32, #tpu.memory_space<vmem_shared>> -> memref<2560xf32, #tpu.memory_space<vmem_shared>>
      %dma_start3A_290 = tpu.memref_slice %arg3[%mul3A_6] : memref<40960xf32, #tpu.memory_space<hbm>> -> memref<2560xf32, #tpu.memory_space<hbm>>
      tpu.enqueue_dma source(%dma_start3A_290 : memref<2560xf32, #tpu.memory_space<hbm>>) target(%dma_start3A_289 : memref<2560xf32, #tpu.memory_space<vmem_shared>>) target_semaphore(%run_scoped3A : memref<!tpu.dma_semaphore, #tpu.memory_space<semaphore_mem>>)
      %dma_wait3A_291 = tpu.memref_slice %arg12[%mul3A_8] : memref<40960xf32, #tpu.memory_space<vmem_shared>> -> memref<2560xf32, #tpu.memory_space<vmem_shared>>
      %dma_wait3A_292 = tpu.memref_slice %arg3[%mul3A_6] : memref<40960xf32, #tpu.memory_space<hbm>> -> memref<2560xf32, #tpu.memory_space<hbm>>
      tpu.wait_dma2 semaphore(%run_scoped3A : memref<!tpu.dma_semaphore, #tpu.memory_space<semaphore_mem>>) src(%dma_wait3A_292 : memref<2560xf32, #tpu.memory_space<hbm>>) dst(%dma_wait3A_291 : memref<2560xf32, #tpu.memory_space<vmem_shared>>)
      tpu.yield
    }) : () -> ()
    %eq3A = arith.constant 0 : i32
    %eq3A_9 = arith.cmpi eq, %arg1, %eq3A : i32
    %convert_element_type3A = arith.extui %eq3A_9 : i1 to i32
    %cond3A = arith.constant 0 : i32
    %cond3A_10 = arith.cmpi ne, %convert_element_type3A, %cond3A : i32
    scf.if %cond3A_10 {
      "tpu.region"() ({
        %run_scoped3A = tpu.sem_alloc : memref<!tpu.dma_semaphore, #tpu.memory_space<semaphore_mem>>
        %dma_start3A_289 = arith.constant 9984 : i32
        %dma_start3A_290 = arith.constant 0 : i32
        %dma_start3A_291 = tpu.memref_slice %arg11[%dma_start3A_289, %dma_start3A_290] : memref<10000x128xf32, #tpu.memory_space<vmem_shared>> -> memref<16x128xf32, #tpu.memory_space<vmem_shared>>
        %dma_start3A_292 = arith.constant 9984 : i32
        %dma_start3A_293 = arith.constant 0 : i32
        %dma_start3A_294 = tpu.memref_slice %arg5[%dma_start3A_292, %dma_start3A_293] : memref<10000x128xf32, #tpu.memory_space<hbm>> -> memref<16x128xf32, #tpu.memory_space<hbm>>
        tpu.enqueue_dma source(%dma_start3A_294 : memref<16x128xf32, #tpu.memory_space<hbm>>) target(%dma_start3A_291 : memref<16x128xf32, #tpu.memory_space<vmem_shared>>) target_semaphore(%run_scoped3A : memref<!tpu.dma_semaphore, #tpu.memory_space<semaphore_mem>>)
        %dma_wait3A_295 = arith.constant 9984 : i32
        %dma_wait3A_296 = arith.constant 0 : i32
        %dma_wait3A_297 = tpu.memref_slice %arg11[%dma_wait3A_295, %dma_wait3A_296] : memref<10000x128xf32, #tpu.memory_space<vmem_shared>> -> memref<16x128xf32, #tpu.memory_space<vmem_shared>>
        %dma_wait3A_298 = arith.constant 9984 : i32
        %dma_wait3A_299 = arith.constant 0 : i32
        %dma_wait3A_300 = tpu.memref_slice %arg5[%dma_wait3A_298, %dma_wait3A_299] : memref<10000x128xf32, #tpu.memory_space<hbm>> -> memref<16x128xf32, #tpu.memory_space<hbm>>
        tpu.wait_dma2 semaphore(%run_scoped3A : memref<!tpu.dma_semaphore, #tpu.memory_space<semaphore_mem>>) src(%dma_wait3A_300 : memref<16x128xf32, #tpu.memory_space<hbm>>) dst(%dma_wait3A_297 : memref<16x128xf32, #tpu.memory_space<vmem_shared>>)
        tpu.yield
      }) : () -> ()
    } else {
    }
    %barrier3A = arith.constant 0 : index
    tpu.barrier barrier_id(%barrier3A)
    %mul3A_11 = arith.constant 81 : i32
    %mul3A_12 = arith.muli %add3A, %mul3A_11 : i32
    %add3A_13 = arith.constant 0 : i32
    %add3A_14 = arith.addi %mul3A_12, %add3A_13 : i32
    %mul3A_15 = arith.constant 512 : i32
    %mul3A_16 = arith.muli %add3A_14, %mul3A_15 : i32
    %multiple_of3A = tpu.assume_multiple %mul3A_16, 128 : i32
    %dma_start3A = arith.constant 0 : i32
    %dma_start3A_17 = tpu.memref_slice %arg7[%dma_start3A] : memref<1024xi32, #tpu.memory_space<vmem>> -> memref<384xi32, #tpu.memory_space<vmem>>
    %dma_start3A_18 = tpu.memref_slice %arg4[%multiple_of3A] : memref<1327104xi32, #tpu.memory_space<hbm>> -> memref<384xi32, #tpu.memory_space<hbm>>
    %dma_start3A_19 = arith.constant 0 : i32
    %dma_start3A_20 = tpu.memref_slice %arg7[%dma_start3A_19] : memref<1024xi32, #tpu.memory_space<vmem>> -> memref<384xi32, #tpu.memory_space<vmem>>
    %dma_start3A_21 = tpu.memref_slice %arg4[%multiple_of3A] : memref<1327104xi32, #tpu.memory_space<hbm>> -> memref<384xi32, #tpu.memory_space<hbm>>
    tpu.enqueue_dma source(%dma_start3A_21 : memref<384xi32, #tpu.memory_space<hbm>>) target(%dma_start3A_20 : memref<384xi32, #tpu.memory_space<vmem>>) target_semaphore(%arg13 : memref<!tpu.dma_semaphore, #tpu.memory_space<semaphore_mem>>)
    %mul3A_22 = arith.constant 81 : i32
    %mul3A_23 = arith.muli %add3A, %mul3A_22 : i32
    %add3A_24 = arith.constant 1 : i32
    %add3A_25 = arith.addi %mul3A_23, %add3A_24 : i32
    %mul3A_26 = arith.constant 512 : i32
    %mul3A_27 = arith.muli %add3A_25, %mul3A_26 : i32
    %multiple_of3A_28 = tpu.assume_multiple %mul3A_27, 128 : i32
    %dma_start3A_29 = arith.constant 512 : i32
    %dma_start3A_30 = tpu.memref_slice %arg7[%dma_start3A_29] : memref<1024xi32, #tpu.memory_space<vmem>> -> memref<384xi32, #tpu.memory_space<vmem>>
    %dma_start3A_31 = tpu.memref_slice %arg4[%multiple_of3A_28] : memref<1327104xi32, #tpu.memory_space<hbm>> -> memref<384xi32, #tpu.memory_space<hbm>>
    %dma_start3A_32 = arith.constant 512 : i32
    %dma_start3A_33 = tpu.memref_slice %arg7[%dma_start3A_32] : memref<1024xi32, #tpu.memory_space<vmem>> -> memref<384xi32, #tpu.memory_space<vmem>>
    %dma_start3A_34 = tpu.memref_slice %arg4[%multiple_of3A_28] : memref<1327104xi32, #tpu.memory_space<hbm>> -> memref<384xi32, #tpu.memory_space<hbm>>
    tpu.enqueue_dma source(%dma_start3A_34 : memref<384xi32, #tpu.memory_space<hbm>>) target(%dma_start3A_33 : memref<384xi32, #tpu.memory_space<vmem>>) target_semaphore(%arg14 : memref<!tpu.dma_semaphore, #tpu.memory_space<semaphore_mem>>)
    %mul3A_35 = arith.constant 81 : i32
    %mul3A_36 = arith.muli %add3A, %mul3A_35 : i32
    %add3A_37 = arith.constant 0 : i32
    %add3A_38 = arith.addi %mul3A_36, %add3A_37 : i32
    %mul3A_39 = arith.constant 512 : i32
    %mul3A_40 = arith.muli %add3A_38, %mul3A_39 : i32
    %multiple_of3A_41 = tpu.assume_multiple %mul3A_40, 128 : i32
    %dma_wait3A = arith.constant 0 : i32
    %dma_wait3A_42 = tpu.memref_slice %arg7[%dma_wait3A] : memref<1024xi32, #tpu.memory_space<vmem>> -> memref<384xi32, #tpu.memory_space<vmem>>
    %dma_wait3A_43 = tpu.memref_slice %arg4[%multiple_of3A_41] : memref<1327104xi32, #tpu.memory_space<hbm>> -> memref<384xi32, #tpu.memory_space<hbm>>
    %dma_wait3A_44 = arith.constant 0 : i32
    %dma_wait3A_45 = tpu.memref_slice %arg7[%dma_wait3A_44] : memref<1024xi32, #tpu.memory_space<vmem>> -> memref<384xi32, #tpu.memory_space<vmem>>
    %dma_wait3A_46 = tpu.memref_slice %arg4[%multiple_of3A_41] : memref<1327104xi32, #tpu.memory_space<hbm>> -> memref<384xi32, #tpu.memory_space<hbm>>
    tpu.wait_dma2 semaphore(%arg13 : memref<!tpu.dma_semaphore, #tpu.memory_space<semaphore_mem>>) src(%dma_wait3A_46 : memref<384xi32, #tpu.memory_space<hbm>>) dst(%dma_wait3A_45 : memref<384xi32, #tpu.memory_space<vmem>>)
    %get3A = arith.constant 256 : index
    %get3A_47 = tpu.vector_load %arg7[%get3A] {strides = array<i32>} : memref<1024xi32, #tpu.memory_space<vmem>>, vector<16xi32>,
    %swap3A = arith.constant 0 : i32
    %swap3A_48 = arith.index_cast %swap3A : i32 to index
    %swap3A_49 = arith.constant 0 : index
    %swap3A_50 = tpu.vector_load %arg8[%swap3A_48, %swap3A_49] {strides = array<i32>} : memref<2x128xi32, #tpu.memory_space<vmem>>, vector<16xi32>,
    tpu.vector_store %arg8[%swap3A_48, %swap3A_49], %get3A_47 {strides = array<i32>} : memref<2x128xi32, #tpu.memory_space<vmem>>, vector<16xi32>,
    %get3A_51 = arith.constant 272 : index
    %get3A_52 = tpu.vector_load %arg7[%get3A_51] {strides = array<i32>} : memref<1024xi32, #tpu.memory_space<vmem>>, vector<16xi32>,
    %swap3A_53 = arith.constant 0 : i32
    %swap3A_54 = arith.index_cast %swap3A_53 : i32 to index
    %swap3A_55 = arith.constant 16 : index
    %swap3A_56 = tpu.vector_load %arg8[%swap3A_54, %swap3A_55] {strides = array<i32>} : memref<2x128xi32, #tpu.memory_space<vmem>>, vector<16xi32>,
    tpu.vector_store %arg8[%swap3A_54, %swap3A_55], %get3A_52 {strides = array<i32>} : memref<2x128xi32, #tpu.memory_space<vmem>>, vector<16xi32>,
    %get3A_57 = arith.constant 288 : index
    %get3A_58 = tpu.vector_load %arg7[%get3A_57] {strides = array<i32>} : memref<1024xi32, #tpu.memory_space<vmem>>, vector<16xi32>,
    %swap3A_59 = arith.constant 0 : i32
    %swap3A_60 = arith.index_cast %swap3A_59 : i32 to index
    %swap3A_61 = arith.constant 32 : index
    %swap3A_62 = tpu.vector_load %arg8[%swap3A_60, %swap3A_61] {strides = array<i32>} : memref<2x128xi32, #tpu.memory_space<vmem>>, vector<16xi32>,
    tpu.vector_store %arg8[%swap3A_60, %swap3A_61], %get3A_58 {strides = array<i32>} : memref<2x128xi32, #tpu.memory_space<vmem>>, vector<16xi32>,
    %get3A_63 = arith.constant 304 : index
    %get3A_64 = tpu.vector_load %arg7[%get3A_63] {strides = array<i32>} : memref<1024xi32, #tpu.memory_space<vmem>>, vector<16xi32>,
    %swap3A_65 = arith.constant 0 : i32
    %swap3A_66 = arith.index_cast %swap3A_65 : i32 to index
    %swap3A_67 = arith.constant 48 : index
    %swap3A_68 = tpu.vector_load %arg8[%swap3A_66, %swap3A_67] {strides = array<i32>} : memref<2x128xi32, #tpu.memory_space<vmem>>, vector<16xi32>,
    tpu.vector_store %arg8[%swap3A_66, %swap3A_67], %get3A_64 {strides = array<i32>} : memref<2x128xi32, #tpu.memory_space<vmem>>, vector<16xi32>,
    %get3A_69 = arith.constant 320 : index
    %get3A_70 = tpu.vector_load %arg7[%get3A_69] {strides = array<i32>} : memref<1024xi32, #tpu.memory_space<vmem>>, vector<16xi32>,
    %swap3A_71 = arith.constant 0 : i32
    %swap3A_72 = arith.index_cast %swap3A_71 : i32 to index
    %swap3A_73 = arith.constant 64 : index
    %swap3A_74 = tpu.vector_load %arg8[%swap3A_72, %swap3A_73] {strides = array<i32>} : memref<2x128xi32, #tpu.memory_space<vmem>>, vector<16xi32>,
    tpu.vector_store %arg8[%swap3A_72, %swap3A_73], %get3A_70 {strides = array<i32>} : memref<2x128xi32, #tpu.memory_space<vmem>>, vector<16xi32>,
    %get3A_75 = arith.constant 336 : index
    %get3A_76 = tpu.vector_load %arg7[%get3A_75] {strides = array<i32>} : memref<1024xi32, #tpu.memory_space<vmem>>, vector<16xi32>,
    %swap3A_77 = arith.constant 0 : i32
    %swap3A_78 = arith.index_cast %swap3A_77 : i32 to index
    %swap3A_79 = arith.constant 80 : index
    %swap3A_80 = tpu.vector_load %arg8[%swap3A_78, %swap3A_79] {strides = array<i32>} : memref<2x128xi32, #tpu.memory_space<vmem>>, vector<16xi32>,
    tpu.vector_store %arg8[%swap3A_78, %swap3A_79], %get3A_76 {strides = array<i32>} : memref<2x128xi32, #tpu.memory_space<vmem>>, vector<16xi32>,
    %get3A_81 = arith.constant 352 : index
    %get3A_82 = tpu.vector_load %arg7[%get3A_81] {strides = array<i32>} : memref<1024xi32, #tpu.memory_space<vmem>>, vector<16xi32>,
    %swap3A_83 = arith.constant 0 : i32
    %swap3A_84 = arith.index_cast %swap3A_83 : i32 to index
    %swap3A_85 = arith.constant 96 : index
    %swap3A_86 = tpu.vector_load %arg8[%swap3A_84, %swap3A_85] {strides = array<i32>} : memref<2x128xi32, #tpu.memory_space<vmem>>, vector<16xi32>,
    tpu.vector_store %arg8[%swap3A_84, %swap3A_85], %get3A_82 {strides = array<i32>} : memref<2x128xi32, #tpu.memory_space<vmem>>, vector<16xi32>,
    %get3A_87 = arith.constant 368 : index
    %get3A_88 = tpu.vector_load %arg7[%get3A_87] {strides = array<i32>} : memref<1024xi32, #tpu.memory_space<vmem>>, vector<16xi32>,
    %swap3A_89 = arith.constant 0 : i32
    %swap3A_90 = arith.index_cast %swap3A_89 : i32 to index
    %swap3A_91 = arith.constant 112 : index
    %swap3A_92 = tpu.vector_load %arg8[%swap3A_90, %swap3A_91] {strides = array<i32>} : memref<2x128xi32, #tpu.memory_space<vmem>>, vector<16xi32>,
    tpu.vector_store %arg8[%swap3A_90, %swap3A_91], %get3A_88 {strides = array<i32>} : memref<2x128xi32, #tpu.memory_space<vmem>>, vector<16xi32>,
    %dma_start3A_93 = arith.constant 0 : i32
    %dma_start3A_94 = arith.constant 0 : i32
    %dma_start3A_95 = arith.constant 0 : i32
    %dma_start3A_96 = tpu.memref_slice %arg10[%dma_start3A_93, %dma_start3A_94, %dma_start3A_95] : memref<2x128x128xf32, #tpu.memory_space<vmem>> -> memref<1x128x128xf32, #tpu.memory_space<vmem>>
    %dma_start3A_97 = tpu.memref_squeeze %dma_start3A_96 : memref<1x128x128xf32, #tpu.memory_space<vmem>> -> memref<128x128xf32, #tpu.memory_space<vmem>>
    %dma_start3A_98 = arith.constant 0 : i32
    %dma_start3A_99 = tpu.memref_slice %arg7[%dma_start3A_98] : memref<1024xi32, #tpu.memory_space<vmem>> -> memref<128xi32, #tpu.memory_space<vmem>>
    %dma_start3A_100 = arith.constant 0 : i32
    %dma_start3A_101 = arith.constant 0 : i32
    %dma_start3A_102 = tpu.memref_slice %arg2[%dma_start3A_100, %dma_start3A_101] : memref<40000x128xf32, #tpu.memory_space<hbm>> -> memref<40000x128xf32, #tpu.memory_space<hbm>>
    tpu.enqueue_indirect_dma source(%dma_start3A_102 : memref<40000x128xf32, #tpu.memory_space<hbm>>) target(%dma_start3A_97 : memref<128x128xf32, #tpu.memory_space<vmem>>) offsets(%dma_start3A_99 : memref<128xi32, #tpu.memory_space<vmem>>) semaphore(%arg15 : memref<!tpu.dma_semaphore, #tpu.memory_space<semaphore_mem>>)
    %dma_start3A_103 = arith.constant 0 : i32
    %dma_start3A_104 = tpu.memref_slice %arg9[%dma_start3A_103] : memref<256xf32, #tpu.memory_space<vmem>> -> memref<128xf32, #tpu.memory_space<vmem>>
    %dma_start3A_105 = arith.constant 128 : i32
    %dma_start3A_106 = tpu.memref_slice %arg7[%dma_start3A_105] : memref<1024xi32, #tpu.memory_space<vmem>> -> memref<128xi32, #tpu.memory_space<vmem>>
    %dma_start3A_107 = arith.constant 0 : i32
    %dma_start3A_108 = tpu.memref_slice %arg12[%dma_start3A_107] : memref<40960xf32, #tpu.memory_space<vmem_shared>> -> memref<40960xf32, #tpu.memory_space<vmem_shared>>
    tpu.enqueue_indirect_dma source(%dma_start3A_108 : memref<40960xf32, #tpu.memory_space<vmem_shared>>) target(%dma_start3A_104 : memref<128xf32, #tpu.memory_space<vmem>>) offsets(%dma_start3A_106 : memref<128xi32, #tpu.memory_space<vmem>>) semaphore(%arg19 : memref<!tpu.dma_semaphore, #tpu.memory_space<semaphore_mem>>)
    %dma_wait3A_109 = arith.constant 0 : i32
    %dma_wait3A_110 = arith.constant 0 : i32
    %dma_wait3A_111 = arith.constant 0 : i32
    %dma_wait3A_112 = tpu.memref_slice %arg10[%dma_wait3A_109, %dma_wait3A_110, %dma_wait3A_111] : memref<2x128x128xf32, #tpu.memory_space<vmem>> -> memref<1x128x128xf32, #tpu.memory_space<vmem>>
    %dma_wait3A_113 = tpu.memref_squeeze %dma_wait3A_112 : memref<1x128x128xf32, #tpu.memory_space<vmem>> -> memref<128x128xf32, #tpu.memory_space<vmem>>
    %dma_wait3A_114 = arith.constant 0 : i32
    %dma_wait3A_115 = tpu.memref_slice %arg7[%dma_wait3A_114] : memref<1024xi32, #tpu.memory_space<vmem>> -> memref<128xi32, #tpu.memory_space<vmem>>
    %dma_wait3A_116 = arith.constant 0 : i32
    %dma_wait3A_117 = arith.constant 0 : i32
    %dma_wait3A_118 = tpu.memref_slice %arg2[%dma_wait3A_116, %dma_wait3A_117] : memref<40000x128xf32, #tpu.memory_space<hbm>> -> memref<40000x128xf32, #tpu.memory_space<hbm>>
    tpu.wait_indirect_dma semaphore(%arg15 : memref<!tpu.dma_semaphore, #tpu.memory_space<semaphore_mem>>) src(%dma_wait3A_118 : memref<40000x128xf32, #tpu.memory_space<hbm>>) dst(%dma_wait3A_113 : memref<128x128xf32, #tpu.memory_space<vmem>>)
    %dma_wait3A_119 = arith.constant 0 : i32
    %dma_wait3A_120 = tpu.memref_slice %arg9[%dma_wait3A_119] : memref<256xf32, #tpu.memory_space<vmem>> -> memref<128xf32, #tpu.memory_space<vmem>>
    %dma_wait3A_121 = arith.constant 128 : i32
    %dma_wait3A_122 = tpu.memref_slice %arg7[%dma_wait3A_121] : memref<1024xi32, #tpu.memory_space<vmem>> -> memref<128xi32, #tpu.memory_space<vmem>>
    %dma_wait3A_123 = arith.constant 0 : i32
    %dma_wait3A_124 = tpu.memref_slice %arg12[%dma_wait3A_123] : memref<40960xf32, #tpu.memory_space<vmem_shared>> -> memref<40960xf32, #tpu.memory_space<vmem_shared>>
    tpu.wait_indirect_dma semaphore(%arg19 : memref<!tpu.dma_semaphore, #tpu.memory_space<semaphore_mem>>) src(%dma_wait3A_124 : memref<40960xf32, #tpu.memory_space<vmem_shared>>) dst(%dma_wait3A_120 : memref<128xf32, #tpu.memory_space<vmem>>)
    %scan3A = arith.constant 0 : i32
    %scan3A_125 = arith.constant 0 : i32
    %scan3A_126 = arith.constant 32 : i32
    %scan3A_127 = arith.addi %scan3A_125, %scan3A_126 : i32
    %scan3A_128 = arith.constant 1 : i32
    scf.for %scan3A_289 = %scan3A_125 to %scan3A_127 step %scan3A_128  : i32 {
      %mul3A_290 = arith.constant 4 : i32
      %mul3A_291 = arith.muli %scan3A_289, %mul3A_290 : i32
      %add3A_292 = arith.constant 0 : i32
      %add3A_293 = arith.addi %mul3A_291, %add3A_292 : i32
      %add3A_294 = arith.constant 0 : i32
      %add3A_295 = arith.addi %add3A_294, %add3A_293 : i32
      %broadcast_in_dim3A = vector.broadcast %add3A_295 : i32 to vector<16xi32>
      %gather3A = tpu.vector_load_idx %arg9[%broadcast_in_dim3A] : memref<256xf32, #tpu.memory_space<vmem>>[vector<16xi32>], vector<16xf32>,
      %get3A_296 = arith.constant 0 : i32
      %get3A_297 = arith.index_cast %get3A_296 : i32 to index
      %get3A_298 = arith.index_cast %add3A_293 : i32 to index
      %get3A_299 = arith.constant 0 : index
      %get3A_300 = tpu.vector_load %arg10[%get3A_297, %get3A_298, %get3A_299] {strides = array<i32>} : memref<2x128x128xf32, #tpu.memory_space<vmem>>, vector<16xf32>,
      %mul3A_301 = arith.mulf %get3A_300, %gather3A : vector<16xf32>
      %swap3A_302 = arith.constant 0 : i32
      %swap3A_303 = arith.index_cast %swap3A_302 : i32 to index
      %swap3A_304 = arith.index_cast %add3A_293 : i32 to index
      %swap3A_305 = arith.constant 0 : index
      %swap3A_306 = tpu.vector_load %arg10[%swap3A_303, %swap3A_304, %swap3A_305] {strides = array<i32>} : memref<2x128x128xf32, #tpu.memory_space<vmem>>, vector<16xf32>,
      tpu.vector_store %arg10[%swap3A_303, %swap3A_304, %swap3A_305], %mul3A_301 {strides = array<i32>} : memref<2x128x128xf32, #tpu.memory_space<vmem>>, vector<16xf32>,
      %get3A_307 = arith.constant 0 : i32
      %get3A_308 = arith.index_cast %get3A_307 : i32 to index
      %get3A_309 = arith.index_cast %add3A_293 : i32 to index
      %get3A_310 = arith.constant 16 : index
      %get3A_311 = tpu.vector_load %arg10[%get3A_308, %get3A_309, %get3A_310] {strides = array<i32>} : memref<2x128x128xf32, #tpu.memory_space<vmem>>, vector<16xf32>,
      %mul3A_312 = arith.mulf %get3A_311, %gather3A : vector<16xf32>
      %swap3A_313 = arith.constant 0 : i32
      %swap3A_314 = arith.index_cast %swap3A_313 : i32 to index
      %swap3A_315 = arith.index_cast %add3A_293 : i32 to index
      %swap3A_316 = arith.constant 16 : index
      %swap3A_317 = tpu.vector_load %arg10[%swap3A_314, %swap3A_315, %swap3A_316] {strides = array<i32>} : memref<2x128x128xf32, #tpu.memory_space<vmem>>, vector<16xf32>,
      tpu.vector_store %arg10[%swap3A_314, %swap3A_315, %swap3A_316], %mul3A_312 {strides = array<i32>} : memref<2x128x128xf32, #tpu.memory_space<vmem>>, vector<16xf32>,
      %get3A_318 = arith.constant 0 : i32
      %get3A_319 = arith.index_cast %get3A_318 : i32 to index
      %get3A_320 = arith.index_cast %add3A_293 : i32 to index
      %get3A_321 = arith.constant 32 : index
      %get3A_322 = tpu.vector_load %arg10[%get3A_319, %get3A_320, %get3A_321] {strides = array<i32>} : memref<2x128x128xf32, #tpu.memory_space<vmem>>, vector<16xf32>,
      %mul3A_323 = arith.mulf %get3A_322, %gather3A : vector<16xf32>
      %swap3A_324 = arith.constant 0 : i32
      %swap3A_325 = arith.index_cast %swap3A_324 : i32 to index
      %swap3A_326 = arith.index_cast %add3A_293 : i32 to index
      %swap3A_327 = arith.constant 32 : index
      %swap3A_328 = tpu.vector_load %arg10[%swap3A_325, %swap3A_326, %swap3A_327] {strides = array<i32>} : memref<2x128x128xf32, #tpu.memory_space<vmem>>, vector<16xf32>,
      tpu.vector_store %arg10[%swap3A_325, %swap3A_326, %swap3A_327], %mul3A_323 {strides = array<i32>} : memref<2x128x128xf32, #tpu.memory_space<vmem>>, vector<16xf32>,
      %get3A_329 = arith.constant 0 : i32
      %get3A_330 = arith.index_cast %get3A_329 : i32 to index
      %get3A_331 = arith.index_cast %add3A_293 : i32 to index
      %get3A_332 = arith.constant 48 : index
      %get3A_333 = tpu.vector_load %arg10[%get3A_330, %get3A_331, %get3A_332] {strides = array<i32>} : memref<2x128x128xf32, #tpu.memory_space<vmem>>, vector<16xf32>,
      %mul3A_334 = arith.mulf %get3A_333, %gather3A : vector<16xf32>
      %swap3A_335 = arith.constant 0 : i32
      %swap3A_336 = arith.index_cast %swap3A_335 : i32 to index
      %swap3A_337 = arith.index_cast %add3A_293 : i32 to index
      %swap3A_338 = arith.constant 48 : index
      %swap3A_339 = tpu.vector_load %arg10[%swap3A_336, %swap3A_337, %swap3A_338] {strides = array<i32>} : memref<2x128x128xf32, #tpu.memory_space<vmem>>, vector<16xf32>,
      tpu.vector_store %arg10[%swap3A_336, %swap3A_337, %swap3A_338], %mul3A_334 {strides = array<i32>} : memref<2x128x128xf32, #tpu.memory_space<vmem>>, vector<16xf32>,
      %get3A_340 = arith.constant 0 : i32
      %get3A_341 = arith.index_cast %get3A_340 : i32 to index
      %get3A_342 = arith.index_cast %add3A_293 : i32 to index
      %get3A_343 = arith.constant 64 : index
      %get3A_344 = tpu.vector_load %arg10[%get3A_341, %get3A_342, %get3A_343] {strides = array<i32>} : memref<2x128x128xf32, #tpu.memory_space<vmem>>, vector<16xf32>,
      %mul3A_345 = arith.mulf %get3A_344, %gather3A : vector<16xf32>
      %swap3A_346 = arith.constant 0 : i32
      %swap3A_347 = arith.index_cast %swap3A_346 : i32 to index
      %swap3A_348 = arith.index_cast %add3A_293 : i32 to index
      %swap3A_349 = arith.constant 64 : index
      %swap3A_350 = tpu.vector_load %arg10[%swap3A_347, %swap3A_348, %swap3A_349] {strides = array<i32>} : memref<2x128x128xf32, #tpu.memory_space<vmem>>, vector<16xf32>,
      tpu.vector_store %arg10[%swap3A_347, %swap3A_348, %swap3A_349], %mul3A_345 {strides = array<i32>} : memref<2x128x128xf32, #tpu.memory_space<vmem>>, vector<16xf32>,
      %get3A_351 = arith.constant 0 : i32
      %get3A_352 = arith.index_cast %get3A_351 : i32 to index
      %get3A_353 = arith.index_cast %add3A_293 : i32 to index
      %get3A_354 = arith.constant 80 : index
      %get3A_355 = tpu.vector_load %arg10[%get3A_352, %get3A_353, %get3A_354] {strides = array<i32>} : memref<2x128x128xf32, #tpu.memory_space<vmem>>, vector<16xf32>,
      %mul3A_356 = arith.mulf %get3A_355, %gather3A : vector<16xf32>
      %swap3A_357 = arith.constant 0 : i32
      %swap3A_358 = arith.index_cast %swap3A_357 : i32 to index
      %swap3A_359 = arith.index_cast %add3A_293 : i32 to index
      %swap3A_360 = arith.constant 80 : index
      %swap3A_361 = tpu.vector_load %arg10[%swap3A_358, %swap3A_359, %swap3A_360] {strides = array<i32>} : memref<2x128x128xf32, #tpu.memory_space<vmem>>, vector<16xf32>,
      tpu.vector_store %arg10[%swap3A_358, %swap3A_359, %swap3A_360], %mul3A_356 {strides = array<i32>} : memref<2x128x128xf32, #tpu.memory_space<vmem>>, vector<16xf32>,
      %get3A_362 = arith.constant 0 : i32
      %get3A_363 = arith.index_cast %get3A_362 : i32 to index
      %get3A_364 = arith.index_cast %add3A_293 : i32 to index
      %get3A_365 = arith.constant 96 : index
      %get3A_366 = tpu.vector_load %arg10[%get3A_363, %get3A_364, %get3A_365] {strides = array<i32>} : memref<2x128x128xf32, #tpu.memory_space<vmem>>, vector<16xf32>,
      %mul3A_367 = arith.mulf %get3A_366, %gather3A : vector<16xf32>
      %swap3A_368 = arith.constant 0 : i32
      %swap3A_369 = arith.index_cast %swap3A_368 : i32 to index
      %swap3A_370 = arith.index_cast %add3A_293 : i32 to index
      %swap3A_371 = arith.constant 96 : index
      %swap3A_372 = tpu.vector_load %arg10[%swap3A_369, %swap3A_370, %swap3A_371] {strides = array<i32>} : memref<2x128x128xf32, #tpu.memory_space<vmem>>, vector<16xf32>,
      tpu.vector_store %arg10[%swap3A_369, %swap3A_370, %swap3A_371], %mul3A_367 {strides = array<i32>} : memref<2x128x128xf32, #tpu.memory_space<vmem>>, vector<16xf32>,
      %get3A_373 = arith.constant 0 : i32
      %get3A_374 = arith.index_cast %get3A_373 : i32 to index
      %get3A_375 = arith.index_cast %add3A_293 : i32 to index
      %get3A_376 = arith.constant 112 : index
      %get3A_377 = tpu.vector_load %arg10[%get3A_374, %get3A_375, %get3A_376] {strides = array<i32>} : memref<2x128x128xf32, #tpu.memory_space<vmem>>, vector<16xf32>,
      %mul3A_378 = arith.mulf %get3A_377, %gather3A : vector<16xf32>
      %swap3A_379 = arith.constant 0 : i32
      %swap3A_380 = arith.index_cast %swap3A_379 : i32 to index
      %swap3A_381 = arith.index_cast %add3A_293 : i32 to index
      %swap3A_382 = arith.constant 112 : index
      %swap3A_383 = tpu.vector_load %arg10[%swap3A_380, %swap3A_381, %swap3A_382] {strides = array<i32>} : memref<2x128x128xf32, #tpu.memory_space<vmem>>, vector<16xf32>,
      tpu.vector_store %arg10[%swap3A_380, %swap3A_381, %swap3A_382], %mul3A_378 {strides = array<i32>} : memref<2x128x128xf32, #tpu.memory_space<vmem>>, vector<16xf32>,
      %mul3A_384 = arith.constant 4 : i32
      %mul3A_385 = arith.muli %scan3A_289, %mul3A_384 : i32
      %add3A_386 = arith.constant 1 : i32
      %add3A_387 = arith.addi %mul3A_385, %add3A_386 : i32
      %add3A_388 = arith.constant 0 : i32
      %add3A_389 = arith.addi %add3A_388, %add3A_387 : i32
      %broadcast_in_dim3A_390 = vector.broadcast %add3A_389 : i32 to vector<16xi32>
      %gather3A_391 = tpu.vector_load_idx %arg9[%broadcast_in_dim3A_390] : memref<256xf32, #tpu.memory_space<vmem>>[vector<16xi32>], vector<16xf32>,
      %get3A_392 = arith.constant 0 : i32
      %get3A_393 = arith.index_cast %get3A_392 : i32 to index
      %get3A_394 = arith.index_cast %add3A_387 : i32 to index
      %get3A_395 = arith.constant 0 : index
      %get3A_396 = tpu.vector_load %arg10[%get3A_393, %get3A_394, %get3A_395] {strides = array<i32>} : memref<2x128x128xf32, #tpu.memory_space<vmem>>, vector<16xf32>,
      %mul3A_397 = arith.mulf %get3A_396, %gather3A_391 : vector<16xf32>
      %swap3A_398 = arith.constant 0 : i32
      %swap3A_399 = arith.index_cast %swap3A_398 : i32 to index
      %swap3A_400 = arith.index_cast %add3A_387 : i32 to index
      %swap3A_401 = arith.constant 0 : index
      %swap3A_402 = tpu.vector_load %arg10[%swap3A_399, %swap3A_400, %swap3A_401] {strides = array<i32>} : memref<2x128x128xf32, #tpu.memory_space<vmem>>, vector<16xf32>,
      tpu.vector_store %arg10[%swap3A_399, %swap3A_400, %swap3A_401], %mul3A_397 {strides = array<i32>} : memref<2x128x128xf32, #tpu.memory_space<vmem>>, vector<16xf32>,
      %get3A_403 = arith.constant 0 : i32
      %get3A_404 = arith.index_cast %get3A_403 : i32 to index
      %get3A_405 = arith.index_cast %add3A_387 : i32 to index
      %get3A_406 = arith.constant 16 : index
      %get3A_407 = tpu.vector_load %arg10[%get3A_404, %get3A_405, %get3A_406] {strides = array<i32>} : memref<2x128x128xf32, #tpu.memory_space<vmem>>, vector<16xf32>,
      %mul3A_408 = arith.mulf %get3A_407, %gather3A_391 : vector<16xf32>
      %swap3A_409 = arith.constant 0 : i32
      %swap3A_410 = arith.index_cast %swap3A_409 : i32 to index
      %swap3A_411 = arith.index_cast %add3A_387 : i32 to index
      %swap3A_412 = arith.constant 16 : index
      %swap3A_413 = tpu.vector_load %arg10[%swap3A_410, %swap3A_411, %swap3A_412] {strides = array<i32>} : memref<2x128x128xf32, #tpu.memory_space<vmem>>, vector<16xf32>,
      tpu.vector_store %arg10[%swap3A_410, %swap3A_411, %swap3A_412], %mul3A_408 {strides = array<i32>} : memref<2x128x128xf32, #tpu.memory_space<vmem>>, vector<16xf32>,
      %get3A_414 = arith.constant 0 : i32
      %get3A_415 = arith.index_cast %get3A_414 : i32 to index
      %get3A_416 = arith.index_cast %add3A_387 : i32 to index
      %get3A_417 = arith.constant 32 : index
      %get3A_418 = tpu.vector_load %arg10[%get3A_415, %get3A_416, %get3A_417] {strides = array<i32>} : memref<2x128x128xf32, #tpu.memory_space<vmem>>, vector<16xf32>,
      %mul3A_419 = arith.mulf %get3A_418, %gather3A_391 : vector<16xf32>
      %swap3A_420 = arith.constant 0 : i32
      %swap3A_421 = arith.index_cast %swap3A_420 : i32 to index
      %swap3A_422 = arith.index_cast %add3A_387 : i32 to index
      %swap3A_423 = arith.constant 32 : index
      %swap3A_424 = tpu.vector_load %arg10[%swap3A_421, %swap3A_422, %swap3A_423] {strides = array<i32>} : memref<2x128x128xf32, #tpu.memory_space<vmem>>, vector<16xf32>,
      tpu.vector_store %arg10[%swap3A_421, %swap3A_422, %swap3A_423], %mul3A_419 {strides = array<i32>} : memref<2x128x128xf32, #tpu.memory_space<vmem>>, vector<16xf32>,
      %get3A_425 = arith.constant 0 : i32
      %get3A_426 = arith.index_cast %get3A_425 : i32 to index
      %get3A_427 = arith.index_cast %add3A_387 : i32 to index
      %get3A_428 = arith.constant 48 : index
      %get3A_429 = tpu.vector_load %arg10[%get3A_426, %get3A_427, %get3A_428] {strides = array<i32>} : memref<2x128x128xf32, #tpu.memory_space<vmem>>, vector<16xf32>,
      %mul3A_430 = arith.mulf %get3A_429, %gather3A_391 : vector<16xf32>
      %swap3A_431 = arith.constant 0 : i32
      %swap3A_432 = arith.index_cast %swap3A_431 : i32 to index
      %swap3A_433 = arith.index_cast %add3A_387 : i32 to index
      %swap3A_434 = arith.constant 48 : index
      %swap3A_435 = tpu.vector_load %arg10[%swap3A_432, %swap3A_433, %swap3A_434] {strides = array<i32>} : memref<2x128x128xf32, #tpu.memory_space<vmem>>, vector<16xf32>,
      tpu.vector_store %arg10[%swap3A_432, %swap3A_433, %swap3A_434], %mul3A_430 {strides = array<i32>} : memref<2x128x128xf32, #tpu.memory_space<vmem>>, vector<16xf32>,
      %get3A_436 = arith.constant 0 : i32
      %get3A_437 = arith.index_cast %get3A_436 : i32 to index
      %get3A_438 = arith.index_cast %add3A_387 : i32 to index
      %get3A_439 = arith.constant 64 : index
      %get3A_440 = tpu.vector_load %arg10[%get3A_437, %get3A_438, %get3A_439] {strides = array<i32>} : memref<2x128x128xf32, #tpu.memory_space<vmem>>, vector<16xf32>,
      %mul3A_441 = arith.mulf %get3A_440, %gather3A_391 : vector<16xf32>
      %swap3A_442 = arith.constant 0 : i32
      %swap3A_443 = arith.index_cast %swap3A_442 : i32 to index
      %swap3A_444 = arith.index_cast %add3A_387 : i32 to index
      %swap3A_445 = arith.constant 64 : index
      %swap3A_446 = tpu.vector_load %arg10[%swap3A_443, %swap3A_444, %swap3A_445] {strides = array<i32>} : memref<2x128x128xf32, #tpu.memory_space<vmem>>, vector<16xf32>,
      tpu.vector_store %arg10[%swap3A_443, %swap3A_444, %swap3A_445], %mul3A_441 {strides = array<i32>} : memref<2x128x128xf32, #tpu.memory_space<vmem>>, vector<16xf32>,
      %get3A_447 = arith.constant 0 : i32
      %get3A_448 = arith.index_cast %get3A_447 : i32 to index
      %get3A_449 = arith.index_cast %add3A_387 : i32 to index
      %get3A_450 = arith.constant 80 : index
      %get3A_451 = tpu.vector_load %arg10[%get3A_448, %get3A_449, %get3A_450] {strides = array<i32>} : memref<2x128x128xf32, #tpu.memory_space<vmem>>, vector<16xf32>,
      %mul3A_452 = arith.mulf %get3A_451, %gather3A_391 : vector<16xf32>
      %swap3A_453 = arith.constant 0 : i32
      %swap3A_454 = arith.index_cast %swap3A_453 : i32 to index
      %swap3A_455 = arith.index_cast %add3A_387 : i32 to index
      %swap3A_456 = arith.constant 80 : index
      %swap3A_457 = tpu.vector_load %arg10[%swap3A_454, %swap3A_455, %swap3A_456] {strides = array<i32>} : memref<2x128x128xf32, #tpu.memory_space<vmem>>, vector<16xf32>,
      tpu.vector_store %arg10[%swap3A_454, %swap3A_455, %swap3A_456], %mul3A_452 {strides = array<i32>} : memref<2x128x128xf32, #tpu.memory_space<vmem>>, vector<16xf32>,
      %get3A_458 = arith.constant 0 : i32
      %get3A_459 = arith.index_cast %get3A_458 : i32 to index
      %get3A_460 = arith.index_cast %add3A_387 : i32 to index
      %get3A_461 = arith.constant 96 : index
      %get3A_462 = tpu.vector_load %arg10[%get3A_459, %get3A_460, %get3A_461] {strides = array<i32>} : memref<2x128x128xf32, #tpu.memory_space<vmem>>, vector<16xf32>,
      %mul3A_463 = arith.mulf %get3A_462, %gather3A_391 : vector<16xf32>
      %swap3A_464 = arith.constant 0 : i32
      %swap3A_465 = arith.index_cast %swap3A_464 : i32 to index
      %swap3A_466 = arith.index_cast %add3A_387 : i32 to index
      %swap3A_467 = arith.constant 96 : index
      %swap3A_468 = tpu.vector_load %arg10[%swap3A_465, %swap3A_466, %swap3A_467] {strides = array<i32>} : memref<2x128x128xf32, #tpu.memory_space<vmem>>, vector<16xf32>,
      tpu.vector_store %arg10[%swap3A_465, %swap3A_466, %swap3A_467], %mul3A_463 {strides = array<i32>} : memref<2x128x128xf32, #tpu.memory_space<vmem>>, vector<16xf32>,
      %get3A_469 = arith.constant 0 : i32
      %get3A_470 = arith.index_cast %get3A_469 : i32 to index
      %get3A_471 = arith.index_cast %add3A_387 : i32 to index
      %get3A_472 = arith.constant 112 : index
      %get3A_473 = tpu.vector_load %arg10[%get3A_470, %get3A_471, %get3A_472] {strides = array<i32>} : memref<2x128x128xf32, #tpu.memory_space<vmem>>, vector<16xf32>,
      %mul3A_474 = arith.mulf %get3A_473, %gather3A_391 : vector<16xf32>
      %swap3A_475 = arith.constant 0 : i32
      %swap3A_476 = arith.index_cast %swap3A_475 : i32 to index
      %swap3A_477 = arith.index_cast %add3A_387 : i32 to index
      %swap3A_478 = arith.constant 112 : index
      %swap3A_479 = tpu.vector_load %arg10[%swap3A_476, %swap3A_477, %swap3A_478] {strides = array<i32>} : memref<2x128x128xf32, #tpu.memory_space<vmem>>, vector<16xf32>,
      tpu.vector_store %arg10[%swap3A_476, %swap3A_477, %swap3A_478], %mul3A_474 {strides = array<i32>} : memref<2x128x128xf32, #tpu.memory_space<vmem>>, vector<16xf32>,
      %mul3A_480 = arith.constant 4 : i32
      %mul3A_481 = arith.muli %scan3A_289, %mul3A_480 : i32
      %add3A_482 = arith.constant 2 : i32
      %add3A_483 = arith.addi %mul3A_481, %add3A_482 : i32
      %add3A_484 = arith.constant 0 : i32
      %add3A_485 = arith.addi %add3A_484, %add3A_483 : i32
      %broadcast_in_dim3A_486 = vector.broadcast %add3A_485 : i32 to vector<16xi32>
      %gather3A_487 = tpu.vector_load_idx %arg9[%broadcast_in_dim3A_486] : memref<256xf32, #tpu.memory_space<vmem>>[vector<16xi32>], vector<16xf32>,
      %get3A_488 = arith.constant 0 : i32
      %get3A_489 = arith.index_cast %get3A_488 : i32 to index
      %get3A_490 = arith.index_cast %add3A_483 : i32 to index
      %get3A_491 = arith.constant 0 : index
      %get3A_492 = tpu.vector_load %arg10[%get3A_489, %get3A_490, %get3A_491] {strides = array<i32>} : memref<2x128x128xf32, #tpu.memory_space<vmem>>, vector<16xf32>,
      %mul3A_493 = arith.mulf %get3A_492, %gather3A_487 : vector<16xf32>
      %swap3A_494 = arith.constant 0 : i32
      %swap3A_495 = arith.index_cast %swap3A_494 : i32 to index
      %swap3A_496 = arith.index_cast %add3A_483 : i32 to index
      %swap3A_497 = arith.constant 0 : index
      %swap3A_498 = tpu.vector_load %arg10[%swap3A_495, %swap3A_496, %swap3A_497] {strides = array<i32>} : memref<2x128x128xf32, #tpu.memory_space<vmem>>, vector<16xf32>,
      tpu.vector_store %arg10[%swap3A_495, %swap3A_496, %swap3A_497], %mul3A_493 {strides = array<i32>} : memref<2x128x128xf32, #tpu.memory_space<vmem>>, vector<16xf32>,
      %get3A_499 = arith.constant 0 : i32
      %get3A_500 = arith.index_cast %get3A_499 : i32 to index
      %get3A_501 = arith.index_cast %add3A_483 : i32 to index
      %get3A_502 = arith.constant 16 : index
      %get3A_503 = tpu.vector_load %arg10[%get3A_500, %get3A_501, %get3A_502] {strides = array<i32>} : memref<2x128x128xf32, #tpu.memory_space<vmem>>, vector<16xf32>,
      %mul3A_504 = arith.mulf %get3A_503, %gather3A_487 : vector<16xf32>
      %swap3A_505 = arith.constant 0 : i32
      %swap3A_506 = arith.index_cast %swap3A_505 : i32 to index
      %swap3A_507 = arith.index_cast %add3A_483 : i32 to index
      %swap3A_508 = arith.constant 16 : index
      %swap3A_509 = tpu.vector_load %arg10[%swap3A_506, %swap3A_507, %swap3A_508] {strides = array<i32>} : memref<2x128x128xf32, #tpu.memory_space<vmem>>, vector<16xf32>,
      tpu.vector_store %arg10[%swap3A_506, %swap3A_507, %swap3A_508], %mul3A_504 {strides = array<i32>} : memref<2x128x128xf32, #tpu.memory_space<vmem>>, vector<16xf32>,
      %get3A_510 = arith.constant 0 : i32
      %get3A_511 = arith.index_cast %get3A_510 : i32 to index
      %get3A_512 = arith.index_cast %add3A_483 : i32 to index
      %get3A_513 = arith.constant 32 : index
      %get3A_514 = tpu.vector_load %arg10[%get3A_511, %get3A_512, %get3A_513] {strides = array<i32>} : memref<2x128x128xf32, #tpu.memory_space<vmem>>, vector<16xf32>,
      %mul3A_515 = arith.mulf %get3A_514, %gather3A_487 : vector<16xf32>
      %swap3A_516 = arith.constant 0 : i32
      %swap3A_517 = arith.index_cast %swap3A_516 : i32 to index
      %swap3A_518 = arith.index_cast %add3A_483 : i32 to index
      %swap3A_519 = arith.constant 32 : index
      %swap3A_520 = tpu.vector_load %arg10[%swap3A_517, %swap3A_518, %swap3A_519] {strides = array<i32>} : memref<2x128x128xf32, #tpu.memory_space<vmem>>, vector<16xf32>,
      tpu.vector_store %arg10[%swap3A_517, %swap3A_518, %swap3A_519], %mul3A_515 {strides = array<i32>} : memref<2x128x128xf32, #tpu.memory_space<vmem>>, vector<16xf32>,
      %get3A_521 = arith.constant 0 : i32
      %get3A_522 = arith.index_cast %get3A_521 : i32 to index
      %get3A_523 = arith.index_cast %add3A_483 : i32 to index
      %get3A_524 = arith.constant 48 : index
      %get3A_525 = tpu.vector_load %arg10[%get3A_522, %get3A_523, %get3A_524] {strides = array<i32>} : memref<2x128x128xf32, #tpu.memory_space<vmem>>, vector<16xf32>,
      %mul3A_526 = arith.mulf %get3A_525, %gather3A_487 : vector<16xf32>
      %swap3A_527 = arith.constant 0 : i32
      %swap3A_528 = arith.index_cast %swap3A_527 : i32 to index
      %swap3A_529 = arith.index_cast %add3A_483 : i32 to index
      %swap3A_530 = arith.constant 48 : index
      %swap3A_531 = tpu.vector_load %arg10[%swap3A_528, %swap3A_529, %swap3A_530] {strides = array<i32>} : memref<2x128x128xf32, #tpu.memory_space<vmem>>, vector<16xf32>,
      tpu.vector_store %arg10[%swap3A_528, %swap3A_529, %swap3A_530], %mul3A_526 {strides = array<i32>} : memref<2x128x128xf32, #tpu.memory_space<vmem>>, vector<16xf32>,
      %get3A_532 = arith.constant 0 : i32
      %get3A_533 = arith.index_cast %get3A_532 : i32 to index
      %get3A_534 = arith.index_cast %add3A_483 : i32 to index
      %get3A_535 = arith.constant 64 : index
      %get3A_536 = tpu.vector_load %arg10[%get3A_533, %get3A_534, %get3A_535] {strides = array<i32>} : memref<2x128x128xf32, #tpu.memory_space<vmem>>, vector<16xf32>,
      %mul3A_537 = arith.mulf %get3A_536, %gather3A_487 : vector<16xf32>
      %swap3A_538 = arith.constant 0 : i32
      %swap3A_539 = arith.index_cast %swap3A_538 : i32 to index
      %swap3A_540 = arith.index_cast %add3A_483 : i32 to index
      %swap3A_541 = arith.constant 64 : index
      %swap3A_542 = tpu.vector_load %arg10[%swap3A_539, %swap3A_540, %swap3A_541] {strides = array<i32>} : memref<2x128x128xf32, #tpu.memory_space<vmem>>, vector<16xf32>,
      tpu.vector_store %arg10[%swap3A_539, %swap3A_540, %swap3A_541], %mul3A_537 {strides = array<i32>} : memref<2x128x128xf32, #tpu.memory_space<vmem>>, vector<16xf32>,
      %get3A_543 = arith.constant 0 : i32
      %get3A_544 = arith.index_cast %get3A_543 : i32 to index
      %get3A_545 = arith.index_cast %add3A_483 : i32 to index
      %get3A_546 = arith.constant 80 : index
      %get3A_547 = tpu.vector_load %arg10[%get3A_544, %get3A_545, %get3A_546] {strides = array<i32>} : memref<2x128x128xf32, #tpu.memory_space<vmem>>, vector<16xf32>,
      %mul3A_548 = arith.mulf %get3A_547, %gather3A_487 : vector<16xf32>
      %swap3A_549 = arith.constant 0 : i32
      %swap3A_550 = arith.index_cast %swap3A_549 : i32 to index
      %swap3A_551 = arith.index_cast %add3A_483 : i32 to index
      %swap3A_552 = arith.constant 80 : index
      %swap3A_553 = tpu.vector_load %arg10[%swap3A_550, %swap3A_551, %swap3A_552] {strides = array<i32>} : memref<2x128x128xf32, #tpu.memory_space<vmem>>, vector<16xf32>,
      tpu.vector_store %arg10[%swap3A_550, %swap3A_551, %swap3A_552], %mul3A_548 {strides = array<i32>} : memref<2x128x128xf32, #tpu.memory_space<vmem>>, vector<16xf32>,
      %get3A_554 = arith.constant 0 : i32
      %get3A_555 = arith.index_cast %get3A_554 : i32 to index
      %get3A_556 = arith.index_cast %add3A_483 : i32 to index
      %get3A_557 = arith.constant 96 : index
      %get3A_558 = tpu.vector_load %arg10[%get3A_555, %get3A_556, %get3A_557] {strides = array<i32>} : memref<2x128x128xf32, #tpu.memory_space<vmem>>, vector<16xf32>,
      %mul3A_559 = arith.mulf %get3A_558, %gather3A_487 : vector<16xf32>
      %swap3A_560 = arith.constant 0 : i32
      %swap3A_561 = arith.index_cast %swap3A_560 : i32 to index
      %swap3A_562 = arith.index_cast %add3A_483 : i32 to index
      %swap3A_563 = arith.constant 96 : index
      %swap3A_564 = tpu.vector_load %arg10[%swap3A_561, %swap3A_562, %swap3A_563] {strides = array<i32>} : memref<2x128x128xf32, #tpu.memory_space<vmem>>, vector<16xf32>,
      tpu.vector_store %arg10[%swap3A_561, %swap3A_562, %swap3A_563], %mul3A_559 {strides = array<i32>} : memref<2x128x128xf32, #tpu.memory_space<vmem>>, vector<16xf32>,
      %get3A_565 = arith.constant 0 : i32
      %get3A_566 = arith.index_cast %get3A_565 : i32 to index
      %get3A_567 = arith.index_cast %add3A_483 : i32 to index
      %get3A_568 = arith.constant 112 : index
      %get3A_569 = tpu.vector_load %arg10[%get3A_566, %get3A_567, %get3A_568] {strides = array<i32>} : memref<2x128x128xf32, #tpu.memory_space<vmem>>, vector<16xf32>,
      %mul3A_570 = arith.mulf %get3A_569, %gather3A_487 : vector<16xf32>
      %swap3A_571 = arith.constant 0 : i32
      %swap3A_572 = arith.index_cast %swap3A_571 : i32 to index
      %swap3A_573 = arith.index_cast %add3A_483 : i32 to index
      %swap3A_574 = arith.constant 112 : index
      %swap3A_575 = tpu.vector_load %arg10[%swap3A_572, %swap3A_573, %swap3A_574] {strides = array<i32>} : memref<2x128x128xf32, #tpu.memory_space<vmem>>, vector<16xf32>,
      tpu.vector_store %arg10[%swap3A_572, %swap3A_573, %swap3A_574], %mul3A_570 {strides = array<i32>} : memref<2x128x128xf32, #tpu.memory_space<vmem>>, vector<16xf32>,
      %mul3A_576 = arith.constant 4 : i32
      %mul3A_577 = arith.muli %scan3A_289, %mul3A_576 : i32
      %add3A_578 = arith.constant 3 : i32
      %add3A_579 = arith.addi %mul3A_577, %add3A_578 : i32
      %add3A_580 = arith.constant 0 : i32
      %add3A_581 = arith.addi %add3A_580, %add3A_579 : i32
      %broadcast_in_dim3A_582 = vector.broadcast %add3A_581 : i32 to vector<16xi32>
      %gather3A_583 = tpu.vector_load_idx %arg9[%broadcast_in_dim3A_582] : memref<256xf32, #tpu.memory_space<vmem>>[vector<16xi32>], vector<16xf32>,
      %get3A_584 = arith.constant 0 : i32
      %get3A_585 = arith.index_cast %get3A_584 : i32 to index
      %get3A_586 = arith.index_cast %add3A_579 : i32 to index
      %get3A_587 = arith.constant 0 : index
      %get3A_588 = tpu.vector_load %arg10[%get3A_585, %get3A_586, %get3A_587] {strides = array<i32>} : memref<2x128x128xf32, #tpu.memory_space<vmem>>, vector<16xf32>,
      %mul3A_589 = arith.mulf %get3A_588, %gather3A_583 : vector<16xf32>
      %swap3A_590 = arith.constant 0 : i32
      %swap3A_591 = arith.index_cast %swap3A_590 : i32 to index
      %swap3A_592 = arith.index_cast %add3A_579 : i32 to index
      %swap3A_593 = arith.constant 0 : index
      %swap3A_594 = tpu.vector_load %arg10[%swap3A_591, %swap3A_592, %swap3A_593] {strides = array<i32>} : memref<2x128x128xf32, #tpu.memory_space<vmem>>, vector<16xf32>,
      tpu.vector_store %arg10[%swap3A_591, %swap3A_592, %swap3A_593], %mul3A_589 {strides = array<i32>} : memref<2x128x128xf32, #tpu.memory_space<vmem>>, vector<16xf32>,
      %get3A_595 = arith.constant 0 : i32
      %get3A_596 = arith.index_cast %get3A_595 : i32 to index
      %get3A_597 = arith.index_cast %add3A_579 : i32 to index
      %get3A_598 = arith.constant 16 : index
      %get3A_599 = tpu.vector_load %arg10[%get3A_596, %get3A_597, %get3A_598] {strides = array<i32>} : memref<2x128x128xf32, #tpu.memory_space<vmem>>, vector<16xf32>,
      %mul3A_600 = arith.mulf %get3A_599, %gather3A_583 : vector<16xf32>
      %swap3A_601 = arith.constant 0 : i32
      %swap3A_602 = arith.index_cast %swap3A_601 : i32 to index
      %swap3A_603 = arith.index_cast %add3A_579 : i32 to index
      %swap3A_604 = arith.constant 16 : index
      %swap3A_605 = tpu.vector_load %arg10[%swap3A_602, %swap3A_603, %swap3A_604] {strides = array<i32>} : memref<2x128x128xf32, #tpu.memory_space<vmem>>, vector<16xf32>,
      tpu.vector_store %arg10[%swap3A_602, %swap3A_603, %swap3A_604], %mul3A_600 {strides = array<i32>} : memref<2x128x128xf32, #tpu.memory_space<vmem>>, vector<16xf32>,
      %get3A_606 = arith.constant 0 : i32
      %get3A_607 = arith.index_cast %get3A_606 : i32 to index
      %get3A_608 = arith.index_cast %add3A_579 : i32 to index
      %get3A_609 = arith.constant 32 : index
      %get3A_610 = tpu.vector_load %arg10[%get3A_607, %get3A_608, %get3A_609] {strides = array<i32>} : memref<2x128x128xf32, #tpu.memory_space<vmem>>, vector<16xf32>,
      %mul3A_611 = arith.mulf %get3A_610, %gather3A_583 : vector<16xf32>
      %swap3A_612 = arith.constant 0 : i32
      %swap3A_613 = arith.index_cast %swap3A_612 : i32 to index
      %swap3A_614 = arith.index_cast %add3A_579 : i32 to index
      %swap3A_615 = arith.constant 32 : index
      %swap3A_616 = tpu.vector_load %arg10[%swap3A_613, %swap3A_614, %swap3A_615] {strides = array<i32>} : memref<2x128x128xf32, #tpu.memory_space<vmem>>, vector<16xf32>,
      tpu.vector_store %arg10[%swap3A_613, %swap3A_614, %swap3A_615], %mul3A_611 {strides = array<i32>} : memref<2x128x128xf32, #tpu.memory_space<vmem>>, vector<16xf32>,
      %get3A_617 = arith.constant 0 : i32
      %get3A_618 = arith.index_cast %get3A_617 : i32 to index
      %get3A_619 = arith.index_cast %add3A_579 : i32 to index
      %get3A_620 = arith.constant 48 : index
      %get3A_621 = tpu.vector_load %arg10[%get3A_618, %get3A_619, %get3A_620] {strides = array<i32>} : memref<2x128x128xf32, #tpu.memory_space<vmem>>, vector<16xf32>,
      %mul3A_622 = arith.mulf %get3A_621, %gather3A_583 : vector<16xf32>
      %swap3A_623 = arith.constant 0 : i32
      %swap3A_624 = arith.index_cast %swap3A_623 : i32 to index
      %swap3A_625 = arith.index_cast %add3A_579 : i32 to index
      %swap3A_626 = arith.constant 48 : index
      %swap3A_627 = tpu.vector_load %arg10[%swap3A_624, %swap3A_625, %swap3A_626] {strides = array<i32>} : memref<2x128x128xf32, #tpu.memory_space<vmem>>, vector<16xf32>,
      tpu.vector_store %arg10[%swap3A_624, %swap3A_625, %swap3A_626], %mul3A_622 {strides = array<i32>} : memref<2x128x128xf32, #tpu.memory_space<vmem>>, vector<16xf32>,
      %get3A_628 = arith.constant 0 : i32
      %get3A_629 = arith.index_cast %get3A_628 : i32 to index
      %get3A_630 = arith.index_cast %add3A_579 : i32 to index
      %get3A_631 = arith.constant 64 : index
      %get3A_632 = tpu.vector_load %arg10[%get3A_629, %get3A_630, %get3A_631] {strides = array<i32>} : memref<2x128x128xf32, #tpu.memory_space<vmem>>, vector<16xf32>,
      %mul3A_633 = arith.mulf %get3A_632, %gather3A_583 : vector<16xf32>
      %swap3A_634 = arith.constant 0 : i32
      %swap3A_635 = arith.index_cast %swap3A_634 : i32 to index
      %swap3A_636 = arith.index_cast %add3A_579 : i32 to index
      %swap3A_637 = arith.constant 64 : index
      %swap3A_638 = tpu.vector_load %arg10[%swap3A_635, %swap3A_636, %swap3A_637] {strides = array<i32>} : memref<2x128x128xf32, #tpu.memory_space<vmem>>, vector<16xf32>,
      tpu.vector_store %arg10[%swap3A_635, %swap3A_636, %swap3A_637], %mul3A_633 {strides = array<i32>} : memref<2x128x128xf32, #tpu.memory_space<vmem>>, vector<16xf32>,
      %get3A_639 = arith.constant 0 : i32
      %get3A_640 = arith.index_cast %get3A_639 : i32 to index
      %get3A_641 = arith.index_cast %add3A_579 : i32 to index
      %get3A_642 = arith.constant 80 : index
      %get3A_643 = tpu.vector_load %arg10[%get3A_640, %get3A_641, %get3A_642] {strides = array<i32>} : memref<2x128x128xf32, #tpu.memory_space<vmem>>, vector<16xf32>,
      %mul3A_644 = arith.mulf %get3A_643, %gather3A_583 : vector<16xf32>
      %swap3A_645 = arith.constant 0 : i32
      %swap3A_646 = arith.index_cast %swap3A_645 : i32 to index
      %swap3A_647 = arith.index_cast %add3A_579 : i32 to index
      %swap3A_648 = arith.constant 80 : index
      %swap3A_649 = tpu.vector_load %arg10[%swap3A_646, %swap3A_647, %swap3A_648] {strides = array<i32>} : memref<2x128x128xf32, #tpu.memory_space<vmem>>, vector<16xf32>,
      tpu.vector_store %arg10[%swap3A_646, %swap3A_647, %swap3A_648], %mul3A_644 {strides = array<i32>} : memref<2x128x128xf32, #tpu.memory_space<vmem>>, vector<16xf32>,
      %get3A_650 = arith.constant 0 : i32
      %get3A_651 = arith.index_cast %get3A_650 : i32 to index
      %get3A_652 = arith.index_cast %add3A_579 : i32 to index
      %get3A_653 = arith.constant 96 : index
      %get3A_654 = tpu.vector_load %arg10[%get3A_651, %get3A_652, %get3A_653] {strides = array<i32>} : memref<2x128x128xf32, #tpu.memory_space<vmem>>, vector<16xf32>,
      %mul3A_655 = arith.mulf %get3A_654, %gather3A_583 : vector<16xf32>
      %swap3A_656 = arith.constant 0 : i32
      %swap3A_657 = arith.index_cast %swap3A_656 : i32 to index
      %swap3A_658 = arith.index_cast %add3A_579 : i32 to index
      %swap3A_659 = arith.constant 96 : index
      %swap3A_660 = tpu.vector_load %arg10[%swap3A_657, %swap3A_658, %swap3A_659] {strides = array<i32>} : memref<2x128x128xf32, #tpu.memory_space<vmem>>, vector<16xf32>,
      tpu.vector_store %arg10[%swap3A_657, %swap3A_658, %swap3A_659], %mul3A_655 {strides = array<i32>} : memref<2x128x128xf32, #tpu.memory_space<vmem>>, vector<16xf32>,
      %get3A_661 = arith.constant 0 : i32
      %get3A_662 = arith.index_cast %get3A_661 : i32 to index
      %get3A_663 = arith.index_cast %add3A_579 : i32 to index
      %get3A_664 = arith.constant 112 : index
      %get3A_665 = tpu.vector_load %arg10[%get3A_662, %get3A_663, %get3A_664] {strides = array<i32>} : memref<2x128x128xf32, #tpu.memory_space<vmem>>, vector<16xf32>,
      %mul3A_666 = arith.mulf %get3A_665, %gather3A_583 : vector<16xf32>
      %swap3A_667 = arith.constant 0 : i32
      %swap3A_668 = arith.index_cast %swap3A_667 : i32 to index
      %swap3A_669 = arith.index_cast %add3A_579 : i32 to index
      %swap3A_670 = arith.constant 112 : index
      %swap3A_671 = tpu.vector_load %arg10[%swap3A_668, %swap3A_669, %swap3A_670] {strides = array<i32>} : memref<2x128x128xf32, #tpu.memory_space<vmem>>, vector<16xf32>,
      tpu.vector_store %arg10[%swap3A_668, %swap3A_669, %swap3A_670], %mul3A_666 {strides = array<i32>} : memref<2x128x128xf32, #tpu.memory_space<vmem>>, vector<16xf32>,
    }
    %scan3A_129 = arith.constant 32 : i32
    %dma_start3A_130 = arith.constant 0 : i32
    %dma_start3A_131 = arith.constant 0 : i32
    %dma_start3A_132 = arith.constant 0 : i32
    %dma_start3A_133 = arith.constant 0 : i32
    %dma_start3A_134 = tpu.memref_slice %arg10[%dma_start3A_130, %dma_start3A_132, %dma_start3A_133] : memref<2x128x128xf32, #tpu.memory_space<vmem>> -> memref<1x128x128xf32, #tpu.memory_space<vmem>>
    %dma_start3A_135 = tpu.memref_squeeze %dma_start3A_134 : memref<1x128x128xf32, #tpu.memory_space<vmem>> -> memref<128x128xf32, #tpu.memory_space<vmem>>
    %dma_start3A_136 = arith.constant 0 : i32
    %dma_start3A_137 = tpu.memref_slice %arg8[%dma_start3A_131, %dma_start3A_136] : memref<2x128xi32, #tpu.memory_space<vmem>> -> memref<1x128xi32, #tpu.memory_space<vmem>>
    %dma_start3A_138 = tpu.memref_squeeze %dma_start3A_137 : memref<1x128xi32, #tpu.memory_space<vmem>> -> memref<128xi32, #tpu.memory_space<vmem>>
    %dma_start3A_139 = arith.constant 0 : i32
    %dma_start3A_140 = arith.constant 0 : i32
    %dma_start3A_141 = tpu.memref_slice %arg11[%dma_start3A_139, %dma_start3A_140] : memref<10000x128xf32, #tpu.memory_space<vmem_shared>> -> memref<10000x128xf32, #tpu.memory_space<vmem_shared>>
    tpu.enqueue_indirect_dma source(%dma_start3A_135 : memref<128x128xf32, #tpu.memory_space<vmem>>) target(%dma_start3A_141 : memref<10000x128xf32, #tpu.memory_space<vmem_shared>>) offsets(%dma_start3A_138 : memref<128xi32, #tpu.memory_space<vmem>>) semaphore(%arg17 : memref<!tpu.dma_semaphore, #tpu.memory_space<semaphore_mem>>) {add = true}
    %mul3A_142 = arith.constant 81 : i32
    %mul3A_143 = arith.muli %add3A, %mul3A_142 : i32
    %add3A_144 = arith.constant 2 : i32
    %add3A_145 = arith.addi %mul3A_143, %add3A_144 : i32
    %mul3A_146 = arith.constant 512 : i32
    %mul3A_147 = arith.muli %add3A_145, %mul3A_146 : i32
    %multiple_of3A_148 = tpu.assume_multiple %mul3A_147, 128 : i32
    %dma_start3A_149 = arith.constant 0 : i32
    %dma_start3A_150 = tpu.memref_slice %arg7[%dma_start3A_149] : memref<1024xi32, #tpu.memory_space<vmem>> -> memref<384xi32, #tpu.memory_space<vmem>>
    %dma_start3A_151 = tpu.memref_slice %arg4[%multiple_of3A_148] : memref<1327104xi32, #tpu.memory_space<hbm>> -> memref<384xi32, #tpu.memory_space<hbm>>
    %dma_start3A_152 = arith.constant 0 : i32
    %dma_start3A_153 = tpu.memref_slice %arg7[%dma_start3A_152] : memref<1024xi32, #tpu.memory_space<vmem>> -> memref<384xi32, #tpu.memory_space<vmem>>
    %dma_start3A_154 = tpu.memref_slice %arg4[%multiple_of3A_148] : memref<1327104xi32, #tpu.memory_space<hbm>> -> memref<384xi32, #tpu.memory_space<hbm>>
    tpu.enqueue_dma source(%dma_start3A_154 : memref<384xi32, #tpu.memory_space<hbm>>) target(%dma_start3A_153 : memref<384xi32, #tpu.memory_space<vmem>>) target_semaphore(%arg13 : memref<!tpu.dma_semaphore, #tpu.memory_space<semaphore_mem>>)
    %mul3A_155 = arith.constant 81 : i32
    %mul3A_156 = arith.muli %add3A, %mul3A_155 : i32
    %add3A_157 = arith.constant 1 : i32
    %add3A_158 = arith.addi %mul3A_156, %add3A_157 : i32
    %mul3A_159 = arith.constant 512 : i32
    %mul3A_160 = arith.muli %add3A_158, %mul3A_159 : i32
    %multiple_of3A_161 = tpu.assume_multiple %mul3A_160, 128 : i32
    %dma_wait3A_162 = arith.constant 512 : i32
    %dma_wait3A_163 = tpu.memref_slice %arg7[%dma_wait3A_162] : memref<1024xi32, #tpu.memory_space<vmem>> -> memref<384xi32, #tpu.memory_space<vmem>>
    %dma_wait3A_164 = tpu.memref_slice %arg4[%multiple_of3A_161] : memref<1327104xi32, #tpu.memory_space<hbm>> -> memref<384xi32, #tpu.memory_space<hbm>>
    %dma_wait3A_165 = arith.constant 512 : i32
    %dma_wait3A_166 = tpu.memref_slice %arg7[%dma_wait3A_165] : memref<1024xi32, #tpu.memory_space<vmem>> -> memref<384xi32, #tpu.memory_space<vmem>>
    %dma_wait3A_167 = tpu.memref_slice %arg4[%multiple_of3A_161] : memref<1327104xi32, #tpu.memory_space<hbm>> -> memref<384xi32, #tpu.memory_space<hbm>>
    tpu.wait_dma2 semaphore(%arg14 : memref<!tpu.dma_semaphore, #tpu.memory_space<semaphore_mem>>) src(%dma_wait3A_167 : memref<384xi32, #tpu.memory_space<hbm>>) dst(%dma_wait3A_166 : memref<384xi32, #tpu.memory_space<vmem>>)
    %get3A_168 = arith.constant 768 : index
    %get3A_169 = tpu.vector_load %arg7[%get3A_168] {strides = array<i32>} : memref<1024xi32, #tpu.memory_space<vmem>>, vector<16xi32>,
    %swap3A_170 = arith.constant 1 : i32
    %swap3A_171 = arith.index_cast %swap3A_170 : i32 to index
    %swap3A_172 = arith.constant 0 : index
    %swap3A_173 = tpu.vector_load %arg8[%swap3A_171, %swap3A_172] {strides = array<i32>} : memref<2x128xi32, #tpu.memory_space<vmem>>, vector<16xi32>,
    tpu.vector_store %arg8[%swap3A_171, %swap3A_172], %get3A_169 {strides = array<i32>} : memref<2x128xi32, #tpu.memory_space<vmem>>, vector<16xi32>,
    %get3A_174 = arith.constant 784 : index
    %get3A_175 = tpu.vector_load %arg7[%get3A_174] {strides = array<i32>} : memref<1024xi32, #tpu.memory_space<vmem>>, vector<16xi32>,
    %swap3A_176 = arith.constant 1 : i32
    %swap3A_177 = arith.index_cast %swap3A_176 : i32 to index
    %swap3A_178 = arith.constant 16 : index
    %swap3A_179 = tpu.vector_load %arg8[%swap3A_177, %swap3A_178] {strides = array<i32>} : memref<2x128xi32, #tpu.memory_space<vmem>>, vector<16xi32>,
    tpu.vector_store %arg8[%swap3A_177, %swap3A_178], %get3A_175 {strides = array<i32>} : memref<2x128xi32, #tpu.memory_space<vmem>>, vector<16xi32>,
    %get3A_180 = arith.constant 800 : index
    %get3A_181 = tpu.vector_load %arg7[%get3A_180] {strides = array<i32>} : memref<1024xi32, #tpu.memory_space<vmem>>, vector<16xi32>,
    %swap3A_182 = arith.constant 1 : i32
    %swap3A_183 = arith.index_cast %swap3A_182 : i32 to index
    %swap3A_184 = arith.constant 32 : index
    %swap3A_185 = tpu.vector_load %arg8[%swap3A_183, %swap3A_184] {strides = array<i32>} : memref<2x128xi32, #tpu.memory_space<vmem>>, vector<16xi32>,
    tpu.vector_store %arg8[%swap3A_183, %swap3A_184], %get3A_181 {strides = array<i32>} : memref<2x128xi32, #tpu.memory_space<vmem>>, vector<16xi32>,
    %get3A_186 = arith.constant 816 : index
    %get3A_187 = tpu.vector_load %arg7[%get3A_186] {strides = array<i32>} : memref<1024xi32, #tpu.memory_space<vmem>>, vector<16xi32>,
    %swap3A_188 = arith.constant 1 : i32
    %swap3A_189 = arith.index_cast %swap3A_188 : i32 to index
    %swap3A_190 = arith.constant 48 : index
    %swap3A_191 = tpu.vector_load %arg8[%swap3A_189, %swap3A_190] {strides = array<i32>} : memref<2x128xi32, #tpu.memory_space<vmem>>, vector<16xi32>,
    tpu.vector_store %arg8[%swap3A_189, %swap3A_190], %get3A_187 {strides = array<i32>} : memref<2x128xi32, #tpu.memory_space<vmem>>, vector<16xi32>,
    %get3A_192 = arith.constant 832 : index
    %get3A_193 = tpu.vector_load %arg7[%get3A_192] {strides = array<i32>} : memref<1024xi32, #tpu.memory_space<vmem>>, vector<16xi32>,
    %swap3A_194 = arith.constant 1 : i32
    %swap3A_195 = arith.index_cast %swap3A_194 : i32 to index
    %swap3A_196 = arith.constant 64 : index
    %swap3A_197 = tpu.vector_load %arg8[%swap3A_195, %swap3A_196] {strides = array<i32>} : memref<2x128xi32, #tpu.memory_space<vmem>>, vector<16xi32>,
    tpu.vector_store %arg8[%swap3A_195, %swap3A_196], %get3A_193 {strides = array<i32>} : memref<2x128xi32, #tpu.memory_space<vmem>>, vector<16xi32>,
    %get3A_198 = arith.constant 848 : index
    %get3A_199 = tpu.vector_load %arg7[%get3A_198] {strides = array<i32>} : memref<1024xi32, #tpu.memory_space<vmem>>, vector<16xi32>,
    %swap3A_200 = arith.constant 1 : i32
    %swap3A_201 = arith.index_cast %swap3A_200 : i32 to index
    %swap3A_202 = arith.constant 80 : index
    %swap3A_203 = tpu.vector_load %arg8[%swap3A_201, %swap3A_202] {strides = array<i32>} : memref<2x128xi32, #tpu.memory_space<vmem>>, vector<16xi32>,
    tpu.vector_store %arg8[%swap3A_201, %swap3A_202], %get3A_199 {strides = array<i32>} : memref<2x128xi32, #tpu.memory_space<vmem>>, vector<16xi32>,
    %get3A_204 = arith.constant 864 : index
    %get3A_205 = tpu.vector_load %arg7[%get3A_204] {strides = array<i32>} : memref<1024xi32, #tpu.memory_space<vmem>>, vector<16xi32>,
    %swap3A_206 = arith.constant 1 : i32
    %swap3A_207 = arith.index_cast %swap3A_206 : i32 to index
    %swap3A_208 = arith.constant 96 : index
    %swap3A_209 = tpu.vector_load %arg8[%swap3A_207, %swap3A_208] {strides = array<i32>} : memref<2x128xi32, #tpu.memory_space<vmem>>, vector<16xi32>,
    tpu.vector_store %arg8[%swap3A_207, %swap3A_208], %get3A_205 {strides = array<i32>} : memref<2x128xi32, #tpu.memory_space<vmem>>, vector<16xi32>,
    %get3A_210 = arith.constant 880 : index
    %get3A_211 = tpu.vector_load %arg7[%get3A_210] {strides = array<i32>} : memref<1024xi32, #tpu.memory_space<vmem>>, vector<16xi32>,
    %swap3A_212 = arith.constant 1 : i32
    %swap3A_213 = arith.index_cast %swap3A_212 : i32 to index
    %swap3A_214 = arith.constant 112 : index
    %swap3A_215 = tpu.vector_load %arg8[%swap3A_213, %swap3A_214] {strides = array<i32>} : memref<2x128xi32, #tpu.memory_space<vmem>>, vector<16xi32>,
    tpu.vector_store %arg8[%swap3A_213, %swap3A_214], %get3A_211 {strides = array<i32>} : memref<2x128xi32, #tpu.memory_space<vmem>>, vector<16xi32>,
    %dma_start3A_216 = arith.constant 1 : i32
    %dma_start3A_217 = arith.constant 0 : i32
    %dma_start3A_218 = arith.constant 0 : i32
    %dma_start3A_219 = tpu.memref_slice %arg10[%dma_start3A_216, %dma_start3A_217, %dma_start3A_218] : memref<2x128x128xf32, #tpu.memory_space<vmem>> -> memref<1x128x128xf32, #tpu.memory_space<vmem>>
    %dma_start3A_220 = tpu.memref_squeeze %dma_start3A_219 : memref<1x128x128xf32, #tpu.memory_space<vmem>> -> memref<128x128xf32, #tpu.memory_space<vmem>>
    %dma_start3A_221 = arith.constant 512 : i32
    %dma_start3A_222 = tpu.memref_slice %arg7[%dma_start3A_221] : memref<1024xi32, #tpu.memory_space<vmem>> -> memref<128xi32, #tpu.memory_space<vmem>>
    %dma_start3A_223 = arith.constant 0 : i32
    %dma_start3A_224 = arith.constant 0 : i32
    %dma_start3A_225 = tpu.memref_slice %arg2[%dma_start3A_223, %dma_start3A_224] : memref<40000x128xf32, #tpu.memory_space<hbm>> -> memref<40000x128xf32, #tpu.memory_space<hbm>>
    tpu.enqueue_indirect_dma source(%dma_start3A_225 : memref<40000x128xf32, #tpu.memory_space<hbm>>) target(%dma_start3A_220 : memref<128x128xf32, #tpu.memory_space<vmem>>) offsets(%dma_start3A_222 : memref<128xi32, #tpu.memory_space<vmem>>) semaphore(%arg16 : memref<!tpu.dma_semaphore, #tpu.memory_space<semaphore_mem>>)
    %dma_start3A_226 = arith.constant 128 : i32
    %dma_start3A_227 = tpu.memref_slice %arg9[%dma_start3A_226] : memref<256xf32, #tpu.memory_space<vmem>> -> memref<128xf32, #tpu.memory_space<vmem>>
    %dma_start3A_228 = arith.constant 640 : i32
    %dma_start3A_229 = tpu.memref_slice %arg7[%dma_start3A_228] : memref<1024xi32, #tpu.memory_space<vmem>> -> memref<128xi32, #tpu.memory_space<vmem>>
    %dma_start3A_230 = arith.constant 0 : i32
    %dma_start3A_231 = tpu.memref_slice %arg12[%dma_start3A_230] : memref<40960xf32, #tpu.memory_space<vmem_shared>> -> memref<40960xf32, #tpu.memory_space<vmem_shared>>
    tpu.enqueue_indirect_dma source(%dma_start3A_231 : memref<40960xf32, #tpu.memory_space<vmem_shared>>) target(%dma_start3A_227 : memref<128xf32, #tpu.memory_space<vmem>>) offsets(%dma_start3A_229 : memref<128xi32, #tpu.memory_space<vmem>>) semaphore(%arg20 : memref<!tpu.dma_semaphore, #tpu.memory_space<semaphore_mem>>)
    %scan3A_232 = arith.constant 0 : i32
    %scan3A_233 = arith.constant 0 : i32
    %scan3A_234 = arith.constant 39 : i32
    %scan3A_235 = arith.addi %scan3A_233, %scan3A_234 : i32
    %scan3A_236 = arith.constant 1 : i32
    scf.for %scan3A_289 = %scan3A_233 to %scan3A_235 step %scan3A_236  : i32 {
      %mul3A_290 = arith.constant 2 : i32
      %mul3A_291 = arith.muli %mul3A_290, %scan3A_289 : i32
      %add3A_292 = arith.constant 1 : i32
      %add3A_293 = arith.addi %mul3A_291, %add3A_292 : i32
      %dma_wait3A_294 = arith.constant 1 : i32
      %dma_wait3A_295 = arith.constant 0 : i32
      %dma_wait3A_296 = arith.constant 0 : i32
      %dma_wait3A_297 = tpu.memref_slice %arg10[%dma_wait3A_294, %dma_wait3A_295, %dma_wait3A_296] : memref<2x128x128xf32, #tpu.memory_space<vmem>> -> memref<1x128x128xf32, #tpu.memory_space<vmem>>
      %dma_wait3A_298 = tpu.memref_squeeze %dma_wait3A_297 : memref<1x128x128xf32, #tpu.memory_space<vmem>> -> memref<128x128xf32, #tpu.memory_space<vmem>>
      %dma_wait3A_299 = arith.constant 512 : i32
      %dma_wait3A_300 = tpu.memref_slice %arg7[%dma_wait3A_299] : memref<1024xi32, #tpu.memory_space<vmem>> -> memref<128xi32, #tpu.memory_space<vmem>>
      %dma_wait3A_301 = arith.constant 0 : i32
      %dma_wait3A_302 = arith.constant 0 : i32
      %dma_wait3A_303 = tpu.memref_slice %arg2[%dma_wait3A_301, %dma_wait3A_302] : memref<40000x128xf32, #tpu.memory_space<hbm>> -> memref<40000x128xf32, #tpu.memory_space<hbm>>
      tpu.wait_indirect_dma semaphore(%arg16 : memref<!tpu.dma_semaphore, #tpu.memory_space<semaphore_mem>>) src(%dma_wait3A_303 : memref<40000x128xf32, #tpu.memory_space<hbm>>) dst(%dma_wait3A_298 : memref<128x128xf32, #tpu.memory_space<vmem>>)
      %dma_wait3A_304 = arith.constant 128 : i32
      %dma_wait3A_305 = tpu.memref_slice %arg9[%dma_wait3A_304] : memref<256xf32, #tpu.memory_space<vmem>> -> memref<128xf32, #tpu.memory_space<vmem>>
      %dma_wait3A_306 = arith.constant 640 : i32
      %dma_wait3A_307 = tpu.memref_slice %arg7[%dma_wait3A_306] : memref<1024xi32, #tpu.memory_space<vmem>> -> memref<128xi32, #tpu.memory_space<vmem>>
      %dma_wait3A_308 = arith.constant 0 : i32
      %dma_wait3A_309 = tpu.memref_slice %arg12[%dma_wait3A_308] : memref<40960xf32, #tpu.memory_space<vmem_shared>> -> memref<40960xf32, #tpu.memory_space<vmem_shared>>
      tpu.wait_indirect_dma semaphore(%arg20 : memref<!tpu.dma_semaphore, #tpu.memory_space<semaphore_mem>>) src(%dma_wait3A_309 : memref<40960xf32, #tpu.memory_space<vmem_shared>>) dst(%dma_wait3A_305 : memref<128xf32, #tpu.memory_space<vmem>>)
      %scan3A_310 = arith.constant 0 : i32
      %scan3A_311 = arith.constant 0 : i32
      %scan3A_312 = arith.constant 32 : i32
      %scan3A_313 = arith.addi %scan3A_311, %scan3A_312 : i32
      %scan3A_314 = arith.constant 1 : i32
      scf.for %scan3A_574 = %scan3A_311 to %scan3A_313 step %scan3A_314  : i32 {
        %mul3A_575 = arith.constant 4 : i32
        %mul3A_576 = arith.muli %scan3A_574, %mul3A_575 : i32
        %add3A_577 = arith.constant 0 : i32
        %add3A_578 = arith.addi %mul3A_576, %add3A_577 : i32
        %add3A_579 = arith.constant 128 : i32
        %add3A_580 = arith.addi %add3A_579, %add3A_578 : i32
        %broadcast_in_dim3A = vector.broadcast %add3A_580 : i32 to vector<16xi32>
        %gather3A = tpu.vector_load_idx %arg9[%broadcast_in_dim3A] : memref<256xf32, #tpu.memory_space<vmem>>[vector<16xi32>], vector<16xf32>,
        %get3A_581 = arith.constant 1 : i32
        %get3A_582 = arith.index_cast %get3A_581 : i32 to index
        %get3A_583 = arith.index_cast %add3A_578 : i32 to index
        %get3A_584 = arith.constant 0 : index
        %get3A_585 = tpu.vector_load %arg10[%get3A_582, %get3A_583, %get3A_584] {strides = array<i32>} : memref<2x128x128xf32, #tpu.memory_space<vmem>>, vector<16xf32>,
        %mul3A_586 = arith.mulf %get3A_585, %gather3A : vector<16xf32>
        %swap3A_587 = arith.constant 1 : i32
        %swap3A_588 = arith.index_cast %swap3A_587 : i32 to index
        %swap3A_589 = arith.index_cast %add3A_578 : i32 to index
        %swap3A_590 = arith.constant 0 : index
        %swap3A_591 = tpu.vector_load %arg10[%swap3A_588, %swap3A_589, %swap3A_590] {strides = array<i32>} : memref<2x128x128xf32, #tpu.memory_space<vmem>>, vector<16xf32>,
        tpu.vector_store %arg10[%swap3A_588, %swap3A_589, %swap3A_590], %mul3A_586 {strides = array<i32>} : memref<2x128x128xf32, #tpu.memory_space<vmem>>, vector<16xf32>,
        %get3A_592 = arith.constant 1 : i32
        %get3A_593 = arith.index_cast %get3A_592 : i32 to index
        %get3A_594 = arith.index_cast %add3A_578 : i32 to index
        %get3A_595 = arith.constant 16 : index
        %get3A_596 = tpu.vector_load %arg10[%get3A_593, %get3A_594, %get3A_595] {strides = array<i32>} : memref<2x128x128xf32, #tpu.memory_space<vmem>>, vector<16xf32>,
        %mul3A_597 = arith.mulf %get3A_596, %gather3A : vector<16xf32>
        %swap3A_598 = arith.constant 1 : i32
        %swap3A_599 = arith.index_cast %swap3A_598 : i32 to index
        %swap3A_600 = arith.index_cast %add3A_578 : i32 to index
        %swap3A_601 = arith.constant 16 : index
        %swap3A_602 = tpu.vector_load %arg10[%swap3A_599, %swap3A_600, %swap3A_601] {strides = array<i32>} : memref<2x128x128xf32, #tpu.memory_space<vmem>>, vector<16xf32>,
        tpu.vector_store %arg10[%swap3A_599, %swap3A_600, %swap3A_601], %mul3A_597 {strides = array<i32>} : memref<2x128x128xf32, #tpu.memory_space<vmem>>, vector<16xf32>,
        %get3A_603 = arith.constant 1 : i32
        %get3A_604 = arith.index_cast %get3A_603 : i32 to index
        %get3A_605 = arith.index_cast %add3A_578 : i32 to index
        %get3A_606 = arith.constant 32 : index
        %get3A_607 = tpu.vector_load %arg10[%get3A_604, %get3A_605, %get3A_606] {strides = array<i32>} : memref<2x128x128xf32, #tpu.memory_space<vmem>>, vector<16xf32>,
        %mul3A_608 = arith.mulf %get3A_607, %gather3A : vector<16xf32>
        %swap3A_609 = arith.constant 1 : i32
        %swap3A_610 = arith.index_cast %swap3A_609 : i32 to index
        %swap3A_611 = arith.index_cast %add3A_578 : i32 to index
        %swap3A_612 = arith.constant 32 : index
        %swap3A_613 = tpu.vector_load %arg10[%swap3A_610, %swap3A_611, %swap3A_612] {strides = array<i32>} : memref<2x128x128xf32, #tpu.memory_space<vmem>>, vector<16xf32>,
        tpu.vector_store %arg10[%swap3A_610, %swap3A_611, %swap3A_612], %mul3A_608 {strides = array<i32>} : memref<2x128x128xf32, #tpu.memory_space<vmem>>, vector<16xf32>,
        %get3A_614 = arith.constant 1 : i32
        %get3A_615 = arith.index_cast %get3A_614 : i32 to index
        %get3A_616 = arith.index_cast %add3A_578 : i32 to index
        %get3A_617 = arith.constant 48 : index
        %get3A_618 = tpu.vector_load %arg10[%get3A_615, %get3A_616, %get3A_617] {strides = array<i32>} : memref<2x128x128xf32, #tpu.memory_space<vmem>>, vector<16xf32>,
        %mul3A_619 = arith.mulf %get3A_618, %gather3A : vector<16xf32>
        %swap3A_620 = arith.constant 1 : i32
        %swap3A_621 = arith.index_cast %swap3A_620 : i32 to index
        %swap3A_622 = arith.index_cast %add3A_578 : i32 to index
        %swap3A_623 = arith.constant 48 : index
        %swap3A_624 = tpu.vector_load %arg10[%swap3A_621, %swap3A_622, %swap3A_623] {strides = array<i32>} : memref<2x128x128xf32, #tpu.memory_space<vmem>>, vector<16xf32>,
        tpu.vector_store %arg10[%swap3A_621, %swap3A_622, %swap3A_623], %mul3A_619 {strides = array<i32>} : memref<2x128x128xf32, #tpu.memory_space<vmem>>, vector<16xf32>,
        %get3A_625 = arith.constant 1 : i32
        %get3A_626 = arith.index_cast %get3A_625 : i32 to index
        %get3A_627 = arith.index_cast %add3A_578 : i32 to index
        %get3A_628 = arith.constant 64 : index
        %get3A_629 = tpu.vector_load %arg10[%get3A_626, %get3A_627, %get3A_628] {strides = array<i32>} : memref<2x128x128xf32, #tpu.memory_space<vmem>>, vector<16xf32>,
        %mul3A_630 = arith.mulf %get3A_629, %gather3A : vector<16xf32>
        %swap3A_631 = arith.constant 1 : i32
        %swap3A_632 = arith.index_cast %swap3A_631 : i32 to index
        %swap3A_633 = arith.index_cast %add3A_578 : i32 to index
        %swap3A_634 = arith.constant 64 : index
        %swap3A_635 = tpu.vector_load %arg10[%swap3A_632, %swap3A_633, %swap3A_634] {strides = array<i32>} : memref<2x128x128xf32, #tpu.memory_space<vmem>>, vector<16xf32>,
        tpu.vector_store %arg10[%swap3A_632, %swap3A_633, %swap3A_634], %mul3A_630 {strides = array<i32>} : memref<2x128x128xf32, #tpu.memory_space<vmem>>, vector<16xf32>,
        %get3A_636 = arith.constant 1 : i32
        %get3A_637 = arith.index_cast %get3A_636 : i32 to index
        %get3A_638 = arith.index_cast %add3A_578 : i32 to index
        %get3A_639 = arith.constant 80 : index
        %get3A_640 = tpu.vector_load %arg10[%get3A_637, %get3A_638, %get3A_639] {strides = array<i32>} : memref<2x128x128xf32, #tpu.memory_space<vmem>>, vector<16xf32>,
        %mul3A_641 = arith.mulf %get3A_640, %gather3A : vector<16xf32>
        %swap3A_642 = arith.constant 1 : i32
        %swap3A_643 = arith.index_cast %swap3A_642 : i32 to index
        %swap3A_644 = arith.index_cast %add3A_578 : i32 to index
        %swap3A_645 = arith.constant 80 : index
        %swap3A_646 = tpu.vector_load %arg10[%swap3A_643, %swap3A_644, %swap3A_645] {strides = array<i32>} : memref<2x128x128xf32, #tpu.memory_space<vmem>>, vector<16xf32>,
        tpu.vector_store %arg10[%swap3A_643, %swap3A_644, %swap3A_645], %mul3A_641 {strides = array<i32>} : memref<2x128x128xf32, #tpu.memory_space<vmem>>, vector<16xf32>,
        %get3A_647 = arith.constant 1 : i32
        %get3A_648 = arith.index_cast %get3A_647 : i32 to index
        %get3A_649 = arith.index_cast %add3A_578 : i32 to index
        %get3A_650 = arith.constant 96 : index
        %get3A_651 = tpu.vector_load %arg10[%get3A_648, %get3A_649, %get3A_650] {strides = array<i32>} : memref<2x128x128xf32, #tpu.memory_space<vmem>>, vector<16xf32>,
        %mul3A_652 = arith.mulf %get3A_651, %gather3A : vector<16xf32>
        %swap3A_653 = arith.constant 1 : i32
        %swap3A_654 = arith.index_cast %swap3A_653 : i32 to index
        %swap3A_655 = arith.index_cast %add3A_578 : i32 to index
        %swap3A_656 = arith.constant 96 : index
        %swap3A_657 = tpu.vector_load %arg10[%swap3A_654, %swap3A_655, %swap3A_656] {strides = array<i32>} : memref<2x128x128xf32, #tpu.memory_space<vmem>>, vector<16xf32>,
        tpu.vector_store %arg10[%swap3A_654, %swap3A_655, %swap3A_656], %mul3A_652 {strides = array<i32>} : memref<2x128x128xf32, #tpu.memory_space<vmem>>, vector<16xf32>,
        %get3A_658 = arith.constant 1 : i32
        %get3A_659 = arith.index_cast %get3A_658 : i32 to index
        %get3A_660 = arith.index_cast %add3A_578 : i32 to index
        %get3A_661 = arith.constant 112 : index
        %get3A_662 = tpu.vector_load %arg10[%get3A_659, %get3A_660, %get3A_661] {strides = array<i32>} : memref<2x128x128xf32, #tpu.memory_space<vmem>>, vector<16xf32>,
        %mul3A_663 = arith.mulf %get3A_662, %gather3A : vector<16xf32>
        %swap3A_664 = arith.constant 1 : i32
        %swap3A_665 = arith.index_cast %swap3A_664 : i32 to index
        %swap3A_666 = arith.index_cast %add3A_578 : i32 to index
        %swap3A_667 = arith.constant 112 : index
        %swap3A_668 = tpu.vector_load %arg10[%swap3A_665, %swap3A_666, %swap3A_667] {strides = array<i32>} : memref<2x128x128xf32, #tpu.memory_space<vmem>>, vector<16xf32>,
        tpu.vector_store %arg10[%swap3A_665, %swap3A_666, %swap3A_667], %mul3A_663 {strides = array<i32>} : memref<2x128x128xf32, #tpu.memory_space<vmem>>, vector<16xf32>,
        %mul3A_669 = arith.constant 4 : i32
        %mul3A_670 = arith.muli %scan3A_574, %mul3A_669 : i32
        %add3A_671 = arith.constant 1 : i32
        %add3A_672 = arith.addi %mul3A_670, %add3A_671 : i32
        %add3A_673 = arith.constant 128 : i32
        %add3A_674 = arith.addi %add3A_673, %add3A_672 : i32
        %broadcast_in_dim3A_675 = vector.broadcast %add3A_674 : i32 to vector<16xi32>
        %gather3A_676 = tpu.vector_load_idx %arg9[%broadcast_in_dim3A_675] : memref<256xf32, #tpu.memory_space<vmem>>[vector<16xi32>], vector<16xf32>,
        %get3A_677 = arith.constant 1 : i32
        %get3A_678 = arith.index_cast %get3A_677 : i32 to index
        %get3A_679 = arith.index_cast %add3A_672 : i32 to index
        %get3A_680 = arith.constant 0 : index
        %get3A_681 = tpu.vector_load %arg10[%get3A_678, %get3A_679, %get3A_680] {strides = array<i32>} : memref<2x128x128xf32, #tpu.memory_space<vmem>>, vector<16xf32>,
        %mul3A_682 = arith.mulf %get3A_681, %gather3A_676 : vector<16xf32>
        %swap3A_683 = arith.constant 1 : i32
        %swap3A_684 = arith.index_cast %swap3A_683 : i32 to index
        %swap3A_685 = arith.index_cast %add3A_672 : i32 to index
        %swap3A_686 = arith.constant 0 : index
        %swap3A_687 = tpu.vector_load %arg10[%swap3A_684, %swap3A_685, %swap3A_686] {strides = array<i32>} : memref<2x128x128xf32, #tpu.memory_space<vmem>>, vector<16xf32>,
        tpu.vector_store %arg10[%swap3A_684, %swap3A_685, %swap3A_686], %mul3A_682 {strides = array<i32>} : memref<2x128x128xf32, #tpu.memory_space<vmem>>, vector<16xf32>,
        %get3A_688 = arith.constant 1 : i32
        %get3A_689 = arith.index_cast %get3A_688 : i32 to index
        %get3A_690 = arith.index_cast %add3A_672 : i32 to index
        %get3A_691 = arith.constant 16 : index
        %get3A_692 = tpu.vector_load %arg10[%get3A_689, %get3A_690, %get3A_691] {strides = array<i32>} : memref<2x128x128xf32, #tpu.memory_space<vmem>>, vector<16xf32>,
        %mul3A_693 = arith.mulf %get3A_692, %gather3A_676 : vector<16xf32>
        %swap3A_694 = arith.constant 1 : i32
        %swap3A_695 = arith.index_cast %swap3A_694 : i32 to index
        %swap3A_696 = arith.index_cast %add3A_672 : i32 to index
        %swap3A_697 = arith.constant 16 : index
        %swap3A_698 = tpu.vector_load %arg10[%swap3A_695, %swap3A_696, %swap3A_697] {strides = array<i32>} : memref<2x128x128xf32, #tpu.memory_space<vmem>>, vector<16xf32>,
        tpu.vector_store %arg10[%swap3A_695, %swap3A_696, %swap3A_697], %mul3A_693 {strides = array<i32>} : memref<2x128x128xf32, #tpu.memory_space<vmem>>, vector<16xf32>,
        %get3A_699 = arith.constant 1 : i32
        %get3A_700 = arith.index_cast %get3A_699 : i32 to index
        %get3A_701 = arith.index_cast %add3A_672 : i32 to index
        %get3A_702 = arith.constant 32 : index
        %get3A_703 = tpu.vector_load %arg10[%get3A_700, %get3A_701, %get3A_702] {strides = array<i32>} : memref<2x128x128xf32, #tpu.memory_space<vmem>>, vector<16xf32>,
        %mul3A_704 = arith.mulf %get3A_703, %gather3A_676 : vector<16xf32>
        %swap3A_705 = arith.constant 1 : i32
        %swap3A_706 = arith.index_cast %swap3A_705 : i32 to index
        %swap3A_707 = arith.index_cast %add3A_672 : i32 to index
        %swap3A_708 = arith.constant 32 : index
        %swap3A_709 = tpu.vector_load %arg10[%swap3A_706, %swap3A_707, %swap3A_708] {strides = array<i32>} : memref<2x128x128xf32, #tpu.memory_space<vmem>>, vector<16xf32>,
        tpu.vector_store %arg10[%swap3A_706, %swap3A_707, %swap3A_708], %mul3A_704 {strides = array<i32>} : memref<2x128x128xf32, #tpu.memory_space<vmem>>, vector<16xf32>,
        %get3A_710 = arith.constant 1 : i32
        %get3A_711 = arith.index_cast %get3A_710 : i32 to index
        %get3A_712 = arith.index_cast %add3A_672 : i32 to index
        %get3A_713 = arith.constant 48 : index
        %get3A_714 = tpu.vector_load %arg10[%get3A_711, %get3A_712, %get3A_713] {strides = array<i32>} : memref<2x128x128xf32, #tpu.memory_space<vmem>>, vector<16xf32>,
        %mul3A_715 = arith.mulf %get3A_714, %gather3A_676 : vector<16xf32>
        %swap3A_716 = arith.constant 1 : i32
        %swap3A_717 = arith.index_cast %swap3A_716 : i32 to index
        %swap3A_718 = arith.index_cast %add3A_672 : i32 to index
        %swap3A_719 = arith.constant 48 : index
        %swap3A_720 = tpu.vector_load %arg10[%swap3A_717, %swap3A_718, %swap3A_719] {strides = array<i32>} : memref<2x128x128xf32, #tpu.memory_space<vmem>>, vector<16xf32>,
        tpu.vector_store %arg10[%swap3A_717, %swap3A_718, %swap3A_719], %mul3A_715 {strides = array<i32>} : memref<2x128x128xf32, #tpu.memory_space<vmem>>, vector<16xf32>,
        %get3A_721 = arith.constant 1 : i32
        %get3A_722 = arith.index_cast %get3A_721 : i32 to index
        %get3A_723 = arith.index_cast %add3A_672 : i32 to index
        %get3A_724 = arith.constant 64 : index
        %get3A_725 = tpu.vector_load %arg10[%get3A_722, %get3A_723, %get3A_724] {strides = array<i32>} : memref<2x128x128xf32, #tpu.memory_space<vmem>>, vector<16xf32>,
        %mul3A_726 = arith.mulf %get3A_725, %gather3A_676 : vector<16xf32>
        %swap3A_727 = arith.constant 1 : i32
        %swap3A_728 = arith.index_cast %swap3A_727 : i32 to index
        %swap3A_729 = arith.index_cast %add3A_672 : i32 to index
        %swap3A_730 = arith.constant 64 : index
        %swap3A_731 = tpu.vector_load %arg10[%swap3A_728, %swap3A_729, %swap3A_730] {strides = array<i32>} : memref<2x128x128xf32, #tpu.memory_space<vmem>>, vector<16xf32>,
        tpu.vector_store %arg10[%swap3A_728, %swap3A_729, %swap3A_730], %mul3A_726 {strides = array<i32>} : memref<2x128x128xf32, #tpu.memory_space<vmem>>, vector<16xf32>,
        %get3A_732 = arith.constant 1 : i32
        %get3A_733 = arith.index_cast %get3A_732 : i32 to index
        %get3A_734 = arith.index_cast %add3A_672 : i32 to index
        %get3A_735 = arith.constant 80 : index
        %get3A_736 = tpu.vector_load %arg10[%get3A_733, %get3A_734, %get3A_735] {strides = array<i32>} : memref<2x128x128xf32, #tpu.memory_space<vmem>>, vector<16xf32>,
        %mul3A_737 = arith.mulf %get3A_736, %gather3A_676 : vector<16xf32>
        %swap3A_738 = arith.constant 1 : i32
        %swap3A_739 = arith.index_cast %swap3A_738 : i32 to index
        %swap3A_740 = arith.index_cast %add3A_672 : i32 to index
        %swap3A_741 = arith.constant 80 : index
        %swap3A_742 = tpu.vector_load %arg10[%swap3A_739, %swap3A_740, %swap3A_741] {strides = array<i32>} : memref<2x128x128xf32, #tpu.memory_space<vmem>>, vector<16xf32>,
        tpu.vector_store %arg10[%swap3A_739, %swap3A_740, %swap3A_741], %mul3A_737 {strides = array<i32>} : memref<2x128x128xf32, #tpu.memory_space<vmem>>, vector<16xf32>,
        %get3A_743 = arith.constant 1 : i32
        %get3A_744 = arith.index_cast %get3A_743 : i32 to index
        %get3A_745 = arith.index_cast %add3A_672 : i32 to index
        %get3A_746 = arith.constant 96 : index
        %get3A_747 = tpu.vector_load %arg10[%get3A_744, %get3A_745, %get3A_746] {strides = array<i32>} : memref<2x128x128xf32, #tpu.memory_space<vmem>>, vector<16xf32>,
        %mul3A_748 = arith.mulf %get3A_747, %gather3A_676 : vector<16xf32>
        %swap3A_749 = arith.constant 1 : i32
        %swap3A_750 = arith.index_cast %swap3A_749 : i32 to index
        %swap3A_751 = arith.index_cast %add3A_672 : i32 to index
        %swap3A_752 = arith.constant 96 : index
        %swap3A_753 = tpu.vector_load %arg10[%swap3A_750, %swap3A_751, %swap3A_752] {strides = array<i32>} : memref<2x128x128xf32, #tpu.memory_space<vmem>>, vector<16xf32>,
        tpu.vector_store %arg10[%swap3A_750, %swap3A_751, %swap3A_752], %mul3A_748 {strides = array<i32>} : memref<2x128x128xf32, #tpu.memory_space<vmem>>, vector<16xf32>,
        %get3A_754 = arith.constant 1 : i32
        %get3A_755 = arith.index_cast %get3A_754 : i32 to index
        %get3A_756 = arith.index_cast %add3A_672 : i32 to index
        %get3A_757 = arith.constant 112 : index
        %get3A_758 = tpu.vector_load %arg10[%get3A_755, %get3A_756, %get3A_757] {strides = array<i32>} : memref<2x128x128xf32, #tpu.memory_space<vmem>>, vector<16xf32>,
        %mul3A_759 = arith.mulf %get3A_758, %gather3A_676 : vector<16xf32>
        %swap3A_760 = arith.constant 1 : i32
        %swap3A_761 = arith.index_cast %swap3A_760 : i32 to index
        %swap3A_762 = arith.index_cast %add3A_672 : i32 to index
        %swap3A_763 = arith.constant 112 : index
        %swap3A_764 = tpu.vector_load %arg10[%swap3A_761, %swap3A_762, %swap3A_763] {strides = array<i32>} : memref<2x128x128xf32, #tpu.memory_space<vmem>>, vector<16xf32>,
        tpu.vector_store %arg10[%swap3A_761, %swap3A_762, %swap3A_763], %mul3A_759 {strides = array<i32>} : memref<2x128x128xf32, #tpu.memory_space<vmem>>, vector<16xf32>,
        %mul3A_765 = arith.constant 4 : i32
        %mul3A_766 = arith.muli %scan3A_574, %mul3A_765 : i32
        %add3A_767 = arith.constant 2 : i32
        %add3A_768 = arith.addi %mul3A_766, %add3A_767 : i32
        %add3A_769 = arith.constant 128 : i32
        %add3A_770 = arith.addi %add3A_769, %add3A_768 : i32
        %broadcast_in_dim3A_771 = vector.broadcast %add3A_770 : i32 to vector<16xi32>
        %gather3A_772 = tpu.vector_load_idx %arg9[%broadcast_in_dim3A_771] : memref<256xf32, #tpu.memory_space<vmem>>[vector<16xi32>], vector<16xf32>,
        %get3A_773 = arith.constant 1 : i32
        %get3A_774 = arith.index_cast %get3A_773 : i32 to index
        %get3A_775 = arith.index_cast %add3A_768 : i32 to index
        %get3A_776 = arith.constant 0 : index
        %get3A_777 = tpu.vector_load %arg10[%get3A_774, %get3A_775, %get3A_776] {strides = array<i32>} : memref<2x128x128xf32, #tpu.memory_space<vmem>>, vector<16xf32>,
        %mul3A_778 = arith.mulf %get3A_777, %gather3A_772 : vector<16xf32>
        %swap3A_779 = arith.constant 1 : i32
        %swap3A_780 = arith.index_cast %swap3A_779 : i32 to index
        %swap3A_781 = arith.index_cast %add3A_768 : i32 to index
        %swap3A_782 = arith.constant 0 : index
        %swap3A_783 = tpu.vector_load %arg10[%swap3A_780, %swap3A_781, %swap3A_782] {strides = array<i32>} : memref<2x128x128xf32, #tpu.memory_space<vmem>>, vector<16xf32>,
        tpu.vector_store %arg10[%swap3A_780, %swap3A_781, %swap3A_782], %mul3A_778 {strides = array<i32>} : memref<2x128x128xf32, #tpu.memory_space<vmem>>, vector<16xf32>,
        %get3A_784 = arith.constant 1 : i32
        %get3A_785 = arith.index_cast %get3A_784 : i32 to index
        %get3A_786 = arith.index_cast %add3A_768 : i32 to index
        %get3A_787 = arith.constant 16 : index
        %get3A_788 = tpu.vector_load %arg10[%get3A_785, %get3A_786, %get3A_787] {strides = array<i32>} : memref<2x128x128xf32, #tpu.memory_space<vmem>>, vector<16xf32>,
        %mul3A_789 = arith.mulf %get3A_788, %gather3A_772 : vector<16xf32>
        %swap3A_790 = arith.constant 1 : i32
        %swap3A_791 = arith.index_cast %swap3A_790 : i32 to index
        %swap3A_792 = arith.index_cast %add3A_768 : i32 to index
        %swap3A_793 = arith.constant 16 : index
        %swap3A_794 = tpu.vector_load %arg10[%swap3A_791, %swap3A_792, %swap3A_793] {strides = array<i32>} : memref<2x128x128xf32, #tpu.memory_space<vmem>>, vector<16xf32>,
        tpu.vector_store %arg10[%swap3A_791, %swap3A_792, %swap3A_793], %mul3A_789 {strides = array<i32>} : memref<2x128x128xf32, #tpu.memory_space<vmem>>, vector<16xf32>,
        %get3A_795 = arith.constant 1 : i32
        %get3A_796 = arith.index_cast %get3A_795 : i32 to index
        %get3A_797 = arith.index_cast %add3A_768 : i32 to index
        %get3A_798 = arith.constant 32 : index
        %get3A_799 = tpu.vector_load %arg10[%get3A_796, %get3A_797, %get3A_798] {strides = array<i32>} : memref<2x128x128xf32, #tpu.memory_space<vmem>>, vector<16xf32>,
        %mul3A_800 = arith.mulf %get3A_799, %gather3A_772 : vector<16xf32>
        %swap3A_801 = arith.constant 1 : i32
        %swap3A_802 = arith.index_cast %swap3A_801 : i32 to index
        %swap3A_803 = arith.index_cast %add3A_768 : i32 to index
        %swap3A_804 = arith.constant 32 : index
        %swap3A_805 = tpu.vector_load %arg10[%swap3A_802, %swap3A_803, %swap3A_804] {strides = array<i32>} : memref<2x128x128xf32, #tpu.memory_space<vmem>>, vector<16xf32>,
        tpu.vector_store %arg10[%swap3A_802, %swap3A_803, %swap3A_804], %mul3A_800 {strides = array<i32>} : memref<2x128x128xf32, #tpu.memory_space<vmem>>, vector<16xf32>,
        %get3A_806 = arith.constant 1 : i32
        %get3A_807 = arith.index_cast %get3A_806 : i32 to index
        %get3A_808 = arith.index_cast %add3A_768 : i32 to index
        %get3A_809 = arith.constant 48 : index
        %get3A_810 = tpu.vector_load %arg10[%get3A_807, %get3A_808, %get3A_809] {strides = array<i32>} : memref<2x128x128xf32, #tpu.memory_space<vmem>>, vector<16xf32>,
        %mul3A_811 = arith.mulf %get3A_810, %gather3A_772 : vector<16xf32>
        %swap3A_812 = arith.constant 1 : i32
        %swap3A_813 = arith.index_cast %swap3A_812 : i32 to index
        %swap3A_814 = arith.index_cast %add3A_768 : i32 to index
        %swap3A_815 = arith.constant 48 : index
        %swap3A_816 = tpu.vector_load %arg10[%swap3A_813, %swap3A_814, %swap3A_815] {strides = array<i32>} : memref<2x128x128xf32, #tpu.memory_space<vmem>>, vector<16xf32>,
        tpu.vector_store %arg10[%swap3A_813, %swap3A_814, %swap3A_815], %mul3A_811 {strides = array<i32>} : memref<2x128x128xf32, #tpu.memory_space<vmem>>, vector<16xf32>,
        %get3A_817 = arith.constant 1 : i32
        %get3A_818 = arith.index_cast %get3A_817 : i32 to index
        %get3A_819 = arith.index_cast %add3A_768 : i32 to index
        %get3A_820 = arith.constant 64 : index
        %get3A_821 = tpu.vector_load %arg10[%get3A_818, %get3A_819, %get3A_820] {strides = array<i32>} : memref<2x128x128xf32, #tpu.memory_space<vmem>>, vector<16xf32>,
        %mul3A_822 = arith.mulf %get3A_821, %gather3A_772 : vector<16xf32>
        %swap3A_823 = arith.constant 1 : i32
        %swap3A_824 = arith.index_cast %swap3A_823 : i32 to index
        %swap3A_825 = arith.index_cast %add3A_768 : i32 to index
        %swap3A_826 = arith.constant 64 : index
        %swap3A_827 = tpu.vector_load %arg10[%swap3A_824, %swap3A_825, %swap3A_826] {strides = array<i32>} : memref<2x128x128xf32, #tpu.memory_space<vmem>>, vector<16xf32>,
        tpu.vector_store %arg10[%swap3A_824, %swap3A_825, %swap3A_826], %mul3A_822 {strides = array<i32>} : memref<2x128x128xf32, #tpu.memory_space<vmem>>, vector<16xf32>,
        %get3A_828 = arith.constant 1 : i32
        %get3A_829 = arith.index_cast %get3A_828 : i32 to index
        %get3A_830 = arith.index_cast %add3A_768 : i32 to index
        %get3A_831 = arith.constant 80 : index
        %get3A_832 = tpu.vector_load %arg10[%get3A_829, %get3A_830, %get3A_831] {strides = array<i32>} : memref<2x128x128xf32, #tpu.memory_space<vmem>>, vector<16xf32>,
        %mul3A_833 = arith.mulf %get3A_832, %gather3A_772 : vector<16xf32>
        %swap3A_834 = arith.constant 1 : i32
        %swap3A_835 = arith.index_cast %swap3A_834 : i32 to index
        %swap3A_836 = arith.index_cast %add3A_768 : i32 to index
        %swap3A_837 = arith.constant 80 : index
        %swap3A_838 = tpu.vector_load %arg10[%swap3A_835, %swap3A_836, %swap3A_837] {strides = array<i32>} : memref<2x128x128xf32, #tpu.memory_space<vmem>>, vector<16xf32>,
        tpu.vector_store %arg10[%swap3A_835, %swap3A_836, %swap3A_837], %mul3A_833 {strides = array<i32>} : memref<2x128x128xf32, #tpu.memory_space<vmem>>, vector<16xf32>,
        %get3A_839 = arith.constant 1 : i32
        %get3A_840 = arith.index_cast %get3A_839 : i32 to index
        %get3A_841 = arith.index_cast %add3A_768 : i32 to index
        %get3A_842 = arith.constant 96 : index
        %get3A_843 = tpu.vector_load %arg10[%get3A_840, %get3A_841, %get3A_842] {strides = array<i32>} : memref<2x128x128xf32, #tpu.memory_space<vmem>>, vector<16xf32>,
        %mul3A_844 = arith.mulf %get3A_843, %gather3A_772 : vector<16xf32>
        %swap3A_845 = arith.constant 1 : i32
        %swap3A_846 = arith.index_cast %swap3A_845 : i32 to index
        %swap3A_847 = arith.index_cast %add3A_768 : i32 to index
        %swap3A_848 = arith.constant 96 : index
        %swap3A_849 = tpu.vector_load %arg10[%swap3A_846, %swap3A_847, %swap3A_848] {strides = array<i32>} : memref<2x128x128xf32, #tpu.memory_space<vmem>>, vector<16xf32>,
        tpu.vector_store %arg10[%swap3A_846, %swap3A_847, %swap3A_848], %mul3A_844 {strides = array<i32>} : memref<2x128x128xf32, #tpu.memory_space<vmem>>, vector<16xf32>,
        %get3A_850 = arith.constant 1 : i32
        %get3A_851 = arith.index_cast %get3A_850 : i32 to index
        %get3A_852 = arith.index_cast %add3A_768 : i32 to index
        %get3A_853 = arith.constant 112 : index
        %get3A_854 = tpu.vector_load %arg10[%get3A_851, %get3A_852, %get3A_853] {strides = array<i32>} : memref<2x128x128xf32, #tpu.memory_space<vmem>>, vector<16xf32>,
        %mul3A_855 = arith.mulf %get3A_854, %gather3A_772 : vector<16xf32>
        %swap3A_856 = arith.constant 1 : i32
        %swap3A_857 = arith.index_cast %swap3A_856 : i32 to index
        %swap3A_858 = arith.index_cast %add3A_768 : i32 to index
        %swap3A_859 = arith.constant 112 : index
        %swap3A_860 = tpu.vector_load %arg10[%swap3A_857, %swap3A_858, %swap3A_859] {strides = array<i32>} : memref<2x128x128xf32, #tpu.memory_space<vmem>>, vector<16xf32>,
        tpu.vector_store %arg10[%swap3A_857, %swap3A_858, %swap3A_859], %mul3A_855 {strides = array<i32>} : memref<2x128x128xf32, #tpu.memory_space<vmem>>, vector<16xf32>,
        %mul3A_861 = arith.constant 4 : i32
        %mul3A_862 = arith.muli %scan3A_574, %mul3A_861 : i32
        %add3A_863 = arith.constant 3 : i32
        %add3A_864 = arith.addi %mul3A_862, %add3A_863 : i32
        %add3A_865 = arith.constant 128 : i32
        %add3A_866 = arith.addi %add3A_865, %add3A_864 : i32
        %broadcast_in_dim3A_867 = vector.broadcast %add3A_866 : i32 to vector<16xi32>
        %gather3A_868 = tpu.vector_load_idx %arg9[%broadcast_in_dim3A_867] : memref<256xf32, #tpu.memory_space<vmem>>[vector<16xi32>], vector<16xf32>,
        %get3A_869 = arith.constant 1 : i32
        %get3A_870 = arith.index_cast %get3A_869 : i32 to index
        %get3A_871 = arith.index_cast %add3A_864 : i32 to index
        %get3A_872 = arith.constant 0 : index
        %get3A_873 = tpu.vector_load %arg10[%get3A_870, %get3A_871, %get3A_872] {strides = array<i32>} : memref<2x128x128xf32, #tpu.memory_space<vmem>>, vector<16xf32>,
        %mul3A_874 = arith.mulf %get3A_873, %gather3A_868 : vector<16xf32>
        %swap3A_875 = arith.constant 1 : i32
        %swap3A_876 = arith.index_cast %swap3A_875 : i32 to index
        %swap3A_877 = arith.index_cast %add3A_864 : i32 to index
        %swap3A_878 = arith.constant 0 : index
        %swap3A_879 = tpu.vector_load %arg10[%swap3A_876, %swap3A_877, %swap3A_878] {strides = array<i32>} : memref<2x128x128xf32, #tpu.memory_space<vmem>>, vector<16xf32>,
        tpu.vector_store %arg10[%swap3A_876, %swap3A_877, %swap3A_878], %mul3A_874 {strides = array<i32>} : memref<2x128x128xf32, #tpu.memory_space<vmem>>, vector<16xf32>,
        %get3A_880 = arith.constant 1 : i32
        %get3A_881 = arith.index_cast %get3A_880 : i32 to index
        %get3A_882 = arith.index_cast %add3A_864 : i32 to index
        %get3A_883 = arith.constant 16 : index
        %get3A_884 = tpu.vector_load %arg10[%get3A_881, %get3A_882, %get3A_883] {strides = array<i32>} : memref<2x128x128xf32, #tpu.memory_space<vmem>>, vector<16xf32>,
        %mul3A_885 = arith.mulf %get3A_884, %gather3A_868 : vector<16xf32>
        %swap3A_886 = arith.constant 1 : i32
        %swap3A_887 = arith.index_cast %swap3A_886 : i32 to index
        %swap3A_888 = arith.index_cast %add3A_864 : i32 to index
        %swap3A_889 = arith.constant 16 : index
        %swap3A_890 = tpu.vector_load %arg10[%swap3A_887, %swap3A_888, %swap3A_889] {strides = array<i32>} : memref<2x128x128xf32, #tpu.memory_space<vmem>>, vector<16xf32>,
        tpu.vector_store %arg10[%swap3A_887, %swap3A_888, %swap3A_889], %mul3A_885 {strides = array<i32>} : memref<2x128x128xf32, #tpu.memory_space<vmem>>, vector<16xf32>,
        %get3A_891 = arith.constant 1 : i32
        %get3A_892 = arith.index_cast %get3A_891 : i32 to index
        %get3A_893 = arith.index_cast %add3A_864 : i32 to index
        %get3A_894 = arith.constant 32 : index
        %get3A_895 = tpu.vector_load %arg10[%get3A_892, %get3A_893, %get3A_894] {strides = array<i32>} : memref<2x128x128xf32, #tpu.memory_space<vmem>>, vector<16xf32>,
        %mul3A_896 = arith.mulf %get3A_895, %gather3A_868 : vector<16xf32>
        %swap3A_897 = arith.constant 1 : i32
        %swap3A_898 = arith.index_cast %swap3A_897 : i32 to index
        %swap3A_899 = arith.index_cast %add3A_864 : i32 to index
        %swap3A_900 = arith.constant 32 : index
        %swap3A_901 = tpu.vector_load %arg10[%swap3A_898, %swap3A_899, %swap3A_900] {strides = array<i32>} : memref<2x128x128xf32, #tpu.memory_space<vmem>>, vector<16xf32>,
        tpu.vector_store %arg10[%swap3A_898, %swap3A_899, %swap3A_900], %mul3A_896 {strides = array<i32>} : memref<2x128x128xf32, #tpu.memory_space<vmem>>, vector<16xf32>,
        %get3A_902 = arith.constant 1 : i32
        %get3A_903 = arith.index_cast %get3A_902 : i32 to index
        %get3A_904 = arith.index_cast %add3A_864 : i32 to index
        %get3A_905 = arith.constant 48 : index
        %get3A_906 = tpu.vector_load %arg10[%get3A_903, %get3A_904, %get3A_905] {strides = array<i32>} : memref<2x128x128xf32, #tpu.memory_space<vmem>>, vector<16xf32>,
        %mul3A_907 = arith.mulf %get3A_906, %gather3A_868 : vector<16xf32>
        %swap3A_908 = arith.constant 1 : i32
        %swap3A_909 = arith.index_cast %swap3A_908 : i32 to index
        %swap3A_910 = arith.index_cast %add3A_864 : i32 to index
        %swap3A_911 = arith.constant 48 : index
        %swap3A_912 = tpu.vector_load %arg10[%swap3A_909, %swap3A_910, %swap3A_911] {strides = array<i32>} : memref<2x128x128xf32, #tpu.memory_space<vmem>>, vector<16xf32>,
        tpu.vector_store %arg10[%swap3A_909, %swap3A_910, %swap3A_911], %mul3A_907 {strides = array<i32>} : memref<2x128x128xf32, #tpu.memory_space<vmem>>, vector<16xf32>,
        %get3A_913 = arith.constant 1 : i32
        %get3A_914 = arith.index_cast %get3A_913 : i32 to index
        %get3A_915 = arith.index_cast %add3A_864 : i32 to index
        %get3A_916 = arith.constant 64 : index
        %get3A_917 = tpu.vector_load %arg10[%get3A_914, %get3A_915, %get3A_916] {strides = array<i32>} : memref<2x128x128xf32, #tpu.memory_space<vmem>>, vector<16xf32>,
        %mul3A_918 = arith.mulf %get3A_917, %gather3A_868 : vector<16xf32>
        %swap3A_919 = arith.constant 1 : i32
        %swap3A_920 = arith.index_cast %swap3A_919 : i32 to index
        %swap3A_921 = arith.index_cast %add3A_864 : i32 to index
        %swap3A_922 = arith.constant 64 : index
        %swap3A_923 = tpu.vector_load %arg10[%swap3A_920, %swap3A_921, %swap3A_922] {strides = array<i32>} : memref<2x128x128xf32, #tpu.memory_space<vmem>>, vector<16xf32>,
        tpu.vector_store %arg10[%swap3A_920, %swap3A_921, %swap3A_922], %mul3A_918 {strides = array<i32>} : memref<2x128x128xf32, #tpu.memory_space<vmem>>, vector<16xf32>,
        %get3A_924 = arith.constant 1 : i32
        %get3A_925 = arith.index_cast %get3A_924 : i32 to index
        %get3A_926 = arith.index_cast %add3A_864 : i32 to index
        %get3A_927 = arith.constant 80 : index
        %get3A_928 = tpu.vector_load %arg10[%get3A_925, %get3A_926, %get3A_927] {strides = array<i32>} : memref<2x128x128xf32, #tpu.memory_space<vmem>>, vector<16xf32>,
        %mul3A_929 = arith.mulf %get3A_928, %gather3A_868 : vector<16xf32>
        %swap3A_930 = arith.constant 1 : i32
        %swap3A_931 = arith.index_cast %swap3A_930 : i32 to index
        %swap3A_932 = arith.index_cast %add3A_864 : i32 to index
        %swap3A_933 = arith.constant 80 : index
        %swap3A_934 = tpu.vector_load %arg10[%swap3A_931, %swap3A_932, %swap3A_933] {strides = array<i32>} : memref<2x128x128xf32, #tpu.memory_space<vmem>>, vector<16xf32>,
        tpu.vector_store %arg10[%swap3A_931, %swap3A_932, %swap3A_933], %mul3A_929 {strides = array<i32>} : memref<2x128x128xf32, #tpu.memory_space<vmem>>, vector<16xf32>,
        %get3A_935 = arith.constant 1 : i32
        %get3A_936 = arith.index_cast %get3A_935 : i32 to index
        %get3A_937 = arith.index_cast %add3A_864 : i32 to index
        %get3A_938 = arith.constant 96 : index
        %get3A_939 = tpu.vector_load %arg10[%get3A_936, %get3A_937, %get3A_938] {strides = array<i32>} : memref<2x128x128xf32, #tpu.memory_space<vmem>>, vector<16xf32>,
        %mul3A_940 = arith.mulf %get3A_939, %gather3A_868 : vector<16xf32>
        %swap3A_941 = arith.constant 1 : i32
        %swap3A_942 = arith.index_cast %swap3A_941 : i32 to index
        %swap3A_943 = arith.index_cast %add3A_864 : i32 to index
        %swap3A_944 = arith.constant 96 : index
        %swap3A_945 = tpu.vector_load %arg10[%swap3A_942, %swap3A_943, %swap3A_944] {strides = array<i32>} : memref<2x128x128xf32, #tpu.memory_space<vmem>>, vector<16xf32>,
        tpu.vector_store %arg10[%swap3A_942, %swap3A_943, %swap3A_944], %mul3A_940 {strides = array<i32>} : memref<2x128x128xf32, #tpu.memory_space<vmem>>, vector<16xf32>,
        %get3A_946 = arith.constant 1 : i32
        %get3A_947 = arith.index_cast %get3A_946 : i32 to index
        %get3A_948 = arith.index_cast %add3A_864 : i32 to index
        %get3A_949 = arith.constant 112 : index
        %get3A_950 = tpu.vector_load %arg10[%get3A_947, %get3A_948, %get3A_949] {strides = array<i32>} : memref<2x128x128xf32, #tpu.memory_space<vmem>>, vector<16xf32>,
        %mul3A_951 = arith.mulf %get3A_950, %gather3A_868 : vector<16xf32>
        %swap3A_952 = arith.constant 1 : i32
        %swap3A_953 = arith.index_cast %swap3A_952 : i32 to index
        %swap3A_954 = arith.index_cast %add3A_864 : i32 to index
        %swap3A_955 = arith.constant 112 : index
        %swap3A_956 = tpu.vector_load %arg10[%swap3A_953, %swap3A_954, %swap3A_955] {strides = array<i32>} : memref<2x128x128xf32, #tpu.memory_space<vmem>>, vector<16xf32>,
        tpu.vector_store %arg10[%swap3A_953, %swap3A_954, %swap3A_955], %mul3A_951 {strides = array<i32>} : memref<2x128x128xf32, #tpu.memory_space<vmem>>, vector<16xf32>,
      }
      %scan3A_315 = arith.constant 32 : i32
      %dma_start3A_316 = arith.constant 1 : i32
      %dma_start3A_317 = arith.constant 1 : i32
      %dma_start3A_318 = arith.constant 0 : i32
      %dma_start3A_319 = arith.constant 0 : i32
      %dma_start3A_320 = tpu.memref_slice %arg10[%dma_start3A_316, %dma_start3A_318, %dma_start3A_319] : memref<2x128x128xf32, #tpu.memory_space<vmem>> -> memref<1x128x128xf32, #tpu.memory_space<vmem>>
      %dma_start3A_321 = tpu.memref_squeeze %dma_start3A_320 : memref<1x128x128xf32, #tpu.memory_space<vmem>> -> memref<128x128xf32, #tpu.memory_space<vmem>>
      %dma_start3A_322 = arith.constant 0 : i32
      %dma_start3A_323 = tpu.memref_slice %arg8[%dma_start3A_317, %dma_start3A_322] : memref<2x128xi32, #tpu.memory_space<vmem>> -> memref<1x128xi32, #tpu.memory_space<vmem>>
      %dma_start3A_324 = tpu.memref_squeeze %dma_start3A_323 : memref<1x128xi32, #tpu.memory_space<vmem>> -> memref<128xi32, #tpu.memory_space<vmem>>
      %dma_start3A_325 = arith.constant 0 : i32
      %dma_start3A_326 = arith.constant 0 : i32
      %dma_start3A_327 = tpu.memref_slice %arg11[%dma_start3A_325, %dma_start3A_326] : memref<10000x128xf32, #tpu.memory_space<vmem_shared>> -> memref<10000x128xf32, #tpu.memory_space<vmem_shared>>
      tpu.enqueue_indirect_dma source(%dma_start3A_321 : memref<128x128xf32, #tpu.memory_space<vmem>>) target(%dma_start3A_327 : memref<10000x128xf32, #tpu.memory_space<vmem_shared>>) offsets(%dma_start3A_324 : memref<128xi32, #tpu.memory_space<vmem>>) semaphore(%arg18 : memref<!tpu.dma_semaphore, #tpu.memory_space<semaphore_mem>>) {add = true}
      %add3A_328 = arith.constant 2 : i32
      %add3A_329 = arith.addi %add3A_293, %add3A_328 : i32
      %mul3A_330 = arith.constant 81 : i32
      %mul3A_331 = arith.muli %add3A, %mul3A_330 : i32
      %add3A_332 = arith.addi %mul3A_331, %add3A_329 : i32
      %mul3A_333 = arith.constant 512 : i32
      %mul3A_334 = arith.muli %add3A_332, %mul3A_333 : i32
      %multiple_of3A_335 = tpu.assume_multiple %mul3A_334, 128 : i32
      %dma_start3A_336 = arith.constant 512 : i32
      %dma_start3A_337 = tpu.memref_slice %arg7[%dma_start3A_336] : memref<1024xi32, #tpu.memory_space<vmem>> -> memref<384xi32, #tpu.memory_space<vmem>>
      %dma_start3A_338 = tpu.memref_slice %arg4[%multiple_of3A_335] : memref<1327104xi32, #tpu.memory_space<hbm>> -> memref<384xi32, #tpu.memory_space<hbm>>
      %dma_start3A_339 = arith.constant 512 : i32
      %dma_start3A_340 = tpu.memref_slice %arg7[%dma_start3A_339] : memref<1024xi32, #tpu.memory_space<vmem>> -> memref<384xi32, #tpu.memory_space<vmem>>
      %dma_start3A_341 = tpu.memref_slice %arg4[%multiple_of3A_335] : memref<1327104xi32, #tpu.memory_space<hbm>> -> memref<384xi32, #tpu.memory_space<hbm>>
      tpu.enqueue_dma source(%dma_start3A_341 : memref<384xi32, #tpu.memory_space<hbm>>) target(%dma_start3A_340 : memref<384xi32, #tpu.memory_space<vmem>>) target_semaphore(%arg14 : memref<!tpu.dma_semaphore, #tpu.memory_space<semaphore_mem>>)
      %dma_wait3A_342 = arith.constant 0 : i32
      %dma_wait3A_343 = arith.constant 0 : i32
      %dma_wait3A_344 = arith.constant 0 : i32
      %dma_wait3A_345 = arith.constant 0 : i32
      %dma_wait3A_346 = tpu.memref_slice %arg10[%dma_wait3A_342, %dma_wait3A_344, %dma_wait3A_345] : memref<2x128x128xf32, #tpu.memory_space<vmem>> -> memref<1x128x128xf32, #tpu.memory_space<vmem>>
      %dma_wait3A_347 = tpu.memref_squeeze %dma_wait3A_346 : memref<1x128x128xf32, #tpu.memory_space<vmem>> -> memref<128x128xf32, #tpu.memory_space<vmem>>
      %dma_wait3A_348 = arith.constant 0 : i32
      %dma_wait3A_349 = tpu.memref_slice %arg8[%dma_wait3A_343, %dma_wait3A_348] : memref<2x128xi32, #tpu.memory_space<vmem>> -> memref<1x128xi32, #tpu.memory_space<vmem>>
      %dma_wait3A_350 = tpu.memref_squeeze %dma_wait3A_349 : memref<1x128xi32, #tpu.memory_space<vmem>> -> memref<128xi32, #tpu.memory_space<vmem>>
      %dma_wait3A_351 = arith.constant 0 : i32
      %dma_wait3A_352 = arith.constant 0 : i32
      %dma_wait3A_353 = tpu.memref_slice %arg11[%dma_wait3A_351, %dma_wait3A_352] : memref<10000x128xf32, #tpu.memory_space<vmem_shared>> -> memref<10000x128xf32, #tpu.memory_space<vmem_shared>>
      tpu.wait_indirect_dma semaphore(%arg17 : memref<!tpu.dma_semaphore, #tpu.memory_space<semaphore_mem>>) src(%dma_wait3A_347 : memref<128x128xf32, #tpu.memory_space<vmem>>) dst(%dma_wait3A_353 : memref<10000x128xf32, #tpu.memory_space<vmem_shared>>)
      %add3A_354 = arith.constant 1 : i32
      %add3A_355 = arith.addi %add3A_293, %add3A_354 : i32
      %mul3A_356 = arith.constant 81 : i32
      %mul3A_357 = arith.muli %add3A, %mul3A_356 : i32
      %add3A_358 = arith.addi %mul3A_357, %add3A_355 : i32
      %mul3A_359 = arith.constant 512 : i32
      %mul3A_360 = arith.muli %add3A_358, %mul3A_359 : i32
      %multiple_of3A_361 = tpu.assume_multiple %mul3A_360, 128 : i32
      %dma_wait3A_362 = arith.constant 0 : i32
      %dma_wait3A_363 = tpu.memref_slice %arg7[%dma_wait3A_362] : memref<1024xi32, #tpu.memory_space<vmem>> -> memref<384xi32, #tpu.memory_space<vmem>>
      %dma_wait3A_364 = tpu.memref_slice %arg4[%multiple_of3A_361] : memref<1327104xi32, #tpu.memory_space<hbm>> -> memref<384xi32, #tpu.memory_space<hbm>>
      %dma_wait3A_365 = arith.constant 0 : i32
      %dma_wait3A_366 = tpu.memref_slice %arg7[%dma_wait3A_365] : memref<1024xi32, #tpu.memory_space<vmem>> -> memref<384xi32, #tpu.memory_space<vmem>>
      %dma_wait3A_367 = tpu.memref_slice %arg4[%multiple_of3A_361] : memref<1327104xi32, #tpu.memory_space<hbm>> -> memref<384xi32, #tpu.memory_space<hbm>>
      tpu.wait_dma2 semaphore(%arg13 : memref<!tpu.dma_semaphore, #tpu.memory_space<semaphore_mem>>) src(%dma_wait3A_367 : memref<384xi32, #tpu.memory_space<hbm>>) dst(%dma_wait3A_366 : memref<384xi32, #tpu.memory_space<vmem>>)
      %get3A_368 = arith.constant 256 : index
      %get3A_369 = tpu.vector_load %arg7[%get3A_368] {strides = array<i32>} : memref<1024xi32, #tpu.memory_space<vmem>>, vector<16xi32>,
      %swap3A_370 = arith.constant 0 : i32
      %swap3A_371 = arith.index_cast %swap3A_370 : i32 to index
      %swap3A_372 = arith.constant 0 : index
      %swap3A_373 = tpu.vector_load %arg8[%swap3A_371, %swap3A_372] {strides = array<i32>} : memref<2x128xi32, #tpu.memory_space<vmem>>, vector<16xi32>,
      tpu.vector_store %arg8[%swap3A_371, %swap3A_372], %get3A_369 {strides = array<i32>} : memref<2x128xi32, #tpu.memory_space<vmem>>, vector<16xi32>,
      %get3A_374 = arith.constant 272 : index
      %get3A_375 = tpu.vector_load %arg7[%get3A_374] {strides = array<i32>} : memref<1024xi32, #tpu.memory_space<vmem>>, vector<16xi32>,
      %swap3A_376 = arith.constant 0 : i32
      %swap3A_377 = arith.index_cast %swap3A_376 : i32 to index
      %swap3A_378 = arith.constant 16 : index
      %swap3A_379 = tpu.vector_load %arg8[%swap3A_377, %swap3A_378] {strides = array<i32>} : memref<2x128xi32, #tpu.memory_space<vmem>>, vector<16xi32>,
      tpu.vector_store %arg8[%swap3A_377, %swap3A_378], %get3A_375 {strides = array<i32>} : memref<2x128xi32, #tpu.memory_space<vmem>>, vector<16xi32>,
      %get3A_380 = arith.constant 288 : index
      %get3A_381 = tpu.vector_load %arg7[%get3A_380] {strides = array<i32>} : memref<1024xi32, #tpu.memory_space<vmem>>, vector<16xi32>,
      %swap3A_382 = arith.constant 0 : i32
      %swap3A_383 = arith.index_cast %swap3A_382 : i32 to index
      %swap3A_384 = arith.constant 32 : index
      %swap3A_385 = tpu.vector_load %arg8[%swap3A_383, %swap3A_384] {strides = array<i32>} : memref<2x128xi32, #tpu.memory_space<vmem>>, vector<16xi32>,
      tpu.vector_store %arg8[%swap3A_383, %swap3A_384], %get3A_381 {strides = array<i32>} : memref<2x128xi32, #tpu.memory_space<vmem>>, vector<16xi32>,
      %get3A_386 = arith.constant 304 : index
      %get3A_387 = tpu.vector_load %arg7[%get3A_386] {strides = array<i32>} : memref<1024xi32, #tpu.memory_space<vmem>>, vector<16xi32>,
      %swap3A_388 = arith.constant 0 : i32
      %swap3A_389 = arith.index_cast %swap3A_388 : i32 to index
      %swap3A_390 = arith.constant 48 : index
      %swap3A_391 = tpu.vector_load %arg8[%swap3A_389, %swap3A_390] {strides = array<i32>} : memref<2x128xi32, #tpu.memory_space<vmem>>, vector<16xi32>,
      tpu.vector_store %arg8[%swap3A_389, %swap3A_390], %get3A_387 {strides = array<i32>} : memref<2x128xi32, #tpu.memory_space<vmem>>, vector<16xi32>,
      %get3A_392 = arith.constant 320 : index
      %get3A_393 = tpu.vector_load %arg7[%get3A_392] {strides = array<i32>} : memref<1024xi32, #tpu.memory_space<vmem>>, vector<16xi32>,
      %swap3A_394 = arith.constant 0 : i32
      %swap3A_395 = arith.index_cast %swap3A_394 : i32 to index
      %swap3A_396 = arith.constant 64 : index
      %swap3A_397 = tpu.vector_load %arg8[%swap3A_395, %swap3A_396] {strides = array<i32>} : memref<2x128xi32, #tpu.memory_space<vmem>>, vector<16xi32>,
      tpu.vector_store %arg8[%swap3A_395, %swap3A_396], %get3A_393 {strides = array<i32>} : memref<2x128xi32, #tpu.memory_space<vmem>>, vector<16xi32>,
      %get3A_398 = arith.constant 336 : index
      %get3A_399 = tpu.vector_load %arg7[%get3A_398] {strides = array<i32>} : memref<1024xi32, #tpu.memory_space<vmem>>, vector<16xi32>,
      %swap3A_400 = arith.constant 0 : i32
      %swap3A_401 = arith.index_cast %swap3A_400 : i32 to index
      %swap3A_402 = arith.constant 80 : index
      %swap3A_403 = tpu.vector_load %arg8[%swap3A_401, %swap3A_402] {strides = array<i32>} : memref<2x128xi32, #tpu.memory_space<vmem>>, vector<16xi32>,
      tpu.vector_store %arg8[%swap3A_401, %swap3A_402], %get3A_399 {strides = array<i32>} : memref<2x128xi32, #tpu.memory_space<vmem>>, vector<16xi32>,
      %get3A_404 = arith.constant 352 : index
      %get3A_405 = tpu.vector_load %arg7[%get3A_404] {strides = array<i32>} : memref<1024xi32, #tpu.memory_space<vmem>>, vector<16xi32>,
      %swap3A_406 = arith.constant 0 : i32
      %swap3A_407 = arith.index_cast %swap3A_406 : i32 to index
      %swap3A_408 = arith.constant 96 : index
      %swap3A_409 = tpu.vector_load %arg8[%swap3A_407, %swap3A_408] {strides = array<i32>} : memref<2x128xi32, #tpu.memory_space<vmem>>, vector<16xi32>,
      tpu.vector_store %arg8[%swap3A_407, %swap3A_408], %get3A_405 {strides = array<i32>} : memref<2x128xi32, #tpu.memory_space<vmem>>, vector<16xi32>,
      %get3A_410 = arith.constant 368 : index
      %get3A_411 = tpu.vector_load %arg7[%get3A_410] {strides = array<i32>} : memref<1024xi32, #tpu.memory_space<vmem>>, vector<16xi32>,
      %swap3A_412 = arith.constant 0 : i32
      %swap3A_413 = arith.index_cast %swap3A_412 : i32 to index
      %swap3A_414 = arith.constant 112 : index
      %swap3A_415 = tpu.vector_load %arg8[%swap3A_413, %swap3A_414] {strides = array<i32>} : memref<2x128xi32, #tpu.memory_space<vmem>>, vector<16xi32>,
      tpu.vector_store %arg8[%swap3A_413, %swap3A_414], %get3A_411 {strides = array<i32>} : memref<2x128xi32, #tpu.memory_space<vmem>>, vector<16xi32>,
      %dma_start3A_416 = arith.constant 0 : i32
      %dma_start3A_417 = arith.constant 0 : i32
      %dma_start3A_418 = arith.constant 0 : i32
      %dma_start3A_419 = tpu.memref_slice %arg10[%dma_start3A_416, %dma_start3A_417, %dma_start3A_418] : memref<2x128x128xf32, #tpu.memory_space<vmem>> -> memref<1x128x128xf32, #tpu.memory_space<vmem>>
      %dma_start3A_420 = tpu.memref_squeeze %dma_start3A_419 : memref<1x128x128xf32, #tpu.memory_space<vmem>> -> memref<128x128xf32, #tpu.memory_space<vmem>>
      %dma_start3A_421 = arith.constant 0 : i32
      %dma_start3A_422 = tpu.memref_slice %arg7[%dma_start3A_421] : memref<1024xi32, #tpu.memory_space<vmem>> -> memref<128xi32, #tpu.memory_space<vmem>>
      %dma_start3A_423 = arith.constant 0 : i32
      %dma_start3A_424 = arith.constant 0 : i32
      %dma_start3A_425 = tpu.memref_slice %arg2[%dma_start3A_423, %dma_start3A_424] : memref<40000x128xf32, #tpu.memory_space<hbm>> -> memref<40000x128xf32, #tpu.memory_space<hbm>>
      tpu.enqueue_indirect_dma source(%dma_start3A_425 : memref<40000x128xf32, #tpu.memory_space<hbm>>) target(%dma_start3A_420 : memref<128x128xf32, #tpu.memory_space<vmem>>) offsets(%dma_start3A_422 : memref<128xi32, #tpu.memory_space<vmem>>) semaphore(%arg15 : memref<!tpu.dma_semaphore, #tpu.memory_space<semaphore_mem>>)
      %dma_start3A_426 = arith.constant 0 : i32
      %dma_start3A_427 = tpu.memref_slice %arg9[%dma_start3A_426] : memref<256xf32, #tpu.memory_space<vmem>> -> memref<128xf32, #tpu.memory_space<vmem>>
      %dma_start3A_428 = arith.constant 128 : i32
      %dma_start3A_429 = tpu.memref_slice %arg7[%dma_start3A_428] : memref<1024xi32, #tpu.memory_space<vmem>> -> memref<128xi32, #tpu.memory_space<vmem>>
      %dma_start3A_430 = arith.constant 0 : i32
      %dma_start3A_431 = tpu.memref_slice %arg12[%dma_start3A_430] : memref<40960xf32, #tpu.memory_space<vmem_shared>> -> memref<40960xf32, #tpu.memory_space<vmem_shared>>
      tpu.enqueue_indirect_dma source(%dma_start3A_431 : memref<40960xf32, #tpu.memory_space<vmem_shared>>) target(%dma_start3A_427 : memref<128xf32, #tpu.memory_space<vmem>>) offsets(%dma_start3A_429 : memref<128xi32, #tpu.memory_space<vmem>>) semaphore(%arg19 : memref<!tpu.dma_semaphore, #tpu.memory_space<semaphore_mem>>)
      %mul3A_432 = arith.constant 2 : i32
      %mul3A_433 = arith.muli %mul3A_432, %scan3A_289 : i32
      %add3A_434 = arith.constant 2 : i32
      %add3A_435 = arith.addi %mul3A_433, %add3A_434 : i32
      %dma_wait3A_436 = arith.constant 0 : i32
      %dma_wait3A_437 = arith.constant 0 : i32
      %dma_wait3A_438 = arith.constant 0 : i32
      %dma_wait3A_439 = tpu.memref_slice %arg10[%dma_wait3A_436, %dma_wait3A_437, %dma_wait3A_438] : memref<2x128x128xf32, #tpu.memory_space<vmem>> -> memref<1x128x128xf32, #tpu.memory_space<vmem>>
      %dma_wait3A_440 = tpu.memref_squeeze %dma_wait3A_439 : memref<1x128x128xf32, #tpu.memory_space<vmem>> -> memref<128x128xf32, #tpu.memory_space<vmem>>
      %dma_wait3A_441 = arith.constant 0 : i32
      %dma_wait3A_442 = tpu.memref_slice %arg7[%dma_wait3A_441] : memref<1024xi32, #tpu.memory_space<vmem>> -> memref<128xi32, #tpu.memory_space<vmem>>
      %dma_wait3A_443 = arith.constant 0 : i32
      %dma_wait3A_444 = arith.constant 0 : i32
      %dma_wait3A_445 = tpu.memref_slice %arg2[%dma_wait3A_443, %dma_wait3A_444] : memref<40000x128xf32, #tpu.memory_space<hbm>> -> memref<40000x128xf32, #tpu.memory_space<hbm>>
      tpu.wait_indirect_dma semaphore(%arg15 : memref<!tpu.dma_semaphore, #tpu.memory_space<semaphore_mem>>) src(%dma_wait3A_445 : memref<40000x128xf32, #tpu.memory_space<hbm>>) dst(%dma_wait3A_440 : memref<128x128xf32, #tpu.memory_space<vmem>>)
      %dma_wait3A_446 = arith.constant 0 : i32
      %dma_wait3A_447 = tpu.memref_slice %arg9[%dma_wait3A_446] : memref<256xf32, #tpu.memory_space<vmem>> -> memref<128xf32, #tpu.memory_space<vmem>>
      %dma_wait3A_448 = arith.constant 128 : i32
      %dma_wait3A_449 = tpu.memref_slice %arg7[%dma_wait3A_448] : memref<1024xi32, #tpu.memory_space<vmem>> -> memref<128xi32, #tpu.memory_space<vmem>>
      %dma_wait3A_450 = arith.constant 0 : i32
      %dma_wait3A_451 = tpu.memref_slice %arg12[%dma_wait3A_450] : memref<40960xf32, #tpu.memory_space<vmem_shared>> -> memref<40960xf32, #tpu.memory_space<vmem_shared>>
      tpu.wait_indirect_dma semaphore(%arg19 : memref<!tpu.dma_semaphore, #tpu.memory_space<semaphore_mem>>) src(%dma_wait3A_451 : memref<40960xf32, #tpu.memory_space<vmem_shared>>) dst(%dma_wait3A_447 : memref<128xf32, #tpu.memory_space<vmem>>)
      %scan3A_452 = arith.constant 0 : i32
      %scan3A_453 = arith.constant 0 : i32
      %scan3A_454 = arith.constant 32 : i32
      %scan3A_455 = arith.addi %scan3A_453, %scan3A_454 : i32
      %scan3A_456 = arith.constant 1 : i32
      scf.for %scan3A_574 = %scan3A_453 to %scan3A_455 step %scan3A_456  : i32 {
        %mul3A_575 = arith.constant 4 : i32
        %mul3A_576 = arith.muli %scan3A_574, %mul3A_575 : i32
        %add3A_577 = arith.constant 0 : i32
        %add3A_578 = arith.addi %mul3A_576, %add3A_577 : i32
        %add3A_579 = arith.constant 0 : i32
        %add3A_580 = arith.addi %add3A_579, %add3A_578 : i32
        %broadcast_in_dim3A = vector.broadcast %add3A_580 : i32 to vector<16xi32>
        %gather3A = tpu.vector_load_idx %arg9[%broadcast_in_dim3A] : memref<256xf32, #tpu.memory_space<vmem>>[vector<16xi32>], vector<16xf32>,
        %get3A_581 = arith.constant 0 : i32
        %get3A_582 = arith.index_cast %get3A_581 : i32 to index
        %get3A_583 = arith.index_cast %add3A_578 : i32 to index
        %get3A_584 = arith.constant 0 : index
        %get3A_585 = tpu.vector_load %arg10[%get3A_582, %get3A_583, %get3A_584] {strides = array<i32>} : memref<2x128x128xf32, #tpu.memory_space<vmem>>, vector<16xf32>,
        %mul3A_586 = arith.mulf %get3A_585, %gather3A : vector<16xf32>
        %swap3A_587 = arith.constant 0 : i32
        %swap3A_588 = arith.index_cast %swap3A_587 : i32 to index
        %swap3A_589 = arith.index_cast %add3A_578 : i32 to index
        %swap3A_590 = arith.constant 0 : index
        %swap3A_591 = tpu.vector_load %arg10[%swap3A_588, %swap3A_589, %swap3A_590] {strides = array<i32>} : memref<2x128x128xf32, #tpu.memory_space<vmem>>, vector<16xf32>,
        tpu.vector_store %arg10[%swap3A_588, %swap3A_589, %swap3A_590], %mul3A_586 {strides = array<i32>} : memref<2x128x128xf32, #tpu.memory_space<vmem>>, vector<16xf32>,
        %get3A_592 = arith.constant 0 : i32
        %get3A_593 = arith.index_cast %get3A_592 : i32 to index
        %get3A_594 = arith.index_cast %add3A_578 : i32 to index
        %get3A_595 = arith.constant 16 : index
        %get3A_596 = tpu.vector_load %arg10[%get3A_593, %get3A_594, %get3A_595] {strides = array<i32>} : memref<2x128x128xf32, #tpu.memory_space<vmem>>, vector<16xf32>,
        %mul3A_597 = arith.mulf %get3A_596, %gather3A : vector<16xf32>
        %swap3A_598 = arith.constant 0 : i32
        %swap3A_599 = arith.index_cast %swap3A_598 : i32 to index
        %swap3A_600 = arith.index_cast %add3A_578 : i32 to index
        %swap3A_601 = arith.constant 16 : index
        %swap3A_602 = tpu.vector_load %arg10[%swap3A_599, %swap3A_600, %swap3A_601] {strides = array<i32>} : memref<2x128x128xf32, #tpu.memory_space<vmem>>, vector<16xf32>,
        tpu.vector_store %arg10[%swap3A_599, %swap3A_600, %swap3A_601], %mul3A_597 {strides = array<i32>} : memref<2x128x128xf32, #tpu.memory_space<vmem>>, vector<16xf32>,
        %get3A_603 = arith.constant 0 : i32
        %get3A_604 = arith.index_cast %get3A_603 : i32 to index
        %get3A_605 = arith.index_cast %add3A_578 : i32 to index
        %get3A_606 = arith.constant 32 : index
        %get3A_607 = tpu.vector_load %arg10[%get3A_604, %get3A_605, %get3A_606] {strides = array<i32>} : memref<2x128x128xf32, #tpu.memory_space<vmem>>, vector<16xf32>,
        %mul3A_608 = arith.mulf %get3A_607, %gather3A : vector<16xf32>
        %swap3A_609 = arith.constant 0 : i32
        %swap3A_610 = arith.index_cast %swap3A_609 : i32 to index
        %swap3A_611 = arith.index_cast %add3A_578 : i32 to index
        %swap3A_612 = arith.constant 32 : index
        %swap3A_613 = tpu.vector_load %arg10[%swap3A_610, %swap3A_611, %swap3A_612] {strides = array<i32>} : memref<2x128x128xf32, #tpu.memory_space<vmem>>, vector<16xf32>,
        tpu.vector_store %arg10[%swap3A_610, %swap3A_611, %swap3A_612], %mul3A_608 {strides = array<i32>} : memref<2x128x128xf32, #tpu.memory_space<vmem>>, vector<16xf32>,
        %get3A_614 = arith.constant 0 : i32
        %get3A_615 = arith.index_cast %get3A_614 : i32 to index
        %get3A_616 = arith.index_cast %add3A_578 : i32 to index
        %get3A_617 = arith.constant 48 : index
        %get3A_618 = tpu.vector_load %arg10[%get3A_615, %get3A_616, %get3A_617] {strides = array<i32>} : memref<2x128x128xf32, #tpu.memory_space<vmem>>, vector<16xf32>,
        %mul3A_619 = arith.mulf %get3A_618, %gather3A : vector<16xf32>
        %swap3A_620 = arith.constant 0 : i32
        %swap3A_621 = arith.index_cast %swap3A_620 : i32 to index
        %swap3A_622 = arith.index_cast %add3A_578 : i32 to index
        %swap3A_623 = arith.constant 48 : index
        %swap3A_624 = tpu.vector_load %arg10[%swap3A_621, %swap3A_622, %swap3A_623] {strides = array<i32>} : memref<2x128x128xf32, #tpu.memory_space<vmem>>, vector<16xf32>,
        tpu.vector_store %arg10[%swap3A_621, %swap3A_622, %swap3A_623], %mul3A_619 {strides = array<i32>} : memref<2x128x128xf32, #tpu.memory_space<vmem>>, vector<16xf32>,
        %get3A_625 = arith.constant 0 : i32
        %get3A_626 = arith.index_cast %get3A_625 : i32 to index
        %get3A_627 = arith.index_cast %add3A_578 : i32 to index
        %get3A_628 = arith.constant 64 : index
        %get3A_629 = tpu.vector_load %arg10[%get3A_626, %get3A_627, %get3A_628] {strides = array<i32>} : memref<2x128x128xf32, #tpu.memory_space<vmem>>, vector<16xf32>,
        %mul3A_630 = arith.mulf %get3A_629, %gather3A : vector<16xf32>
        %swap3A_631 = arith.constant 0 : i32
        %swap3A_632 = arith.index_cast %swap3A_631 : i32 to index
        %swap3A_633 = arith.index_cast %add3A_578 : i32 to index
        %swap3A_634 = arith.constant 64 : index
        %swap3A_635 = tpu.vector_load %arg10[%swap3A_632, %swap3A_633, %swap3A_634] {strides = array<i32>} : memref<2x128x128xf32, #tpu.memory_space<vmem>>, vector<16xf32>,
        tpu.vector_store %arg10[%swap3A_632, %swap3A_633, %swap3A_634], %mul3A_630 {strides = array<i32>} : memref<2x128x128xf32, #tpu.memory_space<vmem>>, vector<16xf32>,
        %get3A_636 = arith.constant 0 : i32
        %get3A_637 = arith.index_cast %get3A_636 : i32 to index
        %get3A_638 = arith.index_cast %add3A_578 : i32 to index
        %get3A_639 = arith.constant 80 : index
        %get3A_640 = tpu.vector_load %arg10[%get3A_637, %get3A_638, %get3A_639] {strides = array<i32>} : memref<2x128x128xf32, #tpu.memory_space<vmem>>, vector<16xf32>,
        %mul3A_641 = arith.mulf %get3A_640, %gather3A : vector<16xf32>
        %swap3A_642 = arith.constant 0 : i32
        %swap3A_643 = arith.index_cast %swap3A_642 : i32 to index
        %swap3A_644 = arith.index_cast %add3A_578 : i32 to index
        %swap3A_645 = arith.constant 80 : index
        %swap3A_646 = tpu.vector_load %arg10[%swap3A_643, %swap3A_644, %swap3A_645] {strides = array<i32>} : memref<2x128x128xf32, #tpu.memory_space<vmem>>, vector<16xf32>,
        tpu.vector_store %arg10[%swap3A_643, %swap3A_644, %swap3A_645], %mul3A_641 {strides = array<i32>} : memref<2x128x128xf32, #tpu.memory_space<vmem>>, vector<16xf32>,
        %get3A_647 = arith.constant 0 : i32
        %get3A_648 = arith.index_cast %get3A_647 : i32 to index
        %get3A_649 = arith.index_cast %add3A_578 : i32 to index
        %get3A_650 = arith.constant 96 : index
        %get3A_651 = tpu.vector_load %arg10[%get3A_648, %get3A_649, %get3A_650] {strides = array<i32>} : memref<2x128x128xf32, #tpu.memory_space<vmem>>, vector<16xf32>,
        %mul3A_652 = arith.mulf %get3A_651, %gather3A : vector<16xf32>
        %swap3A_653 = arith.constant 0 : i32
        %swap3A_654 = arith.index_cast %swap3A_653 : i32 to index
        %swap3A_655 = arith.index_cast %add3A_578 : i32 to index
        %swap3A_656 = arith.constant 96 : index
        %swap3A_657 = tpu.vector_load %arg10[%swap3A_654, %swap3A_655, %swap3A_656] {strides = array<i32>} : memref<2x128x128xf32, #tpu.memory_space<vmem>>, vector<16xf32>,
        tpu.vector_store %arg10[%swap3A_654, %swap3A_655, %swap3A_656], %mul3A_652 {strides = array<i32>} : memref<2x128x128xf32, #tpu.memory_space<vmem>>, vector<16xf32>,
        %get3A_658 = arith.constant 0 : i32
        %get3A_659 = arith.index_cast %get3A_658 : i32 to index
        %get3A_660 = arith.index_cast %add3A_578 : i32 to index
        %get3A_661 = arith.constant 112 : index
        %get3A_662 = tpu.vector_load %arg10[%get3A_659, %get3A_660, %get3A_661] {strides = array<i32>} : memref<2x128x128xf32, #tpu.memory_space<vmem>>, vector<16xf32>,
        %mul3A_663 = arith.mulf %get3A_662, %gather3A : vector<16xf32>
        %swap3A_664 = arith.constant 0 : i32
        %swap3A_665 = arith.index_cast %swap3A_664 : i32 to index
        %swap3A_666 = arith.index_cast %add3A_578 : i32 to index
        %swap3A_667 = arith.constant 112 : index
        %swap3A_668 = tpu.vector_load %arg10[%swap3A_665, %swap3A_666, %swap3A_667] {strides = array<i32>} : memref<2x128x128xf32, #tpu.memory_space<vmem>>, vector<16xf32>,
        tpu.vector_store %arg10[%swap3A_665, %swap3A_666, %swap3A_667], %mul3A_663 {strides = array<i32>} : memref<2x128x128xf32, #tpu.memory_space<vmem>>, vector<16xf32>,
        %mul3A_669 = arith.constant 4 : i32
        %mul3A_670 = arith.muli %scan3A_574, %mul3A_669 : i32
        %add3A_671 = arith.constant 1 : i32
        %add3A_672 = arith.addi %mul3A_670, %add3A_671 : i32
        %add3A_673 = arith.constant 0 : i32
        %add3A_674 = arith.addi %add3A_673, %add3A_672 : i32
        %broadcast_in_dim3A_675 = vector.broadcast %add3A_674 : i32 to vector<16xi32>
        %gather3A_676 = tpu.vector_load_idx %arg9[%broadcast_in_dim3A_675] : memref<256xf32, #tpu.memory_space<vmem>>[vector<16xi32>], vector<16xf32>,
        %get3A_677 = arith.constant 0 : i32
        %get3A_678 = arith.index_cast %get3A_677 : i32 to index
        %get3A_679 = arith.index_cast %add3A_672 : i32 to index
        %get3A_680 = arith.constant 0 : index
        %get3A_681 = tpu.vector_load %arg10[%get3A_678, %get3A_679, %get3A_680] {strides = array<i32>} : memref<2x128x128xf32, #tpu.memory_space<vmem>>, vector<16xf32>,
        %mul3A_682 = arith.mulf %get3A_681, %gather3A_676 : vector<16xf32>
        %swap3A_683 = arith.constant 0 : i32
        %swap3A_684 = arith.index_cast %swap3A_683 : i32 to index
        %swap3A_685 = arith.index_cast %add3A_672 : i32 to index
        %swap3A_686 = arith.constant 0 : index
        %swap3A_687 = tpu.vector_load %arg10[%swap3A_684, %swap3A_685, %swap3A_686] {strides = array<i32>} : memref<2x128x128xf32, #tpu.memory_space<vmem>>, vector<16xf32>,
        tpu.vector_store %arg10[%swap3A_684, %swap3A_685, %swap3A_686], %mul3A_682 {strides = array<i32>} : memref<2x128x128xf32, #tpu.memory_space<vmem>>, vector<16xf32>,
        %get3A_688 = arith.constant 0 : i32
        %get3A_689 = arith.index_cast %get3A_688 : i32 to index
        %get3A_690 = arith.index_cast %add3A_672 : i32 to index
        %get3A_691 = arith.constant 16 : index
        %get3A_692 = tpu.vector_load %arg10[%get3A_689, %get3A_690, %get3A_691] {strides = array<i32>} : memref<2x128x128xf32, #tpu.memory_space<vmem>>, vector<16xf32>,
        %mul3A_693 = arith.mulf %get3A_692, %gather3A_676 : vector<16xf32>
        %swap3A_694 = arith.constant 0 : i32
        %swap3A_695 = arith.index_cast %swap3A_694 : i32 to index
        %swap3A_696 = arith.index_cast %add3A_672 : i32 to index
        %swap3A_697 = arith.constant 16 : index
        %swap3A_698 = tpu.vector_load %arg10[%swap3A_695, %swap3A_696, %swap3A_697] {strides = array<i32>} : memref<2x128x128xf32, #tpu.memory_space<vmem>>, vector<16xf32>,
        tpu.vector_store %arg10[%swap3A_695, %swap3A_696, %swap3A_697], %mul3A_693 {strides = array<i32>} : memref<2x128x128xf32, #tpu.memory_space<vmem>>, vector<16xf32>,
        %get3A_699 = arith.constant 0 : i32
        %get3A_700 = arith.index_cast %get3A_699 : i32 to index
        %get3A_701 = arith.index_cast %add3A_672 : i32 to index
        %get3A_702 = arith.constant 32 : index
        %get3A_703 = tpu.vector_load %arg10[%get3A_700, %get3A_701, %get3A_702] {strides = array<i32>} : memref<2x128x128xf32, #tpu.memory_space<vmem>>, vector<16xf32>,
        %mul3A_704 = arith.mulf %get3A_703, %gather3A_676 : vector<16xf32>
        %swap3A_705 = arith.constant 0 : i32
        %swap3A_706 = arith.index_cast %swap3A_705 : i32 to index
        %swap3A_707 = arith.index_cast %add3A_672 : i32 to index
        %swap3A_708 = arith.constant 32 : index
        %swap3A_709 = tpu.vector_load %arg10[%swap3A_706, %swap3A_707, %swap3A_708] {strides = array<i32>} : memref<2x128x128xf32, #tpu.memory_space<vmem>>, vector<16xf32>,
        tpu.vector_store %arg10[%swap3A_706, %swap3A_707, %swap3A_708], %mul3A_704 {strides = array<i32>} : memref<2x128x128xf32, #tpu.memory_space<vmem>>, vector<16xf32>,
        %get3A_710 = arith.constant 0 : i32
        %get3A_711 = arith.index_cast %get3A_710 : i32 to index
        %get3A_712 = arith.index_cast %add3A_672 : i32 to index
        %get3A_713 = arith.constant 48 : index
        %get3A_714 = tpu.vector_load %arg10[%get3A_711, %get3A_712, %get3A_713] {strides = array<i32>} : memref<2x128x128xf32, #tpu.memory_space<vmem>>, vector<16xf32>,
        %mul3A_715 = arith.mulf %get3A_714, %gather3A_676 : vector<16xf32>
        %swap3A_716 = arith.constant 0 : i32
        %swap3A_717 = arith.index_cast %swap3A_716 : i32 to index
        %swap3A_718 = arith.index_cast %add3A_672 : i32 to index
        %swap3A_719 = arith.constant 48 : index
        %swap3A_720 = tpu.vector_load %arg10[%swap3A_717, %swap3A_718, %swap3A_719] {strides = array<i32>} : memref<2x128x128xf32, #tpu.memory_space<vmem>>, vector<16xf32>,
        tpu.vector_store %arg10[%swap3A_717, %swap3A_718, %swap3A_719], %mul3A_715 {strides = array<i32>} : memref<2x128x128xf32, #tpu.memory_space<vmem>>, vector<16xf32>,
        %get3A_721 = arith.constant 0 : i32
        %get3A_722 = arith.index_cast %get3A_721 : i32 to index
        %get3A_723 = arith.index_cast %add3A_672 : i32 to index
        %get3A_724 = arith.constant 64 : index
        %get3A_725 = tpu.vector_load %arg10[%get3A_722, %get3A_723, %get3A_724] {strides = array<i32>} : memref<2x128x128xf32, #tpu.memory_space<vmem>>, vector<16xf32>,
        %mul3A_726 = arith.mulf %get3A_725, %gather3A_676 : vector<16xf32>
        %swap3A_727 = arith.constant 0 : i32
        %swap3A_728 = arith.index_cast %swap3A_727 : i32 to index
        %swap3A_729 = arith.index_cast %add3A_672 : i32 to index
        %swap3A_730 = arith.constant 64 : index
        %swap3A_731 = tpu.vector_load %arg10[%swap3A_728, %swap3A_729, %swap3A_730] {strides = array<i32>} : memref<2x128x128xf32, #tpu.memory_space<vmem>>, vector<16xf32>,
        tpu.vector_store %arg10[%swap3A_728, %swap3A_729, %swap3A_730], %mul3A_726 {strides = array<i32>} : memref<2x128x128xf32, #tpu.memory_space<vmem>>, vector<16xf32>,
        %get3A_732 = arith.constant 0 : i32
        %get3A_733 = arith.index_cast %get3A_732 : i32 to index
        %get3A_734 = arith.index_cast %add3A_672 : i32 to index
        %get3A_735 = arith.constant 80 : index
        %get3A_736 = tpu.vector_load %arg10[%get3A_733, %get3A_734, %get3A_735] {strides = array<i32>} : memref<2x128x128xf32, #tpu.memory_space<vmem>>, vector<16xf32>,
        %mul3A_737 = arith.mulf %get3A_736, %gather3A_676 : vector<16xf32>
        %swap3A_738 = arith.constant 0 : i32
        %swap3A_739 = arith.index_cast %swap3A_738 : i32 to index
        %swap3A_740 = arith.index_cast %add3A_672 : i32 to index
        %swap3A_741 = arith.constant 80 : index
        %swap3A_742 = tpu.vector_load %arg10[%swap3A_739, %swap3A_740, %swap3A_741] {strides = array<i32>} : memref<2x128x128xf32, #tpu.memory_space<vmem>>, vector<16xf32>,
        tpu.vector_store %arg10[%swap3A_739, %swap3A_740, %swap3A_741], %mul3A_737 {strides = array<i32>} : memref<2x128x128xf32, #tpu.memory_space<vmem>>, vector<16xf32>,
        %get3A_743 = arith.constant 0 : i32
        %get3A_744 = arith.index_cast %get3A_743 : i32 to index
        %get3A_745 = arith.index_cast %add3A_672 : i32 to index
        %get3A_746 = arith.constant 96 : index
        %get3A_747 = tpu.vector_load %arg10[%get3A_744, %get3A_745, %get3A_746] {strides = array<i32>} : memref<2x128x128xf32, #tpu.memory_space<vmem>>, vector<16xf32>,
        %mul3A_748 = arith.mulf %get3A_747, %gather3A_676 : vector<16xf32>
        %swap3A_749 = arith.constant 0 : i32
        %swap3A_750 = arith.index_cast %swap3A_749 : i32 to index
        %swap3A_751 = arith.index_cast %add3A_672 : i32 to index
        %swap3A_752 = arith.constant 96 : index
        %swap3A_753 = tpu.vector_load %arg10[%swap3A_750, %swap3A_751, %swap3A_752] {strides = array<i32>} : memref<2x128x128xf32, #tpu.memory_space<vmem>>, vector<16xf32>,
        tpu.vector_store %arg10[%swap3A_750, %swap3A_751, %swap3A_752], %mul3A_748 {strides = array<i32>} : memref<2x128x128xf32, #tpu.memory_space<vmem>>, vector<16xf32>,
        %get3A_754 = arith.constant 0 : i32
        %get3A_755 = arith.index_cast %get3A_754 : i32 to index
        %get3A_756 = arith.index_cast %add3A_672 : i32 to index
        %get3A_757 = arith.constant 112 : index
        %get3A_758 = tpu.vector_load %arg10[%get3A_755, %get3A_756, %get3A_757] {strides = array<i32>} : memref<2x128x128xf32, #tpu.memory_space<vmem>>, vector<16xf32>,
        %mul3A_759 = arith.mulf %get3A_758, %gather3A_676 : vector<16xf32>
        %swap3A_760 = arith.constant 0 : i32
        %swap3A_761 = arith.index_cast %swap3A_760 : i32 to index
        %swap3A_762 = arith.index_cast %add3A_672 : i32 to index
        %swap3A_763 = arith.constant 112 : index
        %swap3A_764 = tpu.vector_load %arg10[%swap3A_761, %swap3A_762, %swap3A_763] {strides = array<i32>} : memref<2x128x128xf32, #tpu.memory_space<vmem>>, vector<16xf32>,
        tpu.vector_store %arg10[%swap3A_761, %swap3A_762, %swap3A_763], %mul3A_759 {strides = array<i32>} : memref<2x128x128xf32, #tpu.memory_space<vmem>>, vector<16xf32>,
        %mul3A_765 = arith.constant 4 : i32
        %mul3A_766 = arith.muli %scan3A_574, %mul3A_765 : i32
        %add3A_767 = arith.constant 2 : i32
        %add3A_768 = arith.addi %mul3A_766, %add3A_767 : i32
        %add3A_769 = arith.constant 0 : i32
        %add3A_770 = arith.addi %add3A_769, %add3A_768 : i32
        %broadcast_in_dim3A_771 = vector.broadcast %add3A_770 : i32 to vector<16xi32>
        %gather3A_772 = tpu.vector_load_idx %arg9[%broadcast_in_dim3A_771] : memref<256xf32, #tpu.memory_space<vmem>>[vector<16xi32>], vector<16xf32>,
        %get3A_773 = arith.constant 0 : i32
        %get3A_774 = arith.index_cast %get3A_773 : i32 to index
        %get3A_775 = arith.index_cast %add3A_768 : i32 to index
        %get3A_776 = arith.constant 0 : index
        %get3A_777 = tpu.vector_load %arg10[%get3A_774, %get3A_775, %get3A_776] {strides = array<i32>} : memref<2x128x128xf32, #tpu.memory_space<vmem>>, vector<16xf32>,
        %mul3A_778 = arith.mulf %get3A_777, %gather3A_772 : vector<16xf32>
        %swap3A_779 = arith.constant 0 : i32
        %swap3A_780 = arith.index_cast %swap3A_779 : i32 to index
        %swap3A_781 = arith.index_cast %add3A_768 : i32 to index
        %swap3A_782 = arith.constant 0 : index
        %swap3A_783 = tpu.vector_load %arg10[%swap3A_780, %swap3A_781, %swap3A_782] {strides = array<i32>} : memref<2x128x128xf32, #tpu.memory_space<vmem>>, vector<16xf32>,
        tpu.vector_store %arg10[%swap3A_780, %swap3A_781, %swap3A_782], %mul3A_778 {strides = array<i32>} : memref<2x128x128xf32, #tpu.memory_space<vmem>>, vector<16xf32>,
        %get3A_784 = arith.constant 0 : i32
        %get3A_785 = arith.index_cast %get3A_784 : i32 to index
        %get3A_786 = arith.index_cast %add3A_768 : i32 to index
        %get3A_787 = arith.constant 16 : index
        %get3A_788 = tpu.vector_load %arg10[%get3A_785, %get3A_786, %get3A_787] {strides = array<i32>} : memref<2x128x128xf32, #tpu.memory_space<vmem>>, vector<16xf32>,
        %mul3A_789 = arith.mulf %get3A_788, %gather3A_772 : vector<16xf32>
        %swap3A_790 = arith.constant 0 : i32
        %swap3A_791 = arith.index_cast %swap3A_790 : i32 to index
        %swap3A_792 = arith.index_cast %add3A_768 : i32 to index
        %swap3A_793 = arith.constant 16 : index
        %swap3A_794 = tpu.vector_load %arg10[%swap3A_791, %swap3A_792, %swap3A_793] {strides = array<i32>} : memref<2x128x128xf32, #tpu.memory_space<vmem>>, vector<16xf32>,
        tpu.vector_store %arg10[%swap3A_791, %swap3A_792, %swap3A_793], %mul3A_789 {strides = array<i32>} : memref<2x128x128xf32, #tpu.memory_space<vmem>>, vector<16xf32>,
        %get3A_795 = arith.constant 0 : i32
        %get3A_796 = arith.index_cast %get3A_795 : i32 to index
        %get3A_797 = arith.index_cast %add3A_768 : i32 to index
        %get3A_798 = arith.constant 32 : index
        %get3A_799 = tpu.vector_load %arg10[%get3A_796, %get3A_797, %get3A_798] {strides = array<i32>} : memref<2x128x128xf32, #tpu.memory_space<vmem>>, vector<16xf32>,
        %mul3A_800 = arith.mulf %get3A_799, %gather3A_772 : vector<16xf32>
        %swap3A_801 = arith.constant 0 : i32
        %swap3A_802 = arith.index_cast %swap3A_801 : i32 to index
        %swap3A_803 = arith.index_cast %add3A_768 : i32 to index
        %swap3A_804 = arith.constant 32 : index
        %swap3A_805 = tpu.vector_load %arg10[%swap3A_802, %swap3A_803, %swap3A_804] {strides = array<i32>} : memref<2x128x128xf32, #tpu.memory_space<vmem>>, vector<16xf32>,
        tpu.vector_store %arg10[%swap3A_802, %swap3A_803, %swap3A_804], %mul3A_800 {strides = array<i32>} : memref<2x128x128xf32, #tpu.memory_space<vmem>>, vector<16xf32>,
        %get3A_806 = arith.constant 0 : i32
        %get3A_807 = arith.index_cast %get3A_806 : i32 to index
        %get3A_808 = arith.index_cast %add3A_768 : i32 to index
        %get3A_809 = arith.constant 48 : index
        %get3A_810 = tpu.vector_load %arg10[%get3A_807, %get3A_808, %get3A_809] {strides = array<i32>} : memref<2x128x128xf32, #tpu.memory_space<vmem>>, vector<16xf32>,
        %mul3A_811 = arith.mulf %get3A_810, %gather3A_772 : vector<16xf32>
        %swap3A_812 = arith.constant 0 : i32
        %swap3A_813 = arith.index_cast %swap3A_812 : i32 to index
        %swap3A_814 = arith.index_cast %add3A_768 : i32 to index
        %swap3A_815 = arith.constant 48 : index
        %swap3A_816 = tpu.vector_load %arg10[%swap3A_813, %swap3A_814, %swap3A_815] {strides = array<i32>} : memref<2x128x128xf32, #tpu.memory_space<vmem>>, vector<16xf32>,
        tpu.vector_store %arg10[%swap3A_813, %swap3A_814, %swap3A_815], %mul3A_811 {strides = array<i32>} : memref<2x128x128xf32, #tpu.memory_space<vmem>>, vector<16xf32>,
        %get3A_817 = arith.constant 0 : i32
        %get3A_818 = arith.index_cast %get3A_817 : i32 to index
        %get3A_819 = arith.index_cast %add3A_768 : i32 to index
        %get3A_820 = arith.constant 64 : index
        %get3A_821 = tpu.vector_load %arg10[%get3A_818, %get3A_819, %get3A_820] {strides = array<i32>} : memref<2x128x128xf32, #tpu.memory_space<vmem>>, vector<16xf32>,
        %mul3A_822 = arith.mulf %get3A_821, %gather3A_772 : vector<16xf32>
        %swap3A_823 = arith.constant 0 : i32
        %swap3A_824 = arith.index_cast %swap3A_823 : i32 to index
        %swap3A_825 = arith.index_cast %add3A_768 : i32 to index
        %swap3A_826 = arith.constant 64 : index
        %swap3A_827 = tpu.vector_load %arg10[%swap3A_824, %swap3A_825, %swap3A_826] {strides = array<i32>} : memref<2x128x128xf32, #tpu.memory_space<vmem>>, vector<16xf32>,
        tpu.vector_store %arg10[%swap3A_824, %swap3A_825, %swap3A_826], %mul3A_822 {strides = array<i32>} : memref<2x128x128xf32, #tpu.memory_space<vmem>>, vector<16xf32>,
        %get3A_828 = arith.constant 0 : i32
        %get3A_829 = arith.index_cast %get3A_828 : i32 to index
        %get3A_830 = arith.index_cast %add3A_768 : i32 to index
        %get3A_831 = arith.constant 80 : index
        %get3A_832 = tpu.vector_load %arg10[%get3A_829, %get3A_830, %get3A_831] {strides = array<i32>} : memref<2x128x128xf32, #tpu.memory_space<vmem>>, vector<16xf32>,
        %mul3A_833 = arith.mulf %get3A_832, %gather3A_772 : vector<16xf32>
        %swap3A_834 = arith.constant 0 : i32
        %swap3A_835 = arith.index_cast %swap3A_834 : i32 to index
        %swap3A_836 = arith.index_cast %add3A_768 : i32 to index
        %swap3A_837 = arith.constant 80 : index
        %swap3A_838 = tpu.vector_load %arg10[%swap3A_835, %swap3A_836, %swap3A_837] {strides = array<i32>} : memref<2x128x128xf32, #tpu.memory_space<vmem>>, vector<16xf32>,
        tpu.vector_store %arg10[%swap3A_835, %swap3A_836, %swap3A_837], %mul3A_833 {strides = array<i32>} : memref<2x128x128xf32, #tpu.memory_space<vmem>>, vector<16xf32>,
        %get3A_839 = arith.constant 0 : i32
        %get3A_840 = arith.index_cast %get3A_839 : i32 to index
        %get3A_841 = arith.index_cast %add3A_768 : i32 to index
        %get3A_842 = arith.constant 96 : index
        %get3A_843 = tpu.vector_load %arg10[%get3A_840, %get3A_841, %get3A_842] {strides = array<i32>} : memref<2x128x128xf32, #tpu.memory_space<vmem>>, vector<16xf32>,
        %mul3A_844 = arith.mulf %get3A_843, %gather3A_772 : vector<16xf32>
        %swap3A_845 = arith.constant 0 : i32
        %swap3A_846 = arith.index_cast %swap3A_845 : i32 to index
        %swap3A_847 = arith.index_cast %add3A_768 : i32 to index
        %swap3A_848 = arith.constant 96 : index
        %swap3A_849 = tpu.vector_load %arg10[%swap3A_846, %swap3A_847, %swap3A_848] {strides = array<i32>} : memref<2x128x128xf32, #tpu.memory_space<vmem>>, vector<16xf32>,
        tpu.vector_store %arg10[%swap3A_846, %swap3A_847, %swap3A_848], %mul3A_844 {strides = array<i32>} : memref<2x128x128xf32, #tpu.memory_space<vmem>>, vector<16xf32>,
        %get3A_850 = arith.constant 0 : i32
        %get3A_851 = arith.index_cast %get3A_850 : i32 to index
        %get3A_852 = arith.index_cast %add3A_768 : i32 to index
        %get3A_853 = arith.constant 112 : index
        %get3A_854 = tpu.vector_load %arg10[%get3A_851, %get3A_852, %get3A_853] {strides = array<i32>} : memref<2x128x128xf32, #tpu.memory_space<vmem>>, vector<16xf32>,
        %mul3A_855 = arith.mulf %get3A_854, %gather3A_772 : vector<16xf32>
        %swap3A_856 = arith.constant 0 : i32
        %swap3A_857 = arith.index_cast %swap3A_856 : i32 to index
        %swap3A_858 = arith.index_cast %add3A_768 : i32 to index
        %swap3A_859 = arith.constant 112 : index
        %swap3A_860 = tpu.vector_load %arg10[%swap3A_857, %swap3A_858, %swap3A_859] {strides = array<i32>} : memref<2x128x128xf32, #tpu.memory_space<vmem>>, vector<16xf32>,
        tpu.vector_store %arg10[%swap3A_857, %swap3A_858, %swap3A_859], %mul3A_855 {strides = array<i32>} : memref<2x128x128xf32, #tpu.memory_space<vmem>>, vector<16xf32>,
        %mul3A_861 = arith.constant 4 : i32
        %mul3A_862 = arith.muli %scan3A_574, %mul3A_861 : i32
        %add3A_863 = arith.constant 3 : i32
        %add3A_864 = arith.addi %mul3A_862, %add3A_863 : i32
        %add3A_865 = arith.constant 0 : i32
        %add3A_866 = arith.addi %add3A_865, %add3A_864 : i32
        %broadcast_in_dim3A_867 = vector.broadcast %add3A_866 : i32 to vector<16xi32>
        %gather3A_868 = tpu.vector_load_idx %arg9[%broadcast_in_dim3A_867] : memref<256xf32, #tpu.memory_space<vmem>>[vector<16xi32>], vector<16xf32>,
        %get3A_869 = arith.constant 0 : i32
        %get3A_870 = arith.index_cast %get3A_869 : i32 to index
        %get3A_871 = arith.index_cast %add3A_864 : i32 to index
        %get3A_872 = arith.constant 0 : index
        %get3A_873 = tpu.vector_load %arg10[%get3A_870, %get3A_871, %get3A_872] {strides = array<i32>} : memref<2x128x128xf32, #tpu.memory_space<vmem>>, vector<16xf32>,
        %mul3A_874 = arith.mulf %get3A_873, %gather3A_868 : vector<16xf32>
        %swap3A_875 = arith.constant 0 : i32
        %swap3A_876 = arith.index_cast %swap3A_875 : i32 to index
        %swap3A_877 = arith.index_cast %add3A_864 : i32 to index
        %swap3A_878 = arith.constant 0 : index
        %swap3A_879 = tpu.vector_load %arg10[%swap3A_876, %swap3A_877, %swap3A_878] {strides = array<i32>} : memref<2x128x128xf32, #tpu.memory_space<vmem>>, vector<16xf32>,
        tpu.vector_store %arg10[%swap3A_876, %swap3A_877, %swap3A_878], %mul3A_874 {strides = array<i32>} : memref<2x128x128xf32, #tpu.memory_space<vmem>>, vector<16xf32>,
        %get3A_880 = arith.constant 0 : i32
        %get3A_881 = arith.index_cast %get3A_880 : i32 to index
        %get3A_882 = arith.index_cast %add3A_864 : i32 to index
        %get3A_883 = arith.constant 16 : index
        %get3A_884 = tpu.vector_load %arg10[%get3A_881, %get3A_882, %get3A_883] {strides = array<i32>} : memref<2x128x128xf32, #tpu.memory_space<vmem>>, vector<16xf32>,
        %mul3A_885 = arith.mulf %get3A_884, %gather3A_868 : vector<16xf32>
        %swap3A_886 = arith.constant 0 : i32
        %swap3A_887 = arith.index_cast %swap3A_886 : i32 to index
        %swap3A_888 = arith.index_cast %add3A_864 : i32 to index
        %swap3A_889 = arith.constant 16 : index
        %swap3A_890 = tpu.vector_load %arg10[%swap3A_887, %swap3A_888, %swap3A_889] {strides = array<i32>} : memref<2x128x128xf32, #tpu.memory_space<vmem>>, vector<16xf32>,
        tpu.vector_store %arg10[%swap3A_887, %swap3A_888, %swap3A_889], %mul3A_885 {strides = array<i32>} : memref<2x128x128xf32, #tpu.memory_space<vmem>>, vector<16xf32>,
        %get3A_891 = arith.constant 0 : i32
        %get3A_892 = arith.index_cast %get3A_891 : i32 to index
        %get3A_893 = arith.index_cast %add3A_864 : i32 to index
        %get3A_894 = arith.constant 32 : index
        %get3A_895 = tpu.vector_load %arg10[%get3A_892, %get3A_893, %get3A_894] {strides = array<i32>} : memref<2x128x128xf32, #tpu.memory_space<vmem>>, vector<16xf32>,
        %mul3A_896 = arith.mulf %get3A_895, %gather3A_868 : vector<16xf32>
        %swap3A_897 = arith.constant 0 : i32
        %swap3A_898 = arith.index_cast %swap3A_897 : i32 to index
        %swap3A_899 = arith.index_cast %add3A_864 : i32 to index
        %swap3A_900 = arith.constant 32 : index
        %swap3A_901 = tpu.vector_load %arg10[%swap3A_898, %swap3A_899, %swap3A_900] {strides = array<i32>} : memref<2x128x128xf32, #tpu.memory_space<vmem>>, vector<16xf32>,
        tpu.vector_store %arg10[%swap3A_898, %swap3A_899, %swap3A_900], %mul3A_896 {strides = array<i32>} : memref<2x128x128xf32, #tpu.memory_space<vmem>>, vector<16xf32>,
        %get3A_902 = arith.constant 0 : i32
        %get3A_903 = arith.index_cast %get3A_902 : i32 to index
        %get3A_904 = arith.index_cast %add3A_864 : i32 to index
        %get3A_905 = arith.constant 48 : index
        %get3A_906 = tpu.vector_load %arg10[%get3A_903, %get3A_904, %get3A_905] {strides = array<i32>} : memref<2x128x128xf32, #tpu.memory_space<vmem>>, vector<16xf32>,
        %mul3A_907 = arith.mulf %get3A_906, %gather3A_868 : vector<16xf32>
        %swap3A_908 = arith.constant 0 : i32
        %swap3A_909 = arith.index_cast %swap3A_908 : i32 to index
        %swap3A_910 = arith.index_cast %add3A_864 : i32 to index
        %swap3A_911 = arith.constant 48 : index
        %swap3A_912 = tpu.vector_load %arg10[%swap3A_909, %swap3A_910, %swap3A_911] {strides = array<i32>} : memref<2x128x128xf32, #tpu.memory_space<vmem>>, vector<16xf32>,
        tpu.vector_store %arg10[%swap3A_909, %swap3A_910, %swap3A_911], %mul3A_907 {strides = array<i32>} : memref<2x128x128xf32, #tpu.memory_space<vmem>>, vector<16xf32>,
        %get3A_913 = arith.constant 0 : i32
        %get3A_914 = arith.index_cast %get3A_913 : i32 to index
        %get3A_915 = arith.index_cast %add3A_864 : i32 to index
        %get3A_916 = arith.constant 64 : index
        %get3A_917 = tpu.vector_load %arg10[%get3A_914, %get3A_915, %get3A_916] {strides = array<i32>} : memref<2x128x128xf32, #tpu.memory_space<vmem>>, vector<16xf32>,
        %mul3A_918 = arith.mulf %get3A_917, %gather3A_868 : vector<16xf32>
        %swap3A_919 = arith.constant 0 : i32
        %swap3A_920 = arith.index_cast %swap3A_919 : i32 to index
        %swap3A_921 = arith.index_cast %add3A_864 : i32 to index
        %swap3A_922 = arith.constant 64 : index
        %swap3A_923 = tpu.vector_load %arg10[%swap3A_920, %swap3A_921, %swap3A_922] {strides = array<i32>} : memref<2x128x128xf32, #tpu.memory_space<vmem>>, vector<16xf32>,
        tpu.vector_store %arg10[%swap3A_920, %swap3A_921, %swap3A_922], %mul3A_918 {strides = array<i32>} : memref<2x128x128xf32, #tpu.memory_space<vmem>>, vector<16xf32>,
        %get3A_924 = arith.constant 0 : i32
        %get3A_925 = arith.index_cast %get3A_924 : i32 to index
        %get3A_926 = arith.index_cast %add3A_864 : i32 to index
        %get3A_927 = arith.constant 80 : index
        %get3A_928 = tpu.vector_load %arg10[%get3A_925, %get3A_926, %get3A_927] {strides = array<i32>} : memref<2x128x128xf32, #tpu.memory_space<vmem>>, vector<16xf32>,
        %mul3A_929 = arith.mulf %get3A_928, %gather3A_868 : vector<16xf32>
        %swap3A_930 = arith.constant 0 : i32
        %swap3A_931 = arith.index_cast %swap3A_930 : i32 to index
        %swap3A_932 = arith.index_cast %add3A_864 : i32 to index
        %swap3A_933 = arith.constant 80 : index
        %swap3A_934 = tpu.vector_load %arg10[%swap3A_931, %swap3A_932, %swap3A_933] {strides = array<i32>} : memref<2x128x128xf32, #tpu.memory_space<vmem>>, vector<16xf32>,
        tpu.vector_store %arg10[%swap3A_931, %swap3A_932, %swap3A_933], %mul3A_929 {strides = array<i32>} : memref<2x128x128xf32, #tpu.memory_space<vmem>>, vector<16xf32>,
        %get3A_935 = arith.constant 0 : i32
        %get3A_936 = arith.index_cast %get3A_935 : i32 to index
        %get3A_937 = arith.index_cast %add3A_864 : i32 to index
        %get3A_938 = arith.constant 96 : index
        %get3A_939 = tpu.vector_load %arg10[%get3A_936, %get3A_937, %get3A_938] {strides = array<i32>} : memref<2x128x128xf32, #tpu.memory_space<vmem>>, vector<16xf32>,
        %mul3A_940 = arith.mulf %get3A_939, %gather3A_868 : vector<16xf32>
        %swap3A_941 = arith.constant 0 : i32
        %swap3A_942 = arith.index_cast %swap3A_941 : i32 to index
        %swap3A_943 = arith.index_cast %add3A_864 : i32 to index
        %swap3A_944 = arith.constant 96 : index
        %swap3A_945 = tpu.vector_load %arg10[%swap3A_942, %swap3A_943, %swap3A_944] {strides = array<i32>} : memref<2x128x128xf32, #tpu.memory_space<vmem>>, vector<16xf32>,
        tpu.vector_store %arg10[%swap3A_942, %swap3A_943, %swap3A_944], %mul3A_940 {strides = array<i32>} : memref<2x128x128xf32, #tpu.memory_space<vmem>>, vector<16xf32>,
        %get3A_946 = arith.constant 0 : i32
        %get3A_947 = arith.index_cast %get3A_946 : i32 to index
        %get3A_948 = arith.index_cast %add3A_864 : i32 to index
        %get3A_949 = arith.constant 112 : index
        %get3A_950 = tpu.vector_load %arg10[%get3A_947, %get3A_948, %get3A_949] {strides = array<i32>} : memref<2x128x128xf32, #tpu.memory_space<vmem>>, vector<16xf32>,
        %mul3A_951 = arith.mulf %get3A_950, %gather3A_868 : vector<16xf32>
        %swap3A_952 = arith.constant 0 : i32
        %swap3A_953 = arith.index_cast %swap3A_952 : i32 to index
        %swap3A_954 = arith.index_cast %add3A_864 : i32 to index
        %swap3A_955 = arith.constant 112 : index
        %swap3A_956 = tpu.vector_load %arg10[%swap3A_953, %swap3A_954, %swap3A_955] {strides = array<i32>} : memref<2x128x128xf32, #tpu.memory_space<vmem>>, vector<16xf32>,
        tpu.vector_store %arg10[%swap3A_953, %swap3A_954, %swap3A_955], %mul3A_951 {strides = array<i32>} : memref<2x128x128xf32, #tpu.memory_space<vmem>>, vector<16xf32>,
      }
      %scan3A_457 = arith.constant 32 : i32
      %dma_start3A_458 = arith.constant 0 : i32
      %dma_start3A_459 = arith.constant 0 : i32
      %dma_start3A_460 = arith.constant 0 : i32
      %dma_start3A_461 = arith.constant 0 : i32
      %dma_start3A_462 = tpu.memref_slice %arg10[%dma_start3A_458, %dma_start3A_460, %dma_start3A_461] : memref<2x128x128xf32, #tpu.memory_space<vmem>> -> memref<1x128x128xf32, #tpu.memory_space<vmem>>
      %dma_start3A_463 = tpu.memref_squeeze %dma_start3A_462 : memref<1x128x128xf32, #tpu.memory_space<vmem>> -> memref<128x128xf32, #tpu.memory_space<vmem>>
      %dma_start3A_464 = arith.constant 0 : i32
      %dma_start3A_465 = tpu.memref_slice %arg8[%dma_start3A_459, %dma_start3A_464] : memref<2x128xi32, #tpu.memory_space<vmem>> -> memref<1x128xi32, #tpu.memory_space<vmem>>
      %dma_start3A_466 = tpu.memref_squeeze %dma_start3A_465 : memref<1x128xi32, #tpu.memory_space<vmem>> -> memref<128xi32, #tpu.memory_space<vmem>>
      %dma_start3A_467 = arith.constant 0 : i32
      %dma_start3A_468 = arith.constant 0 : i32
      %dma_start3A_469 = tpu.memref_slice %arg11[%dma_start3A_467, %dma_start3A_468] : memref<10000x128xf32, #tpu.memory_space<vmem_shared>> -> memref<10000x128xf32, #tpu.memory_space<vmem_shared>>
      tpu.enqueue_indirect_dma source(%dma_start3A_463 : memref<128x128xf32, #tpu.memory_space<vmem>>) target(%dma_start3A_469 : memref<10000x128xf32, #tpu.memory_space<vmem_shared>>) offsets(%dma_start3A_466 : memref<128xi32, #tpu.memory_space<vmem>>) semaphore(%arg17 : memref<!tpu.dma_semaphore, #tpu.memory_space<semaphore_mem>>) {add = true}
      %add3A_470 = arith.constant 2 : i32
      %add3A_471 = arith.addi %add3A_435, %add3A_470 : i32
      %mul3A_472 = arith.constant 81 : i32
      %mul3A_473 = arith.muli %add3A, %mul3A_472 : i32
      %add3A_474 = arith.addi %mul3A_473, %add3A_471 : i32
      %mul3A_475 = arith.constant 512 : i32
      %mul3A_476 = arith.muli %add3A_474, %mul3A_475 : i32
      %multiple_of3A_477 = tpu.assume_multiple %mul3A_476, 128 : i32
      %dma_start3A_478 = arith.constant 0 : i32
      %dma_start3A_479 = tpu.memref_slice %arg7[%dma_start3A_478] : memref<1024xi32, #tpu.memory_space<vmem>> -> memref<384xi32, #tpu.memory_space<vmem>>
      %dma_start3A_480 = tpu.memref_slice %arg4[%multiple_of3A_477] : memref<1327104xi32, #tpu.memory_space<hbm>> -> memref<384xi32, #tpu.memory_space<hbm>>
      %dma_start3A_481 = arith.constant 0 : i32
      %dma_start3A_482 = tpu.memref_slice %arg7[%dma_start3A_481] : memref<1024xi32, #tpu.memory_space<vmem>> -> memref<384xi32, #tpu.memory_space<vmem>>
      %dma_start3A_483 = tpu.memref_slice %arg4[%multiple_of3A_477] : memref<1327104xi32, #tpu.memory_space<hbm>> -> memref<384xi32, #tpu.memory_space<hbm>>
      tpu.enqueue_dma source(%dma_start3A_483 : memref<384xi32, #tpu.memory_space<hbm>>) target(%dma_start3A_482 : memref<384xi32, #tpu.memory_space<vmem>>) target_semaphore(%arg13 : memref<!tpu.dma_semaphore, #tpu.memory_space<semaphore_mem>>)
      %dma_wait3A_484 = arith.constant 1 : i32
      %dma_wait3A_485 = arith.constant 1 : i32
      %dma_wait3A_486 = arith.constant 0 : i32
      %dma_wait3A_487 = arith.constant 0 : i32
      %dma_wait3A_488 = tpu.memref_slice %arg10[%dma_wait3A_484, %dma_wait3A_486, %dma_wait3A_487] : memref<2x128x128xf32, #tpu.memory_space<vmem>> -> memref<1x128x128xf32, #tpu.memory_space<vmem>>
      %dma_wait3A_489 = tpu.memref_squeeze %dma_wait3A_488 : memref<1x128x128xf32, #tpu.memory_space<vmem>> -> memref<128x128xf32, #tpu.memory_space<vmem>>
      %dma_wait3A_490 = arith.constant 0 : i32
      %dma_wait3A_491 = tpu.memref_slice %arg8[%dma_wait3A_485, %dma_wait3A_490] : memref<2x128xi32, #tpu.memory_space<vmem>> -> memref<1x128xi32, #tpu.memory_space<vmem>>
      %dma_wait3A_492 = tpu.memref_squeeze %dma_wait3A_491 : memref<1x128xi32, #tpu.memory_space<vmem>> -> memref<128xi32, #tpu.memory_space<vmem>>
      %dma_wait3A_493 = arith.constant 0 : i32
      %dma_wait3A_494 = arith.constant 0 : i32
      %dma_wait3A_495 = tpu.memref_slice %arg11[%dma_wait3A_493, %dma_wait3A_494] : memref<10000x128xf32, #tpu.memory_space<vmem_shared>> -> memref<10000x128xf32, #tpu.memory_space<vmem_shared>>
      tpu.wait_indirect_dma semaphore(%arg18 : memref<!tpu.dma_semaphore, #tpu.memory_space<semaphore_mem>>) src(%dma_wait3A_489 : memref<128x128xf32, #tpu.memory_space<vmem>>) dst(%dma_wait3A_495 : memref<10000x128xf32, #tpu.memory_space<vmem_shared>>)
      %add3A_496 = arith.constant 1 : i32
      %add3A_497 = arith.addi %add3A_435, %add3A_496 : i32
      %mul3A_498 = arith.constant 81 : i32
      %mul3A_499 = arith.muli %add3A, %mul3A_498 : i32
      %add3A_500 = arith.addi %mul3A_499, %add3A_497 : i32
      %mul3A_501 = arith.constant 512 : i32
      %mul3A_502 = arith.muli %add3A_500, %mul3A_501 : i32
      %multiple_of3A_503 = tpu.assume_multiple %mul3A_502, 128 : i32
      %dma_wait3A_504 = arith.constant 512 : i32
      %dma_wait3A_505 = tpu.memref_slice %arg7[%dma_wait3A_504] : memref<1024xi32, #tpu.memory_space<vmem>> -> memref<384xi32, #tpu.memory_space<vmem>>
      %dma_wait3A_506 = tpu.memref_slice %arg4[%multiple_of3A_503] : memref<1327104xi32, #tpu.memory_space<hbm>> -> memref<384xi32, #tpu.memory_space<hbm>>
      %dma_wait3A_507 = arith.constant 512 : i32
      %dma_wait3A_508 = tpu.memref_slice %arg7[%dma_wait3A_507] : memref<1024xi32, #tpu.memory_space<vmem>> -> memref<384xi32, #tpu.memory_space<vmem>>
      %dma_wait3A_509 = tpu.memref_slice %arg4[%multiple_of3A_503] : memref<1327104xi32, #tpu.memory_space<hbm>> -> memref<384xi32, #tpu.memory_space<hbm>>
      tpu.wait_dma2 semaphore(%arg14 : memref<!tpu.dma_semaphore, #tpu.memory_space<semaphore_mem>>) src(%dma_wait3A_509 : memref<384xi32, #tpu.memory_space<hbm>>) dst(%dma_wait3A_508 : memref<384xi32, #tpu.memory_space<vmem>>)
      %get3A_510 = arith.constant 768 : index
      %get3A_511 = tpu.vector_load %arg7[%get3A_510] {strides = array<i32>} : memref<1024xi32, #tpu.memory_space<vmem>>, vector<16xi32>,
      %swap3A_512 = arith.constant 1 : i32
      %swap3A_513 = arith.index_cast %swap3A_512 : i32 to index
      %swap3A_514 = arith.constant 0 : index
      %swap3A_515 = tpu.vector_load %arg8[%swap3A_513, %swap3A_514] {strides = array<i32>} : memref<2x128xi32, #tpu.memory_space<vmem>>, vector<16xi32>,
      tpu.vector_store %arg8[%swap3A_513, %swap3A_514], %get3A_511 {strides = array<i32>} : memref<2x128xi32, #tpu.memory_space<vmem>>, vector<16xi32>,
      %get3A_516 = arith.constant 784 : index
      %get3A_517 = tpu.vector_load %arg7[%get3A_516] {strides = array<i32>} : memref<1024xi32, #tpu.memory_space<vmem>>, vector<16xi32>,
      %swap3A_518 = arith.constant 1 : i32
      %swap3A_519 = arith.index_cast %swap3A_518 : i32 to index
      %swap3A_520 = arith.constant 16 : index
      %swap3A_521 = tpu.vector_load %arg8[%swap3A_519, %swap3A_520] {strides = array<i32>} : memref<2x128xi32, #tpu.memory_space<vmem>>, vector<16xi32>,
      tpu.vector_store %arg8[%swap3A_519, %swap3A_520], %get3A_517 {strides = array<i32>} : memref<2x128xi32, #tpu.memory_space<vmem>>, vector<16xi32>,
      %get3A_522 = arith.constant 800 : index
      %get3A_523 = tpu.vector_load %arg7[%get3A_522] {strides = array<i32>} : memref<1024xi32, #tpu.memory_space<vmem>>, vector<16xi32>,
      %swap3A_524 = arith.constant 1 : i32
      %swap3A_525 = arith.index_cast %swap3A_524 : i32 to index
      %swap3A_526 = arith.constant 32 : index
      %swap3A_527 = tpu.vector_load %arg8[%swap3A_525, %swap3A_526] {strides = array<i32>} : memref<2x128xi32, #tpu.memory_space<vmem>>, vector<16xi32>,
      tpu.vector_store %arg8[%swap3A_525, %swap3A_526], %get3A_523 {strides = array<i32>} : memref<2x128xi32, #tpu.memory_space<vmem>>, vector<16xi32>,
      %get3A_528 = arith.constant 816 : index
      %get3A_529 = tpu.vector_load %arg7[%get3A_528] {strides = array<i32>} : memref<1024xi32, #tpu.memory_space<vmem>>, vector<16xi32>,
      %swap3A_530 = arith.constant 1 : i32
      %swap3A_531 = arith.index_cast %swap3A_530 : i32 to index
      %swap3A_532 = arith.constant 48 : index
      %swap3A_533 = tpu.vector_load %arg8[%swap3A_531, %swap3A_532] {strides = array<i32>} : memref<2x128xi32, #tpu.memory_space<vmem>>, vector<16xi32>,
      tpu.vector_store %arg8[%swap3A_531, %swap3A_532], %get3A_529 {strides = array<i32>} : memref<2x128xi32, #tpu.memory_space<vmem>>, vector<16xi32>,
      %get3A_534 = arith.constant 832 : index
      %get3A_535 = tpu.vector_load %arg7[%get3A_534] {strides = array<i32>} : memref<1024xi32, #tpu.memory_space<vmem>>, vector<16xi32>,
      %swap3A_536 = arith.constant 1 : i32
      %swap3A_537 = arith.index_cast %swap3A_536 : i32 to index
      %swap3A_538 = arith.constant 64 : index
      %swap3A_539 = tpu.vector_load %arg8[%swap3A_537, %swap3A_538] {strides = array<i32>} : memref<2x128xi32, #tpu.memory_space<vmem>>, vector<16xi32>,
      tpu.vector_store %arg8[%swap3A_537, %swap3A_538], %get3A_535 {strides = array<i32>} : memref<2x128xi32, #tpu.memory_space<vmem>>, vector<16xi32>,
      %get3A_540 = arith.constant 848 : index
      %get3A_541 = tpu.vector_load %arg7[%get3A_540] {strides = array<i32>} : memref<1024xi32, #tpu.memory_space<vmem>>, vector<16xi32>,
      %swap3A_542 = arith.constant 1 : i32
      %swap3A_543 = arith.index_cast %swap3A_542 : i32 to index
      %swap3A_544 = arith.constant 80 : index
      %swap3A_545 = tpu.vector_load %arg8[%swap3A_543, %swap3A_544] {strides = array<i32>} : memref<2x128xi32, #tpu.memory_space<vmem>>, vector<16xi32>,
      tpu.vector_store %arg8[%swap3A_543, %swap3A_544], %get3A_541 {strides = array<i32>} : memref<2x128xi32, #tpu.memory_space<vmem>>, vector<16xi32>,
      %get3A_546 = arith.constant 864 : index
      %get3A_547 = tpu.vector_load %arg7[%get3A_546] {strides = array<i32>} : memref<1024xi32, #tpu.memory_space<vmem>>, vector<16xi32>,
      %swap3A_548 = arith.constant 1 : i32
      %swap3A_549 = arith.index_cast %swap3A_548 : i32 to index
      %swap3A_550 = arith.constant 96 : index
      %swap3A_551 = tpu.vector_load %arg8[%swap3A_549, %swap3A_550] {strides = array<i32>} : memref<2x128xi32, #tpu.memory_space<vmem>>, vector<16xi32>,
      tpu.vector_store %arg8[%swap3A_549, %swap3A_550], %get3A_547 {strides = array<i32>} : memref<2x128xi32, #tpu.memory_space<vmem>>, vector<16xi32>,
      %get3A_552 = arith.constant 880 : index
      %get3A_553 = tpu.vector_load %arg7[%get3A_552] {strides = array<i32>} : memref<1024xi32, #tpu.memory_space<vmem>>, vector<16xi32>,
      %swap3A_554 = arith.constant 1 : i32
      %swap3A_555 = arith.index_cast %swap3A_554 : i32 to index
      %swap3A_556 = arith.constant 112 : index
      %swap3A_557 = tpu.vector_load %arg8[%swap3A_555, %swap3A_556] {strides = array<i32>} : memref<2x128xi32, #tpu.memory_space<vmem>>, vector<16xi32>,
      tpu.vector_store %arg8[%swap3A_555, %swap3A_556], %get3A_553 {strides = array<i32>} : memref<2x128xi32, #tpu.memory_space<vmem>>, vector<16xi32>,
      %dma_start3A_558 = arith.constant 1 : i32
      %dma_start3A_559 = arith.constant 0 : i32
      %dma_start3A_560 = arith.constant 0 : i32
      %dma_start3A_561 = tpu.memref_slice %arg10[%dma_start3A_558, %dma_start3A_559, %dma_start3A_560] : memref<2x128x128xf32, #tpu.memory_space<vmem>> -> memref<1x128x128xf32, #tpu.memory_space<vmem>>
      %dma_start3A_562 = tpu.memref_squeeze %dma_start3A_561 : memref<1x128x128xf32, #tpu.memory_space<vmem>> -> memref<128x128xf32, #tpu.memory_space<vmem>>
      %dma_start3A_563 = arith.constant 512 : i32
      %dma_start3A_564 = tpu.memref_slice %arg7[%dma_start3A_563] : memref<1024xi32, #tpu.memory_space<vmem>> -> memref<128xi32, #tpu.memory_space<vmem>>
      %dma_start3A_565 = arith.constant 0 : i32
      %dma_start3A_566 = arith.constant 0 : i32
      %dma_start3A_567 = tpu.memref_slice %arg2[%dma_start3A_565, %dma_start3A_566] : memref<40000x128xf32, #tpu.memory_space<hbm>> -> memref<40000x128xf32, #tpu.memory_space<hbm>>
      tpu.enqueue_indirect_dma source(%dma_start3A_567 : memref<40000x128xf32, #tpu.memory_space<hbm>>) target(%dma_start3A_562 : memref<128x128xf32, #tpu.memory_space<vmem>>) offsets(%dma_start3A_564 : memref<128xi32, #tpu.memory_space<vmem>>) semaphore(%arg16 : memref<!tpu.dma_semaphore, #tpu.memory_space<semaphore_mem>>)
      %dma_start3A_568 = arith.constant 128 : i32
      %dma_start3A_569 = tpu.memref_slice %arg9[%dma_start3A_568] : memref<256xf32, #tpu.memory_space<vmem>> -> memref<128xf32, #tpu.memory_space<vmem>>
      %dma_start3A_570 = arith.constant 640 : i32
      %dma_start3A_571 = tpu.memref_slice %arg7[%dma_start3A_570] : memref<1024xi32, #tpu.memory_space<vmem>> -> memref<128xi32, #tpu.memory_space<vmem>>
      %dma_start3A_572 = arith.constant 0 : i32
      %dma_start3A_573 = tpu.memref_slice %arg12[%dma_start3A_572] : memref<40960xf32, #tpu.memory_space<vmem_shared>> -> memref<40960xf32, #tpu.memory_space<vmem_shared>>
      tpu.enqueue_indirect_dma source(%dma_start3A_573 : memref<40960xf32, #tpu.memory_space<vmem_shared>>) target(%dma_start3A_569 : memref<128xf32, #tpu.memory_space<vmem>>) offsets(%dma_start3A_571 : memref<128xi32, #tpu.memory_space<vmem>>) semaphore(%arg20 : memref<!tpu.dma_semaphore, #tpu.memory_space<semaphore_mem>>)
    }
    %scan3A_237 = arith.constant 39 : i32
    %dma_wait3A_238 = arith.constant 0 : i32
    %dma_wait3A_239 = arith.constant 0 : i32
    %dma_wait3A_240 = arith.constant 0 : i32
    %dma_wait3A_241 = arith.constant 0 : i32
    %dma_wait3A_242 = tpu.memref_slice %arg10[%dma_wait3A_238, %dma_wait3A_240, %dma_wait3A_241] : memref<2x128x128xf32, #tpu.memory_space<vmem>> -> memref<1x128x128xf32, #tpu.memory_space<vmem>>
    %dma_wait3A_243 = tpu.memref_squeeze %dma_wait3A_242 : memref<1x128x128xf32, #tpu.memory_space<vmem>> -> memref<128x128xf32, #tpu.memory_space<vmem>>
    %dma_wait3A_244 = arith.constant 0 : i32
    %dma_wait3A_245 = tpu.memref_slice %arg8[%dma_wait3A_239, %dma_wait3A_244] : memref<2x128xi32, #tpu.memory_space<vmem>> -> memref<1x128xi32, #tpu.memory_space<vmem>>
    %dma_wait3A_246 = tpu.memref_squeeze %dma_wait3A_245 : memref<1x128xi32, #tpu.memory_space<vmem>> -> memref<128xi32, #tpu.memory_space<vmem>>
    %dma_wait3A_247 = arith.constant 0 : i32
    %dma_wait3A_248 = arith.constant 0 : i32
    %dma_wait3A_249 = tpu.memref_slice %arg11[%dma_wait3A_247, %dma_wait3A_248] : memref<10000x128xf32, #tpu.memory_space<vmem_shared>> -> memref<10000x128xf32, #tpu.memory_space<vmem_shared>>
    tpu.wait_indirect_dma semaphore(%arg17 : memref<!tpu.dma_semaphore, #tpu.memory_space<semaphore_mem>>) src(%dma_wait3A_243 : memref<128x128xf32, #tpu.memory_space<vmem>>) dst(%dma_wait3A_249 : memref<10000x128xf32, #tpu.memory_space<vmem_shared>>)
    %dma_wait3A_250 = arith.constant 1 : i32
    %dma_wait3A_251 = arith.constant 0 : i32
    %dma_wait3A_252 = arith.constant 0 : i32
    %dma_wait3A_253 = tpu.memref_slice %arg10[%dma_wait3A_250, %dma_wait3A_251, %dma_wait3A_252] : memref<2x128x128xf32, #tpu.memory_space<vmem>> -> memref<1x128x128xf32, #tpu.memory_space<vmem>>
    %dma_wait3A_254 = tpu.memref_squeeze %dma_wait3A_253 : memref<1x128x128xf32, #tpu.memory_space<vmem>> -> memref<128x128xf32, #tpu.memory_space<vmem>>
    %dma_wait3A_255 = arith.constant 512 : i32
    %dma_wait3A_256 = tpu.memref_slice %arg7[%dma_wait3A_255] : memref<1024xi32, #tpu.memory_space<vmem>> -> memref<128xi32, #tpu.memory_space<vmem>>
    %dma_wait3A_257 = arith.constant 0 : i32
    %dma_wait3A_258 = arith.constant 0 : i32
    %dma_wait3A_259 = tpu.memref_slice %arg2[%dma_wait3A_257, %dma_wait3A_258] : memref<40000x128xf32, #tpu.memory_space<hbm>> -> memref<40000x128xf32, #tpu.memory_space<hbm>>
    tpu.wait_indirect_dma semaphore(%arg16 : memref<!tpu.dma_semaphore, #tpu.memory_space<semaphore_mem>>) src(%dma_wait3A_259 : memref<40000x128xf32, #tpu.memory_space<hbm>>) dst(%dma_wait3A_254 : memref<128x128xf32, #tpu.memory_space<vmem>>)
    %dma_wait3A_260 = arith.constant 128 : i32
    %dma_wait3A_261 = tpu.memref_slice %arg9[%dma_wait3A_260] : memref<256xf32, #tpu.memory_space<vmem>> -> memref<128xf32, #tpu.memory_space<vmem>>
    %dma_wait3A_262 = arith.constant 640 : i32
    %dma_wait3A_263 = tpu.memref_slice %arg7[%dma_wait3A_262] : memref<1024xi32, #tpu.memory_space<vmem>> -> memref<128xi32, #tpu.memory_space<vmem>>
    %dma_wait3A_264 = arith.constant 0 : i32
    %dma_wait3A_265 = tpu.memref_slice %arg12[%dma_wait3A_264] : memref<40960xf32, #tpu.memory_space<vmem_shared>> -> memref<40960xf32, #tpu.memory_space<vmem_shared>>
    tpu.wait_indirect_dma semaphore(%arg20 : memref<!tpu.dma_semaphore, #tpu.memory_space<semaphore_mem>>) src(%dma_wait3A_265 : memref<40960xf32, #tpu.memory_space<vmem_shared>>) dst(%dma_wait3A_261 : memref<128xf32, #tpu.memory_space<vmem>>)
    %mul3A_266 = arith.constant 81 : i32
    %mul3A_267 = arith.muli %add3A, %mul3A_266 : i32
    %add3A_268 = arith.constant 80 : i32
    %add3A_269 = arith.addi %mul3A_267, %add3A_268 : i32
    %mul3A_270 = arith.constant 512 : i32
    %mul3A_271 = arith.muli %add3A_269, %mul3A_270 : i32
    %multiple_of3A_272 = tpu.assume_multiple %mul3A_271, 128 : i32
    %dma_wait3A_273 = arith.constant 0 : i32
    %dma_wait3A_274 = tpu.memref_slice %arg7[%dma_wait3A_273] : memref<1024xi32, #tpu.memory_space<vmem>> -> memref<384xi32, #tpu.memory_space<vmem>>
    %dma_wait3A_275 = tpu.memref_slice %arg4[%multiple_of3A_272] : memref<1327104xi32, #tpu.memory_space<hbm>> -> memref<384xi32, #tpu.memory_space<hbm>>
    %dma_wait3A_276 = arith.constant 0 : i32
    %dma_wait3A_277 = tpu.memref_slice %arg7[%dma_wait3A_276] : memref<1024xi32, #tpu.memory_space<vmem>> -> memref<384xi32, #tpu.memory_space<vmem>>
    %dma_wait3A_278 = tpu.memref_slice %arg4[%multiple_of3A_272] : memref<1327104xi32, #tpu.memory_space<hbm>> -> memref<384xi32, #tpu.memory_space<hbm>>
    tpu.wait_dma2 semaphore(%arg13 : memref<!tpu.dma_semaphore, #tpu.memory_space<semaphore_mem>>) src(%dma_wait3A_278 : memref<384xi32, #tpu.memory_space<hbm>>) dst(%dma_wait3A_277 : memref<384xi32, #tpu.memory_space<vmem>>)
    %barrier3A_279 = arith.constant 0 : index
    tpu.barrier barrier_id(%barrier3A_279)
    %mul3A_280 = arith.constant 624 : i32
    %mul3A_281 = arith.muli %arg1, %mul3A_280 : i32
    %mul3A_282 = arith.constant 624 : i32
    %mul3A_283 = arith.muli %arg1, %mul3A_282 : i32
    "tpu.region"() ({
      %run_scoped3A = tpu.sem_alloc : memref<!tpu.dma_semaphore, #tpu.memory_space<semaphore_mem>>
      %dma_start3A_289 = arith.constant 0 : i32
      %dma_start3A_290 = tpu.memref_slice %arg6[%arg0, %mul3A_283, %dma_start3A_289] : memref<2x10000x128xf32, #tpu.memory_space<hbm>> -> memref<1x624x128xf32, #tpu.memory_space<hbm>>
      %dma_start3A_291 = tpu.memref_squeeze %dma_start3A_290 : memref<1x624x128xf32, #tpu.memory_space<hbm>> -> memref<624x128xf32, #tpu.memory_space<hbm>>
      %dma_start3A_292 = arith.constant 0 : i32
      %dma_start3A_293 = tpu.memref_slice %arg11[%mul3A_281, %dma_start3A_292] : memref<10000x128xf32, #tpu.memory_space<vmem_shared>> -> memref<624x128xf32, #tpu.memory_space<vmem_shared>>
      tpu.enqueue_dma source(%dma_start3A_293 : memref<624x128xf32, #tpu.memory_space<vmem_shared>>) target(%dma_start3A_291 : memref<624x128xf32, #tpu.memory_space<hbm>>) target_semaphore(%run_scoped3A : memref<!tpu.dma_semaphore, #tpu.memory_space<semaphore_mem>>)
      %dma_wait3A_294 = arith.constant 0 : i32
      %dma_wait3A_295 = tpu.memref_slice %arg6[%arg0, %mul3A_283, %dma_wait3A_294] : memref<2x10000x128xf32, #tpu.memory_space<hbm>> -> memref<1x624x128xf32, #tpu.memory_space<hbm>>
      %dma_wait3A_296 = tpu.memref_squeeze %dma_wait3A_295 : memref<1x624x128xf32, #tpu.memory_space<hbm>> -> memref<624x128xf32, #tpu.memory_space<hbm>>
      %dma_wait3A_297 = arith.constant 0 : i32
      %dma_wait3A_298 = tpu.memref_slice %arg11[%mul3A_281, %dma_wait3A_297] : memref<10000x128xf32, #tpu.memory_space<vmem_shared>> -> memref<624x128xf32, #tpu.memory_space<vmem_shared>>
      tpu.wait_dma2 semaphore(%run_scoped3A : memref<!tpu.dma_semaphore, #tpu.memory_space<semaphore_mem>>) src(%dma_wait3A_298 : memref<624x128xf32, #tpu.memory_space<vmem_shared>>) dst(%dma_wait3A_296 : memref<624x128xf32, #tpu.memory_space<hbm>>)
      tpu.yield
    }) : () -> ()
    %eq3A_284 = arith.constant 0 : i32
    %eq3A_285 = arith.cmpi eq, %arg1, %eq3A_284 : i32
    %convert_element_type3A_286 = arith.extui %eq3A_285 : i1 to i32
    %cond3A_287 = arith.constant 0 : i32
    %cond3A_288 = arith.cmpi ne, %convert_element_type3A_286, %cond3A_287 : i32
    scf.if %cond3A_288 {
      "tpu.region"() ({
        %run_scoped3A = tpu.sem_alloc : memref<!tpu.dma_semaphore, #tpu.memory_space<semaphore_mem>>
        %dma_start3A_289 = arith.constant 9984 : i32
        %dma_start3A_290 = arith.constant 0 : i32
        %dma_start3A_291 = tpu.memref_slice %arg6[%arg0, %dma_start3A_289, %dma_start3A_290] : memref<2x10000x128xf32, #tpu.memory_space<hbm>> -> memref<1x16x128xf32, #tpu.memory_space<hbm>>
        %dma_start3A_292 = tpu.memref_squeeze %dma_start3A_291 : memref<1x16x128xf32, #tpu.memory_space<hbm>> -> memref<16x128xf32, #tpu.memory_space<hbm>>
        %dma_start3A_293 = arith.constant 9984 : i32
        %dma_start3A_294 = arith.constant 0 : i32
        %dma_start3A_295 = tpu.memref_slice %arg11[%dma_start3A_293, %dma_start3A_294] : memref<10000x128xf32, #tpu.memory_space<vmem_shared>> -> memref<16x128xf32, #tpu.memory_space<vmem_shared>>
        tpu.enqueue_dma source(%dma_start3A_295 : memref<16x128xf32, #tpu.memory_space<vmem_shared>>) target(%dma_start3A_292 : memref<16x128xf32, #tpu.memory_space<hbm>>) target_semaphore(%run_scoped3A : memref<!tpu.dma_semaphore, #tpu.memory_space<semaphore_mem>>)
        %dma_wait3A_296 = arith.constant 9984 : i32
        %dma_wait3A_297 = arith.constant 0 : i32
        %dma_wait3A_298 = tpu.memref_slice %arg6[%arg0, %dma_wait3A_296, %dma_wait3A_297] : memref<2x10000x128xf32, #tpu.memory_space<hbm>> -> memref<1x16x128xf32, #tpu.memory_space<hbm>>
        %dma_wait3A_299 = tpu.memref_squeeze %dma_wait3A_298 : memref<1x16x128xf32, #tpu.memory_space<hbm>> -> memref<16x128xf32, #tpu.memory_space<hbm>>
        %dma_wait3A_300 = arith.constant 9984 : i32
        %dma_wait3A_301 = arith.constant 0 : i32
        %dma_wait3A_302 = tpu.memref_slice %arg11[%dma_wait3A_300, %dma_wait3A_301] : memref<10000x128xf32, #tpu.memory_space<vmem_shared>> -> memref<16x128xf32, #tpu.memory_space<vmem_shared>>
        tpu.wait_dma2 semaphore(%run_scoped3A : memref<!tpu.dma_semaphore, #tpu.memory_space<semaphore_mem>>) src(%dma_wait3A_302 : memref<16x128xf32, #tpu.memory_space<vmem_shared>>) dst(%dma_wait3A_299 : memref<16x128xf32, #tpu.memory_space<hbm>>)
        tpu.yield
      }) : () -> ()
    } else {
    }
    return
  }
}

#map = affine_map<(d0, d1) -> (0)>
module attributes {stable_mosaic.version = 14 : i64} {
  func.func @_sc_counts(%arg0: i32, %arg1: i32, %arg2: memref<1327104xi32, #tpu.memory_space<hbm>>, %arg3: memref<40960xf32, #tpu.memory_space<hbm>>, %arg4: memref<128xf32, #tpu.memory_space<hbm>>, %arg5: memref<81920xf32, #tpu.memory_space<hbm>>, %arg6: memref<3x128xi32, #tpu.memory_space<vmem>>, %arg7: memref<128xf32, #tpu.memory_space<vmem>>, %arg8: memref<40960xf32, #tpu.memory_space<vmem_shared>>, %arg9: memref<!tpu.dma_semaphore, #tpu.memory_space<semaphore_mem>>, %arg10: memref<!tpu.dma_semaphore, #tpu.memory_space<semaphore_mem>>, %arg11: memref<!tpu.dma_semaphore, #tpu.memory_space<semaphore_mem>>) attributes {dimension_semantics = [#tpu.dimension_semantics<core_parallel>, #tpu.dimension_semantics<subcore_parallel>], iteration_bounds = array<i64: 2, 16>, scalar_prefetch = 0 : i64, scratch_operands = 6 : i64, tpu.core_type = #tpu.core_type<sc_vector_subcore>, window_params = [{transform_indices = #map}, {transform_indices = #map}, {transform_indices = #map}, {transform_indices = #map}]} {
    %mul3A = arith.constant 2 : i32
    %mul3A_0 = arith.muli %arg1, %mul3A : i32
    %add3A = arith.addi %mul3A_0, %arg0 : i32
    %mul3A_1 = arith.constant 2560 : i32
    %mul3A_2 = arith.muli %arg1, %mul3A_1 : i32
    %mul3A_3 = arith.constant 2560 : i32
    %mul3A_4 = arith.muli %arg1, %mul3A_3 : i32
    "tpu.region"() ({
      %run_scoped3A_123 = tpu.sem_alloc : memref<!tpu.dma_semaphore, #tpu.memory_space<semaphore_mem>>
      %dma_start3A_124 = tpu.memref_slice %arg8[%mul3A_4] : memref<40960xf32, #tpu.memory_space<vmem_shared>> -> memref<2560xf32, #tpu.memory_space<vmem_shared>>
      %dma_start3A_125 = tpu.memref_slice %arg3[%mul3A_2] : memref<40960xf32, #tpu.memory_space<hbm>> -> memref<2560xf32, #tpu.memory_space<hbm>>
      tpu.enqueue_dma source(%dma_start3A_125 : memref<2560xf32, #tpu.memory_space<hbm>>) target(%dma_start3A_124 : memref<2560xf32, #tpu.memory_space<vmem_shared>>) target_semaphore(%run_scoped3A_123 : memref<!tpu.dma_semaphore, #tpu.memory_space<semaphore_mem>>)
      %dma_wait3A_126 = tpu.memref_slice %arg8[%mul3A_4] : memref<40960xf32, #tpu.memory_space<vmem_shared>> -> memref<2560xf32, #tpu.memory_space<vmem_shared>>
      %dma_wait3A_127 = tpu.memref_slice %arg3[%mul3A_2] : memref<40960xf32, #tpu.memory_space<hbm>> -> memref<2560xf32, #tpu.memory_space<hbm>>
      tpu.wait_dma2 semaphore(%run_scoped3A_123 : memref<!tpu.dma_semaphore, #tpu.memory_space<semaphore_mem>>) src(%dma_wait3A_127 : memref<2560xf32, #tpu.memory_space<hbm>>) dst(%dma_wait3A_126 : memref<2560xf32, #tpu.memory_space<vmem_shared>>)
      tpu.yield
    }) : () -> ()
    "tpu.region"() ({
      %run_scoped3A_123 = tpu.sem_alloc : memref<!tpu.dma_semaphore, #tpu.memory_space<semaphore_mem>>
      tpu.enqueue_dma source(%arg4 : memref<128xf32, #tpu.memory_space<hbm>>) target(%arg7 : memref<128xf32, #tpu.memory_space<vmem>>) target_semaphore(%run_scoped3A_123 : memref<!tpu.dma_semaphore, #tpu.memory_space<semaphore_mem>>)
      tpu.wait_dma2 semaphore(%run_scoped3A_123 : memref<!tpu.dma_semaphore, #tpu.memory_space<semaphore_mem>>) src(%arg4 : memref<128xf32, #tpu.memory_space<hbm>>) dst(%arg7 : memref<128xf32, #tpu.memory_space<vmem>>)
      tpu.yield
    }) : () -> ()
    %barrier3A = arith.constant 0 : index
    tpu.barrier barrier_id(%barrier3A)
    %mul3A_5 = arith.constant 81 : i32
    %mul3A_6 = arith.muli %add3A, %mul3A_5 : i32
    %add3A_7 = arith.constant 0 : i32
    %add3A_8 = arith.addi %mul3A_6, %add3A_7 : i32
    %mul3A_9 = arith.constant 512 : i32
    %mul3A_10 = arith.muli %add3A_8, %mul3A_9 : i32
    %add3A_11 = arith.constant 128 : i32
    %add3A_12 = arith.addi %mul3A_10, %add3A_11 : i32
    %multiple_of3A = tpu.assume_multiple %add3A_12, 128 : i32
    %dma_start3A = arith.constant 0 : i32
    %dma_start3A_13 = arith.constant 0 : i32
    %dma_start3A_14 = tpu.memref_slice %arg6[%dma_start3A, %dma_start3A_13] : memref<3x128xi32, #tpu.memory_space<vmem>> -> memref<1x128xi32, #tpu.memory_space<vmem>>
    %dma_start3A_15 = tpu.memref_squeeze %dma_start3A_14 : memref<1x128xi32, #tpu.memory_space<vmem>> -> memref<128xi32, #tpu.memory_space<vmem>>
    %dma_start3A_16 = tpu.memref_slice %arg2[%multiple_of3A] : memref<1327104xi32, #tpu.memory_space<hbm>> -> memref<128xi32, #tpu.memory_space<hbm>>
    %dma_start3A_17 = arith.constant 0 : i32
    %dma_start3A_18 = tpu.memref_slice %arg6[%dma_start3A, %dma_start3A_17] : memref<3x128xi32, #tpu.memory_space<vmem>> -> memref<1x128xi32, #tpu.memory_space<vmem>>
    %dma_start3A_19 = tpu.memref_squeeze %dma_start3A_18 : memref<1x128xi32, #tpu.memory_space<vmem>> -> memref<128xi32, #tpu.memory_space<vmem>>
    %dma_start3A_20 = tpu.memref_slice %arg2[%multiple_of3A] : memref<1327104xi32, #tpu.memory_space<hbm>> -> memref<128xi32, #tpu.memory_space<hbm>>
    tpu.enqueue_dma source(%dma_start3A_20 : memref<128xi32, #tpu.memory_space<hbm>>) target(%dma_start3A_19 : memref<128xi32, #tpu.memory_space<vmem>>) target_semaphore(%arg9 : memref<!tpu.dma_semaphore, #tpu.memory_space<semaphore_mem>>)
    %mul3A_21 = arith.constant 81 : i32
    %mul3A_22 = arith.muli %add3A, %mul3A_21 : i32
    %add3A_23 = arith.constant 1 : i32
    %add3A_24 = arith.addi %mul3A_22, %add3A_23 : i32
    %mul3A_25 = arith.constant 512 : i32
    %mul3A_26 = arith.muli %add3A_24, %mul3A_25 : i32
    %add3A_27 = arith.constant 128 : i32
    %add3A_28 = arith.addi %mul3A_26, %add3A_27 : i32
    %multiple_of3A_29 = tpu.assume_multiple %add3A_28, 128 : i32
    %dma_start3A_30 = arith.constant 1 : i32
    %dma_start3A_31 = arith.constant 0 : i32
    %dma_start3A_32 = tpu.memref_slice %arg6[%dma_start3A_30, %dma_start3A_31] : memref<3x128xi32, #tpu.memory_space<vmem>> -> memref<1x128xi32, #tpu.memory_space<vmem>>
    %dma_start3A_33 = tpu.memref_squeeze %dma_start3A_32 : memref<1x128xi32, #tpu.memory_space<vmem>> -> memref<128xi32, #tpu.memory_space<vmem>>
    %dma_start3A_34 = tpu.memref_slice %arg2[%multiple_of3A_29] : memref<1327104xi32, #tpu.memory_space<hbm>> -> memref<128xi32, #tpu.memory_space<hbm>>
    %dma_start3A_35 = arith.constant 0 : i32
    %dma_start3A_36 = tpu.memref_slice %arg6[%dma_start3A_30, %dma_start3A_35] : memref<3x128xi32, #tpu.memory_space<vmem>> -> memref<1x128xi32, #tpu.memory_space<vmem>>
    %dma_start3A_37 = tpu.memref_squeeze %dma_start3A_36 : memref<1x128xi32, #tpu.memory_space<vmem>> -> memref<128xi32, #tpu.memory_space<vmem>>
    %dma_start3A_38 = tpu.memref_slice %arg2[%multiple_of3A_29] : memref<1327104xi32, #tpu.memory_space<hbm>> -> memref<128xi32, #tpu.memory_space<hbm>>
    tpu.enqueue_dma source(%dma_start3A_38 : memref<128xi32, #tpu.memory_space<hbm>>) target(%dma_start3A_37 : memref<128xi32, #tpu.memory_space<vmem>>) target_semaphore(%arg10 : memref<!tpu.dma_semaphore, #tpu.memory_space<semaphore_mem>>)
    %mul3A_39 = arith.constant 81 : i32
    %mul3A_40 = arith.muli %add3A, %mul3A_39 : i32
    %add3A_41 = arith.constant 2 : i32
    %add3A_42 = arith.addi %mul3A_40, %add3A_41 : i32
    %mul3A_43 = arith.constant 512 : i32
    %mul3A_44 = arith.muli %add3A_42, %mul3A_43 : i32
    %add3A_45 = arith.constant 128 : i32
    %add3A_46 = arith.addi %mul3A_44, %add3A_45 : i32
    %multiple_of3A_47 = tpu.assume_multiple %add3A_46, 128 : i32
    %dma_start3A_48 = arith.constant 2 : i32
    %dma_start3A_49 = arith.constant 0 : i32
    %dma_start3A_50 = tpu.memref_slice %arg6[%dma_start3A_48, %dma_start3A_49] : memref<3x128xi32, #tpu.memory_space<vmem>> -> memref<1x128xi32, #tpu.memory_space<vmem>>
    %dma_start3A_51 = tpu.memref_squeeze %dma_start3A_50 : memref<1x128xi32, #tpu.memory_space<vmem>> -> memref<128xi32, #tpu.memory_space<vmem>>
    %dma_start3A_52 = tpu.memref_slice %arg2[%multiple_of3A_47] : memref<1327104xi32, #tpu.memory_space<hbm>> -> memref<128xi32, #tpu.memory_space<hbm>>
    %dma_start3A_53 = arith.constant 0 : i32
    %dma_start3A_54 = tpu.memref_slice %arg6[%dma_start3A_48, %dma_start3A_53] : memref<3x128xi32, #tpu.memory_space<vmem>> -> memref<1x128xi32, #tpu.memory_space<vmem>>
    %dma_start3A_55 = tpu.memref_squeeze %dma_start3A_54 : memref<1x128xi32, #tpu.memory_space<vmem>> -> memref<128xi32, #tpu.memory_space<vmem>>
    %dma_start3A_56 = tpu.memref_slice %arg2[%multiple_of3A_47] : memref<1327104xi32, #tpu.memory_space<hbm>> -> memref<128xi32, #tpu.memory_space<hbm>>
    tpu.enqueue_dma source(%dma_start3A_56 : memref<128xi32, #tpu.memory_space<hbm>>) target(%dma_start3A_55 : memref<128xi32, #tpu.memory_space<vmem>>) target_semaphore(%arg11 : memref<!tpu.dma_semaphore, #tpu.memory_space<semaphore_mem>>)
    %scan3A = arith.constant 0 : i32
    %scan3A_57 = arith.constant 0 : i32
    %scan3A_58 = arith.constant 26 : i32
    %scan3A_59 = arith.addi %scan3A_57, %scan3A_58 : i32
    %scan3A_60 = arith.constant 1 : i32
    scf.for %scan3A_123 = %scan3A_57 to %scan3A_59 step %scan3A_60  : i32 {
      %mul3A_124 = arith.constant 3 : i32
      %mul3A_125 = arith.muli %mul3A_124, %scan3A_123 : i32
      %add3A_126 = arith.constant 0 : i32
      %add3A_127 = arith.addi %mul3A_125, %add3A_126 : i32
      %mul3A_128 = arith.constant 81 : i32
      %mul3A_129 = arith.muli %add3A, %mul3A_128 : i32
      %add3A_130 = arith.addi %mul3A_129, %add3A_127 : i32
      %mul3A_131 = arith.constant 512 : i32
      %mul3A_132 = arith.muli %add3A_130, %mul3A_131 : i32
      %add3A_133 = arith.constant 128 : i32
      %add3A_134 = arith.addi %mul3A_132, %add3A_133 : i32
      %multiple_of3A_135 = tpu.assume_multiple %add3A_134, 128 : i32
      %dma_wait3A_136 = arith.constant 0 : i32
      %dma_wait3A_137 = arith.constant 0 : i32
      %dma_wait3A_138 = tpu.memref_slice %arg6[%dma_wait3A_136, %dma_wait3A_137] : memref<3x128xi32, #tpu.memory_space<vmem>> -> memref<1x128xi32, #tpu.memory_space<vmem>>
      %dma_wait3A_139 = tpu.memref_squeeze %dma_wait3A_138 : memref<1x128xi32, #tpu.memory_space<vmem>> -> memref<128xi32, #tpu.memory_space<vmem>>
      %dma_wait3A_140 = tpu.memref_slice %arg2[%multiple_of3A_135] : memref<1327104xi32, #tpu.memory_space<hbm>> -> memref<128xi32, #tpu.memory_space<hbm>>
      %dma_wait3A_141 = arith.constant 0 : i32
      %dma_wait3A_142 = tpu.memref_slice %arg6[%dma_wait3A_136, %dma_wait3A_141] : memref<3x128xi32, #tpu.memory_space<vmem>> -> memref<1x128xi32, #tpu.memory_space<vmem>>
      %dma_wait3A_143 = tpu.memref_squeeze %dma_wait3A_142 : memref<1x128xi32, #tpu.memory_space<vmem>> -> memref<128xi32, #tpu.memory_space<vmem>>
      %dma_wait3A_144 = tpu.memref_slice %arg2[%multiple_of3A_135] : memref<1327104xi32, #tpu.memory_space<hbm>> -> memref<128xi32, #tpu.memory_space<hbm>>
      tpu.wait_dma2 semaphore(%arg9 : memref<!tpu.dma_semaphore, #tpu.memory_space<semaphore_mem>>) src(%dma_wait3A_144 : memref<128xi32, #tpu.memory_space<hbm>>) dst(%dma_wait3A_143 : memref<128xi32, #tpu.memory_space<vmem>>)
      %run_scoped3A_145 = arith.constant 0 : i32
      "tpu.region"() ({
        %run_scoped3A_247 = tpu.sem_alloc : memref<!tpu.dma_semaphore, #tpu.memory_space<semaphore_mem>>
        %dma_start3A_248 = arith.constant 0 : i32
        %dma_start3A_249 = tpu.memref_slice %arg6[%run_scoped3A_145, %dma_start3A_248] : memref<3x128xi32, #tpu.memory_space<vmem>> -> memref<1x128xi32, #tpu.memory_space<vmem>>
        %dma_start3A_250 = tpu.memref_squeeze %dma_start3A_249 : memref<1x128xi32, #tpu.memory_space<vmem>> -> memref<128xi32, #tpu.memory_space<vmem>>
        %dma_start3A_251 = arith.constant 0 : i32
        %dma_start3A_252 = tpu.memref_slice %arg8[%dma_start3A_251] : memref<40960xf32, #tpu.memory_space<vmem_shared>> -> memref<40960xf32, #tpu.memory_space<vmem_shared>>
        tpu.enqueue_indirect_dma source(%arg7 : memref<128xf32, #tpu.memory_space<vmem>>) target(%dma_start3A_252 : memref<40960xf32, #tpu.memory_space<vmem_shared>>) offsets(%dma_start3A_250 : memref<128xi32, #tpu.memory_space<vmem>>) semaphore(%run_scoped3A_247 : memref<!tpu.dma_semaphore, #tpu.memory_space<semaphore_mem>>) {add = true}
        %dma_wait3A_253 = arith.constant 0 : i32
        %dma_wait3A_254 = tpu.memref_slice %arg6[%run_scoped3A_145, %dma_wait3A_253] : memref<3x128xi32, #tpu.memory_space<vmem>> -> memref<1x128xi32, #tpu.memory_space<vmem>>
        %dma_wait3A_255 = tpu.memref_squeeze %dma_wait3A_254 : memref<1x128xi32, #tpu.memory_space<vmem>> -> memref<128xi32, #tpu.memory_space<vmem>>
        %dma_wait3A_256 = arith.constant 0 : i32
        %dma_wait3A_257 = tpu.memref_slice %arg8[%dma_wait3A_256] : memref<40960xf32, #tpu.memory_space<vmem_shared>> -> memref<40960xf32, #tpu.memory_space<vmem_shared>>
        tpu.wait_indirect_dma semaphore(%run_scoped3A_247 : memref<!tpu.dma_semaphore, #tpu.memory_space<semaphore_mem>>) src(%arg7 : memref<128xf32, #tpu.memory_space<vmem>>) dst(%dma_wait3A_257 : memref<40960xf32, #tpu.memory_space<vmem_shared>>)
        tpu.yield
      }) : () -> ()
      %add3A_146 = arith.constant 3 : i32
      %add3A_147 = arith.addi %add3A_127, %add3A_146 : i32
      %mul3A_148 = arith.constant 81 : i32
      %mul3A_149 = arith.muli %add3A, %mul3A_148 : i32
      %add3A_150 = arith.addi %mul3A_149, %add3A_147 : i32
      %mul3A_151 = arith.constant 512 : i32
      %mul3A_152 = arith.muli %add3A_150, %mul3A_151 : i32
      %add3A_153 = arith.constant 128 : i32
      %add3A_154 = arith.addi %mul3A_152, %add3A_153 : i32
      %multiple_of3A_155 = tpu.assume_multiple %add3A_154, 128 : i32
      %dma_start3A_156 = arith.constant 0 : i32
      %dma_start3A_157 = arith.constant 0 : i32
      %dma_start3A_158 = tpu.memref_slice %arg6[%dma_start3A_156, %dma_start3A_157] : memref<3x128xi32, #tpu.memory_space<vmem>> -> memref<1x128xi32, #tpu.memory_space<vmem>>
      %dma_start3A_159 = tpu.memref_squeeze %dma_start3A_158 : memref<1x128xi32, #tpu.memory_space<vmem>> -> memref<128xi32, #tpu.memory_space<vmem>>
      %dma_start3A_160 = tpu.memref_slice %arg2[%multiple_of3A_155] : memref<1327104xi32, #tpu.memory_space<hbm>> -> memref<128xi32, #tpu.memory_space<hbm>>
      %dma_start3A_161 = arith.constant 0 : i32
      %dma_start3A_162 = tpu.memref_slice %arg6[%dma_start3A_156, %dma_start3A_161] : memref<3x128xi32, #tpu.memory_space<vmem>> -> memref<1x128xi32, #tpu.memory_space<vmem>>
      %dma_start3A_163 = tpu.memref_squeeze %dma_start3A_162 : memref<1x128xi32, #tpu.memory_space<vmem>> -> memref<128xi32, #tpu.memory_space<vmem>>
      %dma_start3A_164 = tpu.memref_slice %arg2[%multiple_of3A_155] : memref<1327104xi32, #tpu.memory_space<hbm>> -> memref<128xi32, #tpu.memory_space<hbm>>
      tpu.enqueue_dma source(%dma_start3A_164 : memref<128xi32, #tpu.memory_space<hbm>>) target(%dma_start3A_163 : memref<128xi32, #tpu.memory_space<vmem>>) target_semaphore(%arg9 : memref<!tpu.dma_semaphore, #tpu.memory_space<semaphore_mem>>)
      %mul3A_165 = arith.constant 3 : i32
      %mul3A_166 = arith.muli %mul3A_165, %scan3A_123 : i32
      %add3A_167 = arith.constant 1 : i32
      %add3A_168 = arith.addi %mul3A_166, %add3A_167 : i32
      %mul3A_169 = arith.constant 81 : i32
      %mul3A_170 = arith.muli %add3A, %mul3A_169 : i32
      %add3A_171 = arith.addi %mul3A_170, %add3A_168 : i32
      %mul3A_172 = arith.constant 512 : i32
      %mul3A_173 = arith.muli %add3A_171, %mul3A_172 : i32
      %add3A_174 = arith.constant 128 : i32
      %add3A_175 = arith.addi %mul3A_173, %add3A_174 : i32
      %multiple_of3A_176 = tpu.assume_multiple %add3A_175, 128 : i32
      %dma_wait3A_177 = arith.constant 1 : i32
      %dma_wait3A_178 = arith.constant 0 : i32
      %dma_wait3A_179 = tpu.memref_slice %arg6[%dma_wait3A_177, %dma_wait3A_178] : memref<3x128xi32, #tpu.memory_space<vmem>> -> memref<1x128xi32, #tpu.memory_space<vmem>>
      %dma_wait3A_180 = tpu.memref_squeeze %dma_wait3A_179 : memref<1x128xi32, #tpu.memory_space<vmem>> -> memref<128xi32, #tpu.memory_space<vmem>>
      %dma_wait3A_181 = tpu.memref_slice %arg2[%multiple_of3A_176] : memref<1327104xi32, #tpu.memory_space<hbm>> -> memref<128xi32, #tpu.memory_space<hbm>>
      %dma_wait3A_182 = arith.constant 0 : i32
      %dma_wait3A_183 = tpu.memref_slice %arg6[%dma_wait3A_177, %dma_wait3A_182] : memref<3x128xi32, #tpu.memory_space<vmem>> -> memref<1x128xi32, #tpu.memory_space<vmem>>
      %dma_wait3A_184 = tpu.memref_squeeze %dma_wait3A_183 : memref<1x128xi32, #tpu.memory_space<vmem>> -> memref<128xi32, #tpu.memory_space<vmem>>
      %dma_wait3A_185 = tpu.memref_slice %arg2[%multiple_of3A_176] : memref<1327104xi32, #tpu.memory_space<hbm>> -> memref<128xi32, #tpu.memory_space<hbm>>
      tpu.wait_dma2 semaphore(%arg10 : memref<!tpu.dma_semaphore, #tpu.memory_space<semaphore_mem>>) src(%dma_wait3A_185 : memref<128xi32, #tpu.memory_space<hbm>>) dst(%dma_wait3A_184 : memref<128xi32, #tpu.memory_space<vmem>>)
      %run_scoped3A_186 = arith.constant 1 : i32
      "tpu.region"() ({
        %run_scoped3A_247 = tpu.sem_alloc : memref<!tpu.dma_semaphore, #tpu.memory_space<semaphore_mem>>
        %dma_start3A_248 = arith.constant 0 : i32
        %dma_start3A_249 = tpu.memref_slice %arg6[%run_scoped3A_186, %dma_start3A_248] : memref<3x128xi32, #tpu.memory_space<vmem>> -> memref<1x128xi32, #tpu.memory_space<vmem>>
        %dma_start3A_250 = tpu.memref_squeeze %dma_start3A_249 : memref<1x128xi32, #tpu.memory_space<vmem>> -> memref<128xi32, #tpu.memory_space<vmem>>
        %dma_start3A_251 = arith.constant 0 : i32
        %dma_start3A_252 = tpu.memref_slice %arg8[%dma_start3A_251] : memref<40960xf32, #tpu.memory_space<vmem_shared>> -> memref<40960xf32, #tpu.memory_space<vmem_shared>>
        tpu.enqueue_indirect_dma source(%arg7 : memref<128xf32, #tpu.memory_space<vmem>>) target(%dma_start3A_252 : memref<40960xf32, #tpu.memory_space<vmem_shared>>) offsets(%dma_start3A_250 : memref<128xi32, #tpu.memory_space<vmem>>) semaphore(%run_scoped3A_247 : memref<!tpu.dma_semaphore, #tpu.memory_space<semaphore_mem>>) {add = true}
        %dma_wait3A_253 = arith.constant 0 : i32
        %dma_wait3A_254 = tpu.memref_slice %arg6[%run_scoped3A_186, %dma_wait3A_253] : memref<3x128xi32, #tpu.memory_space<vmem>> -> memref<1x128xi32, #tpu.memory_space<vmem>>
        %dma_wait3A_255 = tpu.memref_squeeze %dma_wait3A_254 : memref<1x128xi32, #tpu.memory_space<vmem>> -> memref<128xi32, #tpu.memory_space<vmem>>
        %dma_wait3A_256 = arith.constant 0 : i32
        %dma_wait3A_257 = tpu.memref_slice %arg8[%dma_wait3A_256] : memref<40960xf32, #tpu.memory_space<vmem_shared>> -> memref<40960xf32, #tpu.memory_space<vmem_shared>>
        tpu.wait_indirect_dma semaphore(%run_scoped3A_247 : memref<!tpu.dma_semaphore, #tpu.memory_space<semaphore_mem>>) src(%arg7 : memref<128xf32, #tpu.memory_space<vmem>>) dst(%dma_wait3A_257 : memref<40960xf32, #tpu.memory_space<vmem_shared>>)
        tpu.yield
      }) : () -> ()
      %add3A_187 = arith.constant 3 : i32
      %add3A_188 = arith.addi %add3A_168, %add3A_187 : i32
      %mul3A_189 = arith.constant 81 : i32
      %mul3A_190 = arith.muli %add3A, %mul3A_189 : i32
      %add3A_191 = arith.addi %mul3A_190, %add3A_188 : i32
      %mul3A_192 = arith.constant 512 : i32
      %mul3A_193 = arith.muli %add3A_191, %mul3A_192 : i32
      %add3A_194 = arith.constant 128 : i32
      %add3A_195 = arith.addi %mul3A_193, %add3A_194 : i32
      %multiple_of3A_196 = tpu.assume_multiple %add3A_195, 128 : i32
      %dma_start3A_197 = arith.constant 1 : i32
      %dma_start3A_198 = arith.constant 0 : i32
      %dma_start3A_199 = tpu.memref_slice %arg6[%dma_start3A_197, %dma_start3A_198] : memref<3x128xi32, #tpu.memory_space<vmem>> -> memref<1x128xi32, #tpu.memory_space<vmem>>
      %dma_start3A_200 = tpu.memref_squeeze %dma_start3A_199 : memref<1x128xi32, #tpu.memory_space<vmem>> -> memref<128xi32, #tpu.memory_space<vmem>>
      %dma_start3A_201 = tpu.memref_slice %arg2[%multiple_of3A_196] : memref<1327104xi32, #tpu.memory_space<hbm>> -> memref<128xi32, #tpu.memory_space<hbm>>
      %dma_start3A_202 = arith.constant 0 : i32
      %dma_start3A_203 = tpu.memref_slice %arg6[%dma_start3A_197, %dma_start3A_202] : memref<3x128xi32, #tpu.memory_space<vmem>> -> memref<1x128xi32, #tpu.memory_space<vmem>>
      %dma_start3A_204 = tpu.memref_squeeze %dma_start3A_203 : memref<1x128xi32, #tpu.memory_space<vmem>> -> memref<128xi32, #tpu.memory_space<vmem>>
      %dma_start3A_205 = tpu.memref_slice %arg2[%multiple_of3A_196] : memref<1327104xi32, #tpu.memory_space<hbm>> -> memref<128xi32, #tpu.memory_space<hbm>>
      tpu.enqueue_dma source(%dma_start3A_205 : memref<128xi32, #tpu.memory_space<hbm>>) target(%dma_start3A_204 : memref<128xi32, #tpu.memory_space<vmem>>) target_semaphore(%arg10 : memref<!tpu.dma_semaphore, #tpu.memory_space<semaphore_mem>>)
      %mul3A_206 = arith.constant 3 : i32
      %mul3A_207 = arith.muli %mul3A_206, %scan3A_123 : i32
      %add3A_208 = arith.constant 2 : i32
      %add3A_209 = arith.addi %mul3A_207, %add3A_208 : i32
      %mul3A_210 = arith.constant 81 : i32
      %mul3A_211 = arith.muli %add3A, %mul3A_210 : i32
      %add3A_212 = arith.addi %mul3A_211, %add3A_209 : i32
      %mul3A_213 = arith.constant 512 : i32
      %mul3A_214 = arith.muli %add3A_212, %mul3A_213 : i32
      %add3A_215 = arith.constant 128 : i32
      %add3A_216 = arith.addi %mul3A_214, %add3A_215 : i32
      %multiple_of3A_217 = tpu.assume_multiple %add3A_216, 128 : i32
      %dma_wait3A_218 = arith.constant 2 : i32
      %dma_wait3A_219 = arith.constant 0 : i32
      %dma_wait3A_220 = tpu.memref_slice %arg6[%dma_wait3A_218, %dma_wait3A_219] : memref<3x128xi32, #tpu.memory_space<vmem>> -> memref<1x128xi32, #tpu.memory_space<vmem>>
      %dma_wait3A_221 = tpu.memref_squeeze %dma_wait3A_220 : memref<1x128xi32, #tpu.memory_space<vmem>> -> memref<128xi32, #tpu.memory_space<vmem>>
      %dma_wait3A_222 = tpu.memref_slice %arg2[%multiple_of3A_217] : memref<1327104xi32, #tpu.memory_space<hbm>> -> memref<128xi32, #tpu.memory_space<hbm>>
      %dma_wait3A_223 = arith.constant 0 : i32
      %dma_wait3A_224 = tpu.memref_slice %arg6[%dma_wait3A_218, %dma_wait3A_223] : memref<3x128xi32, #tpu.memory_space<vmem>> -> memref<1x128xi32, #tpu.memory_space<vmem>>
      %dma_wait3A_225 = tpu.memref_squeeze %dma_wait3A_224 : memref<1x128xi32, #tpu.memory_space<vmem>> -> memref<128xi32, #tpu.memory_space<vmem>>
      %dma_wait3A_226 = tpu.memref_slice %arg2[%multiple_of3A_217] : memref<1327104xi32, #tpu.memory_space<hbm>> -> memref<128xi32, #tpu.memory_space<hbm>>
      tpu.wait_dma2 semaphore(%arg11 : memref<!tpu.dma_semaphore, #tpu.memory_space<semaphore_mem>>) src(%dma_wait3A_226 : memref<128xi32, #tpu.memory_space<hbm>>) dst(%dma_wait3A_225 : memref<128xi32, #tpu.memory_space<vmem>>)
      %run_scoped3A_227 = arith.constant 2 : i32
      "tpu.region"() ({
        %run_scoped3A_247 = tpu.sem_alloc : memref<!tpu.dma_semaphore, #tpu.memory_space<semaphore_mem>>
        %dma_start3A_248 = arith.constant 0 : i32
        %dma_start3A_249 = tpu.memref_slice %arg6[%run_scoped3A_227, %dma_start3A_248] : memref<3x128xi32, #tpu.memory_space<vmem>> -> memref<1x128xi32, #tpu.memory_space<vmem>>
        %dma_start3A_250 = tpu.memref_squeeze %dma_start3A_249 : memref<1x128xi32, #tpu.memory_space<vmem>> -> memref<128xi32, #tpu.memory_space<vmem>>
        %dma_start3A_251 = arith.constant 0 : i32
        %dma_start3A_252 = tpu.memref_slice %arg8[%dma_start3A_251] : memref<40960xf32, #tpu.memory_space<vmem_shared>> -> memref<40960xf32, #tpu.memory_space<vmem_shared>>
        tpu.enqueue_indirect_dma source(%arg7 : memref<128xf32, #tpu.memory_space<vmem>>) target(%dma_start3A_252 : memref<40960xf32, #tpu.memory_space<vmem_shared>>) offsets(%dma_start3A_250 : memref<128xi32, #tpu.memory_space<vmem>>) semaphore(%run_scoped3A_247 : memref<!tpu.dma_semaphore, #tpu.memory_space<semaphore_mem>>) {add = true}
        %dma_wait3A_253 = arith.constant 0 : i32
        %dma_wait3A_254 = tpu.memref_slice %arg6[%run_scoped3A_227, %dma_wait3A_253] : memref<3x128xi32, #tpu.memory_space<vmem>> -> memref<1x128xi32, #tpu.memory_space<vmem>>
        %dma_wait3A_255 = tpu.memref_squeeze %dma_wait3A_254 : memref<1x128xi32, #tpu.memory_space<vmem>> -> memref<128xi32, #tpu.memory_space<vmem>>
        %dma_wait3A_256 = arith.constant 0 : i32
        %dma_wait3A_257 = tpu.memref_slice %arg8[%dma_wait3A_256] : memref<40960xf32, #tpu.memory_space<vmem_shared>> -> memref<40960xf32, #tpu.memory_space<vmem_shared>>
        tpu.wait_indirect_dma semaphore(%run_scoped3A_247 : memref<!tpu.dma_semaphore, #tpu.memory_space<semaphore_mem>>) src(%arg7 : memref<128xf32, #tpu.memory_space<vmem>>) dst(%dma_wait3A_257 : memref<40960xf32, #tpu.memory_space<vmem_shared>>)
        tpu.yield
      }) : () -> ()
      %add3A_228 = arith.constant 3 : i32
      %add3A_229 = arith.addi %add3A_209, %add3A_228 : i32
      %mul3A_230 = arith.constant 81 : i32
      %mul3A_231 = arith.muli %add3A, %mul3A_230 : i32
      %add3A_232 = arith.addi %mul3A_231, %add3A_229 : i32
      %mul3A_233 = arith.constant 512 : i32
      %mul3A_234 = arith.muli %add3A_232, %mul3A_233 : i32
      %add3A_235 = arith.constant 128 : i32
      %add3A_236 = arith.addi %mul3A_234, %add3A_235 : i32
      %multiple_of3A_237 = tpu.assume_multiple %add3A_236, 128 : i32
      %dma_start3A_238 = arith.constant 2 : i32
      %dma_start3A_239 = arith.constant 0 : i32
      %dma_start3A_240 = tpu.memref_slice %arg6[%dma_start3A_238, %dma_start3A_239] : memref<3x128xi32, #tpu.memory_space<vmem>> -> memref<1x128xi32, #tpu.memory_space<vmem>>
      %dma_start3A_241 = tpu.memref_squeeze %dma_start3A_240 : memref<1x128xi32, #tpu.memory_space<vmem>> -> memref<128xi32, #tpu.memory_space<vmem>>
      %dma_start3A_242 = tpu.memref_slice %arg2[%multiple_of3A_237] : memref<1327104xi32, #tpu.memory_space<hbm>> -> memref<128xi32, #tpu.memory_space<hbm>>
      %dma_start3A_243 = arith.constant 0 : i32
      %dma_start3A_244 = tpu.memref_slice %arg6[%dma_start3A_238, %dma_start3A_243] : memref<3x128xi32, #tpu.memory_space<vmem>> -> memref<1x128xi32, #tpu.memory_space<vmem>>
      %dma_start3A_245 = tpu.memref_squeeze %dma_start3A_244 : memref<1x128xi32, #tpu.memory_space<vmem>> -> memref<128xi32, #tpu.memory_space<vmem>>
      %dma_start3A_246 = tpu.memref_slice %arg2[%multiple_of3A_237] : memref<1327104xi32, #tpu.memory_space<hbm>> -> memref<128xi32, #tpu.memory_space<hbm>>
      tpu.enqueue_dma source(%dma_start3A_246 : memref<128xi32, #tpu.memory_space<hbm>>) target(%dma_start3A_245 : memref<128xi32, #tpu.memory_space<vmem>>) target_semaphore(%arg11 : memref<!tpu.dma_semaphore, #tpu.memory_space<semaphore_mem>>)
    }
    %scan3A_61 = arith.constant 26 : i32
    %mul3A_62 = arith.constant 81 : i32
    %mul3A_63 = arith.muli %add3A, %mul3A_62 : i32
    %add3A_64 = arith.constant 78 : i32
    %add3A_65 = arith.addi %mul3A_63, %add3A_64 : i32
    %mul3A_66 = arith.constant 512 : i32
    %mul3A_67 = arith.muli %add3A_65, %mul3A_66 : i32
    %add3A_68 = arith.constant 128 : i32
    %add3A_69 = arith.addi %mul3A_67, %add3A_68 : i32
    %multiple_of3A_70 = tpu.assume_multiple %add3A_69, 128 : i32
    %dma_wait3A = arith.constant 0 : i32
    %dma_wait3A_71 = arith.constant 0 : i32
    %dma_wait3A_72 = tpu.memref_slice %arg6[%dma_wait3A, %dma_wait3A_71] : memref<3x128xi32, #tpu.memory_space<vmem>> -> memref<1x128xi32, #tpu.memory_space<vmem>>
    %dma_wait3A_73 = tpu.memref_squeeze %dma_wait3A_72 : memref<1x128xi32, #tpu.memory_space<vmem>> -> memref<128xi32, #tpu.memory_space<vmem>>
    %dma_wait3A_74 = tpu.memref_slice %arg2[%multiple_of3A_70] : memref<1327104xi32, #tpu.memory_space<hbm>> -> memref<128xi32, #tpu.memory_space<hbm>>
    %dma_wait3A_75 = arith.constant 0 : i32
    %dma_wait3A_76 = tpu.memref_slice %arg6[%dma_wait3A, %dma_wait3A_75] : memref<3x128xi32, #tpu.memory_space<vmem>> -> memref<1x128xi32, #tpu.memory_space<vmem>>
    %dma_wait3A_77 = tpu.memref_squeeze %dma_wait3A_76 : memref<1x128xi32, #tpu.memory_space<vmem>> -> memref<128xi32, #tpu.memory_space<vmem>>
    %dma_wait3A_78 = tpu.memref_slice %arg2[%multiple_of3A_70] : memref<1327104xi32, #tpu.memory_space<hbm>> -> memref<128xi32, #tpu.memory_space<hbm>>
    tpu.wait_dma2 semaphore(%arg9 : memref<!tpu.dma_semaphore, #tpu.memory_space<semaphore_mem>>) src(%dma_wait3A_78 : memref<128xi32, #tpu.memory_space<hbm>>) dst(%dma_wait3A_77 : memref<128xi32, #tpu.memory_space<vmem>>)
    %run_scoped3A = arith.constant 0 : i32
    "tpu.region"() ({
      %run_scoped3A_123 = tpu.sem_alloc : memref<!tpu.dma_semaphore, #tpu.memory_space<semaphore_mem>>
      %dma_start3A_124 = arith.constant 0 : i32
      %dma_start3A_125 = tpu.memref_slice %arg6[%run_scoped3A, %dma_start3A_124] : memref<3x128xi32, #tpu.memory_space<vmem>> -> memref<1x128xi32, #tpu.memory_space<vmem>>
      %dma_start3A_126 = tpu.memref_squeeze %dma_start3A_125 : memref<1x128xi32, #tpu.memory_space<vmem>> -> memref<128xi32, #tpu.memory_space<vmem>>
      %dma_start3A_127 = arith.constant 0 : i32
      %dma_start3A_128 = tpu.memref_slice %arg8[%dma_start3A_127] : memref<40960xf32, #tpu.memory_space<vmem_shared>> -> memref<40960xf32, #tpu.memory_space<vmem_shared>>
      tpu.enqueue_indirect_dma source(%arg7 : memref<128xf32, #tpu.memory_space<vmem>>) target(%dma_start3A_128 : memref<40960xf32, #tpu.memory_space<vmem_shared>>) offsets(%dma_start3A_126 : memref<128xi32, #tpu.memory_space<vmem>>) semaphore(%run_scoped3A_123 : memref<!tpu.dma_semaphore, #tpu.memory_space<semaphore_mem>>) {add = true}
      %dma_wait3A_129 = arith.constant 0 : i32
      %dma_wait3A_130 = tpu.memref_slice %arg6[%run_scoped3A, %dma_wait3A_129] : memref<3x128xi32, #tpu.memory_space<vmem>> -> memref<1x128xi32, #tpu.memory_space<vmem>>
      %dma_wait3A_131 = tpu.memref_squeeze %dma_wait3A_130 : memref<1x128xi32, #tpu.memory_space<vmem>> -> memref<128xi32, #tpu.memory_space<vmem>>
      %dma_wait3A_132 = arith.constant 0 : i32
      %dma_wait3A_133 = tpu.memref_slice %arg8[%dma_wait3A_132] : memref<40960xf32, #tpu.memory_space<vmem_shared>> -> memref<40960xf32, #tpu.memory_space<vmem_shared>>
      tpu.wait_indirect_dma semaphore(%run_scoped3A_123 : memref<!tpu.dma_semaphore, #tpu.memory_space<semaphore_mem>>) src(%arg7 : memref<128xf32, #tpu.memory_space<vmem>>) dst(%dma_wait3A_133 : memref<40960xf32, #tpu.memory_space<vmem_shared>>)
      tpu.yield
    }) : () -> ()
    %mul3A_79 = arith.constant 81 : i32
    %mul3A_80 = arith.muli %add3A, %mul3A_79 : i32
    %add3A_81 = arith.constant 79 : i32
    %add3A_82 = arith.addi %mul3A_80, %add3A_81 : i32
    %mul3A_83 = arith.constant 512 : i32
    %mul3A_84 = arith.muli %add3A_82, %mul3A_83 : i32
    %add3A_85 = arith.constant 128 : i32
    %add3A_86 = arith.addi %mul3A_84, %add3A_85 : i32
    %multiple_of3A_87 = tpu.assume_multiple %add3A_86, 128 : i32
    %dma_wait3A_88 = arith.constant 1 : i32
    %dma_wait3A_89 = arith.constant 0 : i32
    %dma_wait3A_90 = tpu.memref_slice %arg6[%dma_wait3A_88, %dma_wait3A_89] : memref<3x128xi32, #tpu.memory_space<vmem>> -> memref<1x128xi32, #tpu.memory_space<vmem>>
    %dma_wait3A_91 = tpu.memref_squeeze %dma_wait3A_90 : memref<1x128xi32, #tpu.memory_space<vmem>> -> memref<128xi32, #tpu.memory_space<vmem>>
    %dma_wait3A_92 = tpu.memref_slice %arg2[%multiple_of3A_87] : memref<1327104xi32, #tpu.memory_space<hbm>> -> memref<128xi32, #tpu.memory_space<hbm>>
    %dma_wait3A_93 = arith.constant 0 : i32
    %dma_wait3A_94 = tpu.memref_slice %arg6[%dma_wait3A_88, %dma_wait3A_93] : memref<3x128xi32, #tpu.memory_space<vmem>> -> memref<1x128xi32, #tpu.memory_space<vmem>>
    %dma_wait3A_95 = tpu.memref_squeeze %dma_wait3A_94 : memref<1x128xi32, #tpu.memory_space<vmem>> -> memref<128xi32, #tpu.memory_space<vmem>>
    %dma_wait3A_96 = tpu.memref_slice %arg2[%multiple_of3A_87] : memref<1327104xi32, #tpu.memory_space<hbm>> -> memref<128xi32, #tpu.memory_space<hbm>>
    tpu.wait_dma2 semaphore(%arg10 : memref<!tpu.dma_semaphore, #tpu.memory_space<semaphore_mem>>) src(%dma_wait3A_96 : memref<128xi32, #tpu.memory_space<hbm>>) dst(%dma_wait3A_95 : memref<128xi32, #tpu.memory_space<vmem>>)
    %mul3A_97 = arith.constant 81 : i32
    %mul3A_98 = arith.muli %add3A, %mul3A_97 : i32
    %add3A_99 = arith.constant 80 : i32
    %add3A_100 = arith.addi %mul3A_98, %add3A_99 : i32
    %mul3A_101 = arith.constant 512 : i32
    %mul3A_102 = arith.muli %add3A_100, %mul3A_101 : i32
    %add3A_103 = arith.constant 128 : i32
    %add3A_104 = arith.addi %mul3A_102, %add3A_103 : i32
    %multiple_of3A_105 = tpu.assume_multiple %add3A_104, 128 : i32
    %dma_wait3A_106 = arith.constant 2 : i32
    %dma_wait3A_107 = arith.constant 0 : i32
    %dma_wait3A_108 = tpu.memref_slice %arg6[%dma_wait3A_106, %dma_wait3A_107] : memref<3x128xi32, #tpu.memory_space<vmem>> -> memref<1x128xi32, #tpu.memory_space<vmem>>
    %dma_wait3A_109 = tpu.memref_squeeze %dma_wait3A_108 : memref<1x128xi32, #tpu.memory_space<vmem>> -> memref<128xi32, #tpu.memory_space<vmem>>
    %dma_wait3A_110 = tpu.memref_slice %arg2[%multiple_of3A_105] : memref<1327104xi32, #tpu.memory_space<hbm>> -> memref<128xi32, #tpu.memory_space<hbm>>
    %dma_wait3A_111 = arith.constant 0 : i32
    %dma_wait3A_112 = tpu.memref_slice %arg6[%dma_wait3A_106, %dma_wait3A_111] : memref<3x128xi32, #tpu.memory_space<vmem>> -> memref<1x128xi32, #tpu.memory_space<vmem>>
    %dma_wait3A_113 = tpu.memref_squeeze %dma_wait3A_112 : memref<1x128xi32, #tpu.memory_space<vmem>> -> memref<128xi32, #tpu.memory_space<vmem>>
    %dma_wait3A_114 = tpu.memref_slice %arg2[%multiple_of3A_105] : memref<1327104xi32, #tpu.memory_space<hbm>> -> memref<128xi32, #tpu.memory_space<hbm>>
    tpu.wait_dma2 semaphore(%arg11 : memref<!tpu.dma_semaphore, #tpu.memory_space<semaphore_mem>>) src(%dma_wait3A_114 : memref<128xi32, #tpu.memory_space<hbm>>) dst(%dma_wait3A_113 : memref<128xi32, #tpu.memory_space<vmem>>)
    %barrier3A_115 = arith.constant 0 : index
    tpu.barrier barrier_id(%barrier3A_115)
    %mul3A_116 = arith.constant 2560 : i32
    %mul3A_117 = arith.muli %arg1, %mul3A_116 : i32
    %mul3A_118 = arith.constant 40960 : i32
    %mul3A_119 = arith.muli %arg0, %mul3A_118 : i32
    %mul3A_120 = arith.constant 2560 : i32
    %mul3A_121 = arith.muli %arg1, %mul3A_120 : i32
    %add3A_122 = arith.addi %mul3A_119, %mul3A_121 : i32
    "tpu.region"() ({
      %run_scoped3A_123 = tpu.sem_alloc : memref<!tpu.dma_semaphore, #tpu.memory_space<semaphore_mem>>
      %dma_start3A_124 = tpu.memref_slice %arg5[%add3A_122] : memref<81920xf32, #tpu.memory_space<hbm>> -> memref<2560xf32, #tpu.memory_space<hbm>>
      %dma_start3A_125 = tpu.memref_slice %arg8[%mul3A_117] : memref<40960xf32, #tpu.memory_space<vmem_shared>> -> memref<2560xf32, #tpu.memory_space<vmem_shared>>
      tpu.enqueue_dma source(%dma_start3A_125 : memref<2560xf32, #tpu.memory_space<vmem_shared>>) target(%dma_start3A_124 : memref<2560xf32, #tpu.memory_space<hbm>>) target_semaphore(%run_scoped3A_123 : memref<!tpu.dma_semaphore, #tpu.memory_space<semaphore_mem>>)
      %dma_wait3A_126 = tpu.memref_slice %arg5[%add3A_122] : memref<81920xf32, #tpu.memory_space<hbm>> -> memref<2560xf32, #tpu.memory_space<hbm>>
      %dma_wait3A_127 = tpu.memref_slice %arg8[%mul3A_117] : memref<40960xf32, #tpu.memory_space<vmem_shared>> -> memref<2560xf32, #tpu.memory_space<vmem_shared>>
      tpu.wait_dma2 semaphore(%run_scoped3A_123 : memref<!tpu.dma_semaphore, #tpu.memory_space<semaphore_mem>>) src(%dma_wait3A_127 : memref<2560xf32, #tpu.memory_space<vmem_shared>>) dst(%dma_wait3A_126 : memref<2560xf32, #tpu.memory_space<hbm>>)
      tpu.yield
    }) : () -> ()
    return
  }
}

#map = affine_map<(d0, d1) -> (0, 0)>
#map1 = affine_map<(d0, d1) -> (0)>
#map2 = affine_map<(d0, d1) -> (0, 0, 0)>
module attributes {stable_mosaic.version = 14 : i64} {
  func.func @_sc_gconv(%arg0: i32, %arg1: i32, %arg2: memref<10008x128xf32, #tpu.memory_space<hbm>>, %arg3: memref<1327104xi32, #tpu.memory_space<hbm>>, %arg4: memref<10000x128xf32, #tpu.memory_space<hbm>>, %arg5: memref<2x10000x128xf32, #tpu.memory_space<hbm>>, %arg6: memref<512xi32, #tpu.memory_space<vmem>>, %arg7: memref<2x128xi32, #tpu.memory_space<vmem>>, %arg8: memref<2x128x128xf32, #tpu.memory_space<vmem>>, %arg9: memref<10000x128xf32, #tpu.memory_space<vmem_shared>>, %arg10: memref<!tpu.dma_semaphore, #tpu.memory_space<semaphore_mem>>, %arg11: memref<!tpu.dma_semaphore, #tpu.memory_space<semaphore_mem>>, %arg12: memref<!tpu.dma_semaphore, #tpu.memory_space<semaphore_mem>>, %arg13: memref<!tpu.dma_semaphore, #tpu.memory_space<semaphore_mem>>, %arg14: memref<!tpu.dma_semaphore, #tpu.memory_space<semaphore_mem>>, %arg15: memref<!tpu.dma_semaphore, #tpu.memory_space<semaphore_mem>>) attributes {dimension_semantics = [#tpu.dimension_semantics<core_parallel>, #tpu.dimension_semantics<subcore_parallel>], iteration_bounds = array<i64: 2, 16>, scalar_prefetch = 0 : i64, scratch_operands = 10 : i64, tpu.core_type = #tpu.core_type<sc_vector_subcore>, window_params = [{transform_indices = #map}, {transform_indices = #map1}, {transform_indices = #map}, {transform_indices = #map2}]} {
    %mul3A = arith.constant 2 : i32
    %mul3A_0 = arith.muli %arg1, %mul3A : i32
    %add3A = arith.addi %mul3A_0, %arg0 : i32
    %mul3A_1 = arith.constant 624 : i32
    %mul3A_2 = arith.muli %arg1, %mul3A_1 : i32
    %mul3A_3 = arith.constant 624 : i32
    %mul3A_4 = arith.muli %arg1, %mul3A_3 : i32
    "tpu.region"() ({
      %run_scoped3A = tpu.sem_alloc : memref<!tpu.dma_semaphore, #tpu.memory_space<semaphore_mem>>
      %dma_start3A_267 = arith.constant 0 : i32
      %dma_start3A_268 = tpu.memref_slice %arg9[%mul3A_4, %dma_start3A_267] : memref<10000x128xf32, #tpu.memory_space<vmem_shared>> -> memref<624x128xf32, #tpu.memory_space<vmem_shared>>
      %dma_start3A_269 = arith.constant 0 : i32
      %dma_start3A_270 = tpu.memref_slice %arg4[%mul3A_2, %dma_start3A_269] : memref<10000x128xf32, #tpu.memory_space<hbm>> -> memref<624x128xf32, #tpu.memory_space<hbm>>
      tpu.enqueue_dma source(%dma_start3A_270 : memref<624x128xf32, #tpu.memory_space<hbm>>) target(%dma_start3A_268 : memref<624x128xf32, #tpu.memory_space<vmem_shared>>) target_semaphore(%run_scoped3A : memref<!tpu.dma_semaphore, #tpu.memory_space<semaphore_mem>>)
      %dma_wait3A_271 = arith.constant 0 : i32
      %dma_wait3A_272 = tpu.memref_slice %arg9[%mul3A_4, %dma_wait3A_271] : memref<10000x128xf32, #tpu.memory_space<vmem_shared>> -> memref<624x128xf32, #tpu.memory_space<vmem_shared>>
      %dma_wait3A_273 = arith.constant 0 : i32
      %dma_wait3A_274 = tpu.memref_slice %arg4[%mul3A_2, %dma_wait3A_273] : memref<10000x128xf32, #tpu.memory_space<hbm>> -> memref<624x128xf32, #tpu.memory_space<hbm>>
      tpu.wait_dma2 semaphore(%run_scoped3A : memref<!tpu.dma_semaphore, #tpu.memory_space<semaphore_mem>>) src(%dma_wait3A_274 : memref<624x128xf32, #tpu.memory_space<hbm>>) dst(%dma_wait3A_272 : memref<624x128xf32, #tpu.memory_space<vmem_shared>>)
      tpu.yield
    }) : () -> ()
    %eq3A = arith.constant 0 : i32
    %eq3A_5 = arith.cmpi eq, %arg1, %eq3A : i32
    %convert_element_type3A = arith.extui %eq3A_5 : i1 to i32
    %cond3A = arith.constant 0 : i32
    %cond3A_6 = arith.cmpi ne, %convert_element_type3A, %cond3A : i32
    scf.if %cond3A_6 {
      "tpu.region"() ({
        %run_scoped3A = tpu.sem_alloc : memref<!tpu.dma_semaphore, #tpu.memory_space<semaphore_mem>>
        %dma_start3A_267 = arith.constant 9984 : i32
        %dma_start3A_268 = arith.constant 0 : i32
        %dma_start3A_269 = tpu.memref_slice %arg9[%dma_start3A_267, %dma_start3A_268] : memref<10000x128xf32, #tpu.memory_space<vmem_shared>> -> memref<16x128xf32, #tpu.memory_space<vmem_shared>>
        %dma_start3A_270 = arith.constant 9984 : i32
        %dma_start3A_271 = arith.constant 0 : i32
        %dma_start3A_272 = tpu.memref_slice %arg4[%dma_start3A_270, %dma_start3A_271] : memref<10000x128xf32, #tpu.memory_space<hbm>> -> memref<16x128xf32, #tpu.memory_space<hbm>>
        tpu.enqueue_dma source(%dma_start3A_272 : memref<16x128xf32, #tpu.memory_space<hbm>>) target(%dma_start3A_269 : memref<16x128xf32, #tpu.memory_space<vmem_shared>>) target_semaphore(%run_scoped3A : memref<!tpu.dma_semaphore, #tpu.memory_space<semaphore_mem>>)
        %dma_wait3A_273 = arith.constant 9984 : i32
        %dma_wait3A_274 = arith.constant 0 : i32
        %dma_wait3A_275 = tpu.memref_slice %arg9[%dma_wait3A_273, %dma_wait3A_274] : memref<10000x128xf32, #tpu.memory_space<vmem_shared>> -> memref<16x128xf32, #tpu.memory_space<vmem_shared>>
        %dma_wait3A_276 = arith.constant 9984 : i32
        %dma_wait3A_277 = arith.constant 0 : i32
        %dma_wait3A_278 = tpu.memref_slice %arg4[%dma_wait3A_276, %dma_wait3A_277] : memref<10000x128xf32, #tpu.memory_space<hbm>> -> memref<16x128xf32, #tpu.memory_space<hbm>>
        tpu.wait_dma2 semaphore(%run_scoped3A : memref<!tpu.dma_semaphore, #tpu.memory_space<semaphore_mem>>) src(%dma_wait3A_278 : memref<16x128xf32, #tpu.memory_space<hbm>>) dst(%dma_wait3A_275 : memref<16x128xf32, #tpu.memory_space<vmem_shared>>)
        tpu.yield
      }) : () -> ()
    } else {
    }
    %barrier3A = arith.constant 0 : index
    tpu.barrier barrier_id(%barrier3A)
    %mul3A_7 = arith.constant 81 : i32
    %mul3A_8 = arith.muli %add3A, %mul3A_7 : i32
    %add3A_9 = arith.constant 0 : i32
    %add3A_10 = arith.addi %mul3A_8, %add3A_9 : i32
    %mul3A_11 = arith.constant 512 : i32
    %mul3A_12 = arith.muli %add3A_10, %mul3A_11 : i32
    %add3A_13 = arith.constant 256 : i32
    %add3A_14 = arith.addi %mul3A_12, %add3A_13 : i32
    %multiple_of3A = tpu.assume_multiple %add3A_14, 128 : i32
    %dma_start3A = arith.constant 0 : i32
    %dma_start3A_15 = tpu.memref_slice %arg6[%dma_start3A] : memref<512xi32, #tpu.memory_space<vmem>> -> memref<256xi32, #tpu.memory_space<vmem>>
    %dma_start3A_16 = tpu.memref_slice %arg3[%multiple_of3A] : memref<1327104xi32, #tpu.memory_space<hbm>> -> memref<256xi32, #tpu.memory_space<hbm>>
    %dma_start3A_17 = arith.constant 0 : i32
    %dma_start3A_18 = tpu.memref_slice %arg6[%dma_start3A_17] : memref<512xi32, #tpu.memory_space<vmem>> -> memref<256xi32, #tpu.memory_space<vmem>>
    %dma_start3A_19 = tpu.memref_slice %arg3[%multiple_of3A] : memref<1327104xi32, #tpu.memory_space<hbm>> -> memref<256xi32, #tpu.memory_space<hbm>>
    tpu.enqueue_dma source(%dma_start3A_19 : memref<256xi32, #tpu.memory_space<hbm>>) target(%dma_start3A_18 : memref<256xi32, #tpu.memory_space<vmem>>) target_semaphore(%arg10 : memref<!tpu.dma_semaphore, #tpu.memory_space<semaphore_mem>>)
    %mul3A_20 = arith.constant 81 : i32
    %mul3A_21 = arith.muli %add3A, %mul3A_20 : i32
    %add3A_22 = arith.constant 1 : i32
    %add3A_23 = arith.addi %mul3A_21, %add3A_22 : i32
    %mul3A_24 = arith.constant 512 : i32
    %mul3A_25 = arith.muli %add3A_23, %mul3A_24 : i32
    %add3A_26 = arith.constant 256 : i32
    %add3A_27 = arith.addi %mul3A_25, %add3A_26 : i32
    %multiple_of3A_28 = tpu.assume_multiple %add3A_27, 128 : i32
    %dma_start3A_29 = arith.constant 256 : i32
    %dma_start3A_30 = tpu.memref_slice %arg6[%dma_start3A_29] : memref<512xi32, #tpu.memory_space<vmem>> -> memref<256xi32, #tpu.memory_space<vmem>>
    %dma_start3A_31 = tpu.memref_slice %arg3[%multiple_of3A_28] : memref<1327104xi32, #tpu.memory_space<hbm>> -> memref<256xi32, #tpu.memory_space<hbm>>
    %dma_start3A_32 = arith.constant 256 : i32
    %dma_start3A_33 = tpu.memref_slice %arg6[%dma_start3A_32] : memref<512xi32, #tpu.memory_space<vmem>> -> memref<256xi32, #tpu.memory_space<vmem>>
    %dma_start3A_34 = tpu.memref_slice %arg3[%multiple_of3A_28] : memref<1327104xi32, #tpu.memory_space<hbm>> -> memref<256xi32, #tpu.memory_space<hbm>>
    tpu.enqueue_dma source(%dma_start3A_34 : memref<256xi32, #tpu.memory_space<hbm>>) target(%dma_start3A_33 : memref<256xi32, #tpu.memory_space<vmem>>) target_semaphore(%arg11 : memref<!tpu.dma_semaphore, #tpu.memory_space<semaphore_mem>>)
    %mul3A_35 = arith.constant 81 : i32
    %mul3A_36 = arith.muli %add3A, %mul3A_35 : i32
    %add3A_37 = arith.constant 0 : i32
    %add3A_38 = arith.addi %mul3A_36, %add3A_37 : i32
    %mul3A_39 = arith.constant 512 : i32
    %mul3A_40 = arith.muli %add3A_38, %mul3A_39 : i32
    %add3A_41 = arith.constant 256 : i32
    %add3A_42 = arith.addi %mul3A_40, %add3A_41 : i32
    %multiple_of3A_43 = tpu.assume_multiple %add3A_42, 128 : i32
    %dma_wait3A = arith.constant 0 : i32
    %dma_wait3A_44 = tpu.memref_slice %arg6[%dma_wait3A] : memref<512xi32, #tpu.memory_space<vmem>> -> memref<256xi32, #tpu.memory_space<vmem>>
    %dma_wait3A_45 = tpu.memref_slice %arg3[%multiple_of3A_43] : memref<1327104xi32, #tpu.memory_space<hbm>> -> memref<256xi32, #tpu.memory_space<hbm>>
    %dma_wait3A_46 = arith.constant 0 : i32
    %dma_wait3A_47 = tpu.memref_slice %arg6[%dma_wait3A_46] : memref<512xi32, #tpu.memory_space<vmem>> -> memref<256xi32, #tpu.memory_space<vmem>>
    %dma_wait3A_48 = tpu.memref_slice %arg3[%multiple_of3A_43] : memref<1327104xi32, #tpu.memory_space<hbm>> -> memref<256xi32, #tpu.memory_space<hbm>>
    tpu.wait_dma2 semaphore(%arg10 : memref<!tpu.dma_semaphore, #tpu.memory_space<semaphore_mem>>) src(%dma_wait3A_48 : memref<256xi32, #tpu.memory_space<hbm>>) dst(%dma_wait3A_47 : memref<256xi32, #tpu.memory_space<vmem>>)
    %get3A = arith.constant 0 : index
    %get3A_49 = tpu.vector_load %arg6[%get3A] {strides = array<i32>} : memref<512xi32, #tpu.memory_space<vmem>>, vector<16xi32>,
    %swap3A = arith.constant 0 : i32
    %swap3A_50 = arith.index_cast %swap3A : i32 to index
    %swap3A_51 = arith.constant 0 : index
    %swap3A_52 = tpu.vector_load %arg7[%swap3A_50, %swap3A_51] {strides = array<i32>} : memref<2x128xi32, #tpu.memory_space<vmem>>, vector<16xi32>,
    tpu.vector_store %arg7[%swap3A_50, %swap3A_51], %get3A_49 {strides = array<i32>} : memref<2x128xi32, #tpu.memory_space<vmem>>, vector<16xi32>,
    %get3A_53 = arith.constant 16 : index
    %get3A_54 = tpu.vector_load %arg6[%get3A_53] {strides = array<i32>} : memref<512xi32, #tpu.memory_space<vmem>>, vector<16xi32>,
    %swap3A_55 = arith.constant 0 : i32
    %swap3A_56 = arith.index_cast %swap3A_55 : i32 to index
    %swap3A_57 = arith.constant 16 : index
    %swap3A_58 = tpu.vector_load %arg7[%swap3A_56, %swap3A_57] {strides = array<i32>} : memref<2x128xi32, #tpu.memory_space<vmem>>, vector<16xi32>,
    tpu.vector_store %arg7[%swap3A_56, %swap3A_57], %get3A_54 {strides = array<i32>} : memref<2x128xi32, #tpu.memory_space<vmem>>, vector<16xi32>,
    %get3A_59 = arith.constant 32 : index
    %get3A_60 = tpu.vector_load %arg6[%get3A_59] {strides = array<i32>} : memref<512xi32, #tpu.memory_space<vmem>>, vector<16xi32>,
    %swap3A_61 = arith.constant 0 : i32
    %swap3A_62 = arith.index_cast %swap3A_61 : i32 to index
    %swap3A_63 = arith.constant 32 : index
    %swap3A_64 = tpu.vector_load %arg7[%swap3A_62, %swap3A_63] {strides = array<i32>} : memref<2x128xi32, #tpu.memory_space<vmem>>, vector<16xi32>,
    tpu.vector_store %arg7[%swap3A_62, %swap3A_63], %get3A_60 {strides = array<i32>} : memref<2x128xi32, #tpu.memory_space<vmem>>, vector<16xi32>,
    %get3A_65 = arith.constant 48 : index
    %get3A_66 = tpu.vector_load %arg6[%get3A_65] {strides = array<i32>} : memref<512xi32, #tpu.memory_space<vmem>>, vector<16xi32>,
    %swap3A_67 = arith.constant 0 : i32
    %swap3A_68 = arith.index_cast %swap3A_67 : i32 to index
    %swap3A_69 = arith.constant 48 : index
    %swap3A_70 = tpu.vector_load %arg7[%swap3A_68, %swap3A_69] {strides = array<i32>} : memref<2x128xi32, #tpu.memory_space<vmem>>, vector<16xi32>,
    tpu.vector_store %arg7[%swap3A_68, %swap3A_69], %get3A_66 {strides = array<i32>} : memref<2x128xi32, #tpu.memory_space<vmem>>, vector<16xi32>,
    %get3A_71 = arith.constant 64 : index
    %get3A_72 = tpu.vector_load %arg6[%get3A_71] {strides = array<i32>} : memref<512xi32, #tpu.memory_space<vmem>>, vector<16xi32>,
    %swap3A_73 = arith.constant 0 : i32
    %swap3A_74 = arith.index_cast %swap3A_73 : i32 to index
    %swap3A_75 = arith.constant 64 : index
    %swap3A_76 = tpu.vector_load %arg7[%swap3A_74, %swap3A_75] {strides = array<i32>} : memref<2x128xi32, #tpu.memory_space<vmem>>, vector<16xi32>,
    tpu.vector_store %arg7[%swap3A_74, %swap3A_75], %get3A_72 {strides = array<i32>} : memref<2x128xi32, #tpu.memory_space<vmem>>, vector<16xi32>,
    %get3A_77 = arith.constant 80 : index
    %get3A_78 = tpu.vector_load %arg6[%get3A_77] {strides = array<i32>} : memref<512xi32, #tpu.memory_space<vmem>>, vector<16xi32>,
    %swap3A_79 = arith.constant 0 : i32
    %swap3A_80 = arith.index_cast %swap3A_79 : i32 to index
    %swap3A_81 = arith.constant 80 : index
    %swap3A_82 = tpu.vector_load %arg7[%swap3A_80, %swap3A_81] {strides = array<i32>} : memref<2x128xi32, #tpu.memory_space<vmem>>, vector<16xi32>,
    tpu.vector_store %arg7[%swap3A_80, %swap3A_81], %get3A_78 {strides = array<i32>} : memref<2x128xi32, #tpu.memory_space<vmem>>, vector<16xi32>,
    %get3A_83 = arith.constant 96 : index
    %get3A_84 = tpu.vector_load %arg6[%get3A_83] {strides = array<i32>} : memref<512xi32, #tpu.memory_space<vmem>>, vector<16xi32>,
    %swap3A_85 = arith.constant 0 : i32
    %swap3A_86 = arith.index_cast %swap3A_85 : i32 to index
    %swap3A_87 = arith.constant 96 : index
    %swap3A_88 = tpu.vector_load %arg7[%swap3A_86, %swap3A_87] {strides = array<i32>} : memref<2x128xi32, #tpu.memory_space<vmem>>, vector<16xi32>,
    tpu.vector_store %arg7[%swap3A_86, %swap3A_87], %get3A_84 {strides = array<i32>} : memref<2x128xi32, #tpu.memory_space<vmem>>, vector<16xi32>,
    %get3A_89 = arith.constant 112 : index
    %get3A_90 = tpu.vector_load %arg6[%get3A_89] {strides = array<i32>} : memref<512xi32, #tpu.memory_space<vmem>>, vector<16xi32>,
    %swap3A_91 = arith.constant 0 : i32
    %swap3A_92 = arith.index_cast %swap3A_91 : i32 to index
    %swap3A_93 = arith.constant 112 : index
    %swap3A_94 = tpu.vector_load %arg7[%swap3A_92, %swap3A_93] {strides = array<i32>} : memref<2x128xi32, #tpu.memory_space<vmem>>, vector<16xi32>,
    tpu.vector_store %arg7[%swap3A_92, %swap3A_93], %get3A_90 {strides = array<i32>} : memref<2x128xi32, #tpu.memory_space<vmem>>, vector<16xi32>,
    %dma_start3A_95 = arith.constant 0 : i32
    %dma_start3A_96 = arith.constant 0 : i32
    %dma_start3A_97 = arith.constant 0 : i32
    %dma_start3A_98 = tpu.memref_slice %arg8[%dma_start3A_95, %dma_start3A_96, %dma_start3A_97] : memref<2x128x128xf32, #tpu.memory_space<vmem>> -> memref<1x128x128xf32, #tpu.memory_space<vmem>>
    %dma_start3A_99 = tpu.memref_squeeze %dma_start3A_98 : memref<1x128x128xf32, #tpu.memory_space<vmem>> -> memref<128x128xf32, #tpu.memory_space<vmem>>
    %dma_start3A_100 = arith.constant 128 : i32
    %dma_start3A_101 = tpu.memref_slice %arg6[%dma_start3A_100] : memref<512xi32, #tpu.memory_space<vmem>> -> memref<128xi32, #tpu.memory_space<vmem>>
    %dma_start3A_102 = arith.constant 0 : i32
    %dma_start3A_103 = arith.constant 0 : i32
    %dma_start3A_104 = tpu.memref_slice %arg2[%dma_start3A_102, %dma_start3A_103] : memref<10008x128xf32, #tpu.memory_space<hbm>> -> memref<10008x128xf32, #tpu.memory_space<hbm>>
    tpu.enqueue_indirect_dma source(%dma_start3A_104 : memref<10008x128xf32, #tpu.memory_space<hbm>>) target(%dma_start3A_99 : memref<128x128xf32, #tpu.memory_space<vmem>>) offsets(%dma_start3A_101 : memref<128xi32, #tpu.memory_space<vmem>>) semaphore(%arg12 : memref<!tpu.dma_semaphore, #tpu.memory_space<semaphore_mem>>)
    %dma_wait3A_105 = arith.constant 0 : i32
    %dma_wait3A_106 = arith.constant 0 : i32
    %dma_wait3A_107 = arith.constant 0 : i32
    %dma_wait3A_108 = tpu.memref_slice %arg8[%dma_wait3A_105, %dma_wait3A_106, %dma_wait3A_107] : memref<2x128x128xf32, #tpu.memory_space<vmem>> -> memref<1x128x128xf32, #tpu.memory_space<vmem>>
    %dma_wait3A_109 = tpu.memref_squeeze %dma_wait3A_108 : memref<1x128x128xf32, #tpu.memory_space<vmem>> -> memref<128x128xf32, #tpu.memory_space<vmem>>
    %dma_wait3A_110 = arith.constant 128 : i32
    %dma_wait3A_111 = tpu.memref_slice %arg6[%dma_wait3A_110] : memref<512xi32, #tpu.memory_space<vmem>> -> memref<128xi32, #tpu.memory_space<vmem>>
    %dma_wait3A_112 = arith.constant 0 : i32
    %dma_wait3A_113 = arith.constant 0 : i32
    %dma_wait3A_114 = tpu.memref_slice %arg2[%dma_wait3A_112, %dma_wait3A_113] : memref<10008x128xf32, #tpu.memory_space<hbm>> -> memref<10008x128xf32, #tpu.memory_space<hbm>>
    tpu.wait_indirect_dma semaphore(%arg12 : memref<!tpu.dma_semaphore, #tpu.memory_space<semaphore_mem>>) src(%dma_wait3A_114 : memref<10008x128xf32, #tpu.memory_space<hbm>>) dst(%dma_wait3A_109 : memref<128x128xf32, #tpu.memory_space<vmem>>)
    %dma_start3A_115 = arith.constant 0 : i32
    %dma_start3A_116 = arith.constant 0 : i32
    %dma_start3A_117 = arith.constant 0 : i32
    %dma_start3A_118 = arith.constant 0 : i32
    %dma_start3A_119 = tpu.memref_slice %arg8[%dma_start3A_115, %dma_start3A_117, %dma_start3A_118] : memref<2x128x128xf32, #tpu.memory_space<vmem>> -> memref<1x128x128xf32, #tpu.memory_space<vmem>>
    %dma_start3A_120 = tpu.memref_squeeze %dma_start3A_119 : memref<1x128x128xf32, #tpu.memory_space<vmem>> -> memref<128x128xf32, #tpu.memory_space<vmem>>
    %dma_start3A_121 = arith.constant 0 : i32
    %dma_start3A_122 = tpu.memref_slice %arg7[%dma_start3A_116, %dma_start3A_121] : memref<2x128xi32, #tpu.memory_space<vmem>> -> memref<1x128xi32, #tpu.memory_space<vmem>>
    %dma_start3A_123 = tpu.memref_squeeze %dma_start3A_122 : memref<1x128xi32, #tpu.memory_space<vmem>> -> memref<128xi32, #tpu.memory_space<vmem>>
    %dma_start3A_124 = arith.constant 0 : i32
    %dma_start3A_125 = arith.constant 0 : i32
    %dma_start3A_126 = tpu.memref_slice %arg9[%dma_start3A_124, %dma_start3A_125] : memref<10000x128xf32, #tpu.memory_space<vmem_shared>> -> memref<10000x128xf32, #tpu.memory_space<vmem_shared>>
    tpu.enqueue_indirect_dma source(%dma_start3A_120 : memref<128x128xf32, #tpu.memory_space<vmem>>) target(%dma_start3A_126 : memref<10000x128xf32, #tpu.memory_space<vmem_shared>>) offsets(%dma_start3A_123 : memref<128xi32, #tpu.memory_space<vmem>>) semaphore(%arg14 : memref<!tpu.dma_semaphore, #tpu.memory_space<semaphore_mem>>) {add = true}
    %mul3A_127 = arith.constant 81 : i32
    %mul3A_128 = arith.muli %add3A, %mul3A_127 : i32
    %add3A_129 = arith.constant 2 : i32
    %add3A_130 = arith.addi %mul3A_128, %add3A_129 : i32
    %mul3A_131 = arith.constant 512 : i32
    %mul3A_132 = arith.muli %add3A_130, %mul3A_131 : i32
    %add3A_133 = arith.constant 256 : i32
    %add3A_134 = arith.addi %mul3A_132, %add3A_133 : i32
    %multiple_of3A_135 = tpu.assume_multiple %add3A_134, 128 : i32
    %dma_start3A_136 = arith.constant 0 : i32
    %dma_start3A_137 = tpu.memref_slice %arg6[%dma_start3A_136] : memref<512xi32, #tpu.memory_space<vmem>> -> memref<256xi32, #tpu.memory_space<vmem>>
    %dma_start3A_138 = tpu.memref_slice %arg3[%multiple_of3A_135] : memref<1327104xi32, #tpu.memory_space<hbm>> -> memref<256xi32, #tpu.memory_space<hbm>>
    %dma_start3A_139 = arith.constant 0 : i32
    %dma_start3A_140 = tpu.memref_slice %arg6[%dma_start3A_139] : memref<512xi32, #tpu.memory_space<vmem>> -> memref<256xi32, #tpu.memory_space<vmem>>
    %dma_start3A_141 = tpu.memref_slice %arg3[%multiple_of3A_135] : memref<1327104xi32, #tpu.memory_space<hbm>> -> memref<256xi32, #tpu.memory_space<hbm>>
    tpu.enqueue_dma source(%dma_start3A_141 : memref<256xi32, #tpu.memory_space<hbm>>) target(%dma_start3A_140 : memref<256xi32, #tpu.memory_space<vmem>>) target_semaphore(%arg10 : memref<!tpu.dma_semaphore, #tpu.memory_space<semaphore_mem>>)
    %mul3A_142 = arith.constant 81 : i32
    %mul3A_143 = arith.muli %add3A, %mul3A_142 : i32
    %add3A_144 = arith.constant 1 : i32
    %add3A_145 = arith.addi %mul3A_143, %add3A_144 : i32
    %mul3A_146 = arith.constant 512 : i32
    %mul3A_147 = arith.muli %add3A_145, %mul3A_146 : i32
    %add3A_148 = arith.constant 256 : i32
    %add3A_149 = arith.addi %mul3A_147, %add3A_148 : i32
    %multiple_of3A_150 = tpu.assume_multiple %add3A_149, 128 : i32
    %dma_wait3A_151 = arith.constant 256 : i32
    %dma_wait3A_152 = tpu.memref_slice %arg6[%dma_wait3A_151] : memref<512xi32, #tpu.memory_space<vmem>> -> memref<256xi32, #tpu.memory_space<vmem>>
    %dma_wait3A_153 = tpu.memref_slice %arg3[%multiple_of3A_150] : memref<1327104xi32, #tpu.memory_space<hbm>> -> memref<256xi32, #tpu.memory_space<hbm>>
    %dma_wait3A_154 = arith.constant 256 : i32
    %dma_wait3A_155 = tpu.memref_slice %arg6[%dma_wait3A_154] : memref<512xi32, #tpu.memory_space<vmem>> -> memref<256xi32, #tpu.memory_space<vmem>>
    %dma_wait3A_156 = tpu.memref_slice %arg3[%multiple_of3A_150] : memref<1327104xi32, #tpu.memory_space<hbm>> -> memref<256xi32, #tpu.memory_space<hbm>>
    tpu.wait_dma2 semaphore(%arg11 : memref<!tpu.dma_semaphore, #tpu.memory_space<semaphore_mem>>) src(%dma_wait3A_156 : memref<256xi32, #tpu.memory_space<hbm>>) dst(%dma_wait3A_155 : memref<256xi32, #tpu.memory_space<vmem>>)
    %get3A_157 = arith.constant 256 : index
    %get3A_158 = tpu.vector_load %arg6[%get3A_157] {strides = array<i32>} : memref<512xi32, #tpu.memory_space<vmem>>, vector<16xi32>,
    %swap3A_159 = arith.constant 1 : i32
    %swap3A_160 = arith.index_cast %swap3A_159 : i32 to index
    %swap3A_161 = arith.constant 0 : index
    %swap3A_162 = tpu.vector_load %arg7[%swap3A_160, %swap3A_161] {strides = array<i32>} : memref<2x128xi32, #tpu.memory_space<vmem>>, vector<16xi32>,
    tpu.vector_store %arg7[%swap3A_160, %swap3A_161], %get3A_158 {strides = array<i32>} : memref<2x128xi32, #tpu.memory_space<vmem>>, vector<16xi32>,
    %get3A_163 = arith.constant 272 : index
    %get3A_164 = tpu.vector_load %arg6[%get3A_163] {strides = array<i32>} : memref<512xi32, #tpu.memory_space<vmem>>, vector<16xi32>,
    %swap3A_165 = arith.constant 1 : i32
    %swap3A_166 = arith.index_cast %swap3A_165 : i32 to index
    %swap3A_167 = arith.constant 16 : index
    %swap3A_168 = tpu.vector_load %arg7[%swap3A_166, %swap3A_167] {strides = array<i32>} : memref<2x128xi32, #tpu.memory_space<vmem>>, vector<16xi32>,
    tpu.vector_store %arg7[%swap3A_166, %swap3A_167], %get3A_164 {strides = array<i32>} : memref<2x128xi32, #tpu.memory_space<vmem>>, vector<16xi32>,
    %get3A_169 = arith.constant 288 : index
    %get3A_170 = tpu.vector_load %arg6[%get3A_169] {strides = array<i32>} : memref<512xi32, #tpu.memory_space<vmem>>, vector<16xi32>,
    %swap3A_171 = arith.constant 1 : i32
    %swap3A_172 = arith.index_cast %swap3A_171 : i32 to index
    %swap3A_173 = arith.constant 32 : index
    %swap3A_174 = tpu.vector_load %arg7[%swap3A_172, %swap3A_173] {strides = array<i32>} : memref<2x128xi32, #tpu.memory_space<vmem>>, vector<16xi32>,
    tpu.vector_store %arg7[%swap3A_172, %swap3A_173], %get3A_170 {strides = array<i32>} : memref<2x128xi32, #tpu.memory_space<vmem>>, vector<16xi32>,
    %get3A_175 = arith.constant 304 : index
    %get3A_176 = tpu.vector_load %arg6[%get3A_175] {strides = array<i32>} : memref<512xi32, #tpu.memory_space<vmem>>, vector<16xi32>,
    %swap3A_177 = arith.constant 1 : i32
    %swap3A_178 = arith.index_cast %swap3A_177 : i32 to index
    %swap3A_179 = arith.constant 48 : index
    %swap3A_180 = tpu.vector_load %arg7[%swap3A_178, %swap3A_179] {strides = array<i32>} : memref<2x128xi32, #tpu.memory_space<vmem>>, vector<16xi32>,
    tpu.vector_store %arg7[%swap3A_178, %swap3A_179], %get3A_176 {strides = array<i32>} : memref<2x128xi32, #tpu.memory_space<vmem>>, vector<16xi32>,
    %get3A_181 = arith.constant 320 : index
    %get3A_182 = tpu.vector_load %arg6[%get3A_181] {strides = array<i32>} : memref<512xi32, #tpu.memory_space<vmem>>, vector<16xi32>,
    %swap3A_183 = arith.constant 1 : i32
    %swap3A_184 = arith.index_cast %swap3A_183 : i32 to index
    %swap3A_185 = arith.constant 64 : index
    %swap3A_186 = tpu.vector_load %arg7[%swap3A_184, %swap3A_185] {strides = array<i32>} : memref<2x128xi32, #tpu.memory_space<vmem>>, vector<16xi32>,
    tpu.vector_store %arg7[%swap3A_184, %swap3A_185], %get3A_182 {strides = array<i32>} : memref<2x128xi32, #tpu.memory_space<vmem>>, vector<16xi32>,
    %get3A_187 = arith.constant 336 : index
    %get3A_188 = tpu.vector_load %arg6[%get3A_187] {strides = array<i32>} : memref<512xi32, #tpu.memory_space<vmem>>, vector<16xi32>,
    %swap3A_189 = arith.constant 1 : i32
    %swap3A_190 = arith.index_cast %swap3A_189 : i32 to index
    %swap3A_191 = arith.constant 80 : index
    %swap3A_192 = tpu.vector_load %arg7[%swap3A_190, %swap3A_191] {strides = array<i32>} : memref<2x128xi32, #tpu.memory_space<vmem>>, vector<16xi32>,
    tpu.vector_store %arg7[%swap3A_190, %swap3A_191], %get3A_188 {strides = array<i32>} : memref<2x128xi32, #tpu.memory_space<vmem>>, vector<16xi32>,
    %get3A_193 = arith.constant 352 : index
    %get3A_194 = tpu.vector_load %arg6[%get3A_193] {strides = array<i32>} : memref<512xi32, #tpu.memory_space<vmem>>, vector<16xi32>,
    %swap3A_195 = arith.constant 1 : i32
    %swap3A_196 = arith.index_cast %swap3A_195 : i32 to index
    %swap3A_197 = arith.constant 96 : index
    %swap3A_198 = tpu.vector_load %arg7[%swap3A_196, %swap3A_197] {strides = array<i32>} : memref<2x128xi32, #tpu.memory_space<vmem>>, vector<16xi32>,
    tpu.vector_store %arg7[%swap3A_196, %swap3A_197], %get3A_194 {strides = array<i32>} : memref<2x128xi32, #tpu.memory_space<vmem>>, vector<16xi32>,
    %get3A_199 = arith.constant 368 : index
    %get3A_200 = tpu.vector_load %arg6[%get3A_199] {strides = array<i32>} : memref<512xi32, #tpu.memory_space<vmem>>, vector<16xi32>,
    %swap3A_201 = arith.constant 1 : i32
    %swap3A_202 = arith.index_cast %swap3A_201 : i32 to index
    %swap3A_203 = arith.constant 112 : index
    %swap3A_204 = tpu.vector_load %arg7[%swap3A_202, %swap3A_203] {strides = array<i32>} : memref<2x128xi32, #tpu.memory_space<vmem>>, vector<16xi32>,
    tpu.vector_store %arg7[%swap3A_202, %swap3A_203], %get3A_200 {strides = array<i32>} : memref<2x128xi32, #tpu.memory_space<vmem>>, vector<16xi32>,
    %dma_start3A_205 = arith.constant 1 : i32
    %dma_start3A_206 = arith.constant 0 : i32
    %dma_start3A_207 = arith.constant 0 : i32
    %dma_start3A_208 = tpu.memref_slice %arg8[%dma_start3A_205, %dma_start3A_206, %dma_start3A_207] : memref<2x128x128xf32, #tpu.memory_space<vmem>> -> memref<1x128x128xf32, #tpu.memory_space<vmem>>
    %dma_start3A_209 = tpu.memref_squeeze %dma_start3A_208 : memref<1x128x128xf32, #tpu.memory_space<vmem>> -> memref<128x128xf32, #tpu.memory_space<vmem>>
    %dma_start3A_210 = arith.constant 384 : i32
    %dma_start3A_211 = tpu.memref_slice %arg6[%dma_start3A_210] : memref<512xi32, #tpu.memory_space<vmem>> -> memref<128xi32, #tpu.memory_space<vmem>>
    %dma_start3A_212 = arith.constant 0 : i32
    %dma_start3A_213 = arith.constant 0 : i32
    %dma_start3A_214 = tpu.memref_slice %arg2[%dma_start3A_212, %dma_start3A_213] : memref<10008x128xf32, #tpu.memory_space<hbm>> -> memref<10008x128xf32, #tpu.memory_space<hbm>>
    tpu.enqueue_indirect_dma source(%dma_start3A_214 : memref<10008x128xf32, #tpu.memory_space<hbm>>) target(%dma_start3A_209 : memref<128x128xf32, #tpu.memory_space<vmem>>) offsets(%dma_start3A_211 : memref<128xi32, #tpu.memory_space<vmem>>) semaphore(%arg13 : memref<!tpu.dma_semaphore, #tpu.memory_space<semaphore_mem>>)
    %scan3A = arith.constant 0 : i32
    %scan3A_215 = arith.constant 0 : i32
    %scan3A_216 = arith.constant 39 : i32
    %scan3A_217 = arith.addi %scan3A_215, %scan3A_216 : i32
    %scan3A_218 = arith.constant 1 : i32
    scf.for %scan3A_267 = %scan3A_215 to %scan3A_217 step %scan3A_218  : i32 {
      %mul3A_268 = arith.constant 2 : i32
      %mul3A_269 = arith.muli %mul3A_268, %scan3A_267 : i32
      %add3A_270 = arith.constant 1 : i32
      %add3A_271 = arith.addi %mul3A_269, %add3A_270 : i32
      %dma_wait3A_272 = arith.constant 1 : i32
      %dma_wait3A_273 = arith.constant 0 : i32
      %dma_wait3A_274 = arith.constant 0 : i32
      %dma_wait3A_275 = tpu.memref_slice %arg8[%dma_wait3A_272, %dma_wait3A_273, %dma_wait3A_274] : memref<2x128x128xf32, #tpu.memory_space<vmem>> -> memref<1x128x128xf32, #tpu.memory_space<vmem>>
      %dma_wait3A_276 = tpu.memref_squeeze %dma_wait3A_275 : memref<1x128x128xf32, #tpu.memory_space<vmem>> -> memref<128x128xf32, #tpu.memory_space<vmem>>
      %dma_wait3A_277 = arith.constant 384 : i32
      %dma_wait3A_278 = tpu.memref_slice %arg6[%dma_wait3A_277] : memref<512xi32, #tpu.memory_space<vmem>> -> memref<128xi32, #tpu.memory_space<vmem>>
      %dma_wait3A_279 = arith.constant 0 : i32
      %dma_wait3A_280 = arith.constant 0 : i32
      %dma_wait3A_281 = tpu.memref_slice %arg2[%dma_wait3A_279, %dma_wait3A_280] : memref<10008x128xf32, #tpu.memory_space<hbm>> -> memref<10008x128xf32, #tpu.memory_space<hbm>>
      tpu.wait_indirect_dma semaphore(%arg13 : memref<!tpu.dma_semaphore, #tpu.memory_space<semaphore_mem>>) src(%dma_wait3A_281 : memref<10008x128xf32, #tpu.memory_space<hbm>>) dst(%dma_wait3A_276 : memref<128x128xf32, #tpu.memory_space<vmem>>)
      %dma_start3A_282 = arith.constant 1 : i32
      %dma_start3A_283 = arith.constant 1 : i32
      %dma_start3A_284 = arith.constant 0 : i32
      %dma_start3A_285 = arith.constant 0 : i32
      %dma_start3A_286 = tpu.memref_slice %arg8[%dma_start3A_282, %dma_start3A_284, %dma_start3A_285] : memref<2x128x128xf32, #tpu.memory_space<vmem>> -> memref<1x128x128xf32, #tpu.memory_space<vmem>>
      %dma_start3A_287 = tpu.memref_squeeze %dma_start3A_286 : memref<1x128x128xf32, #tpu.memory_space<vmem>> -> memref<128x128xf32, #tpu.memory_space<vmem>>
      %dma_start3A_288 = arith.constant 0 : i32
      %dma_start3A_289 = tpu.memref_slice %arg7[%dma_start3A_283, %dma_start3A_288] : memref<2x128xi32, #tpu.memory_space<vmem>> -> memref<1x128xi32, #tpu.memory_space<vmem>>
      %dma_start3A_290 = tpu.memref_squeeze %dma_start3A_289 : memref<1x128xi32, #tpu.memory_space<vmem>> -> memref<128xi32, #tpu.memory_space<vmem>>
      %dma_start3A_291 = arith.constant 0 : i32
      %dma_start3A_292 = arith.constant 0 : i32
      %dma_start3A_293 = tpu.memref_slice %arg9[%dma_start3A_291, %dma_start3A_292] : memref<10000x128xf32, #tpu.memory_space<vmem_shared>> -> memref<10000x128xf32, #tpu.memory_space<vmem_shared>>
      tpu.enqueue_indirect_dma source(%dma_start3A_287 : memref<128x128xf32, #tpu.memory_space<vmem>>) target(%dma_start3A_293 : memref<10000x128xf32, #tpu.memory_space<vmem_shared>>) offsets(%dma_start3A_290 : memref<128xi32, #tpu.memory_space<vmem>>) semaphore(%arg15 : memref<!tpu.dma_semaphore, #tpu.memory_space<semaphore_mem>>) {add = true}
      %add3A_294 = arith.constant 2 : i32
      %add3A_295 = arith.addi %add3A_271, %add3A_294 : i32
      %mul3A_296 = arith.constant 81 : i32
      %mul3A_297 = arith.muli %add3A, %mul3A_296 : i32
      %add3A_298 = arith.addi %mul3A_297, %add3A_295 : i32
      %mul3A_299 = arith.constant 512 : i32
      %mul3A_300 = arith.muli %add3A_298, %mul3A_299 : i32
      %add3A_301 = arith.constant 256 : i32
      %add3A_302 = arith.addi %mul3A_300, %add3A_301 : i32
      %multiple_of3A_303 = tpu.assume_multiple %add3A_302, 128 : i32
      %dma_start3A_304 = arith.constant 256 : i32
      %dma_start3A_305 = tpu.memref_slice %arg6[%dma_start3A_304] : memref<512xi32, #tpu.memory_space<vmem>> -> memref<256xi32, #tpu.memory_space<vmem>>
      %dma_start3A_306 = tpu.memref_slice %arg3[%multiple_of3A_303] : memref<1327104xi32, #tpu.memory_space<hbm>> -> memref<256xi32, #tpu.memory_space<hbm>>
      %dma_start3A_307 = arith.constant 256 : i32
      %dma_start3A_308 = tpu.memref_slice %arg6[%dma_start3A_307] : memref<512xi32, #tpu.memory_space<vmem>> -> memref<256xi32, #tpu.memory_space<vmem>>
      %dma_start3A_309 = tpu.memref_slice %arg3[%multiple_of3A_303] : memref<1327104xi32, #tpu.memory_space<hbm>> -> memref<256xi32, #tpu.memory_space<hbm>>
      tpu.enqueue_dma source(%dma_start3A_309 : memref<256xi32, #tpu.memory_space<hbm>>) target(%dma_start3A_308 : memref<256xi32, #tpu.memory_space<vmem>>) target_semaphore(%arg11 : memref<!tpu.dma_semaphore, #tpu.memory_space<semaphore_mem>>)
      %dma_wait3A_310 = arith.constant 0 : i32
      %dma_wait3A_311 = arith.constant 0 : i32
      %dma_wait3A_312 = arith.constant 0 : i32
      %dma_wait3A_313 = arith.constant 0 : i32
      %dma_wait3A_314 = tpu.memref_slice %arg8[%dma_wait3A_310, %dma_wait3A_312, %dma_wait3A_313] : memref<2x128x128xf32, #tpu.memory_space<vmem>> -> memref<1x128x128xf32, #tpu.memory_space<vmem>>
      %dma_wait3A_315 = tpu.memref_squeeze %dma_wait3A_314 : memref<1x128x128xf32, #tpu.memory_space<vmem>> -> memref<128x128xf32, #tpu.memory_space<vmem>>
      %dma_wait3A_316 = arith.constant 0 : i32
      %dma_wait3A_317 = tpu.memref_slice %arg7[%dma_wait3A_311, %dma_wait3A_316] : memref<2x128xi32, #tpu.memory_space<vmem>> -> memref<1x128xi32, #tpu.memory_space<vmem>>
      %dma_wait3A_318 = tpu.memref_squeeze %dma_wait3A_317 : memref<1x128xi32, #tpu.memory_space<vmem>> -> memref<128xi32, #tpu.memory_space<vmem>>
      %dma_wait3A_319 = arith.constant 0 : i32
      %dma_wait3A_320 = arith.constant 0 : i32
      %dma_wait3A_321 = tpu.memref_slice %arg9[%dma_wait3A_319, %dma_wait3A_320] : memref<10000x128xf32, #tpu.memory_space<vmem_shared>> -> memref<10000x128xf32, #tpu.memory_space<vmem_shared>>
      tpu.wait_indirect_dma semaphore(%arg14 : memref<!tpu.dma_semaphore, #tpu.memory_space<semaphore_mem>>) src(%dma_wait3A_315 : memref<128x128xf32, #tpu.memory_space<vmem>>) dst(%dma_wait3A_321 : memref<10000x128xf32, #tpu.memory_space<vmem_shared>>)
      %add3A_322 = arith.constant 1 : i32
      %add3A_323 = arith.addi %add3A_271, %add3A_322 : i32
      %mul3A_324 = arith.constant 81 : i32
      %mul3A_325 = arith.muli %add3A, %mul3A_324 : i32
      %add3A_326 = arith.addi %mul3A_325, %add3A_323 : i32
      %mul3A_327 = arith.constant 512 : i32
      %mul3A_328 = arith.muli %add3A_326, %mul3A_327 : i32
      %add3A_329 = arith.constant 256 : i32
      %add3A_330 = arith.addi %mul3A_328, %add3A_329 : i32
      %multiple_of3A_331 = tpu.assume_multiple %add3A_330, 128 : i32
      %dma_wait3A_332 = arith.constant 0 : i32
      %dma_wait3A_333 = tpu.memref_slice %arg6[%dma_wait3A_332] : memref<512xi32, #tpu.memory_space<vmem>> -> memref<256xi32, #tpu.memory_space<vmem>>
      %dma_wait3A_334 = tpu.memref_slice %arg3[%multiple_of3A_331] : memref<1327104xi32, #tpu.memory_space<hbm>> -> memref<256xi32, #tpu.memory_space<hbm>>
      %dma_wait3A_335 = arith.constant 0 : i32
      %dma_wait3A_336 = tpu.memref_slice %arg6[%dma_wait3A_335] : memref<512xi32, #tpu.memory_space<vmem>> -> memref<256xi32, #tpu.memory_space<vmem>>
      %dma_wait3A_337 = tpu.memref_slice %arg3[%multiple_of3A_331] : memref<1327104xi32, #tpu.memory_space<hbm>> -> memref<256xi32, #tpu.memory_space<hbm>>
      tpu.wait_dma2 semaphore(%arg10 : memref<!tpu.dma_semaphore, #tpu.memory_space<semaphore_mem>>) src(%dma_wait3A_337 : memref<256xi32, #tpu.memory_space<hbm>>) dst(%dma_wait3A_336 : memref<256xi32, #tpu.memory_space<vmem>>)
      %get3A_338 = arith.constant 0 : index
      %get3A_339 = tpu.vector_load %arg6[%get3A_338] {strides = array<i32>} : memref<512xi32, #tpu.memory_space<vmem>>, vector<16xi32>,
      %swap3A_340 = arith.constant 0 : i32
      %swap3A_341 = arith.index_cast %swap3A_340 : i32 to index
      %swap3A_342 = arith.constant 0 : index
      %swap3A_343 = tpu.vector_load %arg7[%swap3A_341, %swap3A_342] {strides = array<i32>} : memref<2x128xi32, #tpu.memory_space<vmem>>, vector<16xi32>,
      tpu.vector_store %arg7[%swap3A_341, %swap3A_342], %get3A_339 {strides = array<i32>} : memref<2x128xi32, #tpu.memory_space<vmem>>, vector<16xi32>,
      %get3A_344 = arith.constant 16 : index
      %get3A_345 = tpu.vector_load %arg6[%get3A_344] {strides = array<i32>} : memref<512xi32, #tpu.memory_space<vmem>>, vector<16xi32>,
      %swap3A_346 = arith.constant 0 : i32
      %swap3A_347 = arith.index_cast %swap3A_346 : i32 to index
      %swap3A_348 = arith.constant 16 : index
      %swap3A_349 = tpu.vector_load %arg7[%swap3A_347, %swap3A_348] {strides = array<i32>} : memref<2x128xi32, #tpu.memory_space<vmem>>, vector<16xi32>,
      tpu.vector_store %arg7[%swap3A_347, %swap3A_348], %get3A_345 {strides = array<i32>} : memref<2x128xi32, #tpu.memory_space<vmem>>, vector<16xi32>,
      %get3A_350 = arith.constant 32 : index
      %get3A_351 = tpu.vector_load %arg6[%get3A_350] {strides = array<i32>} : memref<512xi32, #tpu.memory_space<vmem>>, vector<16xi32>,
      %swap3A_352 = arith.constant 0 : i32
      %swap3A_353 = arith.index_cast %swap3A_352 : i32 to index
      %swap3A_354 = arith.constant 32 : index
      %swap3A_355 = tpu.vector_load %arg7[%swap3A_353, %swap3A_354] {strides = array<i32>} : memref<2x128xi32, #tpu.memory_space<vmem>>, vector<16xi32>,
      tpu.vector_store %arg7[%swap3A_353, %swap3A_354], %get3A_351 {strides = array<i32>} : memref<2x128xi32, #tpu.memory_space<vmem>>, vector<16xi32>,
      %get3A_356 = arith.constant 48 : index
      %get3A_357 = tpu.vector_load %arg6[%get3A_356] {strides = array<i32>} : memref<512xi32, #tpu.memory_space<vmem>>, vector<16xi32>,
      %swap3A_358 = arith.constant 0 : i32
      %swap3A_359 = arith.index_cast %swap3A_358 : i32 to index
      %swap3A_360 = arith.constant 48 : index
      %swap3A_361 = tpu.vector_load %arg7[%swap3A_359, %swap3A_360] {strides = array<i32>} : memref<2x128xi32, #tpu.memory_space<vmem>>, vector<16xi32>,
      tpu.vector_store %arg7[%swap3A_359, %swap3A_360], %get3A_357 {strides = array<i32>} : memref<2x128xi32, #tpu.memory_space<vmem>>, vector<16xi32>,
      %get3A_362 = arith.constant 64 : index
      %get3A_363 = tpu.vector_load %arg6[%get3A_362] {strides = array<i32>} : memref<512xi32, #tpu.memory_space<vmem>>, vector<16xi32>,
      %swap3A_364 = arith.constant 0 : i32
      %swap3A_365 = arith.index_cast %swap3A_364 : i32 to index
      %swap3A_366 = arith.constant 64 : index
      %swap3A_367 = tpu.vector_load %arg7[%swap3A_365, %swap3A_366] {strides = array<i32>} : memref<2x128xi32, #tpu.memory_space<vmem>>, vector<16xi32>,
      tpu.vector_store %arg7[%swap3A_365, %swap3A_366], %get3A_363 {strides = array<i32>} : memref<2x128xi32, #tpu.memory_space<vmem>>, vector<16xi32>,
      %get3A_368 = arith.constant 80 : index
      %get3A_369 = tpu.vector_load %arg6[%get3A_368] {strides = array<i32>} : memref<512xi32, #tpu.memory_space<vmem>>, vector<16xi32>,
      %swap3A_370 = arith.constant 0 : i32
      %swap3A_371 = arith.index_cast %swap3A_370 : i32 to index
      %swap3A_372 = arith.constant 80 : index
      %swap3A_373 = tpu.vector_load %arg7[%swap3A_371, %swap3A_372] {strides = array<i32>} : memref<2x128xi32, #tpu.memory_space<vmem>>, vector<16xi32>,
      tpu.vector_store %arg7[%swap3A_371, %swap3A_372], %get3A_369 {strides = array<i32>} : memref<2x128xi32, #tpu.memory_space<vmem>>, vector<16xi32>,
      %get3A_374 = arith.constant 96 : index
      %get3A_375 = tpu.vector_load %arg6[%get3A_374] {strides = array<i32>} : memref<512xi32, #tpu.memory_space<vmem>>, vector<16xi32>,
      %swap3A_376 = arith.constant 0 : i32
      %swap3A_377 = arith.index_cast %swap3A_376 : i32 to index
      %swap3A_378 = arith.constant 96 : index
      %swap3A_379 = tpu.vector_load %arg7[%swap3A_377, %swap3A_378] {strides = array<i32>} : memref<2x128xi32, #tpu.memory_space<vmem>>, vector<16xi32>,
      tpu.vector_store %arg7[%swap3A_377, %swap3A_378], %get3A_375 {strides = array<i32>} : memref<2x128xi32, #tpu.memory_space<vmem>>, vector<16xi32>,
      %get3A_380 = arith.constant 112 : index
      %get3A_381 = tpu.vector_load %arg6[%get3A_380] {strides = array<i32>} : memref<512xi32, #tpu.memory_space<vmem>>, vector<16xi32>,
      %swap3A_382 = arith.constant 0 : i32
      %swap3A_383 = arith.index_cast %swap3A_382 : i32 to index
      %swap3A_384 = arith.constant 112 : index
      %swap3A_385 = tpu.vector_load %arg7[%swap3A_383, %swap3A_384] {strides = array<i32>} : memref<2x128xi32, #tpu.memory_space<vmem>>, vector<16xi32>,
      tpu.vector_store %arg7[%swap3A_383, %swap3A_384], %get3A_381 {strides = array<i32>} : memref<2x128xi32, #tpu.memory_space<vmem>>, vector<16xi32>,
      %dma_start3A_386 = arith.constant 0 : i32
      %dma_start3A_387 = arith.constant 0 : i32
      %dma_start3A_388 = arith.constant 0 : i32
      %dma_start3A_389 = tpu.memref_slice %arg8[%dma_start3A_386, %dma_start3A_387, %dma_start3A_388] : memref<2x128x128xf32, #tpu.memory_space<vmem>> -> memref<1x128x128xf32, #tpu.memory_space<vmem>>
      %dma_start3A_390 = tpu.memref_squeeze %dma_start3A_389 : memref<1x128x128xf32, #tpu.memory_space<vmem>> -> memref<128x128xf32, #tpu.memory_space<vmem>>
      %dma_start3A_391 = arith.constant 128 : i32
      %dma_start3A_392 = tpu.memref_slice %arg6[%dma_start3A_391] : memref<512xi32, #tpu.memory_space<vmem>> -> memref<128xi32, #tpu.memory_space<vmem>>
      %dma_start3A_393 = arith.constant 0 : i32
      %dma_start3A_394 = arith.constant 0 : i32
      %dma_start3A_395 = tpu.memref_slice %arg2[%dma_start3A_393, %dma_start3A_394] : memref<10008x128xf32, #tpu.memory_space<hbm>> -> memref<10008x128xf32, #tpu.memory_space<hbm>>
      tpu.enqueue_indirect_dma source(%dma_start3A_395 : memref<10008x128xf32, #tpu.memory_space<hbm>>) target(%dma_start3A_390 : memref<128x128xf32, #tpu.memory_space<vmem>>) offsets(%dma_start3A_392 : memref<128xi32, #tpu.memory_space<vmem>>) semaphore(%arg12 : memref<!tpu.dma_semaphore, #tpu.memory_space<semaphore_mem>>)
      %mul3A_396 = arith.constant 2 : i32
      %mul3A_397 = arith.muli %mul3A_396, %scan3A_267 : i32
      %add3A_398 = arith.constant 2 : i32
      %add3A_399 = arith.addi %mul3A_397, %add3A_398 : i32
      %dma_wait3A_400 = arith.constant 0 : i32
      %dma_wait3A_401 = arith.constant 0 : i32
      %dma_wait3A_402 = arith.constant 0 : i32
      %dma_wait3A_403 = tpu.memref_slice %arg8[%dma_wait3A_400, %dma_wait3A_401, %dma_wait3A_402] : memref<2x128x128xf32, #tpu.memory_space<vmem>> -> memref<1x128x128xf32, #tpu.memory_space<vmem>>
      %dma_wait3A_404 = tpu.memref_squeeze %dma_wait3A_403 : memref<1x128x128xf32, #tpu.memory_space<vmem>> -> memref<128x128xf32, #tpu.memory_space<vmem>>
      %dma_wait3A_405 = arith.constant 128 : i32
      %dma_wait3A_406 = tpu.memref_slice %arg6[%dma_wait3A_405] : memref<512xi32, #tpu.memory_space<vmem>> -> memref<128xi32, #tpu.memory_space<vmem>>
      %dma_wait3A_407 = arith.constant 0 : i32
      %dma_wait3A_408 = arith.constant 0 : i32
      %dma_wait3A_409 = tpu.memref_slice %arg2[%dma_wait3A_407, %dma_wait3A_408] : memref<10008x128xf32, #tpu.memory_space<hbm>> -> memref<10008x128xf32, #tpu.memory_space<hbm>>
      tpu.wait_indirect_dma semaphore(%arg12 : memref<!tpu.dma_semaphore, #tpu.memory_space<semaphore_mem>>) src(%dma_wait3A_409 : memref<10008x128xf32, #tpu.memory_space<hbm>>) dst(%dma_wait3A_404 : memref<128x128xf32, #tpu.memory_space<vmem>>)
      %dma_start3A_410 = arith.constant 0 : i32
      %dma_start3A_411 = arith.constant 0 : i32
      %dma_start3A_412 = arith.constant 0 : i32
      %dma_start3A_413 = arith.constant 0 : i32
      %dma_start3A_414 = tpu.memref_slice %arg8[%dma_start3A_410, %dma_start3A_412, %dma_start3A_413] : memref<2x128x128xf32, #tpu.memory_space<vmem>> -> memref<1x128x128xf32, #tpu.memory_space<vmem>>
      %dma_start3A_415 = tpu.memref_squeeze %dma_start3A_414 : memref<1x128x128xf32, #tpu.memory_space<vmem>> -> memref<128x128xf32, #tpu.memory_space<vmem>>
      %dma_start3A_416 = arith.constant 0 : i32
      %dma_start3A_417 = tpu.memref_slice %arg7[%dma_start3A_411, %dma_start3A_416] : memref<2x128xi32, #tpu.memory_space<vmem>> -> memref<1x128xi32, #tpu.memory_space<vmem>>
      %dma_start3A_418 = tpu.memref_squeeze %dma_start3A_417 : memref<1x128xi32, #tpu.memory_space<vmem>> -> memref<128xi32, #tpu.memory_space<vmem>>
      %dma_start3A_419 = arith.constant 0 : i32
      %dma_start3A_420 = arith.constant 0 : i32
      %dma_start3A_421 = tpu.memref_slice %arg9[%dma_start3A_419, %dma_start3A_420] : memref<10000x128xf32, #tpu.memory_space<vmem_shared>> -> memref<10000x128xf32, #tpu.memory_space<vmem_shared>>
      tpu.enqueue_indirect_dma source(%dma_start3A_415 : memref<128x128xf32, #tpu.memory_space<vmem>>) target(%dma_start3A_421 : memref<10000x128xf32, #tpu.memory_space<vmem_shared>>) offsets(%dma_start3A_418 : memref<128xi32, #tpu.memory_space<vmem>>) semaphore(%arg14 : memref<!tpu.dma_semaphore, #tpu.memory_space<semaphore_mem>>) {add = true}
      %add3A_422 = arith.constant 2 : i32
      %add3A_423 = arith.addi %add3A_399, %add3A_422 : i32
      %mul3A_424 = arith.constant 81 : i32
      %mul3A_425 = arith.muli %add3A, %mul3A_424 : i32
      %add3A_426 = arith.addi %mul3A_425, %add3A_423 : i32
      %mul3A_427 = arith.constant 512 : i32
      %mul3A_428 = arith.muli %add3A_426, %mul3A_427 : i32
      %add3A_429 = arith.constant 256 : i32
      %add3A_430 = arith.addi %mul3A_428, %add3A_429 : i32
      %multiple_of3A_431 = tpu.assume_multiple %add3A_430, 128 : i32
      %dma_start3A_432 = arith.constant 0 : i32
      %dma_start3A_433 = tpu.memref_slice %arg6[%dma_start3A_432] : memref<512xi32, #tpu.memory_space<vmem>> -> memref<256xi32, #tpu.memory_space<vmem>>
      %dma_start3A_434 = tpu.memref_slice %arg3[%multiple_of3A_431] : memref<1327104xi32, #tpu.memory_space<hbm>> -> memref<256xi32, #tpu.memory_space<hbm>>
      %dma_start3A_435 = arith.constant 0 : i32
      %dma_start3A_436 = tpu.memref_slice %arg6[%dma_start3A_435] : memref<512xi32, #tpu.memory_space<vmem>> -> memref<256xi32, #tpu.memory_space<vmem>>
      %dma_start3A_437 = tpu.memref_slice %arg3[%multiple_of3A_431] : memref<1327104xi32, #tpu.memory_space<hbm>> -> memref<256xi32, #tpu.memory_space<hbm>>
      tpu.enqueue_dma source(%dma_start3A_437 : memref<256xi32, #tpu.memory_space<hbm>>) target(%dma_start3A_436 : memref<256xi32, #tpu.memory_space<vmem>>) target_semaphore(%arg10 : memref<!tpu.dma_semaphore, #tpu.memory_space<semaphore_mem>>)
      %dma_wait3A_438 = arith.constant 1 : i32
      %dma_wait3A_439 = arith.constant 1 : i32
      %dma_wait3A_440 = arith.constant 0 : i32
      %dma_wait3A_441 = arith.constant 0 : i32
      %dma_wait3A_442 = tpu.memref_slice %arg8[%dma_wait3A_438, %dma_wait3A_440, %dma_wait3A_441] : memref<2x128x128xf32, #tpu.memory_space<vmem>> -> memref<1x128x128xf32, #tpu.memory_space<vmem>>
      %dma_wait3A_443 = tpu.memref_squeeze %dma_wait3A_442 : memref<1x128x128xf32, #tpu.memory_space<vmem>> -> memref<128x128xf32, #tpu.memory_space<vmem>>
      %dma_wait3A_444 = arith.constant 0 : i32
      %dma_wait3A_445 = tpu.memref_slice %arg7[%dma_wait3A_439, %dma_wait3A_444] : memref<2x128xi32, #tpu.memory_space<vmem>> -> memref<1x128xi32, #tpu.memory_space<vmem>>
      %dma_wait3A_446 = tpu.memref_squeeze %dma_wait3A_445 : memref<1x128xi32, #tpu.memory_space<vmem>> -> memref<128xi32, #tpu.memory_space<vmem>>
      %dma_wait3A_447 = arith.constant 0 : i32
      %dma_wait3A_448 = arith.constant 0 : i32
      %dma_wait3A_449 = tpu.memref_slice %arg9[%dma_wait3A_447, %dma_wait3A_448] : memref<10000x128xf32, #tpu.memory_space<vmem_shared>> -> memref<10000x128xf32, #tpu.memory_space<vmem_shared>>
      tpu.wait_indirect_dma semaphore(%arg15 : memref<!tpu.dma_semaphore, #tpu.memory_space<semaphore_mem>>) src(%dma_wait3A_443 : memref<128x128xf32, #tpu.memory_space<vmem>>) dst(%dma_wait3A_449 : memref<10000x128xf32, #tpu.memory_space<vmem_shared>>)
      %add3A_450 = arith.constant 1 : i32
      %add3A_451 = arith.addi %add3A_399, %add3A_450 : i32
      %mul3A_452 = arith.constant 81 : i32
      %mul3A_453 = arith.muli %add3A, %mul3A_452 : i32
      %add3A_454 = arith.addi %mul3A_453, %add3A_451 : i32
      %mul3A_455 = arith.constant 512 : i32
      %mul3A_456 = arith.muli %add3A_454, %mul3A_455 : i32
      %add3A_457 = arith.constant 256 : i32
      %add3A_458 = arith.addi %mul3A_456, %add3A_457 : i32
      %multiple_of3A_459 = tpu.assume_multiple %add3A_458, 128 : i32
      %dma_wait3A_460 = arith.constant 256 : i32
      %dma_wait3A_461 = tpu.memref_slice %arg6[%dma_wait3A_460] : memref<512xi32, #tpu.memory_space<vmem>> -> memref<256xi32, #tpu.memory_space<vmem>>
      %dma_wait3A_462 = tpu.memref_slice %arg3[%multiple_of3A_459] : memref<1327104xi32, #tpu.memory_space<hbm>> -> memref<256xi32, #tpu.memory_space<hbm>>
      %dma_wait3A_463 = arith.constant 256 : i32
      %dma_wait3A_464 = tpu.memref_slice %arg6[%dma_wait3A_463] : memref<512xi32, #tpu.memory_space<vmem>> -> memref<256xi32, #tpu.memory_space<vmem>>
      %dma_wait3A_465 = tpu.memref_slice %arg3[%multiple_of3A_459] : memref<1327104xi32, #tpu.memory_space<hbm>> -> memref<256xi32, #tpu.memory_space<hbm>>
      tpu.wait_dma2 semaphore(%arg11 : memref<!tpu.dma_semaphore, #tpu.memory_space<semaphore_mem>>) src(%dma_wait3A_465 : memref<256xi32, #tpu.memory_space<hbm>>) dst(%dma_wait3A_464 : memref<256xi32, #tpu.memory_space<vmem>>)
      %get3A_466 = arith.constant 256 : index
      %get3A_467 = tpu.vector_load %arg6[%get3A_466] {strides = array<i32>} : memref<512xi32, #tpu.memory_space<vmem>>, vector<16xi32>,
      %swap3A_468 = arith.constant 1 : i32
      %swap3A_469 = arith.index_cast %swap3A_468 : i32 to index
      %swap3A_470 = arith.constant 0 : index
      %swap3A_471 = tpu.vector_load %arg7[%swap3A_469, %swap3A_470] {strides = array<i32>} : memref<2x128xi32, #tpu.memory_space<vmem>>, vector<16xi32>,
      tpu.vector_store %arg7[%swap3A_469, %swap3A_470], %get3A_467 {strides = array<i32>} : memref<2x128xi32, #tpu.memory_space<vmem>>, vector<16xi32>,
      %get3A_472 = arith.constant 272 : index
      %get3A_473 = tpu.vector_load %arg6[%get3A_472] {strides = array<i32>} : memref<512xi32, #tpu.memory_space<vmem>>, vector<16xi32>,
      %swap3A_474 = arith.constant 1 : i32
      %swap3A_475 = arith.index_cast %swap3A_474 : i32 to index
      %swap3A_476 = arith.constant 16 : index
      %swap3A_477 = tpu.vector_load %arg7[%swap3A_475, %swap3A_476] {strides = array<i32>} : memref<2x128xi32, #tpu.memory_space<vmem>>, vector<16xi32>,
      tpu.vector_store %arg7[%swap3A_475, %swap3A_476], %get3A_473 {strides = array<i32>} : memref<2x128xi32, #tpu.memory_space<vmem>>, vector<16xi32>,
      %get3A_478 = arith.constant 288 : index
      %get3A_479 = tpu.vector_load %arg6[%get3A_478] {strides = array<i32>} : memref<512xi32, #tpu.memory_space<vmem>>, vector<16xi32>,
      %swap3A_480 = arith.constant 1 : i32
      %swap3A_481 = arith.index_cast %swap3A_480 : i32 to index
      %swap3A_482 = arith.constant 32 : index
      %swap3A_483 = tpu.vector_load %arg7[%swap3A_481, %swap3A_482] {strides = array<i32>} : memref<2x128xi32, #tpu.memory_space<vmem>>, vector<16xi32>,
      tpu.vector_store %arg7[%swap3A_481, %swap3A_482], %get3A_479 {strides = array<i32>} : memref<2x128xi32, #tpu.memory_space<vmem>>, vector<16xi32>,
      %get3A_484 = arith.constant 304 : index
      %get3A_485 = tpu.vector_load %arg6[%get3A_484] {strides = array<i32>} : memref<512xi32, #tpu.memory_space<vmem>>, vector<16xi32>,
      %swap3A_486 = arith.constant 1 : i32
      %swap3A_487 = arith.index_cast %swap3A_486 : i32 to index
      %swap3A_488 = arith.constant 48 : index
      %swap3A_489 = tpu.vector_load %arg7[%swap3A_487, %swap3A_488] {strides = array<i32>} : memref<2x128xi32, #tpu.memory_space<vmem>>, vector<16xi32>,
      tpu.vector_store %arg7[%swap3A_487, %swap3A_488], %get3A_485 {strides = array<i32>} : memref<2x128xi32, #tpu.memory_space<vmem>>, vector<16xi32>,
      %get3A_490 = arith.constant 320 : index
      %get3A_491 = tpu.vector_load %arg6[%get3A_490] {strides = array<i32>} : memref<512xi32, #tpu.memory_space<vmem>>, vector<16xi32>,
      %swap3A_492 = arith.constant 1 : i32
      %swap3A_493 = arith.index_cast %swap3A_492 : i32 to index
      %swap3A_494 = arith.constant 64 : index
      %swap3A_495 = tpu.vector_load %arg7[%swap3A_493, %swap3A_494] {strides = array<i32>} : memref<2x128xi32, #tpu.memory_space<vmem>>, vector<16xi32>,
      tpu.vector_store %arg7[%swap3A_493, %swap3A_494], %get3A_491 {strides = array<i32>} : memref<2x128xi32, #tpu.memory_space<vmem>>, vector<16xi32>,
      %get3A_496 = arith.constant 336 : index
      %get3A_497 = tpu.vector_load %arg6[%get3A_496] {strides = array<i32>} : memref<512xi32, #tpu.memory_space<vmem>>, vector<16xi32>,
      %swap3A_498 = arith.constant 1 : i32
      %swap3A_499 = arith.index_cast %swap3A_498 : i32 to index
      %swap3A_500 = arith.constant 80 : index
      %swap3A_501 = tpu.vector_load %arg7[%swap3A_499, %swap3A_500] {strides = array<i32>} : memref<2x128xi32, #tpu.memory_space<vmem>>, vector<16xi32>,
      tpu.vector_store %arg7[%swap3A_499, %swap3A_500], %get3A_497 {strides = array<i32>} : memref<2x128xi32, #tpu.memory_space<vmem>>, vector<16xi32>,
      %get3A_502 = arith.constant 352 : index
      %get3A_503 = tpu.vector_load %arg6[%get3A_502] {strides = array<i32>} : memref<512xi32, #tpu.memory_space<vmem>>, vector<16xi32>,
      %swap3A_504 = arith.constant 1 : i32
      %swap3A_505 = arith.index_cast %swap3A_504 : i32 to index
      %swap3A_506 = arith.constant 96 : index
      %swap3A_507 = tpu.vector_load %arg7[%swap3A_505, %swap3A_506] {strides = array<i32>} : memref<2x128xi32, #tpu.memory_space<vmem>>, vector<16xi32>,
      tpu.vector_store %arg7[%swap3A_505, %swap3A_506], %get3A_503 {strides = array<i32>} : memref<2x128xi32, #tpu.memory_space<vmem>>, vector<16xi32>,
      %get3A_508 = arith.constant 368 : index
      %get3A_509 = tpu.vector_load %arg6[%get3A_508] {strides = array<i32>} : memref<512xi32, #tpu.memory_space<vmem>>, vector<16xi32>,
      %swap3A_510 = arith.constant 1 : i32
      %swap3A_511 = arith.index_cast %swap3A_510 : i32 to index
      %swap3A_512 = arith.constant 112 : index
      %swap3A_513 = tpu.vector_load %arg7[%swap3A_511, %swap3A_512] {strides = array<i32>} : memref<2x128xi32, #tpu.memory_space<vmem>>, vector<16xi32>,
      tpu.vector_store %arg7[%swap3A_511, %swap3A_512], %get3A_509 {strides = array<i32>} : memref<2x128xi32, #tpu.memory_space<vmem>>, vector<16xi32>,
      %dma_start3A_514 = arith.constant 1 : i32
      %dma_start3A_515 = arith.constant 0 : i32
      %dma_start3A_516 = arith.constant 0 : i32
      %dma_start3A_517 = tpu.memref_slice %arg8[%dma_start3A_514, %dma_start3A_515, %dma_start3A_516] : memref<2x128x128xf32, #tpu.memory_space<vmem>> -> memref<1x128x128xf32, #tpu.memory_space<vmem>>
      %dma_start3A_518 = tpu.memref_squeeze %dma_start3A_517 : memref<1x128x128xf32, #tpu.memory_space<vmem>> -> memref<128x128xf32, #tpu.memory_space<vmem>>
      %dma_start3A_519 = arith.constant 384 : i32
      %dma_start3A_520 = tpu.memref_slice %arg6[%dma_start3A_519] : memref<512xi32, #tpu.memory_space<vmem>> -> memref<128xi32, #tpu.memory_space<vmem>>
      %dma_start3A_521 = arith.constant 0 : i32
      %dma_start3A_522 = arith.constant 0 : i32
      %dma_start3A_523 = tpu.memref_slice %arg2[%dma_start3A_521, %dma_start3A_522] : memref<10008x128xf32, #tpu.memory_space<hbm>> -> memref<10008x128xf32, #tpu.memory_space<hbm>>
      tpu.enqueue_indirect_dma source(%dma_start3A_523 : memref<10008x128xf32, #tpu.memory_space<hbm>>) target(%dma_start3A_518 : memref<128x128xf32, #tpu.memory_space<vmem>>) offsets(%dma_start3A_520 : memref<128xi32, #tpu.memory_space<vmem>>) semaphore(%arg13 : memref<!tpu.dma_semaphore, #tpu.memory_space<semaphore_mem>>)
    }
    %scan3A_219 = arith.constant 39 : i32
    %dma_wait3A_220 = arith.constant 0 : i32
    %dma_wait3A_221 = arith.constant 0 : i32
    %dma_wait3A_222 = arith.constant 0 : i32
    %dma_wait3A_223 = arith.constant 0 : i32
    %dma_wait3A_224 = tpu.memref_slice %arg8[%dma_wait3A_220, %dma_wait3A_222, %dma_wait3A_223] : memref<2x128x128xf32, #tpu.memory_space<vmem>> -> memref<1x128x128xf32, #tpu.memory_space<vmem>>
    %dma_wait3A_225 = tpu.memref_squeeze %dma_wait3A_224 : memref<1x128x128xf32, #tpu.memory_space<vmem>> -> memref<128x128xf32, #tpu.memory_space<vmem>>
    %dma_wait3A_226 = arith.constant 0 : i32
    %dma_wait3A_227 = tpu.memref_slice %arg7[%dma_wait3A_221, %dma_wait3A_226] : memref<2x128xi32, #tpu.memory_space<vmem>> -> memref<1x128xi32, #tpu.memory_space<vmem>>
    %dma_wait3A_228 = tpu.memref_squeeze %dma_wait3A_227 : memref<1x128xi32, #tpu.memory_space<vmem>> -> memref<128xi32, #tpu.memory_space<vmem>>
    %dma_wait3A_229 = arith.constant 0 : i32
    %dma_wait3A_230 = arith.constant 0 : i32
    %dma_wait3A_231 = tpu.memref_slice %arg9[%dma_wait3A_229, %dma_wait3A_230] : memref<10000x128xf32, #tpu.memory_space<vmem_shared>> -> memref<10000x128xf32, #tpu.memory_space<vmem_shared>>
    tpu.wait_indirect_dma semaphore(%arg14 : memref<!tpu.dma_semaphore, #tpu.memory_space<semaphore_mem>>) src(%dma_wait3A_225 : memref<128x128xf32, #tpu.memory_space<vmem>>) dst(%dma_wait3A_231 : memref<10000x128xf32, #tpu.memory_space<vmem_shared>>)
    %dma_wait3A_232 = arith.constant 1 : i32
    %dma_wait3A_233 = arith.constant 0 : i32
    %dma_wait3A_234 = arith.constant 0 : i32
    %dma_wait3A_235 = tpu.memref_slice %arg8[%dma_wait3A_232, %dma_wait3A_233, %dma_wait3A_234] : memref<2x128x128xf32, #tpu.memory_space<vmem>> -> memref<1x128x128xf32, #tpu.memory_space<vmem>>
    %dma_wait3A_236 = tpu.memref_squeeze %dma_wait3A_235 : memref<1x128x128xf32, #tpu.memory_space<vmem>> -> memref<128x128xf32, #tpu.memory_space<vmem>>
    %dma_wait3A_237 = arith.constant 384 : i32
    %dma_wait3A_238 = tpu.memref_slice %arg6[%dma_wait3A_237] : memref<512xi32, #tpu.memory_space<vmem>> -> memref<128xi32, #tpu.memory_space<vmem>>
    %dma_wait3A_239 = arith.constant 0 : i32
    %dma_wait3A_240 = arith.constant 0 : i32
    %dma_wait3A_241 = tpu.memref_slice %arg2[%dma_wait3A_239, %dma_wait3A_240] : memref<10008x128xf32, #tpu.memory_space<hbm>> -> memref<10008x128xf32, #tpu.memory_space<hbm>>
    tpu.wait_indirect_dma semaphore(%arg13 : memref<!tpu.dma_semaphore, #tpu.memory_space<semaphore_mem>>) src(%dma_wait3A_241 : memref<10008x128xf32, #tpu.memory_space<hbm>>) dst(%dma_wait3A_236 : memref<128x128xf32, #tpu.memory_space<vmem>>)
    %mul3A_242 = arith.constant 81 : i32
    %mul3A_243 = arith.muli %add3A, %mul3A_242 : i32
    %add3A_244 = arith.constant 80 : i32
    %add3A_245 = arith.addi %mul3A_243, %add3A_244 : i32
    %mul3A_246 = arith.constant 512 : i32
    %mul3A_247 = arith.muli %add3A_245, %mul3A_246 : i32
    %add3A_248 = arith.constant 256 : i32
    %add3A_249 = arith.addi %mul3A_247, %add3A_248 : i32
    %multiple_of3A_250 = tpu.assume_multiple %add3A_249, 128 : i32
    %dma_wait3A_251 = arith.constant 0 : i32
    %dma_wait3A_252 = tpu.memref_slice %arg6[%dma_wait3A_251] : memref<512xi32, #tpu.memory_space<vmem>> -> memref<256xi32, #tpu.memory_space<vmem>>
    %dma_wait3A_253 = tpu.memref_slice %arg3[%multiple_of3A_250] : memref<1327104xi32, #tpu.memory_space<hbm>> -> memref<256xi32, #tpu.memory_space<hbm>>
    %dma_wait3A_254 = arith.constant 0 : i32
    %dma_wait3A_255 = tpu.memref_slice %arg6[%dma_wait3A_254] : memref<512xi32, #tpu.memory_space<vmem>> -> memref<256xi32, #tpu.memory_space<vmem>>
    %dma_wait3A_256 = tpu.memref_slice %arg3[%multiple_of3A_250] : memref<1327104xi32, #tpu.memory_space<hbm>> -> memref<256xi32, #tpu.memory_space<hbm>>
    tpu.wait_dma2 semaphore(%arg10 : memref<!tpu.dma_semaphore, #tpu.memory_space<semaphore_mem>>) src(%dma_wait3A_256 : memref<256xi32, #tpu.memory_space<hbm>>) dst(%dma_wait3A_255 : memref<256xi32, #tpu.memory_space<vmem>>)
    %barrier3A_257 = arith.constant 0 : index
    tpu.barrier barrier_id(%barrier3A_257)
    %mul3A_258 = arith.constant 624 : i32
    %mul3A_259 = arith.muli %arg1, %mul3A_258 : i32
    %mul3A_260 = arith.constant 624 : i32
    %mul3A_261 = arith.muli %arg1, %mul3A_260 : i32
    "tpu.region"() ({
      %run_scoped3A = tpu.sem_alloc : memref<!tpu.dma_semaphore, #tpu.memory_space<semaphore_mem>>
      %dma_start3A_267 = arith.constant 0 : i32
      %dma_start3A_268 = tpu.memref_slice %arg5[%arg0, %mul3A_261, %dma_start3A_267] : memref<2x10000x128xf32, #tpu.memory_space<hbm>> -> memref<1x624x128xf32, #tpu.memory_space<hbm>>
      %dma_start3A_269 = tpu.memref_squeeze %dma_start3A_268 : memref<1x624x128xf32, #tpu.memory_space<hbm>> -> memref<624x128xf32, #tpu.memory_space<hbm>>
      %dma_start3A_270 = arith.constant 0 : i32
      %dma_start3A_271 = tpu.memref_slice %arg9[%mul3A_259, %dma_start3A_270] : memref<10000x128xf32, #tpu.memory_space<vmem_shared>> -> memref<624x128xf32, #tpu.memory_space<vmem_shared>>
      tpu.enqueue_dma source(%dma_start3A_271 : memref<624x128xf32, #tpu.memory_space<vmem_shared>>) target(%dma_start3A_269 : memref<624x128xf32, #tpu.memory_space<hbm>>) target_semaphore(%run_scoped3A : memref<!tpu.dma_semaphore, #tpu.memory_space<semaphore_mem>>)
      %dma_wait3A_272 = arith.constant 0 : i32
      %dma_wait3A_273 = tpu.memref_slice %arg5[%arg0, %mul3A_261, %dma_wait3A_272] : memref<2x10000x128xf32, #tpu.memory_space<hbm>> -> memref<1x624x128xf32, #tpu.memory_space<hbm>>
      %dma_wait3A_274 = tpu.memref_squeeze %dma_wait3A_273 : memref<1x624x128xf32, #tpu.memory_space<hbm>> -> memref<624x128xf32, #tpu.memory_space<hbm>>
      %dma_wait3A_275 = arith.constant 0 : i32
      %dma_wait3A_276 = tpu.memref_slice %arg9[%mul3A_259, %dma_wait3A_275] : memref<10000x128xf32, #tpu.memory_space<vmem_shared>> -> memref<624x128xf32, #tpu.memory_space<vmem_shared>>
      tpu.wait_dma2 semaphore(%run_scoped3A : memref<!tpu.dma_semaphore, #tpu.memory_space<semaphore_mem>>) src(%dma_wait3A_276 : memref<624x128xf32, #tpu.memory_space<vmem_shared>>) dst(%dma_wait3A_274 : memref<624x128xf32, #tpu.memory_space<hbm>>)
      tpu.yield
    }) : () -> ()
    %eq3A_262 = arith.constant 0 : i32
    %eq3A_263 = arith.cmpi eq, %arg1, %eq3A_262 : i32
    %convert_element_type3A_264 = arith.extui %eq3A_263 : i1 to i32
    %cond3A_265 = arith.constant 0 : i32
    %cond3A_266 = arith.cmpi ne, %convert_element_type3A_264, %cond3A_265 : i32
    scf.if %cond3A_266 {
      "tpu.region"() ({
        %run_scoped3A = tpu.sem_alloc : memref<!tpu.dma_semaphore, #tpu.memory_space<semaphore_mem>>
        %dma_start3A_267 = arith.constant 9984 : i32
        %dma_start3A_268 = arith.constant 0 : i32
        %dma_start3A_269 = tpu.memref_slice %arg5[%arg0, %dma_start3A_267, %dma_start3A_268] : memref<2x10000x128xf32, #tpu.memory_space<hbm>> -> memref<1x16x128xf32, #tpu.memory_space<hbm>>
        %dma_start3A_270 = tpu.memref_squeeze %dma_start3A_269 : memref<1x16x128xf32, #tpu.memory_space<hbm>> -> memref<16x128xf32, #tpu.memory_space<hbm>>
        %dma_start3A_271 = arith.constant 9984 : i32
        %dma_start3A_272 = arith.constant 0 : i32
        %dma_start3A_273 = tpu.memref_slice %arg9[%dma_start3A_271, %dma_start3A_272] : memref<10000x128xf32, #tpu.memory_space<vmem_shared>> -> memref<16x128xf32, #tpu.memory_space<vmem_shared>>
        tpu.enqueue_dma source(%dma_start3A_273 : memref<16x128xf32, #tpu.memory_space<vmem_shared>>) target(%dma_start3A_270 : memref<16x128xf32, #tpu.memory_space<hbm>>) target_semaphore(%run_scoped3A : memref<!tpu.dma_semaphore, #tpu.memory_space<semaphore_mem>>)
        %dma_wait3A_274 = arith.constant 9984 : i32
        %dma_wait3A_275 = arith.constant 0 : i32
        %dma_wait3A_276 = tpu.memref_slice %arg5[%arg0, %dma_wait3A_274, %dma_wait3A_275] : memref<2x10000x128xf32, #tpu.memory_space<hbm>> -> memref<1x16x128xf32, #tpu.memory_space<hbm>>
        %dma_wait3A_277 = tpu.memref_squeeze %dma_wait3A_276 : memref<1x16x128xf32, #tpu.memory_space<hbm>> -> memref<16x128xf32, #tpu.memory_space<hbm>>
        %dma_wait3A_278 = arith.constant 9984 : i32
        %dma_wait3A_279 = arith.constant 0 : i32
        %dma_wait3A_280 = tpu.memref_slice %arg9[%dma_wait3A_278, %dma_wait3A_279] : memref<10000x128xf32, #tpu.memory_space<vmem_shared>> -> memref<16x128xf32, #tpu.memory_space<vmem_shared>>
        tpu.wait_dma2 semaphore(%run_scoped3A : memref<!tpu.dma_semaphore, #tpu.memory_space<semaphore_mem>>) src(%dma_wait3A_280 : memref<16x128xf32, #tpu.memory_space<vmem_shared>>) dst(%dma_wait3A_277 : memref<16x128xf32, #tpu.memory_space<hbm>>)
        tpu.yield
      }) : () -> ()
    } else {
    }
    return
  }
}

module attributes {stable_mosaic.version = 14 : i64} {
  func.func @_tc_edges_body(%arg0: memref<32x10368xi32, #tpu.memory_space<vmem>>, %arg1: memref<32x10368xi32, #tpu.memory_space<vmem>>, %arg2: memref<32x10368xi32, #tpu.memory_space<vmem>>, %arg3: memref<32x10368xi32, #tpu.memory_space<vmem>>, %arg4: memref<32x10368xi32, #tpu.memory_space<vmem>>, %arg5: memref<32x10368xi32, #tpu.memory_space<vmem>>, %arg6: memref<32x10368xi32, #tpu.memory_space<vmem>>) attributes {dimension_semantics = [], scalar_prefetch = 0 : i64, scratch_operands = 0 : i64, tpu.core_type = #tpu.core_type<tc>} {
    %get3A = arith.constant 0 : index
    %get3A_0 = arith.constant 0 : index
    %get3A_1 = vector.load %arg0[%get3A, %get3A_0] : memref<32x10368xi32, #tpu.memory_space<vmem>>, vector<32x10368xi32>
    %get3A_2 = arith.constant 0 : index
    %get3A_3 = arith.constant 0 : index
    %get3A_4 = vector.load %arg1[%get3A_2, %get3A_3] : memref<32x10368xi32, #tpu.memory_space<vmem>>, vector<32x10368xi32>
    %get3A_5 = arith.constant 0 : index
    %get3A_6 = arith.constant 0 : index
    %get3A_7 = vector.load %arg2[%get3A_5, %get3A_6] : memref<32x10368xi32, #tpu.memory_space<vmem>>, vector<32x10368xi32>
    %ge3A = arith.constant 10000 : i32
    %ge3A_8 = vector.broadcast %ge3A : i32 to vector<32x10368xi32>
    %ge3A_9 = arith.cmpi sge, %get3A_4, %ge3A_8 : vector<32x10368xi32>
    %mul3A = arith.constant 10000 : i32
    %mul3A_10 = vector.broadcast %mul3A : i32 to vector<32x10368xi32>
    %mul3A_11 = arith.muli %get3A_7, %mul3A_10 : vector<32x10368xi32>
    %add3A = arith.addi %mul3A_11, %get3A_1 : vector<32x10368xi32>
    %swap3A = arith.constant 0 : index
    %swap3A_12 = arith.constant 0 : index
    %swap3A_13 = vector.load %arg3[%swap3A, %swap3A_12] : memref<32x10368xi32, #tpu.memory_space<vmem>>, vector<32x10368xi32>
    tpu.vector_store %arg3[%swap3A, %swap3A_12], %add3A {strides = array<i32>} : memref<32x10368xi32, #tpu.memory_space<vmem>>, vector<32x10368xi32>,
    %mul3A_14 = arith.constant 4 : i32
    %mul3A_15 = vector.broadcast %mul3A_14 : i32 to vector<32x10368xi32>
    %mul3A_16 = arith.muli %get3A_4, %mul3A_15 : vector<32x10368xi32>
    %add3A_17 = arith.addi %mul3A_16, %get3A_7 : vector<32x10368xi32>
    %swap3A_18 = arith.constant 0 : index
    %swap3A_19 = arith.constant 0 : index
    %swap3A_20 = vector.load %arg4[%swap3A_18, %swap3A_19] : memref<32x10368xi32, #tpu.memory_space<vmem>>, vector<32x10368xi32>
    tpu.vector_store %arg4[%swap3A_18, %swap3A_19], %add3A_17 {strides = array<i32>} : memref<32x10368xi32, #tpu.memory_space<vmem>>, vector<32x10368xi32>,
    %jit3A = arith.constant 0 : i32
    %broadcast_in_dim3A = vector.broadcast %jit3A : i32 to vector<32x10368xi32>
    %select_n3A = arith.select %ge3A_9, %broadcast_in_dim3A, %get3A_4 : vector<32x10368xi1>, vector<32x10368xi32>
    %swap3A_21 = arith.constant 0 : index
    %swap3A_22 = arith.constant 0 : index
    %swap3A_23 = vector.load %arg5[%swap3A_21, %swap3A_22] : memref<32x10368xi32, #tpu.memory_space<vmem>>, vector<32x10368xi32>
    tpu.vector_store %arg5[%swap3A_21, %swap3A_22], %select_n3A {strides = array<i32>} : memref<32x10368xi32, #tpu.memory_space<vmem>>, vector<32x10368xi32>,
    %jit3A_24 = arith.constant 10000 : i32
    %broadcast_in_dim3A_25 = vector.broadcast %jit3A_24 : i32 to vector<32x10368xi32>
    %select_n3A_26 = arith.select %ge3A_9, %broadcast_in_dim3A_25, %get3A_1 : vector<32x10368xi1>, vector<32x10368xi32>
    %swap3A_27 = arith.constant 0 : index
    %swap3A_28 = arith.constant 0 : index
    %swap3A_29 = vector.load %arg6[%swap3A_27, %swap3A_28] : memref<32x10368xi32, #tpu.memory_space<vmem>>, vector<32x10368xi32>
    tpu.vector_store %arg6[%swap3A_27, %swap3A_28], %select_n3A_26 {strides = array<i32>} : memref<32x10368xi32, #tpu.memory_space<vmem>>, vector<32x10368xi32>,
    return
  }
}

module attributes {stable_mosaic.version = 14 : i64} {
  func.func @_tc_weight_body(%arg0: memref<4x30xf32, #tpu.memory_space<vmem>>, %arg1: memref<30x16384xf32, #tpu.memory_space<vmem>>, %arg2: memref<4x16384xf32, #tpu.memory_space<vmem>>) attributes {dimension_semantics = [], scalar_prefetch = 0 : i64, scratch_operands = 0 : i64, tpu.core_type = #tpu.core_type<tc>} {
    %get3A = arith.constant 0 : index
    %get3A_0 = arith.constant 0 : index
    %get3A_1 = vector.load %arg0[%get3A, %get3A_0] : memref<4x30xf32, #tpu.memory_space<vmem>>, vector<4x30xf32>
    %get3A_2 = arith.constant 0 : index
    %get3A_3 = arith.constant 0 : index
    %get3A_4 = vector.load %arg1[%get3A_2, %get3A_3] : memref<30x16384xf32, #tpu.memory_space<vmem>>, vector<30x16384xf32>
    %dot_general3A = arith.constant dense<0.000000e+00> : vector<4x16384xf32>
    %dot_general3A_5 = tpu.matmul %get3A_1, %get3A_4, %dot_general3A {dimension_numbers = #tpu.dot_dimension_numbers<[1], [0], [0], [1], [0, 0, 1, 1], [], []>, transpose_lhs_hint = false} : vector<4x30xf32>, vector<30x16384xf32>, vector<4x16384xf32> -> vector<4x16384xf32>
    %swap3A = arith.constant 0 : index
    %swap3A_6 = arith.constant 0 : index
    %swap3A_7 = vector.load %arg2[%swap3A, %swap3A_6] : memref<4x16384xf32, #tpu.memory_space<vmem>>, vector<4x16384xf32>
    tpu.vector_store %arg2[%swap3A, %swap3A_6], %dot_general3A_5 {strides = array<i32>} : memref<4x16384xf32, #tpu.memory_space<vmem>>, vector<4x16384xf32>,
    return
  }
}

module attributes {stable_mosaic.version = 14 : i64} {
  func.func @_tc_xw_body(%arg0: i32, %arg1: i32, %arg2: memref<400x128xf32, #tpu.memory_space<vmem>>, %arg3: memref<1x128x128xf32, #tpu.memory_space<vmem>>, %arg4: memref<400x128xf32, #tpu.memory_space<vmem>>) attributes {dimension_semantics = [#tpu.dimension_semantics<arbitrary>, #tpu.dimension_semantics<arbitrary>], iteration_bounds = array<i64: 4, 25>, scalar_prefetch = 0 : i64, scratch_operands = 0 : i64, tpu.core_type = #tpu.core_type<tc>, window_params = [{transform_indices = @transform_0, window_bounds = array<i64: 400, 128>}, {transform_indices = @transform_1, window_bounds = array<i64: 1, 128, 128>}, {transform_indices = @transform_2, window_bounds = array<i64: 400, 128>}]} {
    %get3A = arith.constant 0 : index
    %get3A_0 = arith.constant 0 : index
    %get3A_1 = vector.load %arg2[%get3A, %get3A_0] : memref<400x128xf32, #tpu.memory_space<vmem>>, vector<400x128xf32>
    %get3A_2 = arith.constant 0 : index
    %get3A_3 = arith.constant 0 : index
    %get3A_4 = arith.constant 0 : index
    %get3A_5 = vector.load %arg3[%get3A_2, %get3A_3, %get3A_4] : memref<1x128x128xf32, #tpu.memory_space<vmem>>, vector<1x128x128xf32>
    %get3A_6 = vector.shape_cast %get3A_5 : vector<1x128x128xf32> to vector<128x128xf32>
    %dot_general3A = arith.constant dense<0.000000e+00> : vector<400x128xf32>
    %dot_general3A_7 = tpu.matmul %get3A_1, %get3A_6, %dot_general3A {dimension_numbers = #tpu.dot_dimension_numbers<[1], [0], [0], [1], [0, 0, 1, 1], [], []>, transpose_lhs_hint = false} : vector<400x128xf32>, vector<128x128xf32>, vector<400x128xf32> -> vector<400x128xf32>
    %swap3A = arith.constant 0 : index
    %swap3A_8 = arith.constant 0 : index
    %swap3A_9 = vector.load %arg4[%swap3A, %swap3A_8] : memref<400x128xf32, #tpu.memory_space<vmem>>, vector<400x128xf32>
    tpu.vector_store %arg4[%swap3A, %swap3A_8], %dot_general3A_7 {strides = array<i32>} : memref<400x128xf32, #tpu.memory_space<vmem>>, vector<400x128xf32>,
    return
  }
  func.func @transform_0(%arg0: i32, %arg1: i32) -> (i32, i32) {
    %c0_i32 = arith.constant 0 : i32
    %c0_i32_0 = arith.constant 0 : i32
    return %arg1, %c0_i32 : i32, i32
  }
  func.func @transform_1(%arg0: i32, %arg1: i32) -> (i32, i32, i32) {
    %c0_i32 = arith.constant 0 : i32
    %c0_i32_0 = arith.constant 0 : i32
    %c0_i32_1 = arith.constant 0 : i32
    return %arg0, %c0_i32, %c0_i32_0 : i32, i32, i32
  }
  func.func @transform_2(%arg0: i32, %arg1: i32) -> (i32, i32) {
    %mul3A = arith.constant 25 : i32
    %mul3A_0 = arith.muli %arg0, %mul3A : i32
    %add3A = arith.addi %mul3A_0, %arg1 : i32
    %c0_i32 = arith.constant 0 : i32
    %c0_i32_1 = arith.constant 0 : i32
    return %add3A, %c0_i32 : i32, i32
  }
}

module attributes {stable_mosaic.version = 14 : i64} {
  func.func @_tc_inv_body(%arg0: memref<2x40960xf32, #tpu.memory_space<vmem>>, %arg1: memref<1x40960xf32, #tpu.memory_space<vmem>>) attributes {dimension_semantics = [], scalar_prefetch = 0 : i64, scratch_operands = 0 : i64, tpu.core_type = #tpu.core_type<tc>} {
    %get3A = arith.constant 0 : index
    %get3A_0 = arith.constant 0 : index
    %get3A_1 = vector.load %arg0[%get3A, %get3A_0] : memref<2x40960xf32, #tpu.memory_space<vmem>>, vector<1x40960xf32>
    %get3A_2 = vector.shape_cast %get3A_1 : vector<1x40960xf32> to vector<40960xf32>
    %get3A_3 = arith.constant 1 : index
    %get3A_4 = arith.constant 0 : index
    %get3A_5 = vector.load %arg0[%get3A_3, %get3A_4] : memref<2x40960xf32, #tpu.memory_space<vmem>>, vector<1x40960xf32>
    %get3A_6 = vector.shape_cast %get3A_5 : vector<1x40960xf32> to vector<40960xf32>
    %add3A = arith.addf %get3A_2, %get3A_6 : vector<40960xf32>
    %max3A = arith.constant 1.000000e+00 : f32
    %max3A_7 = vector.broadcast %max3A : f32 to vector<40960xf32>
    %max3A_8 = arith.maximumf %add3A, %max3A_7 : vector<40960xf32>
    %div3A = arith.constant 1.000000e+00 : f32
    %div3A_9 = vector.broadcast %div3A : f32 to vector<40960xf32>
    %div3A_10 = arith.divf %div3A_9, %max3A_8 : vector<40960xf32>
    %iota3A = tpu.iota {dimensions = array<i32: 1>} : vector<1x40960xi32>
    %lt3A = arith.constant 40000 : i32
    %lt3A_11 = vector.broadcast %lt3A : i32 to vector<1x40960xi32>
    %lt3A_12 = arith.cmpi slt, %iota3A, %lt3A_11 : vector<1x40960xi32>
    %broadcast_in_dim3A = vector.shape_cast %div3A_10 : vector<40960xf32> to vector<1x40960xf32>
    %jit3A = arith.constant 0.000000e+00 : f32
    %broadcast_in_dim3A_13 = vector.broadcast %jit3A : f32 to vector<1x40960xf32>
    %select_n3A = arith.select %lt3A_12, %broadcast_in_dim3A, %broadcast_in_dim3A_13 : vector<1x40960xi1>, vector<1x40960xf32>
    %swap3A = arith.constant 0 : index
    %swap3A_14 = arith.constant 0 : index
    %swap3A_15 = vector.load %arg1[%swap3A, %swap3A_14] : memref<1x40960xf32, #tpu.memory_space<vmem>>, vector<1x40960xf32>
    tpu.vector_store %arg1[%swap3A, %swap3A_14], %select_n3A {strides = array<i32>} : memref<1x40960xf32, #tpu.memory_space<vmem>>, vector<1x40960xf32>,
    return
  }
}

module attributes {stable_mosaic.version = 14 : i64} {
  func.func @_tc_h_body(%arg0: i32, %arg1: memref<2x400x128xf32, #tpu.memory_space<vmem>>, %arg2: memref<400x128xf32, #tpu.memory_space<vmem>>, %arg3: memref<128x128xf32, #tpu.memory_space<vmem>>, %arg4: memref<1x128xf32, #tpu.memory_space<vmem>>, %arg5: memref<400x128xf32, #tpu.memory_space<vmem>>) attributes {dimension_semantics = [#tpu.dimension_semantics<arbitrary>], iteration_bounds = array<i64: 25>, scalar_prefetch = 0 : i64, scratch_operands = 0 : i64, tpu.core_type = #tpu.core_type<tc>, window_params = [{transform_indices = @transform_0, window_bounds = array<i64: 2, 400, 128>}, {transform_indices = @transform_1, window_bounds = array<i64: 400, 128>}, {pipeline_mode = #tpu.pipeline_mode<synchronous>, transform_indices = @transform_2, window_bounds = array<i64: 128, 128>}, {pipeline_mode = #tpu.pipeline_mode<synchronous>, transform_indices = @transform_3, window_bounds = array<i64: 1, 128>}, {transform_indices = @transform_4, window_bounds = array<i64: 400, 128>}]} {
    %get3A = arith.constant 0 : index
    %get3A_0 = arith.constant 0 : index
    %get3A_1 = arith.constant 0 : index
    %get3A_2 = vector.load %arg1[%get3A, %get3A_0, %get3A_1] : memref<2x400x128xf32, #tpu.memory_space<vmem>>, vector<2x400x128xf32>
    %slice3A = vector.extract_strided_slice %get3A_2 {offsets = [0, 0, 0], sizes = [1, 400, 128], strides = [1, 1, 1]} : vector<2x400x128xf32> to vector<1x400x128xf32>
    %squeeze3A = vector.shape_cast %slice3A : vector<1x400x128xf32> to vector<400x128xf32>
    %slice3A_3 = vector.extract_strided_slice %get3A_2 {offsets = [1, 0, 0], sizes = [1, 400, 128], strides = [1, 1, 1]} : vector<2x400x128xf32> to vector<1x400x128xf32>
    %squeeze3A_4 = vector.shape_cast %slice3A_3 : vector<1x400x128xf32> to vector<400x128xf32>
    %add3A = arith.addf %squeeze3A, %squeeze3A_4 : vector<400x128xf32>
    %get3A_5 = arith.constant 0 : index
    %get3A_6 = arith.constant 0 : index
    %get3A_7 = vector.load %arg2[%get3A_5, %get3A_6] : memref<400x128xf32, #tpu.memory_space<vmem>>, vector<400x128xf32>
    %get3A_8 = arith.constant 0 : index
    %get3A_9 = arith.constant 0 : index
    %get3A_10 = vector.load %arg3[%get3A_8, %get3A_9] : memref<128x128xf32, #tpu.memory_space<vmem>>, vector<128x128xf32>
    %dot_general3A = arith.constant dense<0.000000e+00> : vector<400x128xf32>
    %dot_general3A_11 = tpu.matmul %get3A_7, %get3A_10, %dot_general3A {dimension_numbers = #tpu.dot_dimension_numbers<[1], [0], [0], [1], [0, 0, 1, 1], [], []>, transpose_lhs_hint = false} : vector<400x128xf32>, vector<128x128xf32>, vector<400x128xf32> -> vector<400x128xf32>
    %add3A_12 = arith.addf %add3A, %dot_general3A_11 : vector<400x128xf32>
    %get3A_13 = arith.constant 0 : index
    %get3A_14 = arith.constant 0 : index
    %get3A_15 = vector.load %arg4[%get3A_13, %get3A_14] : memref<1x128xf32, #tpu.memory_space<vmem>>, vector<1x128xf32>
    %add3A_16 = vector.broadcast %get3A_15 : vector<1x128xf32> to vector<400x128xf32>
    %add3A_17 = arith.addf %add3A_12, %add3A_16 : vector<400x128xf32>
    %swap3A = arith.constant 0 : index
    %swap3A_18 = arith.constant 0 : index
    %swap3A_19 = vector.load %arg5[%swap3A, %swap3A_18] : memref<400x128xf32, #tpu.memory_space<vmem>>, vector<400x128xf32>
    tpu.vector_store %arg5[%swap3A, %swap3A_18], %add3A_17 {strides = array<i32>} : memref<400x128xf32, #tpu.memory_space<vmem>>, vector<400x128xf32>,
    return
  }
  func.func @transform_0(%arg0: i32) -> (i32, i32, i32) {
    %c0_i32 = arith.constant 0 : i32
    %c0_i32_0 = arith.constant 0 : i32
    %c0_i32_1 = arith.constant 0 : i32
    return %c0_i32, %arg0, %c0_i32_0 : i32, i32, i32
  }
  func.func @transform_1(%arg0: i32) -> (i32, i32) {
    %c0_i32 = arith.constant 0 : i32
    %c0_i32_0 = arith.constant 0 : i32
    return %arg0, %c0_i32 : i32, i32
  }
  func.func @transform_2(%arg0: i32) -> (i32, i32) {
    %c0_i32 = arith.constant 0 : i32
    %c0_i32_0 = arith.constant 0 : i32
    %c0_i32_1 = arith.constant 0 : i32
    return %c0_i32, %c0_i32_0 : i32, i32
  }
  func.func @transform_3(%arg0: i32) -> (i32, i32) {
    %c0_i32 = arith.constant 0 : i32
    %c0_i32_0 = arith.constant 0 : i32
    %c0_i32_1 = arith.constant 0 : i32
    return %c0_i32, %c0_i32_0 : i32, i32
  }
  func.func @transform_4(%arg0: i32) -> (i32, i32) {
    %c0_i32 = arith.constant 0 : i32
    %c0_i32_0 = arith.constant 0 : i32
    return %arg0, %c0_i32 : i32, i32
  }
}

module attributes {stable_mosaic.version = 14 : i64} {
  func.func @_tc_out_body(%arg0: i32, %arg1: memref<2x400x128xf32, #tpu.memory_space<vmem>>, %arg2: memref<400x128xf32, #tpu.memory_space<vmem>>, %arg3: memref<128x128xf32, #tpu.memory_space<vmem>>, %arg4: memref<1x128xf32, #tpu.memory_space<vmem>>, %arg5: memref<128x128xf32, #tpu.memory_space<vmem>>, %arg6: memref<400x128xf32, #tpu.memory_space<vmem>>) attributes {dimension_semantics = [#tpu.dimension_semantics<arbitrary>], iteration_bounds = array<i64: 25>, scalar_prefetch = 0 : i64, scratch_operands = 0 : i64, tpu.core_type = #tpu.core_type<tc>, window_params = [{transform_indices = @transform_0, window_bounds = array<i64: 2, 400, 128>}, {transform_indices = @transform_1, window_bounds = array<i64: 400, 128>}, {pipeline_mode = #tpu.pipeline_mode<synchronous>, transform_indices = @transform_2, window_bounds = array<i64: 128, 128>}, {pipeline_mode = #tpu.pipeline_mode<synchronous>, transform_indices = @transform_3, window_bounds = array<i64: 1, 128>}, {pipeline_mode = #tpu.pipeline_mode<synchronous>, transform_indices = @transform_4, window_bounds = array<i64: 128, 128>}, {transform_indices = @transform_5, window_bounds = array<i64: 400, 128>}]} {
    %get3A = arith.constant 0 : index
    %get3A_0 = arith.constant 0 : index
    %get3A_1 = arith.constant 0 : index
    %get3A_2 = vector.load %arg1[%get3A, %get3A_0, %get3A_1] : memref<2x400x128xf32, #tpu.memory_space<vmem>>, vector<2x400x128xf32>
    %slice3A = vector.extract_strided_slice %get3A_2 {offsets = [0, 0, 0], sizes = [1, 400, 128], strides = [1, 1, 1]} : vector<2x400x128xf32> to vector<1x400x128xf32>
    %squeeze3A = vector.shape_cast %slice3A : vector<1x400x128xf32> to vector<400x128xf32>
    %slice3A_3 = vector.extract_strided_slice %get3A_2 {offsets = [1, 0, 0], sizes = [1, 400, 128], strides = [1, 1, 1]} : vector<2x400x128xf32> to vector<1x400x128xf32>
    %squeeze3A_4 = vector.shape_cast %slice3A_3 : vector<1x400x128xf32> to vector<400x128xf32>
    %add3A = arith.addf %squeeze3A, %squeeze3A_4 : vector<400x128xf32>
    %get3A_5 = arith.constant 0 : index
    %get3A_6 = arith.constant 0 : index
    %get3A_7 = vector.load %arg3[%get3A_5, %get3A_6] : memref<128x128xf32, #tpu.memory_space<vmem>>, vector<128x128xf32>
    %dot_general3A = arith.constant dense<0.000000e+00> : vector<400x128xf32>
    %dot_general3A_8 = tpu.matmul %add3A, %get3A_7, %dot_general3A {dimension_numbers = #tpu.dot_dimension_numbers<[1], [0], [0], [1], [0, 0, 1, 1], [], []>, transpose_lhs_hint = false} : vector<400x128xf32>, vector<128x128xf32>, vector<400x128xf32> -> vector<400x128xf32>
    %get3A_9 = arith.constant 0 : index
    %get3A_10 = arith.constant 0 : index
    %get3A_11 = vector.load %arg4[%get3A_9, %get3A_10] : memref<1x128xf32, #tpu.memory_space<vmem>>, vector<1x128xf32>
    %add3A_12 = vector.broadcast %get3A_11 : vector<1x128xf32> to vector<400x128xf32>
    %add3A_13 = arith.addf %dot_general3A_8, %add3A_12 : vector<400x128xf32>
    %get3A_14 = arith.constant 0 : index
    %get3A_15 = arith.constant 0 : index
    %get3A_16 = vector.load %arg2[%get3A_14, %get3A_15] : memref<400x128xf32, #tpu.memory_space<vmem>>, vector<400x128xf32>
    %get3A_17 = arith.constant 0 : index
    %get3A_18 = arith.constant 0 : index
    %get3A_19 = vector.load %arg5[%get3A_17, %get3A_18] : memref<128x128xf32, #tpu.memory_space<vmem>>, vector<128x128xf32>
    %dot_general3A_20 = arith.constant dense<0.000000e+00> : vector<400x128xf32>
    %dot_general3A_21 = tpu.matmul %get3A_16, %get3A_19, %dot_general3A_20 {dimension_numbers = #tpu.dot_dimension_numbers<[1], [0], [0], [1], [0, 0, 1, 1], [], []>, transpose_lhs_hint = false} : vector<400x128xf32>, vector<128x128xf32>, vector<400x128xf32> -> vector<400x128xf32>
    %add3A_22 = arith.addf %add3A_13, %dot_general3A_21 : vector<400x128xf32>
    %swap3A = arith.constant 0 : index
    %swap3A_23 = arith.constant 0 : index
    %swap3A_24 = vector.load %arg6[%swap3A, %swap3A_23] : memref<400x128xf32, #tpu.memory_space<vmem>>, vector<400x128xf32>
    tpu.vector_store %arg6[%swap3A, %swap3A_23], %add3A_22 {strides = array<i32>} : memref<400x128xf32, #tpu.memory_space<vmem>>, vector<400x128xf32>,
    return
  }
  func.func @transform_0(%arg0: i32) -> (i32, i32, i32) {
    %c0_i32 = arith.constant 0 : i32
    %c0_i32_0 = arith.constant 0 : i32
    %c0_i32_1 = arith.constant 0 : i32
    return %c0_i32, %arg0, %c0_i32_0 : i32, i32, i32
  }
  func.func @transform_1(%arg0: i32) -> (i32, i32) {
    %c0_i32 = arith.constant 0 : i32
    %c0_i32_0 = arith.constant 0 : i32
    return %arg0, %c0_i32 : i32, i32
  }
  func.func @transform_2(%arg0: i32) -> (i32, i32) {
    %c0_i32 = arith.constant 0 : i32
    %c0_i32_0 = arith.constant 0 : i32
    %c0_i32_1 = arith.constant 0 : i32
    return %c0_i32, %c0_i32_0 : i32, i32
  }
  func.func @transform_3(%arg0: i32) -> (i32, i32) {
    %c0_i32 = arith.constant 0 : i32
    %c0_i32_0 = arith.constant 0 : i32
    %c0_i32_1 = arith.constant 0 : i32
    return %c0_i32, %c0_i32_0 : i32, i32
  }
  func.func @transform_4(%arg0: i32) -> (i32, i32) {
    %c0_i32 = arith.constant 0 : i32
    %c0_i32_0 = arith.constant 0 : i32
    %c0_i32_1 = arith.constant 0 : i32
    return %c0_i32, %c0_i32_0 : i32, i32
  }
  func.func @transform_5(%arg0: i32) -> (i32, i32) {
    %c0_i32 = arith.constant 0 : i32
    %c0_i32_0 = arith.constant 0 : i32
    return %arg0, %c0_i32 : i32, i32
  }
}

</mosaic_0001>

<sc_bundles>
// kernel: kernel.11.cloned.1.call-start
scs
__scs_entry_jumppad:
0x0: {  	(pc) =	sbr.rel $0x88, $3  }
0x1: {  	(tag) =	ssettag $0x0;
	lr =	simm.s32 $0x1  }
0x2: {  	[smem:$0x3F97] =	sst lr;
	_ =	strace $0xD0000000  }
0x3: {  	_ = 	snop  }
0x4: {  	_ = 	snop  }
0x5: {  	_ = 	snop  }
0x6: {  	_ = 	snop  }
0x7: {  	_ = 	snop  }
__scs_overlays_trampoline_lowered:
0x8: {  	[smem:$0x3FA6] =	sst s0  }
0x9: {  	[smem:$0x3FA7] =	sst s1  }
0xa: {  	[smem:$0x3FA8] =	sst s2  }
0xb: {  	[smem:$0x3FA9] =	sst s3  }
0xc: {  	[smem:$0x3FAA] =	sst s4  }
0xd: {  	[smem:$0x3FAB] =	sst s5  }
0xe: {  	[smem:$0x3FAC] =	sst s6  }
0xf: {  	[smem:$0x3FAD] =	sst s7  }
0x10: {  	[smem:$0x3FAE] =	sst s8  }
0x11: {  	[smem:$0x3FAF] =	sst s9;
	s0 =	simm.s32 @!p0 $0x0  }
0x12: {  	s1 =	sld [smem:$0x3F95];
	s0 =	simm.s32 @p0 $0x1  }
0x13: {  	[smem:$0x3FB0] =	sst s0;
	s0 =	simm.s32 @!p1 $0x0  }
0x14: {  	s2 =	sld [smem:$0x3F94];
	s0 =	simm.s32 @p1 $0x1  }
0x15: {  	[smem:$0x3FB1] =	sst s0;
	s0 =	simm.s32 @!p2 $0x0  }
0x16: {  	s3 =	sld [smem:$0x3FDB];
	s0 =	simm.s32 @p2 $0x1  }
0x17: {  	s4 =	simm.s32 $0x1BF5;
	[smem:$0x3FB3] =	sst s0  }
0x18: {  	s0 =	sld [smem:$0x3F96];
	_ =	swait.ge [sflag:s4], $0x0  }
0x19: {  	s7 =	sld [smem:$0x3F97]  }
0x1a: {  	s8 =	sadd.s32 $0xFFFFE003, lr  }
0x1b: {  	s9 =	sadd.s32 $0xFFFFFEF7, lr;
	s5 =	simm.s32 $0xFFFFFFFF;
	p2 =	slt.u32 s8, $0xFFFFF086  }
0x1c: {  	p1 =	slt.u32 s9, $0xF7A;
	s5 =	simm.s32 @!p2 $0x0  }
0x1d: {  	s5 =	simm.s32 @p1 $0x1;
	p0 =	seq.s32 s7, s2  }
0x1e: {  	s7 =	smul.u32 @!p0 $0xF7A, s2;
	p2 =	seq.s32 @!p0 s5, $0x0  }
0x1f: {  	s9 =	smul.u32 $0xF7A, s1;
	s8 =	simm.s32 @!p0 $0x1BF5;
	p2 =	por !p2, p0  }
0x20: {  	[sflag:s8] =	ssyncset.s32 @!p0 $0xFFFFF086;
	s6 =	sadd.s32 @!p0 s3, s7;
	s7 =	simm.s32 @!p0 $0x108  }
0x21: {  	s3 =	sadd.s32 s3, s9;
	s6 =	sadd.s32 @!p0 $0x88, s6;
	s7 =	simm.s32 @p2 $0x1082  }
0x22: {  	[simem:s7], [sflag:s8] =	dma.local @!p0 [hbm:s6], $0xF7A  }
0x23: {  	s9 =	sor.u32 $0xD0000000, s2;
	s6 =	simm.s32 $0x108;
	_ =	swait.ge @!p0 [sflag:s8], $0x0  }
0x24: {  	s3 =	sadd.s32 $0x88, s3;
	s6 =	simm.s32 @!p1 $0x1082;
	[sflag:s4] =	ssyncset.s32 $0xFFFFF086  }
0x25: {  	[simem:s6], [sflag:s4] =	dma.local [hbm:s3], $0xF7A  }
0x26: {  	[smem:$0x3F97] =	sst s1;
	(tag) =	ssettag s2;
	_ =	strace s9  }
0x27: {  	s1 =	sld [smem:$0x3FA7]  }
0x28: {  	s2 =	sld [smem:$0x3FA8]  }
0x29: {  	s4 =	sld [smem:$0x3FAA]  }
0x2a: {  	p0 =	seq.s32 s5, $0x0;
	s5 =	sld [smem:$0x3FAB]  }
0x2b: {  	s6 =	sld [smem:$0x3FAC]  }
0x2c: {  	s7 =	sld [smem:$0x3FAD]  }
0x2d: {  	s3 =	simm.s32 $0x108;
	s8 =	sld [smem:$0x3FAE]  }
0x2e: {  	s3 =	simm.s32 @!p0 $0x1082;
	s9 =	sld [smem:$0x3FAF]  }
0x2f: {  	lr =	sadd.s32 s0, s3;
	s0 =	sld [smem:$0x3FA6]  }
0x30: {  	s3 =	sld [smem:$0x3FA9]  }
0x31: {  	[smem:$0x3FB2] =	sst s10  }
0x32: {  	s10 =	sld [smem:$0x3FB0];
	_ =	sdelay $0x3  }
0x33: {  	p0 =	seq.s32 s10, $0x1;
	s10 =	sld [smem:$0x3FB2];
	_ =	sdelay $0x3  }
0x34: {  	[smem:$0x3FB2] =	sst s10  }
0x35: {  	s10 =	sld [smem:$0x3FB1];
	_ =	sdelay $0x3  }
0x36: {  	p1 =	seq.s32 s10, $0x1;
	s10 =	sld [smem:$0x3FB2];
	_ =	sdelay $0x3  }
0x37: {  	[smem:$0x3FB2] =	sst s10  }
0x38: {  	s10 =	sld [smem:$0x3FB3]  }
0x39: {  	_ = 	snop;
	(pc) =	sbr.ind lr, $3  }
0x3a: {  	_ = 	snop  }
0x3b: {  	_ = 	snop  }
0x3c: {  	p2 =	seq.s32 s10, $0x1;
	s10 =	sld [smem:$0x3FB2]  }
0x3d: {  	_ =	shalt  }
0x3e: {  	_ =	shalt  }
0x3f: {  	_ =	shalt  }
0x40: {  	_ =	shalt  }
0x41: {  	_ =	shalt  }
0x42: {  	_ =	shalt  }
0x43: {  	_ =	shalt  }
0x44: {  	_ =	shalt  }
0x45: {  	_ =	shalt  }
0x46: {  	_ =	shalt  }
0x47: {  	_ =	shalt  }
0x48: {  	_ =	shalt  }
0x49: {  	_ =	shalt  }
0x4a: {  	_ =	shalt  }
0x4b: {  	_ =	shalt  }
0x4c: {  	_ =	shalt  }
0x4d: {  	_ =	shalt  }
0x4e: {  	_ =	shalt  }
0x4f: {  	_ =	shalt  }
0x50: {  	_ =	shalt  }
0x51: {  	_ =	shalt  }
0x52: {  	_ =	shalt  }
0x53: {  	_ =	shalt  }
0x54: {  	_ =	shalt  }
0x55: {  	_ =	shalt  }
0x56: {  	_ =	shalt  }
0x57: {  	_ =	shalt  }
0x58: {  	_ =	shalt  }
0x59: {  	_ =	shalt  }
0x5a: {  	_ =	shalt  }
0x5b: {  	_ =	shalt  }
0x5c: {  	_ =	shalt  }
0x5d: {  	_ =	shalt  }
0x5e: {  	_ =	shalt  }
0x5f: {  	_ =	shalt  }
0x60: {  	_ =	shalt  }
0x61: {  	_ =	shalt  }
0x62: {  	_ =	shalt  }
0x63: {  	_ =	shalt  }
0x64: {  	_ =	shalt  }
0x65: {  	_ =	shalt  }
0x66: {  	_ =	shalt  }
0x67: {  	_ =	shalt  }
0x68: {  	_ =	shalt  }
0x69: {  	_ =	shalt  }
0x6a: {  	_ =	shalt  }
0x6b: {  	_ =	shalt  }
0x6c: {  	_ =	shalt  }
0x6d: {  	_ =	shalt  }
0x6e: {  	_ =	shalt  }
0x6f: {  	_ =	shalt  }
0x70: {  	_ =	shalt  }
0x71: {  	_ =	shalt  }
0x72: {  	_ =	shalt  }
0x73: {  	_ =	shalt  }
0x74: {  	_ =	shalt  }
0x75: {  	_ =	shalt  }
0x76: {  	_ =	shalt  }
0x77: {  	_ =	shalt  }
0x78: {  	_ =	shalt  }
0x79: {  	_ =	shalt  }
0x7a: {  	_ =	shalt  }
0x7b: {  	_ =	shalt  }
0x7c: {  	_ =	shalt  }
0x7d: {  	_ =	shalt  }
0x7e: {  	_ =	shalt  }
0x7f: {  	_ =	shalt  }
0x80: {  	_ =	shalt  }
0x81: {  	_ =	shalt  }
0x82: {  	_ =	shalt  }
0x83: {  	_ =	shalt  }
0x84: {  	_ =	shalt  }
0x85: {  	_ =	shalt  }
0x86: {  	_ =	shalt  }
0x87: {  	_ =	shalt  }
.Lfunc_end0:
.L_simem_size_0:
called_computation_lowered:
.L_overlay_start_0:
0x88: {  	s2 =	sld [smem:$0x3FD9]  }
0x89: {  	s3 =	sld [smem:$0x3FFE];
	_ =	sdelay $0x1  }
0x8a: {  	s1 =	srdreg.scid  }
0x8b: {  	s0 =	sand.u32 $0x1, s1  }
0x8c: {  	s17 =	sshll.u32 s0, $0xA;
	s2 =	sadd.s32 s3, s2  }
0x8d: {  	s2 =	sadd.s32 s2, s17  }
0x8e: {  	[smem:$0x3FBE] =	sst s2  }
0x8f: {  	_ = 	snop  }
0x90: {  	s2 =	sld [smem:$0x3FD0];
	(tm) =	ssettm $0x1  }
0x91: {  	s18 =	sld [smem:$0x3FFB];
	_ =	sdelay $0x3  }
0x92: {  	_ =	strace s18  }
0x93: {  	s3 =	sld [smem:$0x3FFC];
	_ =	sdelay $0x3  }
0x94: {  	_ =	strace s3  }
0x95: {  	s3 =	sld [smem:$0x3FFD];
	_ =	sdelay $0x3  }
0x96: {  	_ =	strace s3  }
0x97: {  	_ =	strace $0x8FFFFFFF  }
0x98: {  	s19 =	sld [smem:$0x3FDB];
	_ =	sdelay $0x1  }
0x99: {  	s4 =	simm.s32 $_scs_section_size  }
0x9a: {  	s5 =	simm.s32 $_size__tile_overlayer_lowered;
	s6 =	simm.s32 $_tile_overlayer_lowered  }
0x9b: {  	s22 =	simm.s32 $0x1BFF;
	s21 =	sshll.u32 s6, $0x1;
	s3 =	sadd.s32 s4, s19  }
0x9c: {  	s7 =	simm.s32 $0x0;
	s20 =	sshll.u32 s5, $0x1;
	s5 =	sadd.s32 s21, s3  }
0x9d: {  	[timem:s7], [sflag:s22] =	dma.local [hbm:s5], s20  }
0x9e: {  	_ =	swait.ge [sflag:s22], s20  }
0x9f: {  	s4 =	ssub.s32 $0x0, s20;
	[sflag:s22] =	ssyncset.done $0x0  }
0xa0: {  	[sflag:s22] =	ssyncadd.s32 s4;
	_ =	sdelay $0x1  }
0xa1: {  	s23 =	simm.s32 $0x1B8B  }
0xa2: {  	_ =	swait.ge [sflag:s23], $0x1  }
0xa3: {  	[sflag:s23] =	ssyncset.done $0x0  }
0xa4: {  	s25 =	simm.s32 $0x1B8E;
	s24 =	sld [smem:$0x3FFE];
	[sflag:s23] =	ssyncadd.s32 $0xFFFFFFFF  }
0xa5: {  	s26 =	simm.s32 $execute0_lowered;
	[smem:$0x3FD2] =	sst s25  }
0xa6: {  	s5 =	sshll.u32 s26, $0x1;
	_ =	strace $0x80000046;
	[dreg:$0x1] =	wrdreg $0xFFFFFFFF  }
0xa7: {  	s28 =	simm.s32 $_size_execute0_lowered;
	s3 =	sadd.s32 s3, s5;
	[dreg:$0x0] =	wrdreg $0x0  }
0xa8: {  	s5 =	sshll.u32 s28, $0x1;
	[dreg:$0x2] =	wrdreg s3  }
0xa9: {  	[dreg:$0x3] =	wrdreg s5  }
0xaa: {  	[dreg:$0x4] =	wrdreg $0xC0  }
0xab: {  	_ =	task [dreg:s7], $0x5FFFF  }
0xac: {  	[dreg:$0x1] =	wrdreg $0xFFFFFFFF  }
0xad: {  	[dreg:$0x0] =	wrdreg $0x60  }
0xae: {  	[dreg:$0x2] =	wrdreg s24  }
0xaf: {  	[dreg:$0x3] =	wrdreg s2  }
0xb0: {  	[dreg:$0x4] =	wrdreg $0x2800  }
0xb1: {  	[dreg:$0x5] =	wrdreg $0x9  }
0xb2: {  	_ =	task.clear_ibuf [dreg:s7], $0x6FFFF;
	_ =	strace $0x90000046  }
0xb3: {  	s29 =	simm.s32 $0x9;
	_ =	strace $0x80000048  }
0xb4: {  	_ =	swait.ge [sflag:s29], $0x1  }
0xb5: {  	[sflag:s29] =	ssyncadd.s32 $0xFFFFFFFF  }
0xb6: {  	_ =	strace $0x90000048  }
0xb7: {  	_ =	sfence  }
0xb8: {  	s30 =	sld [smem:$0x0];
	_ =	sdelay $0x2  }
0xb9: {  	s31 =	sshll.u32 s1, $0xD;
	s1 =	sshrl.u32 s1, $0x2  }
0xba: {  	s3 =	sand.u32 $0x4000, s31;
	s1 =	sadd.s32 s1, s30  }
0xbb: {  	s0 =	sor.u32 s3, s0;
	s1 =	sshll.u32 s1, $0x11  }
0xbc: {  	s0 =	sor.u32 s1, s0  }
0xbd: {  	s0 =	sadd.s32 $0x8F2B, s0  }
0xbe: {  	[sflag:s0] =	ssyncadd.remote.s32 $0x1  }
0xbf: {  	_ =	sfence.sel $0xFFFF  }
0xc0: {  	[dreg:$0x0] =	wrdreg $0xFFFFFFFF;
	(pc) =	sbr.abs _section_cstart, $3  }
0xc1: {  	[dreg:$0x1] =	wrdreg $0xFFFFFFFF  }
0xc2: {  	_ =	task.clear_ibuf [dreg:s7], $0x2FFFF;
	_ =	strace $0x9FFFFFFF  }
0xc3: {  	(tm) =	ssettm $0x7FFFFFFF  }
tec
execute0_lowered:
.L_overlay_start_1:
0x0: {  	(tag) =	ssettag $0x1  }
0x1: {  	s7 =	rddreg [dreg:$0x0]  }
0x2: {  	s10 =	rddreg [dreg:$0x1]  }
0x3: {  	s2 =	rddreg [dreg:$0x2]  }
0x4: {  	s0 =	rddreg [dreg:$0x3]  }
0x5: {  	s3 =	simm.s32 $0x0;
	s1 =	stileid.u32;
	s4 =	srdreg.scid  }
0x6: {  	s19 =	simm.s32 $0x100;
	s20 =	simm.s32 $0x1;
	s21 =	simm.s32 $0x2  }
0x7: {  	s22 =	simm.s32 $0x3;
	s23 =	simm.s32 $0x0;
	[smem:$0x7FF] =	sst s3  }
0x8: {  	s8 =	smul.u32 $0xA00, s1;
	s12 =	sadd.s32 $0x2400, s7;
	s9 =	sand.u32 $0x1, s4  }
0x9: {  	s25 =	sshll.u32 s1, $0x1;
	s4 =	sadd.s32 $0x2AC00, s7;
	s17 =	smul.u32 $0xA2, s1  }
0xa: {  	s26 =	sshll.u32 s1, $0x6;
	s18 =	sadd.s32 $0x2410, s7;
	s16 =	smul.u32 $0xA000, s9  }
0xb: {  	s6 =	ssub.s32 $0x2, s9;
	s11 =	sor.u32 s9, s25;
	s9 =	smul.u32 $0x51, s9  }
0xc: {  	_ =	strace $0x80000047;
	s5 =	sshrl.u32 s8, $0x3;
	s14 =	smul.u32 $0x1440, s11  }
0xd: {  	s13 =	sshrl.u32 s6, $0x1;
	s11 =	smul.u32 $0xA200, s11;
	s15 =	sadd.s32 s8, s2  }
0xe: {  	s5 =	sadd.s32 s5, s7;
	s13 =	ssub.s32 s6, s13;
	s6 =	sor.u32 $0x1C04, s26  }
0xf: {  	s28 =	sadd.s32 s8, s16;
	s29 =	sadd.s32 s9, s17;
	s15 =	sshrl.u32 s15, $0x3  }
0x10: {  	s16 =	simm.s32 $0x4;
	s17 =	simm.s32 $0x200;
	s5 =	sadd.s32 $0x2AE00, s5  }
0x11: {  	s11 =	sshrl.u32 s11, $0x3;
	s7 =	sadd.s32 s14, s18;
	s14 =	sshrl.u32 s28, $0x3  }
0x12: {  	s30 =	sshll.u32 s29, $0x6;
	s11 =	sadd.s32 s12, s11;
	s10 =	sadd.s32 s10, s14  }
0x13: {  	s31 =	sadd.s32 s18, s30;
	s14 =	sadd.s32 s30, s12;
	s18 =	simm.s32 $0x80  }
0x14: {  	s8 =	sadd.s32 $0x50, s11;
	s9 =	sadd.s32 $0x90, s11;
	s11 =	smax.u32 s13, $0x1  }
0x15: {  	s12 =	sadd.s32 $0x140, s31;
	s13 =	sadd.s32 $0x100, s31;
	s14 =	sadd.s32 $0xD0, s14  }
.LBB2_1:
0x16: {  	[spmem:s15], [sflag:s6] =	dma.local [hbm:s5], $0x140  }
0x17: {  	_ =	swait.ge [sflag:s16], $0x140  }
0x18: {  	[sflag:s16] =	ssyncset.done $0x0  }
0x19: {  	[sflag:s16] =	ssyncadd.s32 $0xFFFFFEC0  }
0x1a: {  	[tilespmem:s17], [sflag:$0x4] =	stream.linear.gather [hbm4b:s4+s3], $0x80, $0x38;
	[tilespmem:$0xC80] =	vst v63  }
0x1b: {  	_ =	swait.ge [sflag:s16], $0x80  }
0x1c: {  	[sflag:s16] =	ssyncset.done $0x0  }
0x1d: {  	[sflag:s16] =	ssyncadd.s32 $0xFFFFFF80  }
0x1e: {  	[bflag:$0x0] =	sbarrier.arrive $0xFFFF  }
0x1f: {  	[tilespmem:s3], [sflag:$0x1] =	stream.linear.gather [hbm4b:s7+s3], $0x80, $0x38;
	[tilespmem:$0xC80] =	vst v63  }
0x20: {  	_ = 	snop  }
0x21: {  	[tilespmem:s18], [sflag:$0x2] =	stream.linear.gather [hbm4b:s8+s3], $0x80, $0x38;
	[tilespmem:$0xC80] =	vst v63  }
0x22: {  	_ = 	snop  }
0x23: {  	[tilespmem:s19], [sflag:$0x3] =	stream.linear.gather [hbm4b:s9+s3], $0x80, $0x38;
	[tilespmem:$0xC80] =	vst v63  }
0x24: {  	_ =	swait.ge [sflag:s20], $0x80  }
0x25: {  	[sflag:s20] =	ssyncset.done $0x0  }
0x26: {  	[sflag:s20] =	ssyncadd.s32 $0xFFFFFF80  }
0x27: {  	[spmem:s2] =	stream.indirect.scatter.add.f32 [tilespmem:s17], [sflag:$0x4], $0x1, s3, s18, $0xb8;
	[tilespmem:$0xC80] =	vst v63  }
0x28: {  	_ =	swait.ge [sflag:s16], $0x80  }
0x29: {  	[sflag:s16] =	ssyncset.done $0x0  }
0x2a: {  	s24 =	sadd.s32 $0x0, s14;
	[sflag:s16] =	ssyncadd.s32 $0xFFFFFF80  }
0x2b: {  	[tilespmem:s3], [sflag:$0x1] =	stream.linear.gather [hbm4b:s24+s3], $0x80, $0x38;
	[tilespmem:$0xC80] =	vst v63  }
0x2c: {  	_ =	swait.ge [sflag:s21], $0x80  }
0x2d: {  	[sflag:s21] =	ssyncset.done $0x0  }
0x2e: {  	[sflag:s21] =	ssyncadd.s32 $0xFFFFFF80  }
0x2f: {  	[spmem:s2] =	stream.indirect.scatter.add.f32 [tilespmem:s17], [sflag:$0x4], $0x1, s18, s18, $0xb8;
	[tilespmem:$0xC80] =	vst v63  }
0x30: {  	_ =	swait.ge [sflag:s16], $0x80  }
0x31: {  	[sflag:s16] =	ssyncset.done $0x0  }
0x32: {  	s31 =	sadd.s32 $0x0, s13;
	[sflag:s16] =	ssyncadd.s32 $0xFFFFFF80  }
0x33: {  	[tilespmem:s18], [sflag:$0x2] =	stream.linear.gather [hbm4b:s31+s3], $0x80, $0x38;
	[tilespmem:$0xC80] =	vst v63  }
0x34: {  	_ =	swait.ge [sflag:s22], $0x80  }
0x35: {  	[sflag:s22] =	ssyncset.done $0x0  }
0x36: {  	[sflag:s22] =	ssyncadd.s32 $0xFFFFFF80  }
0x37: {  	[spmem:s2] =	stream.indirect.scatter.add.f32 [tilespmem:s17], [sflag:$0x4], $0x1, s19, s18, $0xb8;
	[tilespmem:$0xC80] =	vst v63  }
0x38: {  	_ =	swait.ge [sflag:s16], $0x80  }
0x39: {  	[sflag:s16] =	ssyncset.done $0x0  }
0x3a: {  	s25 =	sadd.s32 $0x0, s12;
	s24 =	simm.s32 $0xC0;
	[sflag:s16] =	ssyncadd.s32 $0xFFFFFF80  }
.LBB2_2:
0x3b: {  	[tilespmem:s19], [sflag:$0x3] =	stream.linear.gather [hbm4b:s25+s3], $0x80, $0x38;
	[tilespmem:$0xC80] =	vst v63  }
0x3c: {  	s25 =	smov.u32 s24  }
0x3d: {  	p0 =	sne.s32 s24, $0x12C0;
	s24 =	sadd.s32 $0xC0, s24;
	_ =	swait.ge [sflag:s20], $0x80  }
0x3e: {  	[sflag:s20] =	ssyncset.done $0x0  }
0x3f: {  	[sflag:s20] =	ssyncadd.s32 $0xFFFFFF80  }
0x40: {  	[spmem:s2] =	stream.indirect.scatter.add.f32 [tilespmem:s17], [sflag:$0x4], $0x1, s3, s18, $0xb8;
	[tilespmem:$0xC80] =	vst v63  }
0x41: {  	_ =	swait.ge [sflag:s16], $0x80  }
0x42: {  	[sflag:s16] =	ssyncset.done $0x0  }
0x43: {  	s26 =	sadd.s32 s25, s14;
	[sflag:s16] =	ssyncadd.s32 $0xFFFFFF80  }
0x44: {  	[tilespmem:s3], [sflag:$0x1] =	stream.linear.gather [hbm4b:s26+s3], $0x80, $0x38;
	[tilespmem:$0xC80] =	vst v63  }
0x45: {  	_ =	swait.ge [sflag:s21], $0x80  }
0x46: {  	[sflag:s21] =	ssyncset.done $0x0  }
0x47: {  	[sflag:s21] =	ssyncadd.s32 $0xFFFFFF80  }
0x48: {  	[spmem:s2] =	stream.indirect.scatter.add.f32 [tilespmem:s17], [sflag:$0x4], $0x1, s18, s18, $0xb8;
	[tilespmem:$0xC80] =	vst v63  }
0x49: {  	_ =	swait.ge [sflag:s16], $0x80  }
0x4a: {  	[sflag:s16] =	ssyncset.done $0x0  }
0x4b: {  	s26 =	sadd.s32 s25, s13;
	[sflag:s16] =	ssyncadd.s32 $0xFFFFFF80  }
0x4c: {  	[tilespmem:s18], [sflag:$0x2] =	stream.linear.gather [hbm4b:s26+s3], $0x80, $0x38;
	[tilespmem:$0xC80] =	vst v63  }
0x4d: {  	_ =	swait.ge [sflag:s22], $0x80  }
0x4e: {  	[sflag:s22] =	ssyncset.done $0x0  }
.Ltmp0:
0x4f: {  	[sflag:s22] =	ssyncadd.s32 $0xFFFFFF80;
	(pc) =	sbr.rel @p0 .LBB2_2-.Ltmp0, $4  }
0x50: {  	[spmem:s2] =	stream.indirect.scatter.add.f32 [tilespmem:s17], [sflag:$0x4], $0x1, s19, s18, $0xb8;
	[tilespmem:$0xC80] =	vst v63  }
0x51: {  	_ =	swait.ge [sflag:s16], $0x80  }
0x52: {  	[sflag:s16] =	ssyncset.done $0x0  }
0x53: {  	s25 =	sadd.s32 s25, s12;
	[sflag:s16] =	ssyncadd.s32 $0xFFFFFF80  }
0x54: {  	[tilespmem:s19], [sflag:$0x3] =	stream.linear.gather [hbm4b:s25+s3], $0x80, $0x38;
	[tilespmem:$0xC80] =	vst v63  }
0x55: {  	_ =	swait.ge [sflag:s20], $0x80  }
0x56: {  	[sflag:s20] =	ssyncset.done $0x0  }
0x57: {  	[sflag:s20] =	ssyncadd.s32 $0xFFFFFF80  }
0x58: {  	[spmem:s2] =	stream.indirect.scatter.add.f32 [tilespmem:s17], [sflag:$0x4], $0x1, s3, s18, $0xb8;
	[tilespmem:$0xC80] =	vst v63  }
0x59: {  	_ =	swait.ge [sflag:s16], $0x80  }
0x5a: {  	[sflag:s16] =	ssyncset.done $0x0  }
0x5b: {  	[sflag:s16] =	ssyncadd.s32 $0xFFFFFF80  }
0x5c: {  	_ =	swait.ge [sflag:s21], $0x80  }
0x5d: {  	[sflag:s21] =	ssyncset.done $0x0  }
0x5e: {  	[sflag:s21] =	ssyncadd.s32 $0xFFFFFF80  }
0x5f: {  	_ =	swait.ge [sflag:s22], $0x80  }
0x60: {  	s23 =	sadd.s32 $0x1, s23;
	[sflag:s22] =	ssyncset.done $0x0  }
0x61: {  	p0 =	sne.s32 s23, s11;
	[sflag:s22] =	ssyncadd.s32 $0xFFFFFF80  }
.Ltmp1:
0x62: {  	[bflag:$0x0] =	sbarrier.arrive $0xFFFF;
	(pc) =	sbr.rel @p0 .LBB2_1-.Ltmp1, $4  }
0x63: {  	[hbm:s10], [sflag:s6] =	dma.local [spmem:s15], $0x140  }
0x64: {  	_ =	swait.ge [sflag:s16], $0x140  }
0x65: {  	[sflag:s16] =	ssyncset.done $0x0  }
0x66: {  	[sflag:s16] =	ssyncadd.s32 $0xFFFFFEC0  }
0x67: {  	_ =	sfence.sel $0x180000  }
0x68: {  	[bflag:$0x0] =	sbarrier.arrive $0xFFFF  }
0x69: {  	p0 =	sne.s32 s1, $0x0;
	_ =	strace $0x90000047  }
0x6a: {  	s0 =	sadd.s32 @!p0 $0x100000, s0;
	[bflag:$0x2] =	sbarrier.arrive $0xFFFF  }
0x6b: {  	[sflag:s0] =	ssyncadd.tile.s32 @!p0 $0x1;
	_ =	shalt  }
.Lfunc_end2:
_tile_overlayer_lowered:
.L_overlay_start_2:
0x6c: {  	(tag) =	ssettag $0x2  }
0x6d: {  	s0 =	rddreg [dreg:$0x0];
	s2 =	stileid.u32  }
0x6e: {  	s1 =	rddreg [dreg:$0x1];
	p0 =	sne.s32 s2, $0x0  }
0x6f: {  	s3 =	rddreg [dreg:$0x2];
	[bflag:$0x3] =	sbarrier.arrive $0xFFFF;
	s2 =	simm.s32 @!p0 $0x1C04  }
0x70: {  	[timem:s3], [sflag:s2] =	dma.local @!p0 [hbm:s0], s1  }
0x71: {  	s0 =	simm.s32 @!p0 $0x4  }
0x72: {  	_ =	swait.ge @!p0 [sflag:s0], s1  }
0x73: {  	s1 =	ssub.s32 @!p0 $0x0, s1;
	[sflag:s0] =	ssyncset.done @!p0 $0x0  }
0x74: {  	[sflag:s0] =	ssyncadd.s32 @!p0 s1  }
0x75: {  	[bflag:$0x3] =	sbarrier.arrive $0xFFFF  }
0x76: {  	_ =	shalt  }

// kernel: kernel.14.cloned.1.call-start
scs
__scs_entry_jumppad:
0x0: {  	(pc) =	sbr.rel $0x88, $3  }
0x1: {  	(tag) =	ssettag $0x0;
	lr =	simm.s32 $0x1  }
0x2: {  	[smem:$0x3F97] =	sst lr;
	_ =	strace $0xD0000000  }
0x3: {  	_ = 	snop  }
0x4: {  	_ = 	snop  }
0x5: {  	_ = 	snop  }
0x6: {  	_ = 	snop  }
0x7: {  	_ = 	snop  }
__scs_overlays_trampoline_lowered:
0x8: {  	[smem:$0x3FA6] =	sst s0  }
0x9: {  	[smem:$0x3FA7] =	sst s1  }
0xa: {  	[smem:$0x3FA8] =	sst s2  }
0xb: {  	[smem:$0x3FA9] =	sst s3  }
0xc: {  	[smem:$0x3FAA] =	sst s4  }
0xd: {  	[smem:$0x3FAB] =	sst s5  }
0xe: {  	[smem:$0x3FAC] =	sst s6  }
0xf: {  	[smem:$0x3FAD] =	sst s7  }
0x10: {  	[smem:$0x3FAE] =	sst s8  }
0x11: {  	[smem:$0x3FAF] =	sst s9;
	s0 =	simm.s32 @!p0 $0x0  }
0x12: {  	s1 =	sld [smem:$0x3F95];
	s0 =	simm.s32 @p0 $0x1  }
0x13: {  	[smem:$0x3FB0] =	sst s0;
	s0 =	simm.s32 @!p1 $0x0  }
0x14: {  	s2 =	sld [smem:$0x3F94];
	s0 =	simm.s32 @p1 $0x1  }
0x15: {  	[smem:$0x3FB1] =	sst s0;
	s0 =	simm.s32 @!p2 $0x0  }
0x16: {  	s3 =	sld [smem:$0x3FDB];
	s0 =	simm.s32 @p2 $0x1  }
0x17: {  	s4 =	simm.s32 $0x1BF5;
	[smem:$0x3FB3] =	sst s0  }
0x18: {  	s0 =	sld [smem:$0x3F96];
	_ =	swait.ge [sflag:s4], $0x0  }
0x19: {  	s7 =	sld [smem:$0x3F97]  }
0x1a: {  	s8 =	sadd.s32 $0xFFFFE003, lr  }
0x1b: {  	s9 =	sadd.s32 $0xFFFFFEF7, lr;
	s5 =	simm.s32 $0xFFFFFFFF;
	p2 =	slt.u32 s8, $0xFFFFF086  }
0x1c: {  	p1 =	slt.u32 s9, $0xF7A;
	s5 =	simm.s32 @!p2 $0x0  }
0x1d: {  	s5 =	simm.s32 @p1 $0x1;
	p0 =	seq.s32 s7, s2  }
0x1e: {  	s7 =	smul.u32 @!p0 $0xF7A, s2;
	p2 =	seq.s32 @!p0 s5, $0x0  }
0x1f: {  	s9 =	smul.u32 $0xF7A, s1;
	s8 =	simm.s32 @!p0 $0x1BF5;
	p2 =	por !p2, p0  }
0x20: {  	[sflag:s8] =	ssyncset.s32 @!p0 $0xFFFFF086;
	s6 =	sadd.s32 @!p0 s3, s7;
	s7 =	simm.s32 @!p0 $0x108  }
0x21: {  	s3 =	sadd.s32 s3, s9;
	s6 =	sadd.s32 @!p0 $0x88, s6;
	s7 =	simm.s32 @p2 $0x1082  }
0x22: {  	[simem:s7], [sflag:s8] =	dma.local @!p0 [hbm:s6], $0xF7A  }
0x23: {  	s9 =	sor.u32 $0xD0000000, s2;
	s6 =	simm.s32 $0x108;
	_ =	swait.ge @!p0 [sflag:s8], $0x0  }
0x24: {  	s3 =	sadd.s32 $0x88, s3;
	s6 =	simm.s32 @!p1 $0x1082;
	[sflag:s4] =	ssyncset.s32 $0xFFFFF086  }
0x25: {  	[simem:s6], [sflag:s4] =	dma.local [hbm:s3], $0xF7A  }
0x26: {  	[smem:$0x3F97] =	sst s1;
	(tag) =	ssettag s2;
	_ =	strace s9  }
0x27: {  	s1 =	sld [smem:$0x3FA7]  }
0x28: {  	s2 =	sld [smem:$0x3FA8]  }
0x29: {  	s4 =	sld [smem:$0x3FAA]  }
0x2a: {  	p0 =	seq.s32 s5, $0x0;
	s5 =	sld [smem:$0x3FAB]  }
0x2b: {  	s6 =	sld [smem:$0x3FAC]  }
0x2c: {  	s7 =	sld [smem:$0x3FAD]  }
0x2d: {  	s3 =	simm.s32 $0x108;
	s8 =	sld [smem:$0x3FAE]  }
0x2e: {  	s3 =	simm.s32 @!p0 $0x1082;
	s9 =	sld [smem:$0x3FAF]  }
0x2f: {  	lr =	sadd.s32 s0, s3;
	s0 =	sld [smem:$0x3FA6]  }
0x30: {  	s3 =	sld [smem:$0x3FA9]  }
0x31: {  	[smem:$0x3FB2] =	sst s10  }
0x32: {  	s10 =	sld [smem:$0x3FB0];
	_ =	sdelay $0x3  }
0x33: {  	p0 =	seq.s32 s10, $0x1;
	s10 =	sld [smem:$0x3FB2];
	_ =	sdelay $0x3  }
0x34: {  	[smem:$0x3FB2] =	sst s10  }
0x35: {  	s10 =	sld [smem:$0x3FB1];
	_ =	sdelay $0x3  }
0x36: {  	p1 =	seq.s32 s10, $0x1;
	s10 =	sld [smem:$0x3FB2];
	_ =	sdelay $0x3  }
0x37: {  	[smem:$0x3FB2] =	sst s10  }
0x38: {  	s10 =	sld [smem:$0x3FB3]  }
0x39: {  	_ = 	snop;
	(pc) =	sbr.ind lr, $3  }
0x3a: {  	_ = 	snop  }
0x3b: {  	_ = 	snop  }
0x3c: {  	p2 =	seq.s32 s10, $0x1;
	s10 =	sld [smem:$0x3FB2]  }
0x3d: {  	_ =	shalt  }
0x3e: {  	_ =	shalt  }
0x3f: {  	_ =	shalt  }
0x40: {  	_ =	shalt  }
0x41: {  	_ =	shalt  }
0x42: {  	_ =	shalt  }
0x43: {  	_ =	shalt  }
0x44: {  	_ =	shalt  }
0x45: {  	_ =	shalt  }
0x46: {  	_ =	shalt  }
0x47: {  	_ =	shalt  }
0x48: {  	_ =	shalt  }
0x49: {  	_ =	shalt  }
0x4a: {  	_ =	shalt  }
0x4b: {  	_ =	shalt  }
0x4c: {  	_ =	shalt  }
0x4d: {  	_ =	shalt  }
0x4e: {  	_ =	shalt  }
0x4f: {  	_ =	shalt  }
0x50: {  	_ =	shalt  }
0x51: {  	_ =	shalt  }
0x52: {  	_ =	shalt  }
0x53: {  	_ =	shalt  }
0x54: {  	_ =	shalt  }
0x55: {  	_ =	shalt  }
0x56: {  	_ =	shalt  }
0x57: {  	_ =	shalt  }
0x58: {  	_ =	shalt  }
0x59: {  	_ =	shalt  }
0x5a: {  	_ =	shalt  }
0x5b: {  	_ =	shalt  }
0x5c: {  	_ =	shalt  }
0x5d: {  	_ =	shalt  }
0x5e: {  	_ =	shalt  }
0x5f: {  	_ =	shalt  }
0x60: {  	_ =	shalt  }
0x61: {  	_ =	shalt  }
0x62: {  	_ =	shalt  }
0x63: {  	_ =	shalt  }
0x64: {  	_ =	shalt  }
0x65: {  	_ =	shalt  }
0x66: {  	_ =	shalt  }
0x67: {  	_ =	shalt  }
0x68: {  	_ =	shalt  }
0x69: {  	_ =	shalt  }
0x6a: {  	_ =	shalt  }
0x6b: {  	_ =	shalt  }
0x6c: {  	_ =	shalt  }
0x6d: {  	_ =	shalt  }
0x6e: {  	_ =	shalt  }
0x6f: {  	_ =	shalt  }
0x70: {  	_ =	shalt  }
0x71: {  	_ =	shalt  }
0x72: {  	_ =	shalt  }
0x73: {  	_ =	shalt  }
0x74: {  	_ =	shalt  }
0x75: {  	_ =	shalt  }
0x76: {  	_ =	shalt  }
0x77: {  	_ =	shalt  }
0x78: {  	_ =	shalt  }
0x79: {  	_ =	shalt  }
0x7a: {  	_ =	shalt  }
0x7b: {  	_ =	shalt  }
0x7c: {  	_ =	shalt  }
0x7d: {  	_ =	shalt  }
0x7e: {  	_ =	shalt  }
0x7f: {  	_ =	shalt  }
0x80: {  	_ =	shalt  }
0x81: {  	_ =	shalt  }
0x82: {  	_ =	shalt  }
0x83: {  	_ =	shalt  }
0x84: {  	_ =	shalt  }
0x85: {  	_ =	shalt  }
0x86: {  	_ =	shalt  }
0x87: {  	_ =	shalt  }
.Lfunc_end0:
.L_simem_size_0:
called_computation.1_lowered:
.L_overlay_start_0:
0x88: {  	s2 =	sld [smem:$0x3FD9]  }
0x89: {  	s3 =	sld [smem:$0x3FFE];
	_ =	sdelay $0x1  }
0x8a: {  	s1 =	srdreg.scid  }
0x8b: {  	s0 =	sand.u32 $0x1, s1  }
0x8c: {  	s17 =	sshll.u32 s0, $0xA;
	s2 =	sadd.s32 s3, s2  }
0x8d: {  	s2 =	sadd.s32 s2, s17  }
0x8e: {  	[smem:$0x3FBE] =	sst s2  }
0x8f: {  	_ = 	snop  }
0x90: {  	s2 =	sld [smem:$0x3FD0];
	(tm) =	ssettm $0x1  }
0x91: {  	s18 =	sld [smem:$0x3FFB];
	_ =	sdelay $0x3  }
0x92: {  	_ =	strace s18  }
0x93: {  	s3 =	sld [smem:$0x3FFC];
	_ =	sdelay $0x3  }
0x94: {  	_ =	strace s3  }
0x95: {  	s3 =	sld [smem:$0x3FFD];
	_ =	sdelay $0x3  }
0x96: {  	_ =	strace s3  }
0x97: {  	_ =	strace $0x8FFFFFFF  }
0x98: {  	s19 =	sld [smem:$0x3FDB];
	_ =	sdelay $0x1  }
0x99: {  	s4 =	simm.s32 $_scs_section_size  }
0x9a: {  	s5 =	simm.s32 $_size__tile_overlayer_lowered;
	s6 =	simm.s32 $_tile_overlayer_lowered  }
0x9b: {  	s22 =	simm.s32 $0x1BFF;
	s21 =	sshll.u32 s6, $0x1;
	s3 =	sadd.s32 s4, s19  }
0x9c: {  	s7 =	simm.s32 $0x0;
	s20 =	sshll.u32 s5, $0x1;
	s5 =	sadd.s32 s21, s3  }
0x9d: {  	[timem:s7], [sflag:s22] =	dma.local [hbm:s5], s20  }
0x9e: {  	_ =	swait.ge [sflag:s22], s20  }
0x9f: {  	s4 =	ssub.s32 $0x0, s20;
	[sflag:s22] =	ssyncset.done $0x0  }
0xa0: {  	[sflag:s22] =	ssyncadd.s32 s4;
	_ =	sdelay $0x1  }
0xa1: {  	s23 =	simm.s32 $0x1B8B  }
0xa2: {  	_ =	swait.ge [sflag:s23], $0x1  }
0xa3: {  	[sflag:s23] =	ssyncset.done $0x0  }
0xa4: {  	s25 =	simm.s32 $0x1B8E;
	s24 =	sld [smem:$0x3FFE];
	[sflag:s23] =	ssyncadd.s32 $0xFFFFFFFF  }
0xa5: {  	s26 =	simm.s32 $execute0_lowered;
	[smem:$0x3FD2] =	sst s25  }
0xa6: {  	s5 =	sshll.u32 s26, $0x1;
	_ =	strace $0x80000049;
	[dreg:$0x1] =	wrdreg $0xFFFFFFFF  }
0xa7: {  	s28 =	simm.s32 $_size_execute0_lowered;
	s3 =	sadd.s32 s3, s5;
	[dreg:$0x0] =	wrdreg $0x0  }
0xa8: {  	s5 =	sshll.u32 s28, $0x1;
	[dreg:$0x2] =	wrdreg s3  }
0xa9: {  	[dreg:$0x3] =	wrdreg s5  }
0xaa: {  	[dreg:$0x4] =	wrdreg $0xC0  }
0xab: {  	_ =	task [dreg:s7], $0x5FFFF  }
0xac: {  	[dreg:$0x1] =	wrdreg $0xFFFFFFFF  }
0xad: {  	[dreg:$0x0] =	wrdreg $0x60  }
0xae: {  	[dreg:$0x2] =	wrdreg s24  }
0xaf: {  	[dreg:$0x3] =	wrdreg s2  }
0xb0: {  	[dreg:$0x4] =	wrdreg $0x86000  }
0xb1: {  	[dreg:$0x5] =	wrdreg $0x1BE800  }
0xb2: {  	[dreg:$0x6] =	wrdreg $0x9  }
0xb3: {  	_ =	task.clear_ibuf [dreg:s7], $0x7FFFF;
	_ =	strace $0x90000049  }
0xb4: {  	s29 =	simm.s32 $0x9;
	_ =	strace $0x8000004B  }
0xb5: {  	_ =	swait.ge [sflag:s29], $0x1  }
0xb6: {  	[sflag:s29] =	ssyncadd.s32 $0xFFFFFFFF  }
0xb7: {  	_ =	strace $0x9000004B  }
0xb8: {  	_ =	sfence  }
0xb9: {  	s30 =	sld [smem:$0x0];
	_ =	sdelay $0x2  }
0xba: {  	s31 =	sshll.u32 s1, $0xD;
	s1 =	sshrl.u32 s1, $0x2  }
0xbb: {  	s3 =	sand.u32 $0x4000, s31;
	s1 =	sadd.s32 s1, s30  }
0xbc: {  	s0 =	sor.u32 s3, s0;
	s1 =	sshll.u32 s1, $0x11  }
0xbd: {  	s0 =	sor.u32 s1, s0  }
0xbe: {  	s0 =	sadd.s32 $0x8F2B, s0  }
0xbf: {  	[sflag:s0] =	ssyncadd.remote.s32 $0x1  }
0xc0: {  	_ =	sfence.sel $0xFFFF  }
0xc1: {  	[dreg:$0x0] =	wrdreg $0xFFFFFFFF;
	(pc) =	sbr.abs _section_cstart, $3  }
0xc2: {  	[dreg:$0x1] =	wrdreg $0xFFFFFFFF  }
0xc3: {  	_ =	task.clear_ibuf [dreg:s7], $0x2FFFF;
	_ =	strace $0x9FFFFFFF  }
0xc4: {  	(tm) =	ssettm $0x7FFFFFFF  }
0xc5: {  	_ =	shalt  }
tec
execute0_lowered:
.L_overlay_start_1:
0x0: {  	(tag) =	ssettag $0x1  }
0x1: {  	s0 =	rddreg [dreg:$0x0]  }
0x2: {  	s6 =	rddreg [dreg:$0x1]  }
0x3: {  	s1 =	rddreg [dreg:$0x2]  }
0x4: {  	s2 =	rddreg [dreg:$0x3];
	s3 =	simm.s32 $0x0;
	s7 =	stileid.u32  }
0x5: {  	s9 =	srdreg.scid;
	s28 =	simm.s32 $0x3;
	s29 =	simm.s32 $0x7  }
0x6: {  	s30 =	simm.s32 $0x400;
	s31 =	simm.s32 $0x2;
	s8 =	smul.u32 $0xA00, s7  }
0x7: {  	[smem:$0x7FF] =	sst s3;
	s4 =	sadd.s32 $0x2C200, s0;
	s12 =	smul.u32 $0x4E000, s7  }
0x8: {  	s9 =	sand.u32 $0x1, s9;
	s14 =	sshll.u32 s7, $0x1;
	s16 =	smul.u32 $0x13800, s7  }
0x9: {  	s18 =	sshll.u32 s7, $0x6;
	s15 =	sadd.s32 $0x138000, s1;
	p0 =	sne.s32 s7, $0x0  }
0xa: {  	s7 =	simm.s32 $0x580;
	_ =	strace $0x8000004A;
	s11 =	ssub.s32 $0x2, s9  }
0xb: {  	s26 =	sor.u32 s9, s14;
	s14 =	sor.u32 $0x1C09, s18;
	[dreg:$0x9] =	wrdreg s15  }
0xc: {  	s9 =	smul.u32 $0x138800, s9;
	s18 =	simm.s32 $0x0;
	s5 =	sshrl.u32 s8, $0x3  }
0xd: {  	s13 =	sshrl.u32 s11, $0x1;
	s12 =	sshrl.u32 s12, $0x2;
	s19 =	smul.u32 $0xA200, s26  }
0xe: {  	s17 =	sshrl.u32 s16, $0x3;
	s8 =	sadd.s32 s8, s2;
	s20 =	smul.u32 $0x1440, s26  }
0xf: {  	[dreg:$0x7] =	wrdreg s14;
	s10 =	sadd.s32 s5, s0;
	s5 =	sadd.s32 $0x2400, s0  }
0x10: {  	s0 =	sadd.s32 $0xC8600, s0;
	s11 =	ssub.s32 s11, s13;
	s12 =	sadd.s32 s12, s1  }
0x11: {  	s13 =	smul.u32 $0x51, s26;
	s23 =	sadd.s32 s16, s9;
	s9 =	sshrl.u32 s9, $0x3  }
0x12: {  	s26 =	sshrl.u32 s8, $0x3;
	[dreg:$0x5] =	wrdreg s12;
	s12 =	sadd.s32 s6, s17  }
0x13: {  	s10 =	sadd.s32 $0x2AC00, s10;
	s6 =	sadd.s32 $0x27000, s6;
	[dreg:$0x11] =	wrdreg s26  }
0x14: {  	s9 =	sadd.s32 s0, s9;
	s25 =	smax.u32 s11, $0x1;
	[dreg:$0x6] =	wrdreg s12  }
0x15: {  	s17 =	simm.s32 $0x9;
	s26 =	simm.s32 $0x500;
	[dreg:$0x8] =	wrdreg s10  }
0x16: {  	s12 =	sshrl.u32 s19, $0x3;
	[dreg:$0xa] =	wrdreg s6;
	s10 =	sadd.s32 s5, s20  }
0x17: {  	s15 =	sadd.s32 $0x3, s13;
	s16 =	sadd.s32 $0x4, s13;
	s24 =	sadd.s32 $0x27000, s9  }
0x18: {  	[dreg:$0x10] =	wrdreg s25;
	s25 =	simm.s32 $0x600;
	s9 =	simm.s32 $0x4  }
0x19: {  	s13 =	simm.s32 $0x6;
	s21 =	sadd.s32 s5, s12;
	[dreg:$0xb] =	wrdreg s10  }
0x1a: {  	[dreg:$0xf] =	wrdreg s24;
	s24 =	simm.s32 $0x80;
	s22 =	sadd.s32 $0x40, s21  }
0x1b: {  	s10 =	simm.s32 $0x8;
	s6 =	sadd.s32 $0x80, s21;
	[dreg:$0xc] =	wrdreg s22  }
0x1c: {  	s12 =	simm.s32 $0x5;
	[dreg:$0xd] =	wrdreg s6;
	s6 =	sshrl.u32 s23, $0x3  }
0x1d: {  	s22 =	simm.s32 $0x200;
	s23 =	simm.s32 $0x1;
	s0 =	sadd.s32 s0, s6  }
0x1e: {  	s6 =	simm.s32 $0x280;
	[dreg:$0xe] =	wrdreg s0;
	s0 =	simm.s32 $0x4600  }
.LBB2_1:
0x1f: {  	[dreg:$0x12] =	wrdreg s18  }
0x20: {  	s8 =	rddreg [dreg:$0x5]  }
0x21: {  	s19 =	rddreg [dreg:$0x6];
	s11 =	sshrl.u32 s8, $0x3  }
0x22: {  	[dreg:$0x13] =	wrdreg s11  }
0x23: {  	[spmem:s11], [sflag:s14] =	dma.local [hbm:s19], $0x2700  }
0x24: {  	_ =	swait.ge [sflag:s17], $0x2700  }
0x25: {  	[sflag:s17] =	ssyncset.done $0x0;
	s20 =	rddreg [dreg:$0x8]  }
0x26: {  	s21 =	rddreg [dreg:$0x11];
	[sflag:s17] =	ssyncadd.s32 $0xFFFFD900  }
0x27: {  	[spmem:s21], [sflag:s14] =	dma.local [hbm:s20], $0x140  }
0x28: {  	_ =	swait.ge [sflag:s17], $0x140  }
0x29: {  	s8 =	rddreg [dreg:$0x9]  }
0x2a: {  	[sflag:s17] =	ssyncset.done $0x0;
	s11 =	sshrl.u32 @!p0 s8, $0x3;
	s8 =	rddreg [dreg:$0xa]  }
0x2b: {  	[sflag:s17] =	ssyncadd.s32 $0xFFFFFEC0;
	[dreg:$0x14] =	wrdreg s11  }
0x2c: {  	[spmem:s11], [sflag:s14] =	dma.local @!p0 [hbm:s8], $0x100  }
0x2d: {  	s8 =	simm.s32 @!p0 $0x9  }
0x2e: {  	_ =	swait.ge @!p0 [sflag:s8], $0x100  }
0x2f: {  	[sflag:s8] =	ssyncset.done @!p0 $0x0  }
0x30: {  	[sflag:s8] =	ssyncadd.s32 @!p0 $0xFFFFFF00  }
0x31: {  	[bflag:$0x0] =	sbarrier.arrive $0xFFFF  }
0x32: {  	s18 =	rddreg [dreg:$0xb]  }
0x33: {  	[tilespmem:s3], [sflag:$0x1] =	stream.linear.gather [hbm4b:s18+s3], $0x180, $0x38;
	[tilespmem:$0x1C880] =	vst v63  }
0x34: {  	s19 =	rddreg [dreg:$0xc]  }
0x35: {  	[tilespmem:s22], [sflag:$0x2] =	stream.linear.gather [hbm4b:s19+s3], $0x180, $0x38;
	[tilespmem:$0x1C880] =	vst v63  }
0x36: {  	_ =	swait.ge [sflag:s23], $0x180  }
0x37: {  	[sflag:s23] =	ssyncset.done $0x0  }
0x38: {  	[sflag:s23] =	ssyncadd.s32 $0xFFFFFE80  }
0x39: {  	v0 =	vld [tilespmem:$0x100]  }
0x3a: {  	v1 =	vld [tilespmem:$0x110]  }
0x3b: {  	v2 =	vld [tilespmem:$0x120]  }
0x3c: {  	v3 =	vld [tilespmem:$0x130]  }
0x3d: {  	v4 =	vld [tilespmem:$0x140]  }
0x3e: {  	[tilespmem:$0x400] =	vst v0;
	v0 =	vld [tilespmem:$0x150]  }
0x3f: {  	[tilespmem:$0x410] =	vst v1;
	v1 =	vld [tilespmem:$0x160]  }
0x40: {  	[tilespmem:$0x420] =	vst v2;
	v2 =	vld [tilespmem:$0x170]  }
0x41: {  	[tilespmem:$0x430] =	vst v3  }
0x42: {  	[tilespmem:$0x440] =	vst v4  }
0x43: {  	[tilespmem:$0x450] =	vst v0  }
0x44: {  	[tilespmem:$0x460] =	vst v1  }
0x45: {  	[tilespmem:$0x470] =	vst v2  }
0x46: {  	[tilespmem:s25], [sflag:$0x3] =	stream.indirect.gather [hbm4b:s4+s24], $0x80, s3, s24, $0xb8;
	[tilespmem:$0x1C880] =	vst v63  }
0x47: {  	_ = 	snop  }
0x48: {  	v0 =	vmov s3;
	[tilespmem:s26], [sflag:$0x7] =	stream.indirect.gather [spmem:s2], $0x1, s24, s24, $0xb8;
	[tilespmem:$0x1C880] =	vst v63  }
0x49: {  	v0 =	vand.u32 $0xFFFFFFFC, v0;
	_ =	swait.ge [sflag:s28], $0x4000  }
0x4a: {  	v0 =	vbroadcast v0, $0x0;
	[sflag:s28] =	ssyncset.done $0x0  }
0x4b: {  	[sflag:s28] =	ssyncadd.s32 $0xFFFFC000  }
0x4c: {  	_ =	swait.ge [sflag:s29], $0x80  }
0x4d: {  	[sflag:s29] =	ssyncset.done $0x0  }
0x4e: {  	s19 =	simm.s32 $0x700;
	[sflag:s29] =	ssyncadd.s32 $0xFFFFFF80  }
0x4f: {  	v1 =	vld [tilespmem:s19+$0xFFFFFF70]  }
0x50: {  	v0 =	vld.idx.msk [tilespmem:v0+s26+$0x0], $0xffff  }
0x51: {  	v2 =	vld [tilespmem:s19+$0xFFFFFF00]  }
0x52: {  	v3 =	vld [tilespmem:s19+$0xFFFFFF20]  }
0x53: {  	v4 =	vld [tilespmem:s19+$0xFFFFFF50]  }
0x54: {  	v5 =	vld [tilespmem:s19+$0xFFFFFF40]  }
0x55: {  	v6 =	vld [tilespmem:s19+$0xFFFFFF60];
	v1 =	vmul.f32 v1, v0  }
0x56: {  	s20 =	simm.s32 $0x1;
	v7 =	vld [tilespmem:s19+$0xFFFFFF30];
	v2 =	vmul.f32 v2, v0  }
0x57: {  	v8 =	vld [tilespmem:s19+$0xFFFFFF10];
	v3 =	vmul.f32 v3, v0;
	[tilespmem:s19+$0xFFFFFF70] =	vst v1;
	v1 =	vmov s20  }
0x58: {  	v4 =	vmul.f32 v4, v0;
	[tilespmem:s19+$0xFFFFFF00] =	vst v2;
	v1 =	vand.u32 $0xFFFFFFFD, v1  }
0x59: {  	v2 =	vmul.f32 v5, v0;
	[tilespmem:s19+$0xFFFFFF20] =	vst v3;
	v1 =	vbroadcast v1, $0x0  }
0x5a: {  	v3 =	vmul.f32 v6, v0;
	[tilespmem:s19+$0xFFFFFF50] =	vst v4  }
0x5b: {  	v4 =	vmul.f32 v7, v0;
	[tilespmem:s19+$0xFFFFFF40] =	vst v2  }
0x5c: {  	v0 =	vmul.f32 v8, v0;
	[tilespmem:s19+$0xFFFFFF60] =	vst v3  }
0x5d: {  	[tilespmem:s19+$0xFFFFFF30] =	vst v4  }
0x5e: {  	[tilespmem:s19+$0xFFFFFF10] =	vst v0;
	v0 =	vld [tilespmem:s19+$0xFFFFFF90]  }
0x5f: {  	v2 =	vld.idx.msk [tilespmem:v1+s26+$0x0], $0xffff  }
0x60: {  	v1 =	vld [tilespmem:s19+$0xFFFFFFA0]  }
0x61: {  	v3 =	vld [tilespmem:s19+$0xFFFFFF80]  }
0x62: {  	v4 =	vld [tilespmem:s19+$0xFFFFFFB0]  }
0x63: {  	v5 =	vld [tilespmem:s19+$0xFFFFFFC0]  }
0x64: {  	v6 =	vld [tilespmem:s19+$0xFFFFFFD0];
	v0 =	vmul.f32 v0, v2  }
0x65: {  	s21 =	simm.s32 $0x2;
	v7 =	vld [tilespmem:s19+$0xFFFFFFF0];
	v1 =	vmul.f32 v1, v2  }
0x66: {  	v8 =	vld [tilespmem:s19+$0xFFFFFFE0];
	v3 =	vmul.f32 v3, v2;
	[tilespmem:s19+$0xFFFFFF90] =	vst v0;
	v0 =	vmov s21  }
0x67: {  	v4 =	vmul.f32 v4, v2;
	[tilespmem:s19+$0xFFFFFFA0] =	vst v1;
	v0 =	vand.u32 $0xFFFFFFFE, v0  }
0x68: {  	v1 =	vmul.f32 v5, v2;
	[tilespmem:s19+$0xFFFFFF80] =	vst v3;
	v5 =	vld [tilespmem:s19+$0x60];
	v9 =	vbroadcast v0, $0x0  }
0x69: {  	v3 =	vmul.f32 v6, v2;
	[tilespmem:s19+$0xFFFFFFB0] =	vst v4;
	v6 =	vld [tilespmem:s19+$0x0]  }
0x6a: {  	v4 =	vmul.f32 v7, v2;
	v0 =	vld [tilespmem:s19+$0x20];
	[tilespmem:s19+$0xFFFFFFC0] =	vst v1  }
0x6b: {  	v2 =	vmul.f32 v8, v2;
	v1 =	vld [tilespmem:s19+$0x30];
	[tilespmem:s19+$0xFFFFFFD0] =	vst v3  }
0x6c: {  	[tilespmem:s19+$0xFFFFFFF0] =	vst v4;
	v3 =	vld [tilespmem:s19+$0x40]  }
0x6d: {  	[tilespmem:s19+$0xFFFFFFE0] =	vst v2;
	v4 =	vld [tilespmem:s19+$0x10]  }
0x6e: {  	s17 =	simm.s32 $0x0;
	s18 =	simm.s32 $0x4;
	s20 =	simm.s32 $0x700;
	v2 =	vld.idx.msk [tilespmem:v9+s26+$0x0], $0xffff  }
.LBB2_2:
0x6f: {  	p1 =	sne.s32 s18, $0x7C  }
0x70: {  	v7 =	vld [tilespmem:s19+$0x50];
	s20 =	sadd.s32 $0x200, s20;
	s8 =	smov.u32 s18;
	s18 =	sadd.s32 $0x4, s18  }
0x71: {  	v8 =	vld [tilespmem:s19+$0x70];
	_ =	sdelay $0x1  }
0x72: {  	v5 =	vmul.f32 v5, v2;
	v6 =	vmul.f32 v6, v2  }
0x73: {  	v3 =	vmul.f32 v3, v2;
	v4 =	vmul.f32 v4, v2  }
0x74: {  	v0 =	vmul.f32 v0, v2;
	v1 =	vmul.f32 v1, v2;
	[tilespmem:s19+$0x60] =	vst v5  }
0x75: {  	[tilespmem:s19+$0x40] =	vst v3;
	v3 =	vmul.f32 v7, v2;
	v2 =	vmul.f32 v8, v2  }
0x76: {  	s21 =	sadd.s32 $0x3, s17;
	s17 =	smov.u32 s8;
	[tilespmem:s19+$0x20] =	vst v0;
	v5 =	vld [tilespmem:s19+$0x80]  }
0x77: {  	v0 =	vld [tilespmem:s20+$0x20];
	[tilespmem:s19+$0x0] =	vst v6;
	v6 =	vmov s21  }
0x78: {  	[tilespmem:s19+$0x50] =	vst v3;
	v3 =	vld [tilespmem:s19+$0xE0]  }
0x79: {  	[tilespmem:s19+$0x30] =	vst v1;
	v7 =	vld [tilespmem:s19+$0xC0]  }
0x7a: {  	v1 =	vld [tilespmem:s20+$0x30];
	[tilespmem:s19+$0x10] =	vst v4  }
0x7b: {  	[tilespmem:s19+$0x70] =	vst v2;
	v2 =	vld [tilespmem:s19+$0xA0]  }
0x7c: {  	v4 =	vld.idx.msk [tilespmem:v6+s26+$0x0], $0xffff  }
0x7d: {  	v6 =	vld [tilespmem:s19+$0x90]  }
0x7e: {  	v8 =	vld [tilespmem:s19+$0xB0]  }
0x7f: {  	v9 =	vld [tilespmem:s19+$0xD0]  }
0x80: {  	v10 =	vld [tilespmem:s19+$0xF0];
	_ =	sdelay $0x1  }
0x81: {  	v5 =	vmul.f32 v5, v4;
	v6 =	vmul.f32 v6, v4  }
0x82: {  	v2 =	vmul.f32 v2, v4;
	v8 =	vmul.f32 v8, v4  }
0x83: {  	v11 =	vmov s17;
	[tilespmem:s19+$0x80] =	vst v5;
	v5 =	vmul.f32 v7, v4;
	v7 =	vmul.f32 v9, v4  }
0x84: {  	v9 =	vand.u32 $0xFFFFFFFC, v11;
	[tilespmem:s19+$0xA0] =	vst v2;
	v2 =	vmul.f32 v3, v4;
	v3 =	vmul.f32 v10, v4  }
0x85: {  	v4 =	vbroadcast v9, $0x0;
	[tilespmem:s19+$0xC0] =	vst v5  }
0x86: {  	[tilespmem:s19+$0xF0] =	vst v3  }
0x87: {  	v3 =	vld [tilespmem:s20+$0xFFFFFF40];
	[tilespmem:s19+$0xE0] =	vst v2  }
0x88: {  	v2 =	vld [tilespmem:s20+$0xFFFFFF50];
	[tilespmem:s19+$0x90] =	vst v6  }
0x89: {  	v5 =	vld [tilespmem:s20+$0xFFFFFF60];
	[tilespmem:s19+$0xB0] =	vst v8  }
0x8a: {  	v6 =	vld [tilespmem:s20+$0xFFFFFF70];
	[tilespmem:s19+$0xD0] =	vst v7;
	s19 =	smov.u32 s20  }
0x8b: {  	v4 =	vld.idx.msk [tilespmem:v4+s26+$0x0], $0xffff  }
0x8c: {  	v7 =	vld [tilespmem:s20+$0xFFFFFF00]  }
0x8d: {  	v8 =	vld [tilespmem:s20+$0xFFFFFF20]  }
0x8e: {  	v9 =	vld [tilespmem:s20+$0xFFFFFF10]  }
0x8f: {  	v10 =	vld [tilespmem:s20+$0xFFFFFF30];
	_ =	sdelay $0x1  }
0x90: {  	v6 =	vmul.f32 v6, v4;
	v7 =	vmul.f32 v7, v4  }
0x91: {  	s8 =	sadd.s32 $0x1, s17;
	v5 =	vmul.f32 v5, v4;
	v8 =	vmul.f32 v8, v4  }
0x92: {  	v2 =	vmul.f32 v2, v4;
	v9 =	vmul.f32 v9, v4;
	[tilespmem:s20+$0xFFFFFF70] =	vst v6;
	v6 =	vmov s8  }
0x93: {  	v3 =	vmul.f32 v3, v4;
	[tilespmem:s20+$0xFFFFFF00] =	vst v7;
	v7 =	vmul.f32 v10, v4;
	v4 =	vand.u32 $0xFFFFFFFD, v6  }
0x94: {  	[tilespmem:s20+$0xFFFFFF20] =	vst v8;
	v4 =	vbroadcast v4, $0x0  }
0x95: {  	[tilespmem:s20+$0xFFFFFF50] =	vst v2  }
0x96: {  	[tilespmem:s20+$0xFFFFFF40] =	vst v3;
	v2 =	vld [tilespmem:s20+$0xFFFFFFF0]  }
0x97: {  	[tilespmem:s20+$0xFFFFFF60] =	vst v5;
	v3 =	vld [tilespmem:s20+$0xFFFFFFC0]  }
0x98: {  	[tilespmem:s20+$0xFFFFFF30] =	vst v7;
	v5 =	vld [tilespmem:s20+$0xFFFFFFD0]  }
0x99: {  	[tilespmem:s20+$0xFFFFFF10] =	vst v9;
	v6 =	vld [tilespmem:s20+$0xFFFFFF90]  }
0x9a: {  	v4 =	vld.idx.msk [tilespmem:v4+s26+$0x0], $0xffff  }
0x9b: {  	v7 =	vld [tilespmem:s20+$0xFFFFFF80]  }
0x9c: {  	v8 =	vld [tilespmem:s20+$0xFFFFFFA0]  }
0x9d: {  	v9 =	vld [tilespmem:s20+$0xFFFFFFB0]  }
0x9e: {  	v10 =	vld [tilespmem:s20+$0xFFFFFFE0];
	_ =	sdelay $0x1  }
0x9f: {  	v6 =	vmul.f32 v6, v4;
	v7 =	vmul.f32 v7, v4  }
0xa0: {  	s8 =	sadd.s32 $0x2, s17;
	v5 =	vmul.f32 v5, v4;
	v8 =	vmul.f32 v8, v4  }
0xa1: {  	v3 =	vmul.f32 v3, v4;
	[tilespmem:s20+$0xFFFFFF90] =	vst v6;
	v6 =	vmul.f32 v9, v4;
	v9 =	vmov s8  }
0xa2: {  	v2 =	vmul.f32 v2, v4;
	[tilespmem:s20+$0xFFFFFFA0] =	vst v8;
	v8 =	vmul.f32 v10, v4;
	v4 =	vand.u32 $0xFFFFFFFE, v9  }
0xa3: {  	[tilespmem:s20+$0xFFFFFF80] =	vst v7;
	v4 =	vbroadcast v4, $0x0  }
0xa4: {  	[tilespmem:s20+$0xFFFFFFB0] =	vst v6  }
0xa5: {  	[tilespmem:s20+$0xFFFFFFC0] =	vst v3  }
0xa6: {  	[tilespmem:s20+$0xFFFFFFD0] =	vst v5  }
.Ltmp0:
0xa7: {  	[tilespmem:s20+$0xFFFFFFF0] =	vst v2;
	v3 =	vld [tilespmem:s20+$0x40];
	(pc) =	sbr.rel @p1 .LBB2_2-.Ltmp0, $4  }
0xa8: {  	[tilespmem:s20+$0xFFFFFFE0] =	vst v8;
	v5 =	vld [tilespmem:s20+$0x60]  }
0xa9: {  	v2 =	vld.idx.msk [tilespmem:v4+s26+$0x0], $0xffff  }
0xaa: {  	v6 =	vld [tilespmem:s20+$0x0]  }
0xab: {  	v4 =	vld [tilespmem:s20+$0x10]  }
0xac: {  	_ =	sdelay $0x1  }
0xad: {  	v5 =	vmul.f32 v5, v2  }
0xae: {  	v7 =	vld [tilespmem:s19+$0x50];
	v3 =	vmul.f32 v3, v2  }
0xaf: {  	v8 =	vld [tilespmem:s19+$0x70];
	v0 =	vmul.f32 v0, v2;
	[tilespmem:s19+$0x60] =	vst v5  }
0xb0: {  	v40 =	vmul.f32 v1, v2;
	[tilespmem:s19+$0x40] =	vst v3  }
0xb1: {  	s8 =	sadd.s32 $0x3, s17;
	v38 =	vmul.f32 v6, v2;
	[tilespmem:s19+$0x20] =	vst v0  }
0xb2: {  	v42 =	vmov s8;
	v4 =	vmul.f32 v4, v2;
	[tilespmem:s19+$0x30] =	vst v40  }
0xb3: {  	v39 =	vmul.f32 v7, v2;
	[tilespmem:s19+$0x0] =	vst v38  }
0xb4: {  	v43 =	vmul.f32 v8, v2;
	[tilespmem:s19+$0x10] =	vst v4  }
0xb5: {  	[tilespmem:s19+$0x50] =	vst v39  }
0xb6: {  	v41 =	vld [tilespmem:s19+$0x80];
	[tilespmem:s19+$0x70] =	vst v43  }
0xb7: {  	v0 =	vld.idx.msk [tilespmem:v42+s26+$0x0], $0xffff  }
0xb8: {  	v44 =	vld [tilespmem:s19+$0xA0]  }
0xb9: {  	v45 =	vld [tilespmem:s19+$0xC0]  }
0xba: {  	v46 =	vld [tilespmem:s19+$0xF0]  }
0xbb: {  	v47 =	vld [tilespmem:s19+$0xE0]  }
0xbc: {  	v48 =	vld [tilespmem:s19+$0x90];
	v1 =	vmul.f32 v41, v0  }
0xbd: {  	v49 =	vld [tilespmem:s19+$0xB0];
	v2 =	vmul.f32 v44, v0  }
0xbe: {  	v50 =	vld [tilespmem:s19+$0xD0];
	v51 =	vmul.f32 v45, v0;
	[tilespmem:s19+$0x80] =	vst v1  }
0xbf: {  	v52 =	vmul.f32 v46, v0;
	[tilespmem:s19+$0xA0] =	vst v2  }
0xc0: {  	v53 =	vmul.f32 v47, v0;
	[tilespmem:s19+$0xC0] =	vst v51  }
0xc1: {  	v54 =	vmul.f32 v48, v0;
	[tilespmem:s19+$0xF0] =	vst v52  }
0xc2: {  	v55 =	vmul.f32 v49, v0;
	[tilespmem:s19+$0xE0] =	vst v53  }
0xc3: {  	v0 =	vmul.f32 v50, v0;
	[tilespmem:s19+$0x90] =	vst v54  }
0xc4: {  	[tilespmem:s19+$0xB0] =	vst v55  }
0xc5: {  	[tilespmem:s19+$0xD0] =	vst v0  }
0xc6: {  	[spmem:s1] =	stream.indirect.scatter.add.f32 [tilespmem:s25], [sflag:$0x5], $0x80, s30, s24, $0xb8;
	[tilespmem:$0x1C880] =	vst v63  }
0xc7: {  	s21 =	rddreg [dreg:$0xd];
	s19 =	simm.s32 $0x0  }
0xc8: {  	[tilespmem:s19], [sflag:$0x1] =	stream.linear.gather [hbm4b:s21+s19], $0x180, $0x38;
	[tilespmem:$0x1C880] =	vst v63  }
0xc9: {  	_ =	swait.ge [sflag:s31], $0x180  }
0xca: {  	[sflag:s31] =	ssyncset.done $0x0  }
0xcb: {  	[sflag:s31] =	ssyncadd.s32 $0xFFFFFE80  }
0xcc: {  	v56 =	vld [tilespmem:$0x300]  }
0xcd: {  	v57 =	vld [tilespmem:$0x310]  }
0xce: {  	v58 =	vld [tilespmem:$0x320]  }
0xcf: {  	v59 =	vld [tilespmem:$0x330]  }
0xd0: {  	v60 =	vld [tilespmem:$0x340]  }
0xd1: {  	v61 =	vld [tilespmem:$0x350];
	[tilespmem:$0x480] =	vst v56  }
0xd2: {  	v62 =	vld [tilespmem:$0x360];
	[tilespmem:$0x490] =	vst v57  }
0xd3: {  	v63 =	vld [tilespmem:$0x370];
	[tilespmem:$0x4A0] =	vst v58  }
0xd4: {  	[tilespmem:$0x4B0] =	vst v59  }
0xd5: {  	[tilespmem:$0x4C0] =	vst v60  }
0xd6: {  	[tilespmem:$0x4D0] =	vst v61  }
0xd7: {  	[tilespmem:$0x4E0] =	vst v62  }
0xd8: {  	[tilespmem:$0x4F0] =	vst v63  }
0xd9: {  	[tilespmem:s0], [sflag:$0x4] =	stream.indirect.gather [hbm4b:s4+s24], $0x80, s22, s24, $0xb8;
	[tilespmem:$0x1C880] =	vst v63  }
0xda: {  	_ = 	snop  }
0xdb: {  	[tilespmem:s7], [sflag:$0x8] =	stream.indirect.gather [spmem:s2], $0x1, s6, s24, $0xb8;
	[tilespmem:$0x1C880] =	vst v63  }
.LBB2_4:
0xdc: {  	s8 =	simm.s32 $0x80  }
0xdd: {  	v0 =	vmov s8  }
0xde: {  	_ =	swait.ge [sflag:s9], $0x4000;
	v0 =	vand.u32 $0xFFFFFFFC, v0  }
0xdf: {  	[sflag:s9] =	ssyncset.done $0x0;
	v0 =	vbroadcast v0, $0x0  }
0xe0: {  	[sflag:s9] =	ssyncadd.s32 $0xFFFFC000  }
0xe1: {  	_ =	swait.ge [sflag:s10], $0x80  }
0xe2: {  	[sflag:s10] =	ssyncset.done $0x0  }
0xe3: {  	s21 =	simm.s32 $0x0;
	[sflag:s10] =	ssyncadd.s32 $0xFFFFFF80  }
0xe4: {  	v1 =	vld [tilespmem:s21+$0x4640]  }
0xe5: {  	v3 =	vld.idx.msk [tilespmem:v0+s26+$0x0], $0xffff  }
0xe6: {  	v0 =	vld [tilespmem:s21+$0x4670]  }
0xe7: {  	v4 =	vld [tilespmem:s21+$0x4650]  }
0xe8: {  	v6 =	vld [tilespmem:s21+$0x4620]  }
0xe9: {  	v5 =	vld [tilespmem:s21+$0x4600]  }
0xea: {  	v7 =	vld [tilespmem:s21+$0x4610]  }
0xeb: {  	v0 =	vmul.f32 v0, v3  }
0xec: {  	v1 =	vmul.f32 v1, v3  }
0xed: {  	v2 =	vld [tilespmem:s21+$0x4630];
	[tilespmem:s21+$0x4670] =	vst v0;
	v0 =	vmul.f32 v6, v3  }
0xee: {  	s20 =	simm.s32 $0x81;
	v8 =	vld [tilespmem:s21+$0x4660];
	[tilespmem:s21+$0x4640] =	vst v1;
	v1 =	vmul.f32 v4, v3  }
0xef: {  	v4 =	vmul.f32 v5, v3;
	v5 =	vmul.f32 v7, v3;
	[tilespmem:s21+$0x4620] =	vst v0;
	v0 =	vmov s20  }
0xf0: {  	v7 =	vand.u32 $0xFFFFFFFD, v0  }
0xf1: {  	s17 =	simm.s32 $0x82;
	[tilespmem:s21+$0x4610] =	vst v5;
	v5 =	vbroadcast v7, $0x0  }
0xf2: {  	v6 =	vmov s17;
	[tilespmem:s21+$0x4650] =	vst v1;
	v1 =	vld [tilespmem:s21+$0x46F0]  }
0xf3: {  	s18 =	simm.s32 $0x83;
	s17 =	simm.s32 $0x83;
	[tilespmem:s21+$0x4600] =	vst v4;
	v4 =	vmul.f32 v8, v3;
	s20 =	simm.s32 $0x800;
	v3 =	vmul.f32 v2, v3;
	v2 =	vld [tilespmem:s21+$0x46E0];
	v0 =	vand.u32 $0xFFFFFFFE, v6  }
.LBB2_5:
0xf4: {  	p1 =	sne.s32 s20, $0xF800  }
0xf5: {  	[tilespmem:s21+$0x4660] =	vst v4;
	v4 =	vld [tilespmem:s21+$0x46B0];
	s18 =	sadd.s32 $0x4, s18;
	s8 =	smov.u32 s20;
	s20 =	sadd.s32 $0x800, s20  }
0xf6: {  	s14 =	sadd.s32 $0xFFFFFFFF, s18;
	[tilespmem:s21+$0x4630] =	vst v3;
	v3 =	vld [tilespmem:s21+$0x4690]  }
0xf7: {  	v6 =	vmov s14;
	v5 =	vld.idx.msk [tilespmem:v5+s26+$0x0], $0xffff  }
0xf8: {  	v6 =	vand.u32 $0xFFFFFFFE, v6;
	v7 =	vld [tilespmem:s21+$0x4680]  }
0xf9: {  	v8 =	vld [tilespmem:s21+$0x46A0]  }
0xfa: {  	v9 =	vld [tilespmem:s21+$0x46C0]  }
0xfb: {  	v10 =	vld [tilespmem:s21+$0x46D0];
	_ =	sdelay $0x1  }
0xfc: {  	v3 =	vmul.f32 v3, v5;
	v7 =	vmul.f32 v7, v5  }
0xfd: {  	v4 =	vmul.f32 v4, v5;
	v8 =	vmul.f32 v8, v5  }
0xfe: {  	v2 =	vmul.f32 v2, v5;
	[tilespmem:s21+$0x4680] =	vst v7;
	v7 =	vmul.f32 v9, v5  }
0xff: {  	v1 =	vmul.f32 v1, v5;
	[tilespmem:s21+$0x46B0] =	vst v4;
	v4 =	vmul.f32 v10, v5  }
0x100: {  	v5 =	vbroadcast v0, $0x0;
	v0 =	vmov v6;
	[tilespmem:s21+$0x46A0] =	vst v8  }
0x101: {  	[tilespmem:s21+$0x4690] =	vst v3  }
0x102: {  	[tilespmem:s21+$0x46F0] =	vst v1  }
0x103: {  	[tilespmem:s21+$0x46C0] =	vst v7;
	v1 =	vld [tilespmem:s21+$0x4750]  }
0x104: {  	[tilespmem:s21+$0x46E0] =	vst v2;
	v2 =	vld [tilespmem:s21+$0x4730]  }
0x105: {  	[tilespmem:s21+$0x46D0] =	vst v4;
	v3 =	vld [tilespmem:s21+$0x4710]  }
0x106: {  	v4 =	vld.idx.msk [tilespmem:v5+s26+$0x0], $0xffff  }
0x107: {  	v5 =	vld [tilespmem:s21+$0x4700]  }
0x108: {  	v6 =	vld [tilespmem:s21+$0x4740]  }
0x109: {  	s14 =	sadd.s32 $0xFFFFFFFD, s18;
	v7 =	vld [tilespmem:s21+$0x4720]  }
0x10a: {  	v8 =	vmov s14;
	v9 =	vld [tilespmem:s21+$0x4760]  }
0x10b: {  	v8 =	vand.u32 $0xFFFFFFFC, v8;
	v10 =	vld [tilespmem:s21+$0x4770]  }
0x10c: {  	v8 =	vbroadcast v8, $0x0;
	v5 =	vmul.f32 v5, v4  }
0x10d: {  	v3 =	vmul.f32 v3, v4;
	v6 =	vmul.f32 v6, v4  }
0x10e: {  	v2 =	vmul.f32 v2, v4;
	[tilespmem:s21+$0x4700] =	vst v5;
	v5 =	vmul.f32 v7, v4  }
0x10f: {  	v1 =	vmul.f32 v1, v4;
	[tilespmem:s21+$0x4710] =	vst v3;
	v3 =	vmul.f32 v9, v4;
	v7 =	vld [tilespmem:s21+$0x47C0]  }
0x110: {  	[tilespmem:s21+$0x4720] =	vst v5;
	v4 =	vmul.f32 v10, v4;
	v5 =	vld [tilespmem:s21+$0x47B0]  }
0x111: {  	[tilespmem:s21+$0x4730] =	vst v2;
	v2 =	vld [tilespmem:s21+$0x4780]  }
0x112: {  	s8 =	sshra.s32 s8, $0x2;
	[tilespmem:s21+$0x4750] =	vst v1;
	v1 =	vmov s17;
	v9 =	vld [tilespmem:s21+$0x47E0];
	s17 =	smov.u32 s18  }
0x113: {  	v10 =	vld [tilespmem:s8+$0x4640];
	[tilespmem:s21+$0x4740] =	vst v6  }
0x114: {  	v6 =	vld [tilespmem:s8+$0x4630];
	[tilespmem:s21+$0x4760] =	vst v3  }
0x115: {  	v11 =	vld [tilespmem:s8+$0x4610];
	[tilespmem:s21+$0x4770] =	vst v4  }
0x116: {  	v12 =	vld [tilespmem:s8+$0x4600]  }
0x117: {  	v1 =	vld.idx.msk [tilespmem:v1+s26+$0x0], $0xffff  }
0x118: {  	v3 =	vld [tilespmem:s21+$0x4790]  }
0x119: {  	v4 =	vld [tilespmem:s21+$0x47A0]  }
0x11a: {  	v13 =	vld [tilespmem:s21+$0x47D0]  }
0x11b: {  	v14 =	vld [tilespmem:s21+$0x47F0]  }
0x11c: {  	v15 =	vld [tilespmem:s8+$0x4670]  }
0x11d: {  	v2 =	vmul.f32 v2, v1;
	v16 =	vld [tilespmem:s8+$0x4660];
	v3 =	vmul.f32 v3, v1  }
0x11e: {  	v5 =	vmul.f32 v5, v1;
	v4 =	vmul.f32 v4, v1  }
0x11f: {  	[tilespmem:s21+$0x4780] =	vst v2;
	v2 =	vmul.f32 v7, v1;
	v7 =	vmul.f32 v13, v1  }
0x120: {  	[tilespmem:s21+$0x47A0] =	vst v4;
	v4 =	vmul.f32 v9, v1;
	v1 =	vmul.f32 v14, v1  }
0x121: {  	[tilespmem:s21+$0x47B0] =	vst v5  }
0x122: {  	[tilespmem:s21+$0x47C0] =	vst v2  }
0x123: {  	[tilespmem:s21+$0x47D0] =	vst v7  }
0x124: {  	[tilespmem:s21+$0x47E0] =	vst v4  }
0x125: {  	[tilespmem:s21+$0x47F0] =	vst v1  }
0x126: {  	[tilespmem:s21+$0x4790] =	vst v3;
	s21 =	smov.u32 s8  }
0x127: {  	v1 =	vld.idx.msk [tilespmem:v8+s26+$0x0], $0xffff;
	_ =	sdelay $0x2  }
0x128: {  	v2 =	vld [tilespmem:s21+$0x4650]  }
0x129: {  	v5 =	vld [tilespmem:s21+$0x4620];
	_ =	sdelay $0x1  }
0x12a: {  	v7 =	vmul.f32 v10, v1;
	v4 =	vmul.f32 v16, v1  }
0x12b: {  	s8 =	sadd.s32 $0xFFFFFFFE, s18;
	v3 =	vmul.f32 v6, v1;
	v6 =	vmul.f32 v15, v1  }
0x12c: {  	v8 =	vmul.f32 v11, v1;
	[tilespmem:s21+$0x4640] =	vst v7;
	v2 =	vmul.f32 v2, v1;
	v7 =	vmov s8  }
.Ltmp1:
0x12d: {  	v9 =	vmul.f32 v12, v1;
	v1 =	vmul.f32 v5, v1;
	[tilespmem:s21+$0x4670] =	vst v6;
	v5 =	vand.u32 $0xFFFFFFFD, v7;
	(pc) =	sbr.rel @p1 .LBB2_5-.Ltmp1, $4  }
0x12e: {  	[tilespmem:s21+$0x4650] =	vst v2;
	v5 =	vbroadcast v5, $0x0  }
0x12f: {  	[tilespmem:s21+$0x4600] =	vst v9  }
0x130: {  	[tilespmem:s21+$0x4620] =	vst v1;
	v1 =	vld [tilespmem:s21+$0x46F0]  }
0x131: {  	[tilespmem:s21+$0x4610] =	vst v8;
	v2 =	vld [tilespmem:s21+$0x46E0]  }
0x132: {  	_ =	sdelay $0x1  }
0x133: {  	[tilespmem:s21+$0x4660] =	vst v4  }
0x134: {  	[tilespmem:s21+$0x4630] =	vst v3  }
0x135: {  	v3 =	vld.idx.msk [tilespmem:v5+s26+$0x0], $0xffff  }
0x136: {  	v5 =	vld [tilespmem:s21+$0x4680]  }
0x137: {  	v4 =	vld [tilespmem:s21+$0x46B0]  }
0x138: {  	v6 =	vld [tilespmem:s21+$0x46A0];
	_ =	sdelay $0x1  }
0x139: {  	v7 =	vld [tilespmem:s21+$0x4690]  }
0x13a: {  	v8 =	vld [tilespmem:s21+$0x46C0];
	v5 =	vmul.f32 v5, v3  }
0x13b: {  	v4 =	vmul.f32 v4, v3  }
0x13c: {  	v9 =	vld [tilespmem:s21+$0x46D0];
	v6 =	vmul.f32 v6, v3;
	[tilespmem:s21+$0x4680] =	vst v5  }
0x13d: {  	v1 =	vmul.f32 v1, v3;
	[tilespmem:s21+$0x46B0] =	vst v4  }
0x13e: {  	v0 =	vbroadcast v0, $0x0;
	v5 =	vmul.f32 v7, v3;
	[tilespmem:s21+$0x46A0] =	vst v6  }
0x13f: {  	v4 =	vmul.f32 v8, v3;
	[tilespmem:s21+$0x46F0] =	vst v1  }
0x140: {  	v1 =	vmul.f32 v2, v3;
	[tilespmem:s21+$0x4690] =	vst v5  }
0x141: {  	v3 =	vmul.f32 v9, v3;
	[tilespmem:s21+$0x46C0] =	vst v4  }
0x142: {  	[tilespmem:s21+$0x46E0] =	vst v1  }
0x143: {  	[tilespmem:s21+$0x46D0] =	vst v3;
	v3 =	vld [tilespmem:s21+$0x4700]  }
0x144: {  	v0 =	vld.idx.msk [tilespmem:v0+s26+$0x0], $0xffff  }
0x145: {  	v4 =	vld [tilespmem:s21+$0x4710]  }
0x146: {  	v1 =	vld [tilespmem:s21+$0x4730]  }
0x147: {  	v2 =	vld [tilespmem:s21+$0x4750]  }
0x148: {  	v5 =	vld [tilespmem:s21+$0x4720]  }
0x149: {  	v6 =	vld [tilespmem:s21+$0x4740];
	v3 =	vmul.f32 v3, v0  }
0x14a: {  	v7 =	vld [tilespmem:s21+$0x4760];
	v4 =	vmul.f32 v4, v0  }
0x14b: {  	v8 =	vld [tilespmem:s21+$0x4770];
	v1 =	vmul.f32 v1, v0;
	[tilespmem:s21+$0x4700] =	vst v3  }
0x14c: {  	v2 =	vmul.f32 v2, v0;
	[tilespmem:s21+$0x4710] =	vst v4  }
0x14d: {  	v3 =	vmul.f32 v5, v0;
	[tilespmem:s21+$0x4730] =	vst v1  }
0x14e: {  	v5 =	vmul.f32 v6, v0;
	[tilespmem:s21+$0x4750] =	vst v2;
	v2 =	vmov s17  }
0x14f: {  	v6 =	vmul.f32 v7, v0;
	[tilespmem:s21+$0x4720] =	vst v3  }
0x150: {  	v0 =	vmul.f32 v8, v0;
	[tilespmem:s21+$0x4740] =	vst v5  }
0x151: {  	[tilespmem:s21+$0x4760] =	vst v6  }
0x152: {  	v1 =	vld [tilespmem:s21+$0x4780];
	[tilespmem:s21+$0x4770] =	vst v0  }
0x153: {  	v0 =	vld.idx.msk [tilespmem:v2+s26+$0x0], $0xffff  }
0x154: {  	v2 =	vld [tilespmem:s21+$0x47A0]  }
0x155: {  	v3 =	vld [tilespmem:s21+$0x47B0]  }
0x156: {  	v4 =	vld [tilespmem:s21+$0x47C0]  }
0x157: {  	v5 =	vld [tilespmem:s21+$0x47D0]  }
0x158: {  	v7 =	vld [tilespmem:s21+$0x47E0];
	v1 =	vmul.f32 v1, v0  }
0x159: {  	v8 =	vld [tilespmem:s21+$0x47F0];
	v2 =	vmul.f32 v2, v0  }
0x15a: {  	v6 =	vld [tilespmem:s21+$0x4790];
	v3 =	vmul.f32 v3, v0;
	[tilespmem:s21+$0x4780] =	vst v1  }
0x15b: {  	v1 =	vmul.f32 v4, v0;
	[tilespmem:s21+$0x47A0] =	vst v2  }
0x15c: {  	v2 =	vmul.f32 v5, v0;
	[tilespmem:s21+$0x47B0] =	vst v3  }
0x15d: {  	v3 =	vmul.f32 v7, v0;
	[tilespmem:s21+$0x47C0] =	vst v1  }
0x15e: {  	v1 =	vmul.f32 v8, v0;
	[tilespmem:s21+$0x47D0] =	vst v2  }
0x15f: {  	v0 =	vmul.f32 v6, v0;
	[tilespmem:s21+$0x47E0] =	vst v3  }
0x160: {  	[tilespmem:s21+$0x47F0] =	vst v1  }
0x161: {  	s8 =	simm.s32 $0x480;
	[tilespmem:s21+$0x4790] =	vst v0;
	s21 =	sshll.u32 s19, $0x1  }
0x162: {  	[spmem:s1] =	stream.indirect.scatter.add.f32 [tilespmem:s0], [sflag:$0x6], $0x80, s8, s24, $0xb8;
	[tilespmem:$0x1C880] =	vst v63  }
0x163: {  	s11 =	sadd.s32 s21, s15  }
0x164: {  	s8 =	sshll.u32 s11, $0x6  }
0x165: {  	s8 =	sand.u32 $0x1FFFFFC0, s8  }
0x166: {  	s18 =	simm.s32 $0x0;
	s8 =	sadd.s32 s5, s8  }
0x167: {  	[tilespmem:s22], [sflag:$0x2] =	stream.linear.gather [hbm4b:s8+s18], $0x180, $0x38;
	[tilespmem:$0x1C880] =	vst v63  }
0x168: {  	_ =	swait.ge [sflag:s12], $0x4000  }
0x169: {  	[sflag:s12] =	ssyncset.done $0x0  }
0x16a: {  	[sflag:s12] =	ssyncadd.s32 $0xFFFFC000  }
0x16b: {  	_ =	swait.ge [sflag:s23], $0x180  }
0x16c: {  	[sflag:s23] =	ssyncset.done $0x0  }
0x16d: {  	[sflag:s23] =	ssyncadd.s32 $0xFFFFFE80  }
0x16e: {  	v0 =	vld [tilespmem:$0x100]  }
0x16f: {  	v1 =	vld [tilespmem:$0x110]  }
0x170: {  	v2 =	vld [tilespmem:$0x120]  }
0x171: {  	v3 =	vld [tilespmem:$0x130]  }
0x172: {  	v4 =	vld [tilespmem:$0x140]  }
0x173: {  	[tilespmem:$0x400] =	vst v0;
	v0 =	vld [tilespmem:$0x150]  }
0x174: {  	[tilespmem:$0x410] =	vst v1;
	v1 =	vld [tilespmem:$0x160]  }
0x175: {  	[tilespmem:$0x420] =	vst v2;
	v2 =	vld [tilespmem:$0x170]  }
0x176: {  	[tilespmem:$0x430] =	vst v3  }
0x177: {  	[tilespmem:$0x440] =	vst v4  }
0x178: {  	[tilespmem:$0x450] =	vst v0  }
0x179: {  	[tilespmem:$0x460] =	vst v1  }
0x17a: {  	[tilespmem:$0x470] =	vst v2  }
0x17b: {  	[tilespmem:s25], [sflag:$0x3] =	stream.indirect.gather [hbm4b:s4+s24], $0x80, s18, s24, $0xb8;
	[tilespmem:$0x1C880] =	vst v63  }
0x17c: {  	_ = 	snop  }
0x17d: {  	v0 =	vmov s18;
	[tilespmem:s26], [sflag:$0x7] =	stream.indirect.gather [spmem:s2], $0x1, s24, s24, $0xb8;
	[tilespmem:$0x1C880] =	vst v63  }
0x17e: {  	v0 =	vand.u32 $0xFFFFFFFC, v0;
	_ =	swait.ge [sflag:s28], $0x4000  }
0x17f: {  	v0 =	vbroadcast v0, $0x0;
	[sflag:s28] =	ssyncset.done $0x0  }
0x180: {  	[sflag:s28] =	ssyncadd.s32 $0xFFFFC000  }
0x181: {  	_ =	swait.ge [sflag:s29], $0x80  }
0x182: {  	[sflag:s29] =	ssyncset.done $0x0  }
0x183: {  	s17 =	simm.s32 $0x700;
	[sflag:s29] =	ssyncadd.s32 $0xFFFFFF80  }
0x184: {  	v1 =	vld [tilespmem:s17+$0xFFFFFF70]  }
0x185: {  	v0 =	vld.idx.msk [tilespmem:v0+s26+$0x0], $0xffff  }
0x186: {  	v2 =	vld [tilespmem:s17+$0xFFFFFF00]  }
0x187: {  	v3 =	vld [tilespmem:s17+$0xFFFFFF20]  }
0x188: {  	v4 =	vld [tilespmem:s17+$0xFFFFFF50]  }
0x189: {  	v5 =	vld [tilespmem:s17+$0xFFFFFF40]  }
0x18a: {  	v6 =	vld [tilespmem:s17+$0xFFFFFF60];
	v1 =	vmul.f32 v1, v0  }
0x18b: {  	s14 =	simm.s32 $0x1;
	v7 =	vld [tilespmem:s17+$0xFFFFFF30];
	v2 =	vmul.f32 v2, v0  }
0x18c: {  	v8 =	vld [tilespmem:s17+$0xFFFFFF10];
	v3 =	vmul.f32 v3, v0;
	[tilespmem:s17+$0xFFFFFF70] =	vst v1;
	v1 =	vmov s14  }
0x18d: {  	v4 =	vmul.f32 v4, v0;
	[tilespmem:s17+$0xFFFFFF00] =	vst v2;
	v1 =	vand.u32 $0xFFFFFFFD, v1  }
0x18e: {  	v2 =	vmul.f32 v5, v0;
	[tilespmem:s17+$0xFFFFFF20] =	vst v3;
	v1 =	vbroadcast v1, $0x0  }
0x18f: {  	v3 =	vmul.f32 v6, v0;
	[tilespmem:s17+$0xFFFFFF50] =	vst v4  }
0x190: {  	v4 =	vmul.f32 v7, v0;
	[tilespmem:s17+$0xFFFFFF40] =	vst v2  }
0x191: {  	v0 =	vmul.f32 v8, v0;
	[tilespmem:s17+$0xFFFFFF60] =	vst v3  }
0x192: {  	[tilespmem:s17+$0xFFFFFF30] =	vst v4  }
0x193: {  	[tilespmem:s17+$0xFFFFFF10] =	vst v0;
	v0 =	vld [tilespmem:s17+$0xFFFFFF90]  }
0x194: {  	v2 =	vld.idx.msk [tilespmem:v1+s26+$0x0], $0xffff  }
0x195: {  	v1 =	vld [tilespmem:s17+$0xFFFFFFA0]  }
0x196: {  	v3 =	vld [tilespmem:s17+$0xFFFFFF80]  }
0x197: {  	v4 =	vld [tilespmem:s17+$0xFFFFFFB0]  }
0x198: {  	v5 =	vld [tilespmem:s17+$0xFFFFFFC0]  }
0x199: {  	v6 =	vld [tilespmem:s17+$0xFFFFFFD0];
	v0 =	vmul.f32 v0, v2  }
0x19a: {  	s20 =	simm.s32 $0x2;
	v7 =	vld [tilespmem:s17+$0xFFFFFFF0];
	v1 =	vmul.f32 v1, v2  }
0x19b: {  	v8 =	vld [tilespmem:s17+$0xFFFFFFE0];
	v3 =	vmul.f32 v3, v2;
	[tilespmem:s17+$0xFFFFFF90] =	vst v0;
	v0 =	vmov s20  }
0x19c: {  	v4 =	vmul.f32 v4, v2;
	[tilespmem:s17+$0xFFFFFFA0] =	vst v1;
	v0 =	vand.u32 $0xFFFFFFFE, v0  }
0x19d: {  	v1 =	vmul.f32 v5, v2;
	[tilespmem:s17+$0xFFFFFF80] =	vst v3;
	v5 =	vld [tilespmem:s17+$0x60];
	v63 =	vbroadcast v0, $0x0  }
0x19e: {  	v3 =	vmul.f32 v6, v2;
	[tilespmem:s17+$0xFFFFFFB0] =	vst v4;
	v6 =	vld [tilespmem:s17+$0x0]  }
0x19f: {  	v4 =	vmul.f32 v7, v2;
	v0 =	vld [tilespmem:s17+$0x20];
	[tilespmem:s17+$0xFFFFFFC0] =	vst v1  }
0x1a0: {  	v2 =	vmul.f32 v8, v2;
	v1 =	vld [tilespmem:s17+$0x30];
	[tilespmem:s17+$0xFFFFFFD0] =	vst v3  }
0x1a1: {  	[tilespmem:s17+$0xFFFFFFF0] =	vst v4;
	v3 =	vld [tilespmem:s17+$0x40]  }
0x1a2: {  	[tilespmem:s17+$0xFFFFFFE0] =	vst v2;
	v4 =	vld [tilespmem:s17+$0x10]  }
0x1a3: {  	s8 =	simm.s32 $0x700;
	s20 =	simm.s32 $0x4;
	v2 =	vld.idx.msk [tilespmem:v63+s26+$0x0], $0xffff  }
.LBB2_7:
0x1a4: {  	p1 =	sne.s32 s20, $0x7C  }
0x1a5: {  	v7 =	vld [tilespmem:s17+$0x50];
	s8 =	sadd.s32 $0x200, s8;
	s14 =	smov.u32 s20;
	s20 =	sadd.s32 $0x4, s20  }
0x1a6: {  	v8 =	vld [tilespmem:s17+$0x70];
	_ =	sdelay $0x1  }
0x1a7: {  	v5 =	vmul.f32 v5, v2;
	v6 =	vmul.f32 v6, v2  }
0x1a8: {  	v3 =	vmul.f32 v3, v2;
	v4 =	vmul.f32 v4, v2  }
0x1a9: {  	v0 =	vmul.f32 v0, v2;
	v1 =	vmul.f32 v1, v2;
	[tilespmem:s17+$0x60] =	vst v5  }
0x1aa: {  	[tilespmem:s17+$0x40] =	vst v3;
	v3 =	vmul.f32 v7, v2;
	v2 =	vmul.f32 v8, v2  }
0x1ab: {  	s11 =	sadd.s32 $0x3, s18;
	s18 =	smov.u32 s14;
	[tilespmem:s17+$0x20] =	vst v0;
	v5 =	vld [tilespmem:s17+$0x80]  }
0x1ac: {  	v0 =	vld [tilespmem:s8+$0x20];
	[tilespmem:s17+$0x0] =	vst v6;
	v6 =	vmov s11  }
0x1ad: {  	[tilespmem:s17+$0x50] =	vst v3;
	v3 =	vld [tilespmem:s17+$0xE0]  }
0x1ae: {  	[tilespmem:s17+$0x30] =	vst v1;
	v7 =	vld [tilespmem:s17+$0xC0]  }
0x1af: {  	v1 =	vld [tilespmem:s8+$0x30];
	[tilespmem:s17+$0x10] =	vst v4  }
0x1b0: {  	[tilespmem:s17+$0x70] =	vst v2;
	v2 =	vld [tilespmem:s17+$0xA0]  }
0x1b1: {  	v4 =	vld.idx.msk [tilespmem:v6+s26+$0x0], $0xffff  }
0x1b2: {  	v6 =	vld [tilespmem:s17+$0x90]  }
0x1b3: {  	v8 =	vld [tilespmem:s17+$0xB0]  }
0x1b4: {  	v9 =	vld [tilespmem:s17+$0xD0]  }
0x1b5: {  	v10 =	vld [tilespmem:s17+$0xF0];
	_ =	sdelay $0x1  }
0x1b6: {  	v5 =	vmul.f32 v5, v4;
	v6 =	vmul.f32 v6, v4  }
0x1b7: {  	v2 =	vmul.f32 v2, v4;
	v8 =	vmul.f32 v8, v4  }
0x1b8: {  	v11 =	vmov s18;
	[tilespmem:s17+$0x80] =	vst v5;
	v5 =	vmul.f32 v7, v4;
	v7 =	vmul.f32 v9, v4  }
0x1b9: {  	v9 =	vand.u32 $0xFFFFFFFC, v11;
	[tilespmem:s17+$0xA0] =	vst v2;
	v2 =	vmul.f32 v3, v4;
	v3 =	vmul.f32 v10, v4  }
0x1ba: {  	v4 =	vbroadcast v9, $0x0;
	[tilespmem:s17+$0xC0] =	vst v5  }
0x1bb: {  	[tilespmem:s17+$0xF0] =	vst v3  }
0x1bc: {  	v3 =	vld [tilespmem:s8+$0xFFFFFF40];
	[tilespmem:s17+$0xE0] =	vst v2  }
0x1bd: {  	v2 =	vld [tilespmem:s8+$0xFFFFFF50];
	[tilespmem:s17+$0x90] =	vst v6  }
0x1be: {  	v5 =	vld [tilespmem:s8+$0xFFFFFF60];
	[tilespmem:s17+$0xB0] =	vst v8  }
0x1bf: {  	v6 =	vld [tilespmem:s8+$0xFFFFFF70];
	[tilespmem:s17+$0xD0] =	vst v7;
	s17 =	smov.u32 s8  }
0x1c0: {  	v4 =	vld.idx.msk [tilespmem:v4+s26+$0x0], $0xffff  }
0x1c1: {  	v7 =	vld [tilespmem:s8+$0xFFFFFF00]  }
0x1c2: {  	v8 =	vld [tilespmem:s8+$0xFFFFFF20]  }
0x1c3: {  	v9 =	vld [tilespmem:s8+$0xFFFFFF10]  }
0x1c4: {  	v10 =	vld [tilespmem:s8+$0xFFFFFF30];
	_ =	sdelay $0x1  }
0x1c5: {  	v6 =	vmul.f32 v6, v4;
	v7 =	vmul.f32 v7, v4  }
0x1c6: {  	s11 =	sadd.s32 $0x1, s18;
	v5 =	vmul.f32 v5, v4;
	v8 =	vmul.f32 v8, v4  }
0x1c7: {  	v2 =	vmul.f32 v2, v4;
	v9 =	vmul.f32 v9, v4;
	[tilespmem:s8+$0xFFFFFF70] =	vst v6;
	v6 =	vmov s11  }
0x1c8: {  	v3 =	vmul.f32 v3, v4;
	[tilespmem:s8+$0xFFFFFF00] =	vst v7;
	v7 =	vmul.f32 v10, v4;
	v4 =	vand.u32 $0xFFFFFFFD, v6  }
0x1c9: {  	[tilespmem:s8+$0xFFFFFF20] =	vst v8;
	v4 =	vbroadcast v4, $0x0  }
0x1ca: {  	[tilespmem:s8+$0xFFFFFF50] =	vst v2  }
0x1cb: {  	[tilespmem:s8+$0xFFFFFF40] =	vst v3;
	v2 =	vld [tilespmem:s8+$0xFFFFFFF0]  }
0x1cc: {  	[tilespmem:s8+$0xFFFFFF60] =	vst v5;
	v3 =	vld [tilespmem:s8+$0xFFFFFFC0]  }
0x1cd: {  	[tilespmem:s8+$0xFFFFFF30] =	vst v7;
	v5 =	vld [tilespmem:s8+$0xFFFFFFD0]  }
0x1ce: {  	[tilespmem:s8+$0xFFFFFF10] =	vst v9;
	v6 =	vld [tilespmem:s8+$0xFFFFFF90]  }
0x1cf: {  	v4 =	vld.idx.msk [tilespmem:v4+s26+$0x0], $0xffff  }
0x1d0: {  	v7 =	vld [tilespmem:s8+$0xFFFFFF80]  }
0x1d1: {  	v8 =	vld [tilespmem:s8+$0xFFFFFFA0]  }
0x1d2: {  	v9 =	vld [tilespmem:s8+$0xFFFFFFB0]  }
0x1d3: {  	v10 =	vld [tilespmem:s8+$0xFFFFFFE0];
	_ =	sdelay $0x1  }
0x1d4: {  	v6 =	vmul.f32 v6, v4;
	v7 =	vmul.f32 v7, v4  }
0x1d5: {  	s11 =	sadd.s32 $0x2, s18;
	v5 =	vmul.f32 v5, v4;
	v8 =	vmul.f32 v8, v4  }
0x1d6: {  	v3 =	vmul.f32 v3, v4;
	[tilespmem:s8+$0xFFFFFF90] =	vst v6;
	v6 =	vmul.f32 v9, v4;
	v9 =	vmov s11  }
0x1d7: {  	v2 =	vmul.f32 v2, v4;
	[tilespmem:s8+$0xFFFFFFA0] =	vst v8;
	v8 =	vmul.f32 v10, v4;
	v4 =	vand.u32 $0xFFFFFFFE, v9  }
0x1d8: {  	[tilespmem:s8+$0xFFFFFF80] =	vst v7;
	v4 =	vbroadcast v4, $0x0  }
0x1d9: {  	[tilespmem:s8+$0xFFFFFFB0] =	vst v6  }
0x1da: {  	[tilespmem:s8+$0xFFFFFFC0] =	vst v3  }
0x1db: {  	[tilespmem:s8+$0xFFFFFFD0] =	vst v5  }
.Ltmp2:
0x1dc: {  	[tilespmem:s8+$0xFFFFFFF0] =	vst v2;
	v3 =	vld [tilespmem:s8+$0x40];
	(pc) =	sbr.rel @p1 .LBB2_7-.Ltmp2, $4  }
0x1dd: {  	[tilespmem:s8+$0xFFFFFFE0] =	vst v8;
	v5 =	vld [tilespmem:s8+$0x60]  }
0x1de: {  	v2 =	vld.idx.msk [tilespmem:v4+s26+$0x0], $0xffff  }
0x1df: {  	v6 =	vld [tilespmem:s8+$0x0]  }
0x1e0: {  	v4 =	vld [tilespmem:s8+$0x10]  }
0x1e1: {  	_ =	sdelay $0x1  }
0x1e2: {  	v5 =	vmul.f32 v5, v2  }
0x1e3: {  	v7 =	vld [tilespmem:s17+$0x50];
	v3 =	vmul.f32 v3, v2  }
0x1e4: {  	v8 =	vld [tilespmem:s17+$0x70];
	v0 =	vmul.f32 v0, v2;
	[tilespmem:s17+$0x60] =	vst v5  }
0x1e5: {  	v40 =	vmul.f32 v1, v2;
	[tilespmem:s17+$0x40] =	vst v3  }
0x1e6: {  	s8 =	sadd.s32 $0x3, s18;
	v38 =	vmul.f32 v6, v2;
	[tilespmem:s17+$0x20] =	vst v0  }
0x1e7: {  	v42 =	vmov s8;
	v4 =	vmul.f32 v4, v2;
	[tilespmem:s17+$0x30] =	vst v40  }
0x1e8: {  	v39 =	vmul.f32 v7, v2;
	[tilespmem:s17+$0x0] =	vst v38  }
0x1e9: {  	v43 =	vmul.f32 v8, v2;
	[tilespmem:s17+$0x10] =	vst v4  }
0x1ea: {  	[tilespmem:s17+$0x50] =	vst v39  }
0x1eb: {  	v41 =	vld [tilespmem:s17+$0x80];
	[tilespmem:s17+$0x70] =	vst v43  }
0x1ec: {  	v0 =	vld.idx.msk [tilespmem:v42+s26+$0x0], $0xffff  }
0x1ed: {  	v44 =	vld [tilespmem:s17+$0xA0]  }
0x1ee: {  	v45 =	vld [tilespmem:s17+$0xC0]  }
0x1ef: {  	v46 =	vld [tilespmem:s17+$0xF0]  }
0x1f0: {  	v47 =	vld [tilespmem:s17+$0xE0]  }
0x1f1: {  	v48 =	vld [tilespmem:s17+$0x90];
	v1 =	vmul.f32 v41, v0  }
0x1f2: {  	v49 =	vld [tilespmem:s17+$0xB0];
	v2 =	vmul.f32 v44, v0  }
0x1f3: {  	v50 =	vld [tilespmem:s17+$0xD0];
	v51 =	vmul.f32 v45, v0;
	[tilespmem:s17+$0x80] =	vst v1  }
0x1f4: {  	v52 =	vmul.f32 v46, v0;
	[tilespmem:s17+$0xA0] =	vst v2  }
0x1f5: {  	v53 =	vmul.f32 v47, v0;
	[tilespmem:s17+$0xC0] =	vst v51  }
0x1f6: {  	v54 =	vmul.f32 v48, v0;
	[tilespmem:s17+$0xF0] =	vst v52  }
0x1f7: {  	v55 =	vmul.f32 v49, v0;
	[tilespmem:s17+$0xE0] =	vst v53  }
0x1f8: {  	s21 =	sadd.s32 s21, s16;
	v0 =	vmul.f32 v50, v0;
	[tilespmem:s17+$0x90] =	vst v54  }
0x1f9: {  	s8 =	sshll.u32 s21, $0x6;
	[tilespmem:s17+$0xB0] =	vst v55  }
0x1fa: {  	s8 =	sand.u32 $0x1FFFFFC0, s8;
	[tilespmem:s17+$0xD0] =	vst v0  }
0x1fb: {  	[spmem:s1] =	stream.indirect.scatter.add.f32 [tilespmem:s25], [sflag:$0x5], $0x80, s30, s24, $0xb8;
	[tilespmem:$0x1C880] =	vst v63  }
0x1fc: {  	s8 =	sadd.s32 s5, s8  }
0x1fd: {  	[tilespmem:s3], [sflag:$0x1] =	stream.linear.gather [hbm4b:s8+s3], $0x180, $0x38;
	[tilespmem:$0x1C880] =	vst v63  }
0x1fe: {  	_ =	swait.ge [sflag:s13], $0x4000  }
0x1ff: {  	[sflag:s13] =	ssyncset.done $0x0  }
0x200: {  	[sflag:s13] =	ssyncadd.s32 $0xFFFFC000  }
0x201: {  	_ =	swait.ge [sflag:s31], $0x180  }
0x202: {  	[sflag:s31] =	ssyncset.done $0x0  }
0x203: {  	[sflag:s31] =	ssyncadd.s32 $0xFFFFFE80  }
0x204: {  	v56 =	vld [tilespmem:$0x300]  }
0x205: {  	v57 =	vld [tilespmem:$0x310]  }
0x206: {  	v58 =	vld [tilespmem:$0x320]  }
0x207: {  	v59 =	vld [tilespmem:$0x330]  }
0x208: {  	v60 =	vld [tilespmem:$0x340]  }
0x209: {  	v61 =	vld [tilespmem:$0x350];
	[tilespmem:$0x480] =	vst v56  }
0x20a: {  	v62 =	vld [tilespmem:$0x360];
	[tilespmem:$0x490] =	vst v57  }
0x20b: {  	v63 =	vld [tilespmem:$0x370];
	[tilespmem:$0x4A0] =	vst v58  }
0x20c: {  	[tilespmem:$0x4B0] =	vst v59  }
0x20d: {  	s19 =	sadd.s32 $0x1, s19;
	[tilespmem:$0x4C0] =	vst v60  }
0x20e: {  	p1 =	sne.s32 s19, $0x27;
	[tilespmem:$0x4D0] =	vst v61  }
.Ltmp3:
0x20f: {  	[tilespmem:$0x4E0] =	vst v62;
	(pc) =	sbr.rel @p1 .LBB2_4-.Ltmp3, $4  }
0x210: {  	[tilespmem:$0x4F0] =	vst v63  }
0x211: {  	[tilespmem:s0], [sflag:$0x4] =	stream.indirect.gather [hbm4b:s4+s24], $0x80, s22, s24, $0xb8;
	[tilespmem:$0x1C880] =	vst v63  }
0x212: {  	_ = 	snop  }
0x213: {  	[tilespmem:s7], [sflag:$0x8] =	stream.indirect.gather [spmem:s2], $0x1, s6, s24, $0xb8;
	[tilespmem:$0x1C880] =	vst v63  }
0x214: {  	_ =	swait.ge [sflag:s12], $0x4000  }
0x215: {  	[sflag:s12] =	ssyncset.done $0x0  }
0x216: {  	[sflag:s12] =	ssyncadd.s32 $0xFFFFC000  }
0x217: {  	_ =	swait.ge [sflag:s9], $0x4000  }
0x218: {  	[sflag:s9] =	ssyncset.done $0x0  }
0x219: {  	[sflag:s9] =	ssyncadd.s32 $0xFFFFC000  }
0x21a: {  	_ =	swait.ge [sflag:s10], $0x80  }
0x21b: {  	[sflag:s10] =	ssyncset.done $0x0  }
0x21c: {  	[sflag:s10] =	ssyncadd.s32 $0xFFFFFF80  }
0x21d: {  	_ =	swait.ge [sflag:s23], $0x180  }
0x21e: {  	[sflag:s23] =	ssyncset.done $0x0  }
0x21f: {  	[sflag:s23] =	ssyncadd.s32 $0xFFFFFE80  }
0x220: {  	[bflag:$0x0] =	sbarrier.arrive $0xFFFF  }
0x221: {  	s14 =	rddreg [dreg:$0x7]  }
0x222: {  	s8 =	rddreg [dreg:$0xe]  }
0x223: {  	s17 =	simm.s32 $0x9;
	s11 =	rddreg [dreg:$0x13]  }
0x224: {  	[hbm:s8], [sflag:s14] =	dma.local [spmem:s11], $0x2700  }
0x225: {  	_ =	swait.ge [sflag:s17], $0x2700  }
0x226: {  	[sflag:s17] =	ssyncset.done $0x0;
	s8 =	rddreg [dreg:$0xf]  }
0x227: {  	s11 =	rddreg [dreg:$0x14];
	[sflag:s17] =	ssyncadd.s32 $0xFFFFD900  }
0x228: {  	[hbm:s8], [sflag:s14] =	dma.local @!p0 [spmem:s11], $0x100  }
0x229: {  	s8 =	simm.s32 @!p0 $0x9  }
0x22a: {  	_ =	swait.ge @!p0 [sflag:s8], $0x100  }
0x22b: {  	s18 =	rddreg [dreg:$0x12]  }
0x22c: {  	s21 =	rddreg [dreg:$0x10];
	s18 =	sadd.s32 $0x1, s18  }
0x22d: {  	p1 =	sne.s32 s18, s21  }
.Ltmp4:
0x22e: {  	_ = 	snop;
	(pc) =	sbr.rel @p1 .LBB2_1-.Ltmp4, $3  }
0x22f: {  	_ =	sdelay $0x1  }
0x230: {  	[sflag:s8] =	ssyncset.done @!p0 $0x0  }
0x231: {  	[sflag:s8] =	ssyncadd.s32 @!p0 $0xFFFFFF00  }
0x232: {  	_ =	sfence.sel $0x180000  }
0x233: {  	[bflag:$0x0] =	sbarrier.arrive $0xFFFF  }
0x234: {  	_ =	strace $0x9000004A  }
0x235: {  	[bflag:$0x2] =	sbarrier.arrive $0xFFFF  }
0x236: {  	s0 =	rddreg [dreg:$0x4]  }
0x237: {  	s0 =	sadd.s32 @!p0 $0x100000, s0  }
0x238: {  	[sflag:s0] =	ssyncadd.tile.s32 @!p0 $0x1;
	_ =	shalt  }
.Lfunc_end2:
_tile_overlayer_lowered:
.L_overlay_start_2:
0x239: {  	(tag) =	ssettag $0x2  }
0x23a: {  	s0 =	rddreg [dreg:$0x0];
	s2 =	stileid.u32  }
0x23b: {  	s1 =	rddreg [dreg:$0x1];
	p0 =	sne.s32 s2, $0x0  }
0x23c: {  	s3 =	rddreg [dreg:$0x2];
	[bflag:$0x3] =	sbarrier.arrive $0xFFFF;
	s2 =	simm.s32 @!p0 $0x1C09  }
0x23d: {  	[timem:s3], [sflag:s2] =	dma.local @!p0 [hbm:s0], s1  }
0x23e: {  	s0 =	simm.s32 @!p0 $0x9  }
0x23f: {  	_ =	swait.ge @!p0 [sflag:s0], s1  }
0x240: {  	s1 =	ssub.s32 @!p0 $0x0, s1;
	[sflag:s0] =	ssyncset.done @!p0 $0x0  }
0x241: {  	[sflag:s0] =	ssyncadd.s32 @!p0 s1  }
0x242: {  	[bflag:$0x3] =	sbarrier.arrive $0xFFFF  }
0x243: {  	_ =	shalt  }

// kernel: kernel.17.cloned.1.call-start
scs
__scs_entry_jumppad:
0x0: {  	(pc) =	sbr.rel $0x88, $3  }
0x1: {  	(tag) =	ssettag $0x0;
	lr =	simm.s32 $0x1  }
0x2: {  	[smem:$0x3F97] =	sst lr;
	_ =	strace $0xD0000000  }
0x3: {  	_ = 	snop  }
0x4: {  	_ = 	snop  }
0x5: {  	_ = 	snop  }
0x6: {  	_ = 	snop  }
0x7: {  	_ = 	snop  }
__scs_overlays_trampoline_lowered:
0x8: {  	[smem:$0x3FA6] =	sst s0  }
0x9: {  	[smem:$0x3FA7] =	sst s1  }
0xa: {  	[smem:$0x3FA8] =	sst s2  }
0xb: {  	[smem:$0x3FA9] =	sst s3  }
0xc: {  	[smem:$0x3FAA] =	sst s4  }
0xd: {  	[smem:$0x3FAB] =	sst s5  }
0xe: {  	[smem:$0x3FAC] =	sst s6  }
0xf: {  	[smem:$0x3FAD] =	sst s7  }
0x10: {  	[smem:$0x3FAE] =	sst s8  }
0x11: {  	[smem:$0x3FAF] =	sst s9;
	s0 =	simm.s32 @!p0 $0x0  }
0x12: {  	s1 =	sld [smem:$0x3F95];
	s0 =	simm.s32 @p0 $0x1  }
0x13: {  	[smem:$0x3FB0] =	sst s0;
	s0 =	simm.s32 @!p1 $0x0  }
0x14: {  	s2 =	sld [smem:$0x3F94];
	s0 =	simm.s32 @p1 $0x1  }
0x15: {  	[smem:$0x3FB1] =	sst s0;
	s0 =	simm.s32 @!p2 $0x0  }
0x16: {  	s3 =	sld [smem:$0x3FDB];
	s0 =	simm.s32 @p2 $0x1  }
0x17: {  	s4 =	simm.s32 $0x1BF5;
	[smem:$0x3FB3] =	sst s0  }
0x18: {  	s0 =	sld [smem:$0x3F96];
	_ =	swait.ge [sflag:s4], $0x0  }
0x19: {  	s7 =	sld [smem:$0x3F97]  }
0x1a: {  	s8 =	sadd.s32 $0xFFFFE003, lr  }
0x1b: {  	s9 =	sadd.s32 $0xFFFFFEF7, lr;
	s5 =	simm.s32 $0xFFFFFFFF;
	p2 =	slt.u32 s8, $0xFFFFF086  }
0x1c: {  	p1 =	slt.u32 s9, $0xF7A;
	s5 =	simm.s32 @!p2 $0x0  }
0x1d: {  	s5 =	simm.s32 @p1 $0x1;
	p0 =	seq.s32 s7, s2  }
0x1e: {  	s7 =	smul.u32 @!p0 $0xF7A, s2;
	p2 =	seq.s32 @!p0 s5, $0x0  }
0x1f: {  	s9 =	smul.u32 $0xF7A, s1;
	s8 =	simm.s32 @!p0 $0x1BF5;
	p2 =	por !p2, p0  }
0x20: {  	[sflag:s8] =	ssyncset.s32 @!p0 $0xFFFFF086;
	s6 =	sadd.s32 @!p0 s3, s7;
	s7 =	simm.s32 @!p0 $0x108  }
0x21: {  	s3 =	sadd.s32 s3, s9;
	s6 =	sadd.s32 @!p0 $0x88, s6;
	s7 =	simm.s32 @p2 $0x1082  }
0x22: {  	[simem:s7], [sflag:s8] =	dma.local @!p0 [hbm:s6], $0xF7A  }
0x23: {  	s9 =	sor.u32 $0xD0000000, s2;
	s6 =	simm.s32 $0x108;
	_ =	swait.ge @!p0 [sflag:s8], $0x0  }
0x24: {  	s3 =	sadd.s32 $0x88, s3;
	s6 =	simm.s32 @!p1 $0x1082;
	[sflag:s4] =	ssyncset.s32 $0xFFFFF086  }
0x25: {  	[simem:s6], [sflag:s4] =	dma.local [hbm:s3], $0xF7A  }
0x26: {  	[smem:$0x3F97] =	sst s1;
	(tag) =	ssettag s2;
	_ =	strace s9  }
0x27: {  	s1 =	sld [smem:$0x3FA7]  }
0x28: {  	s2 =	sld [smem:$0x3FA8]  }
0x29: {  	s4 =	sld [smem:$0x3FAA]  }
0x2a: {  	p0 =	seq.s32 s5, $0x0;
	s5 =	sld [smem:$0x3FAB]  }
0x2b: {  	s6 =	sld [smem:$0x3FAC]  }
0x2c: {  	s7 =	sld [smem:$0x3FAD]  }
0x2d: {  	s3 =	simm.s32 $0x108;
	s8 =	sld [smem:$0x3FAE]  }
0x2e: {  	s3 =	simm.s32 @!p0 $0x1082;
	s9 =	sld [smem:$0x3FAF]  }
0x2f: {  	lr =	sadd.s32 s0, s3;
	s0 =	sld [smem:$0x3FA6]  }
0x30: {  	s3 =	sld [smem:$0x3FA9]  }
0x31: {  	[smem:$0x3FB2] =	sst s10  }
0x32: {  	s10 =	sld [smem:$0x3FB0];
	_ =	sdelay $0x3  }
0x33: {  	p0 =	seq.s32 s10, $0x1;
	s10 =	sld [smem:$0x3FB2];
	_ =	sdelay $0x3  }
0x34: {  	[smem:$0x3FB2] =	sst s10  }
0x35: {  	s10 =	sld [smem:$0x3FB1];
	_ =	sdelay $0x3  }
0x36: {  	p1 =	seq.s32 s10, $0x1;
	s10 =	sld [smem:$0x3FB2];
	_ =	sdelay $0x3  }
0x37: {  	[smem:$0x3FB2] =	sst s10  }
0x38: {  	s10 =	sld [smem:$0x3FB3]  }
0x39: {  	_ = 	snop;
	(pc) =	sbr.ind lr, $3  }
0x3a: {  	_ = 	snop  }
0x3b: {  	_ = 	snop  }
0x3c: {  	p2 =	seq.s32 s10, $0x1;
	s10 =	sld [smem:$0x3FB2]  }
0x3d: {  	_ =	shalt  }
0x3e: {  	_ =	shalt  }
0x3f: {  	_ =	shalt  }
0x40: {  	_ =	shalt  }
0x41: {  	_ =	shalt  }
0x42: {  	_ =	shalt  }
0x43: {  	_ =	shalt  }
0x44: {  	_ =	shalt  }
0x45: {  	_ =	shalt  }
0x46: {  	_ =	shalt  }
0x47: {  	_ =	shalt  }
0x48: {  	_ =	shalt  }
0x49: {  	_ =	shalt  }
0x4a: {  	_ =	shalt  }
0x4b: {  	_ =	shalt  }
0x4c: {  	_ =	shalt  }
0x4d: {  	_ =	shalt  }
0x4e: {  	_ =	shalt  }
0x4f: {  	_ =	shalt  }
0x50: {  	_ =	shalt  }
0x51: {  	_ =	shalt  }
0x52: {  	_ =	shalt  }
0x53: {  	_ =	shalt  }
0x54: {  	_ =	shalt  }
0x55: {  	_ =	shalt  }
0x56: {  	_ =	shalt  }
0x57: {  	_ =	shalt  }
0x58: {  	_ =	shalt  }
0x59: {  	_ =	shalt  }
0x5a: {  	_ =	shalt  }
0x5b: {  	_ =	shalt  }
0x5c: {  	_ =	shalt  }
0x5d: {  	_ =	shalt  }
0x5e: {  	_ =	shalt  }
0x5f: {  	_ =	shalt  }
0x60: {  	_ =	shalt  }
0x61: {  	_ =	shalt  }
0x62: {  	_ =	shalt  }
0x63: {  	_ =	shalt  }
0x64: {  	_ =	shalt  }
0x65: {  	_ =	shalt  }
0x66: {  	_ =	shalt  }
0x67: {  	_ =	shalt  }
0x68: {  	_ =	shalt  }
0x69: {  	_ =	shalt  }
0x6a: {  	_ =	shalt  }
0x6b: {  	_ =	shalt  }
0x6c: {  	_ =	shalt  }
0x6d: {  	_ =	shalt  }
0x6e: {  	_ =	shalt  }
0x6f: {  	_ =	shalt  }
0x70: {  	_ =	shalt  }
0x71: {  	_ =	shalt  }
0x72: {  	_ =	shalt  }
0x73: {  	_ =	shalt  }
0x74: {  	_ =	shalt  }
0x75: {  	_ =	shalt  }
0x76: {  	_ =	shalt  }
0x77: {  	_ =	shalt  }
0x78: {  	_ =	shalt  }
0x79: {  	_ =	shalt  }
0x7a: {  	_ =	shalt  }
0x7b: {  	_ =	shalt  }
0x7c: {  	_ =	shalt  }
0x7d: {  	_ =	shalt  }
0x7e: {  	_ =	shalt  }
0x7f: {  	_ =	shalt  }
0x80: {  	_ =	shalt  }
0x81: {  	_ =	shalt  }
0x82: {  	_ =	shalt  }
0x83: {  	_ =	shalt  }
0x84: {  	_ =	shalt  }
0x85: {  	_ =	shalt  }
0x86: {  	_ =	shalt  }
0x87: {  	_ =	shalt  }
.Lfunc_end0:
.L_simem_size_0:
called_computation.2_lowered:
.L_overlay_start_0:
0x88: {  	s2 =	sld [smem:$0x3FD9]  }
0x89: {  	s3 =	sld [smem:$0x3FFE];
	_ =	sdelay $0x1  }
0x8a: {  	s1 =	srdreg.scid  }
0x8b: {  	s0 =	sand.u32 $0x1, s1  }
0x8c: {  	s17 =	sshll.u32 s0, $0xA;
	s2 =	sadd.s32 s3, s2  }
0x8d: {  	s2 =	sadd.s32 s2, s17  }
0x8e: {  	[smem:$0x3FBE] =	sst s2  }
0x8f: {  	_ = 	snop  }
0x90: {  	s2 =	sld [smem:$0x3FD0];
	(tm) =	ssettm $0x1  }
0x91: {  	s18 =	sld [smem:$0x3FFB];
	_ =	sdelay $0x3  }
0x92: {  	_ =	strace s18  }
0x93: {  	s3 =	sld [smem:$0x3FFC];
	_ =	sdelay $0x3  }
0x94: {  	_ =	strace s3  }
0x95: {  	s3 =	sld [smem:$0x3FFD];
	_ =	sdelay $0x3  }
0x96: {  	_ =	strace s3  }
0x97: {  	_ =	strace $0x8FFFFFFF  }
0x98: {  	s19 =	sld [smem:$0x3FDB];
	_ =	sdelay $0x1  }
0x99: {  	s4 =	simm.s32 $_scs_section_size  }
0x9a: {  	s5 =	simm.s32 $_size__tile_overlayer_lowered;
	s6 =	simm.s32 $_tile_overlayer_lowered  }
0x9b: {  	s22 =	simm.s32 $0x1BFF;
	s21 =	sshll.u32 s6, $0x1;
	s3 =	sadd.s32 s4, s19  }
0x9c: {  	s7 =	simm.s32 $0x0;
	s20 =	sshll.u32 s5, $0x1;
	s5 =	sadd.s32 s21, s3  }
0x9d: {  	[timem:s7], [sflag:s22] =	dma.local [hbm:s5], s20  }
0x9e: {  	_ =	swait.ge [sflag:s22], s20  }
0x9f: {  	s4 =	ssub.s32 $0x0, s20;
	[sflag:s22] =	ssyncset.done $0x0  }
0xa0: {  	[sflag:s22] =	ssyncadd.s32 s4;
	_ =	sdelay $0x1  }
0xa1: {  	s23 =	simm.s32 $0x1B8B  }
0xa2: {  	_ =	swait.ge [sflag:s23], $0x1  }
0xa3: {  	[sflag:s23] =	ssyncset.done $0x0  }
0xa4: {  	s25 =	simm.s32 $0x1B8E;
	s24 =	sld [smem:$0x3FFE];
	[sflag:s23] =	ssyncadd.s32 $0xFFFFFFFF  }
0xa5: {  	s26 =	simm.s32 $execute0_lowered;
	[smem:$0x3FD2] =	sst s25  }
0xa6: {  	s5 =	sshll.u32 s26, $0x1;
	_ =	strace $0x8000004C;
	[dreg:$0x1] =	wrdreg $0xFFFFFFFF  }
0xa7: {  	s28 =	simm.s32 $_size_execute0_lowered;
	s3 =	sadd.s32 s3, s5;
	[dreg:$0x0] =	wrdreg $0x0  }
0xa8: {  	s5 =	sshll.u32 s28, $0x1;
	[dreg:$0x2] =	wrdreg s3  }
0xa9: {  	[dreg:$0x3] =	wrdreg s5  }
0xaa: {  	[dreg:$0x4] =	wrdreg $0xC0  }
0xab: {  	_ =	task [dreg:s7], $0x5FFFF  }
0xac: {  	[dreg:$0x1] =	wrdreg $0xFFFFFFFF  }
0xad: {  	[dreg:$0x0] =	wrdreg $0x60  }
0xae: {  	[dreg:$0x2] =	wrdreg s24  }
0xaf: {  	[dreg:$0x3] =	wrdreg s2  }
0xb0: {  	[dreg:$0x4] =	wrdreg $0x83000  }
0xb1: {  	[dreg:$0x5] =	wrdreg $0x9  }
0xb2: {  	_ =	task.clear_ibuf [dreg:s7], $0x6FFFF;
	_ =	strace $0x9000004C  }
0xb3: {  	s29 =	simm.s32 $0x9;
	_ =	strace $0x8000004E  }
0xb4: {  	_ =	swait.ge [sflag:s29], $0x1  }
0xb5: {  	[sflag:s29] =	ssyncadd.s32 $0xFFFFFFFF  }
0xb6: {  	_ =	strace $0x9000004E  }
0xb7: {  	_ =	sfence  }
0xb8: {  	s30 =	sld [smem:$0x0];
	_ =	sdelay $0x2  }
0xb9: {  	s31 =	sshll.u32 s1, $0xD;
	s1 =	sshrl.u32 s1, $0x2  }
0xba: {  	s3 =	sand.u32 $0x4000, s31;
	s1 =	sadd.s32 s1, s30  }
0xbb: {  	s0 =	sor.u32 s3, s0;
	s1 =	sshll.u32 s1, $0x11  }
0xbc: {  	s0 =	sor.u32 s1, s0  }
0xbd: {  	s0 =	sadd.s32 $0x8F2B, s0  }
0xbe: {  	[sflag:s0] =	ssyncadd.remote.s32 $0x1  }
0xbf: {  	_ =	sfence.sel $0xFFFF  }
0xc0: {  	[dreg:$0x0] =	wrdreg $0xFFFFFFFF;
	(pc) =	sbr.abs _section_cstart, $3  }
0xc1: {  	[dreg:$0x1] =	wrdreg $0xFFFFFFFF  }
0xc2: {  	_ =	task.clear_ibuf [dreg:s7], $0x2FFFF;
	_ =	strace $0x9FFFFFFF  }
0xc3: {  	(tm) =	ssettm $0x7FFFFFFF  }
tec
execute0_lowered:
.L_overlay_start_1:
0x0: {  	(tag) =	ssettag $0x1  }
0x1: {  	s0 =	rddreg [dreg:$0x0]  }
0x2: {  	s4 =	rddreg [dreg:$0x1]  }
0x3: {  	s1 =	rddreg [dreg:$0x2]  }
0x4: {  	s2 =	simm.s32 $0x0;
	s5 =	srdreg.scid;
	s6 =	stileid.u32  }
0x5: {  	s17 =	simm.s32 $0x7;
	s28 =	simm.s32 $0x4;
	s29 =	simm.s32 $0x280  }
0x6: {  	s30 =	simm.s32 $0x5;
	s31 =	simm.s32 $0x6;
	[smem:$0x7FF] =	sst s2  }
0x7: {  	s3 =	sadd.s32 $0x2AC00, s0;
	s7 =	sand.u32 $0x1, s5;
	s12 =	sadd.s32 $0x2400, s0  }
0x8: {  	s8 =	smul.u32 $0x4E000, s6;
	s0 =	sadd.s32 $0x51E00, s0;
	s10 =	sshll.u32 s6, $0x1  }
0x9: {  	s11 =	smul.u32 $0x13800, s6;
	s20 =	sshll.u32 s6, $0x6;
	s21 =	sadd.s32 $0x138000, s1  }
0xa: {  	s15 =	smul.u32 $0xA2, s6;
	p0 =	sne.s32 s6, $0x0;
	_ =	strace $0x8000004D  }
0xb: {  	s5 =	ssub.s32 $0x2, s7;
	s10 =	sor.u32 s7, s10;
	s14 =	smul.u32 $0x138800, s7  }
0xc: {  	[dreg:$0x5] =	wrdreg s21;
	s7 =	smul.u32 $0x51, s7;
	s21 =	simm.s32 $0x300  }
0xd: {  	s9 =	sshrl.u32 s5, $0x1;
	s8 =	sshrl.u32 s8, $0x2;
	s18 =	smul.u32 $0x1440, s10  }
0xe: {  	s19 =	sshrl.u32 s11, $0x3;
	s10 =	smul.u32 $0xA200, s10;
	s13 =	ssub.s32 s5, s9  }
0xf: {  	s16 =	sadd.s32 s8, s1;
	s5 =	sadd.s32 s4, s19;
	s4 =	sadd.s32 $0x27000, s4  }
0x10: {  	s25 =	sadd.s32 s11, s14;
	s7 =	sadd.s32 s7, s15;
	s14 =	sshrl.u32 s14, $0x3  }
0x11: {  	s19 =	simm.s32 $0x1;
	[dreg:$0x4] =	wrdreg s5;
	s5 =	sor.u32 $0x1C07, s20  }
0x12: {  	s22 =	sshrl.u32 s10, $0x3;
	s8 =	sadd.s32 s18, s12;
	[dreg:$0x6] =	wrdreg s4  }
0x13: {  	s4 =	sshrl.u32 s25, $0x3;
	s7 =	sshll.u32 s7, $0x6;
	s13 =	smax.u32 s13, $0x1  }
0x14: {  	s16 =	sshrl.u32 s16, $0x3;
	s18 =	simm.s32 $0x100;
	s20 =	simm.s32 $0x80  }
0x15: {  	s25 =	simm.s32 $0x180;
	s10 =	sadd.s32 s12, s22;
	s23 =	sadd.s32 $0x20, s8  }
0x16: {  	s11 =	sadd.s32 s0, s4;
	s0 =	sadd.s32 s0, s14;
	s26 =	sadd.s32 s12, s7  }
0x17: {  	s22 =	simm.s32 $0x3;
	[dreg:$0x7] =	wrdreg s23;
	s24 =	sadd.s32 $0x60, s10  }
0x18: {  	s10 =	sadd.s32 $0xA0, s10;
	s12 =	sadd.s32 $0x27000, s0;
	s14 =	sadd.s32 $0x100, s26  }
0x19: {  	s15 =	sadd.s32 $0xC0, s26;
	s23 =	simm.s32 $0x200;
	s26 =	simm.s32 $0x4300  }
0x1a: {  	s0 =	simm.s32 $0x0;
	[dreg:$0x8] =	wrdreg s24;
	s24 =	simm.s32 $0x2  }
.LBB2_1:
0x1b: {  	s4 =	rddreg [dreg:$0x4]  }
0x1c: {  	[spmem:s16], [sflag:s5] =	dma.local [hbm:s4], $0x2700  }
0x1d: {  	_ =	swait.ge [sflag:s17], $0x2700  }
0x1e: {  	[sflag:s17] =	ssyncset.done $0x0;
	s4 =	rddreg [dreg:$0x5]  }
0x1f: {  	s6 =	rddreg [dreg:$0x6];
	[sflag:s17] =	ssyncadd.s32 $0xFFFFD900;
	s4 =	sshrl.u32 @!p0 s4, $0x3  }
0x20: {  	[spmem:s4], [sflag:s5] =	dma.local @!p0 [hbm:s6], $0x100  }
0x21: {  	s6 =	simm.s32 @!p0 $0x7  }
0x22: {  	_ =	swait.ge @!p0 [sflag:s6], $0x100  }
0x23: {  	[sflag:s6] =	ssyncset.done @!p0 $0x0  }
0x24: {  	[sflag:s6] =	ssyncadd.s32 @!p0 $0xFFFFFF00  }
0x25: {  	[bflag:$0x0] =	sbarrier.arrive $0xFFFF  }
0x26: {  	s7 =	rddreg [dreg:$0x7]  }
0x27: {  	[tilespmem:s2], [sflag:$0x1] =	stream.linear.gather [hbm4b:s7+s2], $0x100, $0x38;
	[tilespmem:$0x1BB80] =	vst v63  }
0x28: {  	s8 =	rddreg [dreg:$0x8]  }
0x29: {  	[tilespmem:s18], [sflag:$0x2] =	stream.linear.gather [hbm4b:s8+s2], $0x100, $0x38;
	[tilespmem:$0x1BB80] =	vst v63  }
0x2a: {  	_ =	swait.ge [sflag:s19], $0x100  }
0x2b: {  	[sflag:s19] =	ssyncset.done $0x0  }
0x2c: {  	[sflag:s19] =	ssyncadd.s32 $0xFFFFFF00  }
0x2d: {  	v0 =	vld [tilespmem:$0x0]  }
0x2e: {  	v1 =	vld [tilespmem:$0x10]  }
0x2f: {  	v2 =	vld [tilespmem:$0x20]  }
0x30: {  	v3 =	vld [tilespmem:$0x30]  }
0x31: {  	v4 =	vld [tilespmem:$0x40]  }
0x32: {  	v53 =	vld [tilespmem:$0x50];
	[tilespmem:$0x200] =	vst v0  }
0x33: {  	v54 =	vld [tilespmem:$0x60];
	[tilespmem:$0x210] =	vst v1  }
0x34: {  	v55 =	vld [tilespmem:$0x70];
	[tilespmem:$0x220] =	vst v2  }
0x35: {  	[tilespmem:$0x230] =	vst v3  }
0x36: {  	[tilespmem:$0x240] =	vst v4  }
0x37: {  	[tilespmem:$0x250] =	vst v53  }
0x38: {  	[tilespmem:$0x260] =	vst v54  }
0x39: {  	[tilespmem:$0x270] =	vst v55  }
0x3a: {  	[tilespmem:s21], [sflag:$0x3] =	stream.indirect.gather [hbm4b:s3+s20], $0x80, s20, s20, $0xb8;
	[tilespmem:$0x1BB80] =	vst v63  }
0x3b: {  	_ =	swait.ge [sflag:s22], $0x4000  }
0x3c: {  	[sflag:s22] =	ssyncset.done $0x0  }
0x3d: {  	[sflag:s22] =	ssyncadd.s32 $0xFFFFC000  }
0x3e: {  	[spmem:s1] =	stream.indirect.scatter.add.f32 [tilespmem:s21], [sflag:$0x5], $0x80, s23, s20, $0xb8;
	[tilespmem:$0x1BB80] =	vst v63  }
0x3f: {  	_ = 	snop  }
0x40: {  	[tilespmem:s2], [sflag:$0x1] =	stream.linear.gather [hbm4b:s10+s2], $0x100, $0x38;
	[tilespmem:$0x1BB80] =	vst v63  }
0x41: {  	_ =	swait.ge [sflag:s24], $0x100  }
0x42: {  	[sflag:s24] =	ssyncset.done $0x0  }
0x43: {  	[sflag:s24] =	ssyncadd.s32 $0xFFFFFF00  }
0x44: {  	v56 =	vld [tilespmem:$0x100]  }
0x45: {  	v57 =	vld [tilespmem:$0x110]  }
0x46: {  	v58 =	vld [tilespmem:$0x120]  }
0x47: {  	v59 =	vld [tilespmem:$0x130]  }
0x48: {  	v60 =	vld [tilespmem:$0x140]  }
0x49: {  	v61 =	vld [tilespmem:$0x150];
	[tilespmem:$0x280] =	vst v56  }
0x4a: {  	v62 =	vld [tilespmem:$0x160];
	[tilespmem:$0x290] =	vst v57  }
0x4b: {  	v63 =	vld [tilespmem:$0x170];
	[tilespmem:$0x2A0] =	vst v58  }
0x4c: {  	[tilespmem:$0x2B0] =	vst v59  }
0x4d: {  	[tilespmem:$0x2C0] =	vst v60  }
0x4e: {  	[tilespmem:$0x2D0] =	vst v61  }
0x4f: {  	[tilespmem:$0x2E0] =	vst v62  }
0x50: {  	[tilespmem:$0x2F0] =	vst v63  }
0x51: {  	[tilespmem:s26], [sflag:$0x4] =	stream.indirect.gather [hbm4b:s3+s20], $0x80, s25, s20, $0xb8;
	[tilespmem:$0x1BB80] =	vst v63  }
0x52: {  	_ =	swait.ge [sflag:s28], $0x4000  }
0x53: {  	[sflag:s28] =	ssyncset.done $0x0  }
0x54: {  	[sflag:s28] =	ssyncadd.s32 $0xFFFFC000  }
0x55: {  	[spmem:s1] =	stream.indirect.scatter.add.f32 [tilespmem:s26], [sflag:$0x6], $0x80, s29, s20, $0xb8;
	[tilespmem:$0x1BB80] =	vst v63  }
0x56: {  	s9 =	sadd.s32 $0x20, s15;
	s6 =	simm.s32 $0x20;
	s7 =	simm.s32 $0xA0  }
0x57: {  	[tilespmem:s18], [sflag:$0x2] =	stream.linear.gather [hbm4b:s9+s2], $0x100, $0x38;
	[tilespmem:$0x1BB80] =	vst v63  }
.LBB2_2:
0x58: {  	p1 =	sne.s32 s7, $0x1320  }
0x59: {  	_ =	swait.ge [sflag:s30], $0x4000;
	s8 =	smov.u32 s7;
	s7 =	sadd.s32 $0x80, s7  }
0x5a: {  	[sflag:s30] =	ssyncset.done $0x0  }
0x5b: {  	[sflag:s30] =	ssyncadd.s32 $0xFFFFC000  }
0x5c: {  	_ =	swait.ge [sflag:s19], $0x100  }
0x5d: {  	[sflag:s19] =	ssyncset.done $0x0  }
0x5e: {  	[sflag:s19] =	ssyncadd.s32 $0xFFFFFF00  }
0x5f: {  	v0 =	vld [tilespmem:$0x70]  }
0x60: {  	v1 =	vld [tilespmem:$0x60]  }
0x61: {  	v2 =	vld [tilespmem:$0x50]  }
0x62: {  	v3 =	vld [tilespmem:$0x40]  }
0x63: {  	v4 =	vld [tilespmem:$0x30]  }
0x64: {  	v5 =	vld [tilespmem:$0x20];
	[tilespmem:$0x270] =	vst v0  }
0x65: {  	v0 =	vld [tilespmem:$0x0];
	[tilespmem:$0x260] =	vst v1  }
0x66: {  	v1 =	vld [tilespmem:$0x10];
	[tilespmem:$0x250] =	vst v2  }
0x67: {  	[tilespmem:$0x240] =	vst v3  }
0x68: {  	[tilespmem:$0x230] =	vst v4  }
0x69: {  	[tilespmem:$0x220] =	vst v5  }
0x6a: {  	[tilespmem:$0x200] =	vst v0  }
0x6b: {  	[tilespmem:$0x210] =	vst v1  }
0x6c: {  	[tilespmem:s21], [sflag:$0x3] =	stream.indirect.gather [hbm4b:s3+s20], $0x80, s20, s20, $0xb8;
	[tilespmem:$0x1BB80] =	vst v63  }
0x6d: {  	_ =	swait.ge [sflag:s22], $0x4000  }
0x6e: {  	[sflag:s22] =	ssyncset.done $0x0  }
0x6f: {  	[sflag:s22] =	ssyncadd.s32 $0xFFFFC000  }
0x70: {  	[spmem:s1] =	stream.indirect.scatter.add.f32 [tilespmem:s21], [sflag:$0x5], $0x80, s23, s20, $0xb8;
	[tilespmem:$0x1BB80] =	vst v63  }
0x71: {  	s9 =	sadd.s32 s6, s14;
	s6 =	smov.u32 s8  }
0x72: {  	[tilespmem:s2], [sflag:$0x1] =	stream.linear.gather [hbm4b:s9+s2], $0x100, $0x38;
	[tilespmem:$0x1BB80] =	vst v63  }
0x73: {  	_ =	swait.ge [sflag:s31], $0x4000  }
0x74: {  	[sflag:s31] =	ssyncset.done $0x0  }
0x75: {  	[sflag:s31] =	ssyncadd.s32 $0xFFFFC000  }
0x76: {  	_ =	swait.ge [sflag:s24], $0x100  }
0x77: {  	[sflag:s24] =	ssyncset.done $0x0  }
0x78: {  	[sflag:s24] =	ssyncadd.s32 $0xFFFFFF00  }
0x79: {  	v0 =	vld [tilespmem:$0x170]  }
0x7a: {  	v1 =	vld [tilespmem:$0x130]  }
0x7b: {  	v2 =	vld [tilespmem:$0x160]  }
0x7c: {  	v3 =	vld [tilespmem:$0x150]  }
0x7d: {  	v4 =	vld [tilespmem:$0x140]  }
0x7e: {  	v5 =	vld [tilespmem:$0x110];
	[tilespmem:$0x2F0] =	vst v0  }
0x7f: {  	v0 =	vld [tilespmem:$0x100];
	[tilespmem:$0x2B0] =	vst v1  }
0x80: {  	v1 =	vld [tilespmem:$0x120];
	[tilespmem:$0x2E0] =	vst v2  }
0x81: {  	[tilespmem:$0x2D0] =	vst v3  }
0x82: {  	[tilespmem:$0x2C0] =	vst v4  }
0x83: {  	[tilespmem:$0x290] =	vst v5  }
0x84: {  	[tilespmem:$0x280] =	vst v0  }
0x85: {  	[tilespmem:$0x2A0] =	vst v1  }
0x86: {  	[tilespmem:s26], [sflag:$0x4] =	stream.indirect.gather [hbm4b:s3+s20], $0x80, s25, s20, $0xb8;
	[tilespmem:$0x1BB80] =	vst v63  }
0x87: {  	_ =	swait.ge [sflag:s28], $0x4000  }
.Ltmp0:
0x88: {  	[sflag:s28] =	ssyncset.done $0x0;
	(pc) =	sbr.rel @p1 .LBB2_2-.Ltmp0, $4  }
0x89: {  	[sflag:s28] =	ssyncadd.s32 $0xFFFFC000  }
0x8a: {  	[spmem:s1] =	stream.indirect.scatter.add.f32 [tilespmem:s26], [sflag:$0x6], $0x80, s29, s20, $0xb8;
	[tilespmem:$0x1BB80] =	vst v63  }
0x8b: {  	s8 =	sadd.s32 s6, s15  }
0x8c: {  	[tilespmem:s18], [sflag:$0x2] =	stream.linear.gather [hbm4b:s8+s2], $0x100, $0x38;
	[tilespmem:$0x1BB80] =	vst v63  }
0x8d: {  	_ =	swait.ge [sflag:s30], $0x4000  }
0x8e: {  	[sflag:s30] =	ssyncset.done $0x0  }
0x8f: {  	[sflag:s30] =	ssyncadd.s32 $0xFFFFC000  }
0x90: {  	_ =	swait.ge [sflag:s19], $0x100  }
0x91: {  	[sflag:s19] =	ssyncset.done $0x0  }
0x92: {  	[sflag:s19] =	ssyncadd.s32 $0xFFFFFF00  }
0x93: {  	v0 =	vld [tilespmem:$0x70]  }
0x94: {  	v1 =	vld [tilespmem:$0x60]  }
0x95: {  	v2 =	vld [tilespmem:$0x50]  }
0x96: {  	v3 =	vld [tilespmem:$0x40]  }
0x97: {  	v4 =	vld [tilespmem:$0x30]  }
0x98: {  	v5 =	vld [tilespmem:$0x20];
	[tilespmem:$0x270] =	vst v0  }
0x99: {  	v54 =	vld [tilespmem:$0x0];
	[tilespmem:$0x260] =	vst v1  }
0x9a: {  	v55 =	vld [tilespmem:$0x10];
	[tilespmem:$0x250] =	vst v2  }
0x9b: {  	[tilespmem:$0x240] =	vst v3  }
0x9c: {  	[tilespmem:$0x230] =	vst v4  }
0x9d: {  	[tilespmem:$0x220] =	vst v5  }
0x9e: {  	[tilespmem:$0x200] =	vst v54  }
0x9f: {  	[tilespmem:$0x210] =	vst v55  }
0xa0: {  	[tilespmem:s21], [sflag:$0x3] =	stream.indirect.gather [hbm4b:s3+s20], $0x80, s20, s20, $0xb8;
	[tilespmem:$0x1BB80] =	vst v63  }
0xa1: {  	_ =	swait.ge [sflag:s22], $0x4000  }
0xa2: {  	[sflag:s22] =	ssyncset.done $0x0  }
0xa3: {  	[sflag:s22] =	ssyncadd.s32 $0xFFFFC000  }
0xa4: {  	[spmem:s1] =	stream.indirect.scatter.add.f32 [tilespmem:s21], [sflag:$0x5], $0x80, s23, s20, $0xb8;
	[tilespmem:$0x1BB80] =	vst v63  }
0xa5: {  	s6 =	sadd.s32 s6, s14  }
0xa6: {  	[tilespmem:s2], [sflag:$0x1] =	stream.linear.gather [hbm4b:s6+s2], $0x100, $0x38;
	[tilespmem:$0x1BB80] =	vst v63  }
0xa7: {  	_ =	swait.ge [sflag:s31], $0x4000  }
0xa8: {  	[sflag:s31] =	ssyncset.done $0x0  }
0xa9: {  	[sflag:s31] =	ssyncadd.s32 $0xFFFFC000  }
0xaa: {  	_ =	swait.ge [sflag:s24], $0x100  }
0xab: {  	[sflag:s24] =	ssyncset.done $0x0  }
0xac: {  	[sflag:s24] =	ssyncadd.s32 $0xFFFFFF00  }
0xad: {  	v56 =	vld [tilespmem:$0x170]  }
0xae: {  	v57 =	vld [tilespmem:$0x130]  }
0xaf: {  	v58 =	vld [tilespmem:$0x160]  }
0xb0: {  	v59 =	vld [tilespmem:$0x150]  }
0xb1: {  	v60 =	vld [tilespmem:$0x140]  }
0xb2: {  	v61 =	vld [tilespmem:$0x110];
	[tilespmem:$0x2F0] =	vst v56  }
0xb3: {  	v62 =	vld [tilespmem:$0x100];
	[tilespmem:$0x2B0] =	vst v57  }
0xb4: {  	v63 =	vld [tilespmem:$0x120];
	[tilespmem:$0x2E0] =	vst v58  }
0xb5: {  	[tilespmem:$0x2D0] =	vst v59  }
0xb6: {  	[tilespmem:$0x2C0] =	vst v60  }
0xb7: {  	[tilespmem:$0x290] =	vst v61  }
0xb8: {  	[tilespmem:$0x280] =	vst v62  }
0xb9: {  	[tilespmem:$0x2A0] =	vst v63  }
0xba: {  	[tilespmem:s26], [sflag:$0x4] =	stream.indirect.gather [hbm4b:s3+s20], $0x80, s25, s20, $0xb8;
	[tilespmem:$0x1BB80] =	vst v63  }
0xbb: {  	_ =	swait.ge [sflag:s30], $0x4000  }
0xbc: {  	[sflag:s30] =	ssyncset.done $0x0  }
0xbd: {  	[sflag:s30] =	ssyncadd.s32 $0xFFFFC000  }
0xbe: {  	_ =	swait.ge [sflag:s28], $0x4000  }
0xbf: {  	[sflag:s28] =	ssyncset.done $0x0  }
0xc0: {  	[sflag:s28] =	ssyncadd.s32 $0xFFFFC000  }
0xc1: {  	_ =	swait.ge [sflag:s19], $0x100  }
0xc2: {  	[sflag:s19] =	ssyncset.done $0x0  }
0xc3: {  	[sflag:s19] =	ssyncadd.s32 $0xFFFFFF00  }
0xc4: {  	[bflag:$0x0] =	sbarrier.arrive $0xFFFF  }
0xc5: {  	[hbm:s11], [sflag:s5] =	dma.local [spmem:s16], $0x2700  }
0xc6: {  	_ =	swait.ge [sflag:s17], $0x2700  }
0xc7: {  	s0 =	sadd.s32 $0x1, s0;
	[sflag:s17] =	ssyncset.done $0x0  }
0xc8: {  	p1 =	sne.s32 s0, s13;
	[sflag:s17] =	ssyncadd.s32 $0xFFFFD900  }
0xc9: {  	[hbm:s12], [sflag:s5] =	dma.local @!p0 [spmem:s4], $0x100  }
.Ltmp1:
0xca: {  	_ = 	snop;
	(pc) =	sbr.rel @p1 .LBB2_1-.Ltmp1, $4  }
0xcb: {  	s4 =	simm.s32 @!p0 $0x7  }
0xcc: {  	_ =	swait.ge @!p0 [sflag:s4], $0x100  }
0xcd: {  	[sflag:s4] =	ssyncset.done @!p0 $0x0  }
0xce: {  	[sflag:s4] =	ssyncadd.s32 @!p0 $0xFFFFFF00  }
0xcf: {  	_ =	sfence.sel $0x180000  }
0xd0: {  	[bflag:$0x0] =	sbarrier.arrive $0xFFFF  }
0xd1: {  	_ =	strace $0x9000004D  }
0xd2: {  	[bflag:$0x2] =	sbarrier.arrive $0xFFFF  }
0xd3: {  	s0 =	rddreg [dreg:$0x3]  }
0xd4: {  	s0 =	sadd.s32 @!p0 $0x100000, s0  }
0xd5: {  	[sflag:s0] =	ssyncadd.tile.s32 @!p0 $0x1;
	_ =	shalt  }
.Lfunc_end2:
_tile_overlayer_lowered:
.L_overlay_start_2:
0xd6: {  	(tag) =	ssettag $0x2  }
0xd7: {  	s0 =	rddreg [dreg:$0x0];
	s2 =	stileid.u32  }
0xd8: {  	s1 =	rddreg [dreg:$0x1];
	p0 =	sne.s32 s2, $0x0  }
0xd9: {  	s3 =	rddreg [dreg:$0x2];
	[bflag:$0x3] =	sbarrier.arrive $0xFFFF;
	s2 =	simm.s32 @!p0 $0x1C07  }
0xda: {  	[timem:s3], [sflag:s2] =	dma.local @!p0 [hbm:s0], s1  }
0xdb: {  	s0 =	simm.s32 @!p0 $0x7  }
0xdc: {  	_ =	swait.ge @!p0 [sflag:s0], s1  }
0xdd: {  	s1 =	ssub.s32 @!p0 $0x0, s1;
	[sflag:s0] =	ssyncset.done @!p0 $0x0  }
0xde: {  	[sflag:s0] =	ssyncadd.s32 @!p0 s1  }
0xdf: {  	[bflag:$0x3] =	sbarrier.arrive $0xFFFF  }
0xe0: {  	_ =	shalt  }

</sc_bundles>
